<compile_context>
chip_gen: v7x
topology: tpu7x:2x2x1
jax: 0.10.2.dev20260603
libtpu: 0.0.44.dev20260713+nightly
codegen_flags: <defaults>
</compile_context>

<pallas_src>
import functools

import jax
import jax.numpy as jnp
from jax import lax
from jax.experimental import pallas as pl
from jax.experimental.pallas import tpu as pltpu
from jax.experimental.pallas import tpu_sc as plsc

NC = 2
NS = 16
NW = NC * NS
LANES = 16
CHUNK = 128
NBUF = 3
ROWBLK = 1280


def _mesh():
    return plsc.VectorSubcoreMesh(core_axis_name="c", subcore_axis_name="s")


@functools.lru_cache(maxsize=None)
def _sc_degree(n_pad: int, nch: int):
    rows_per_tile = n_pad // NS
    zcopies = rows_per_tile // CHUNK

    scratch = [
        pltpu.VMEM((nch, CHUNK), jnp.int32),
        pltpu.VMEM((CHUNK, LANES), jnp.float32),
        pltpu.VMEM((CHUNK, LANES), jnp.float32),
        pltpu.VMEM_SHARED((n_pad, LANES), jnp.float32),
        pltpu.SemaphoreType.DMA,
    ]

    @functools.partial(
        pl.kernel,
        out_type=jax.ShapeDtypeStruct((NC, n_pad, 128), jnp.float32),
        mesh=_mesh(),
        scratch_types=scratch,
        compiler_params=pltpu.CompilerParams(use_tc_tiling_on_sc=False),
    )
    def deg_k(dst_hbm, out_hbm, dst_v, ones_v, zero_v, acc, sem):
        c = lax.axis_index("c")
        s = lax.axis_index("s")
        wid = s * NC + c
        pltpu.sync_copy(dst_hbm.at[wid], dst_v)

        ones = jnp.ones((LANES,), jnp.float32)
        zeros = jnp.zeros((LANES,), jnp.float32)

        def fbody(i, carry):
            ones_v[i, :] = ones
            zero_v[i, :] = zeros
            return carry

        lax.fori_loop(0, CHUNK, fbody, 0)
        for k in range(zcopies):
            pltpu.sync_copy(
                zero_v, acc.at[pl.ds(s * rows_per_tile + k * CHUNK, CHUNK)])
        plsc.subcore_barrier()

        def fire(j, carry):
            pltpu.async_copy(ones_v, acc.at[dst_v.at[j]], sem, add=True)
            return carry

        lax.fori_loop(0, nch, fire, 0)

        def drain(j, carry):
            pltpu.make_async_copy(ones_v, acc.at[dst_v.at[j]], sem).wait()
            return carry

        lax.fori_loop(0, nch, drain, 0)
        plsc.subcore_barrier()
        pltpu.sync_copy(
            acc.at[pl.ds(s * rows_per_tile, rows_per_tile)],
            out_hbm.at[c].at[pl.ds(s * rows_per_tile, rows_per_tile),
                             pl.ds(0, LANES)])

    return deg_k


@functools.lru_cache(maxsize=None)
def _sc_agg(n_pad: int, d: int, nch: int):
    dh = d // 2
    rows_per_tile = n_pad // NS
    zcopies = rows_per_tile // CHUNK
    nb2 = 2 * NBUF

    scratch = [
        pltpu.VMEM((nch, CHUNK), jnp.int32),
        pltpu.VMEM((nch, CHUNK), jnp.int32),
        pltpu.VMEM((nch, CHUNK), jnp.int32),
        pltpu.VMEM((nb2, CHUNK, dh), jnp.float32),
        pltpu.VMEM((CHUNK, dh), jnp.float32),
        pltpu.VMEM_SHARED((n_pad, dh), jnp.float32),
    ] + [pltpu.SemaphoreType.DMA] * (2 * nb2)

    @functools.partial(
        pl.kernel,
        out_type=jax.ShapeDtypeStruct((NC, n_pad, d), jnp.float32),
        mesh=_mesh(),
        scratch_types=scratch,
        compiler_params=pltpu.CompilerParams(use_tc_tiling_on_sc=False),
    )
    def agg_k(xw_hbm, srca_hbm, srcb_hbm, dst_hbm, out_hbm, srca_v, srcb_v,
              dst_v, buf, zbuf, acc, *sems):
        gsems = sems[:nb2]
        ssems = sems[nb2:]
        c = lax.axis_index("c")
        s = lax.axis_index("s")
        wid = s * NC + c
        pltpu.sync_copy(srca_hbm.at[wid], srca_v)
        pltpu.sync_copy(srcb_hbm.at[wid], srcb_v)
        pltpu.sync_copy(dst_hbm.at[wid], dst_v)

        zeros = jnp.zeros((LANES,), jnp.float32)

        def zbody(i, carry):
            for k in range(dh // LANES):
                zbuf[i, pl.ds(k * LANES, LANES)] = zeros
            return carry

        lax.fori_loop(0, CHUNK, zbody, 0)

        for b in range(NBUF):
            pltpu.async_copy(xw_hbm.at[srca_v.at[b]], buf.at[b], gsems[b])

        for half in range(2):
            src_v = srca_v if half == 0 else srcb_v
            for k in range(zcopies):
                pltpu.sync_copy(
                    zbuf, acc.at[pl.ds(s * rows_per_tile + k * CHUNK, CHUNK)])
            plsc.subcore_barrier()

            def step(jo, carry):
                for u in range(nb2):
                    j = jo * nb2 + u
                    b = u

                    @pl.when(j < nch)
                    def _():
                        pltpu.make_async_copy(
                            xw_hbm.at[src_v.at[j]], buf.at[b],
                            gsems[b]).wait()
                        pltpu.async_copy(
                            buf.at[b], acc.at[dst_v.at[j]], ssems[b],
                            add=True)
                        jn = j + NBUF
                        bn = (u + NBUF) % nb2

                        @pl.when(jn < nch)
                        def _():
                            @pl.when(jn >= nb2)
                            def _():
                                pltpu.make_async_copy(
                                    buf.at[bn], acc.at[dst_v.at[jn]],
                                    ssems[bn]).wait()

                            pltpu.async_copy(
                                xw_hbm.at[src_v.at[jn]], buf.at[bn],
                                gsems[bn])

                return carry

            lax.fori_loop(0, -(-nch // nb2), step, 0)

            for u in range(nb2):
                j = nch - nb2 + u
                b = j % nb2
                pltpu.make_async_copy(
                    buf.at[b], acc.at[dst_v.at[j]], ssems[b]).wait()

            if half == 0:
                for b in range(NBUF):
                    pltpu.async_copy(
                        xw_hbm.at[srcb_v.at[b]], buf.at[b], gsems[b])

            plsc.subcore_barrier()
            pltpu.sync_copy(
                acc.at[pl.ds(s * rows_per_tile, rows_per_tile)],
                out_hbm.at[c].at[pl.ds(s * rows_per_tile, rows_per_tile),
                                 pl.ds(half * dh, dh)])

    return agg_k


def _dis_block(dp_ref):
    deg = dp_ref[0, :, 0:1] + dp_ref[1, :, 0:1] + 1.0
    return lax.rsqrt(deg)


def _deg_spec():
    return pl.BlockSpec((NC, ROWBLK, 128), lambda i: (0, i, 0))


def _tc_scale_matmul(x_pad, W, deg_parts):
    n_pad, d = x_pad.shape

    def body(x_ref, w_ref, dp_ref, o_ref):
        dis = _dis_block(dp_ref)
        o_ref[...] = jnp.dot(x_ref[...], w_ref[...],
                             precision=lax.Precision.HIGHEST,
                             preferred_element_type=jnp.float32) * dis

    return pl.pallas_call(
        body,
        grid=(n_pad // ROWBLK,),
        in_specs=[
            pl.BlockSpec((ROWBLK, d), lambda i: (i, 0)),
            pl.BlockSpec((d, d), lambda i: (0, 0)),
            _deg_spec(),
        ],
        out_specs=pl.BlockSpec((ROWBLK, d), lambda i: (i, 0)),
        out_shape=jax.ShapeDtypeStruct((n_pad, d), jnp.float32),
    )(x_pad, W, deg_parts)


def _agg_block(p_ref, xw_ref):
    return p_ref[0] + p_ref[1] + xw_ref[...]


def _tc_mid(parts, xw_s, deg_parts, b, W):
    n_pad, d = xw_s.shape

    def body(p_ref, xw_ref, dp_ref, b_ref, w_ref, o_ref):
        dis = _dis_block(dp_ref)
        h = jnp.maximum(_agg_block(p_ref, xw_ref) * dis + b_ref[...], 0.0)
        o_ref[...] = jnp.dot(h, w_ref[...],
                             precision=lax.Precision.HIGHEST,
                             preferred_element_type=jnp.float32) * dis

    return pl.pallas_call(
        body,
        grid=(n_pad // ROWBLK,),
        in_specs=[
            pl.BlockSpec((NC, ROWBLK, d), lambda i: (0, i, 0)),
            pl.BlockSpec((ROWBLK, d), lambda i: (i, 0)),
            _deg_spec(),
            pl.BlockSpec((1, d), lambda i: (0, 0)),
            pl.BlockSpec((d, d), lambda i: (0, 0)),
        ],
        out_specs=pl.BlockSpec((ROWBLK, d), lambda i: (i, 0)),
        out_shape=jax.ShapeDtypeStruct((n_pad, d), jnp.float32),
    )(parts, xw_s, deg_parts, b, W)


def _tc_final(parts, xw_s, deg_parts, b, n):
    n_pad, d = xw_s.shape

    def body(p_ref, xw_ref, dp_ref, b_ref, o_ref):
        dis = _dis_block(dp_ref)
        o_ref[...] = _agg_block(p_ref, xw_ref) * dis + b_ref[...]

    return pl.pallas_call(
        body,
        grid=(n_pad // ROWBLK,),
        in_specs=[
            pl.BlockSpec((NC, ROWBLK, d), lambda i: (0, i, 0)),
            pl.BlockSpec((ROWBLK, d), lambda i: (i, 0)),
            _deg_spec(),
            pl.BlockSpec((1, d), lambda i: (0, 0)),
        ],
        out_specs=pl.BlockSpec((ROWBLK, d), lambda i: (i, 0)),
        out_shape=jax.ShapeDtypeStruct((n, d), jnp.float32),
    )(parts, xw_s, deg_parts, b)


def kernel(x, edge_index, W1, b1, W2, b2):
    n, d = x.shape
    e = edge_index.shape[1]

    n_pad = -(-(n + 1) // ROWBLK) * ROWBLK
    epw = -(-e // NW)
    nch = max(-(-epw // CHUNK), 2 * NBUF)
    e_pad = NW * nch * CHUNK

    npad_e = e_pad - e
    ramp = jnp.arange(npad_e, dtype=edge_index.dtype)
    pad_src = n + ramp % (n_pad - n)
    pad_dst_agg = ramp % n_pad
    pad_dst_deg = n + ramp % (n_pad - n)
    src = jnp.concatenate([edge_index[0], pad_src]).reshape(NW, nch, CHUNK)
    dst = jnp.concatenate([edge_index[1], pad_dst_agg]).reshape(NW, nch, CHUNK)
    dstd = jnp.concatenate([edge_index[1], pad_dst_deg]).reshape(NW, nch, CHUNK)

    x_pad = jnp.zeros((n_pad, d), jnp.float32).at[:n].set(x)

    deg_parts = _sc_degree(n_pad, nch)(dstd)

    b1r = b1.reshape(1, d)
    b2r = b2.reshape(1, d)
    dh = d // 2
    srca = src * 2
    srcb = srca + 1

    agg = _sc_agg(n_pad, d, nch)

    xw1s = _tc_scale_matmul(x_pad, W1, deg_parts)
    parts1 = agg(xw1s.reshape(2 * n_pad, dh), srca, srcb, dst)
    xw2s = _tc_mid(parts1, xw1s, deg_parts, b1r, W2)
    parts2 = agg(xw2s.reshape(2 * n_pad, dh), srca, srcb, dst)
    return _tc_final(parts2, xw2s, deg_parts, b2r, n)

# --- scband reference (transcript-rebuilt; emitter-appended) ---
"""Pipeline reference for scband-simple-gcn-41532333752971 (READ-ONLY COPY).

The authoritative reference and input builder live on the scoring server;
editing this copy changes nothing except your own understanding.
"""

import jax, jax.numpy as jnp
import numpy as np

N = 10000
E = 320000
D_IN = 128
D_HID = 128
D_OUT = 128


def setup_inputs(seed: int = 0) -> dict:
    key = jax.random.key(seed)
    k1, k2, k3, k4, k5, k6 = jax.random.split(key, 6)
    x = jax.random.normal(k1, (N, D_IN), dtype=jnp.float32)
    edge_index = jax.random.randint(k2, (2, E), 0, N, dtype=jnp.int32)
    # GCNConv weights (glorot-ish scaling) and zero biases, as in PyG defaults
    W1 = jax.random.normal(k3, (D_IN, D_HID), dtype=jnp.float32) * (1.0 / np.sqrt(D_IN))
    b1 = jnp.zeros((D_HID,), dtype=jnp.float32)
    W2 = jax.random.normal(k4, (D_HID, D_OUT), dtype=jnp.float32) * (1.0 / np.sqrt(D_HID))
    b2 = jnp.zeros((D_OUT,), dtype=jnp.float32)
    return {"x": x, "edge_index": edge_index, "W1": W1, "b1": b1, "W2": W2, "b2": b2}


def _gcn_conv(x, edge_index, W, b):
    # Faithful PyG GCNConv: add self-loops, symmetric normalization, scatter-add aggregate.
    src = edge_index[0]
    dst = edge_index[1]
    loop = jnp.arange(N, dtype=edge_index.dtype)
    src = jnp.concatenate([src, loop])
    dst = jnp.concatenate([dst, loop])
    xw = x @ W  # linear transform first (out_dim <= in_dim path)
    deg = jnp.zeros((N,), dtype=xw.dtype).at[dst].add(1.0)
    deg_inv_sqrt = jnp.where(deg > 0, jax.lax.rsqrt(jnp.maximum(deg, 1e-12)), 0.0)
    norm = deg_inv_sqrt[src] * deg_inv_sqrt[dst]
    msg = xw[src] * norm[:, None]  # gather
    out = jnp.zeros((N, xw.shape[1]), dtype=xw.dtype).at[dst].add(msg)  # scatter-add
    return out + b


def reference(x, edge_index, W1, b1, W2, b2):
    h = _gcn_conv(x, edge_index, W1, b1)
    h = jax.nn.relu(h)
    # F.dropout(p=0.5) is identity at inference (training=False)
    out = _gcn_conv(h, edge_index, W2, b2)
    return out

if __name__ == "__main__":
    import jax
    _d = setup_inputs()
    print(jax.jit(kernel)(*tuple(_d.values())))

</pallas_src>

<mosaic_0001>
#map = affine_map<(d0, d1) -> (0, 0)>
#map1 = affine_map<(d0, d1) -> (0, 0, 0)>
module attributes {stable_mosaic.version = 14 : i64} {
  func.func @agg_k(%arg0: i32, %arg1: i32, %arg2: memref<20480x64xf32, #tpu.memory_space<hbm>>, %arg3: memref<32x79x128xi32, #tpu.memory_space<hbm>>, %arg4: memref<32x79x128xi32, #tpu.memory_space<hbm>>, %arg5: memref<32x79x128xi32, #tpu.memory_space<hbm>>, %arg6: memref<2x10240x128xf32, #tpu.memory_space<hbm>>, %arg7: memref<79x128xi32, #tpu.memory_space<vmem>>, %arg8: memref<79x128xi32, #tpu.memory_space<vmem>>, %arg9: memref<79x128xi32, #tpu.memory_space<vmem>>, %arg10: memref<6x128x64xf32, #tpu.memory_space<vmem>>, %arg11: memref<128x64xf32, #tpu.memory_space<vmem>>, %arg12: memref<10240x64xf32, #tpu.memory_space<vmem_shared>>, %arg13: memref<!tpu.dma_semaphore, #tpu.memory_space<semaphore_mem>>, %arg14: memref<!tpu.dma_semaphore, #tpu.memory_space<semaphore_mem>>, %arg15: memref<!tpu.dma_semaphore, #tpu.memory_space<semaphore_mem>>, %arg16: memref<!tpu.dma_semaphore, #tpu.memory_space<semaphore_mem>>, %arg17: memref<!tpu.dma_semaphore, #tpu.memory_space<semaphore_mem>>, %arg18: memref<!tpu.dma_semaphore, #tpu.memory_space<semaphore_mem>>, %arg19: memref<!tpu.dma_semaphore, #tpu.memory_space<semaphore_mem>>, %arg20: memref<!tpu.dma_semaphore, #tpu.memory_space<semaphore_mem>>, %arg21: memref<!tpu.dma_semaphore, #tpu.memory_space<semaphore_mem>>, %arg22: memref<!tpu.dma_semaphore, #tpu.memory_space<semaphore_mem>>, %arg23: memref<!tpu.dma_semaphore, #tpu.memory_space<semaphore_mem>>, %arg24: memref<!tpu.dma_semaphore, #tpu.memory_space<semaphore_mem>>) attributes {dimension_semantics = [#tpu.dimension_semantics<core_parallel>, #tpu.dimension_semantics<subcore_parallel>], iteration_bounds = array<i64: 2, 16>, scalar_prefetch = 0 : i64, scratch_operands = 18 : i64, tpu.core_type = #tpu.core_type<sc_vector_subcore>, window_params = [{transform_indices = #map}, {transform_indices = #map1}, {transform_indices = #map1}, {transform_indices = #map1}, {transform_indices = #map1}]} {
    %mul3A = arith.constant 2 : i32
    %mul3A_0 = arith.muli %arg1, %mul3A : i32
    %add3A = arith.addi %mul3A_0, %arg0 : i32
    "tpu.region"() ({
      %run_scoped3A = tpu.sem_alloc : memref<!tpu.dma_semaphore, #tpu.memory_space<semaphore_mem>>
      %dma_start3A_284 = arith.constant 0 : i32
      %dma_start3A_285 = arith.constant 0 : i32
      %dma_start3A_286 = tpu.memref_slice %arg3[%add3A, %dma_start3A_284, %dma_start3A_285] : memref<32x79x128xi32, #tpu.memory_space<hbm>> -> memref<1x79x128xi32, #tpu.memory_space<hbm>>
      %dma_start3A_287 = tpu.memref_squeeze %dma_start3A_286 : memref<1x79x128xi32, #tpu.memory_space<hbm>> -> memref<79x128xi32, #tpu.memory_space<hbm>>
      %dma_start3A_288 = arith.constant 0 : i32
      %dma_start3A_289 = arith.constant 0 : i32
      %dma_start3A_290 = tpu.memref_slice %arg3[%add3A, %dma_start3A_288, %dma_start3A_289] : memref<32x79x128xi32, #tpu.memory_space<hbm>> -> memref<1x79x128xi32, #tpu.memory_space<hbm>>
      %dma_start3A_291 = tpu.memref_squeeze %dma_start3A_290 : memref<1x79x128xi32, #tpu.memory_space<hbm>> -> memref<79x128xi32, #tpu.memory_space<hbm>>
      tpu.enqueue_dma source(%dma_start3A_291 : memref<79x128xi32, #tpu.memory_space<hbm>>) target(%arg7 : memref<79x128xi32, #tpu.memory_space<vmem>>) target_semaphore(%run_scoped3A : memref<!tpu.dma_semaphore, #tpu.memory_space<semaphore_mem>>)
      %dma_wait3A_292 = arith.constant 0 : i32
      %dma_wait3A_293 = arith.constant 0 : i32
      %dma_wait3A_294 = tpu.memref_slice %arg3[%add3A, %dma_wait3A_292, %dma_wait3A_293] : memref<32x79x128xi32, #tpu.memory_space<hbm>> -> memref<1x79x128xi32, #tpu.memory_space<hbm>>
      %dma_wait3A_295 = tpu.memref_squeeze %dma_wait3A_294 : memref<1x79x128xi32, #tpu.memory_space<hbm>> -> memref<79x128xi32, #tpu.memory_space<hbm>>
      %dma_wait3A_296 = arith.constant 0 : i32
      %dma_wait3A_297 = arith.constant 0 : i32
      %dma_wait3A_298 = tpu.memref_slice %arg3[%add3A, %dma_wait3A_296, %dma_wait3A_297] : memref<32x79x128xi32, #tpu.memory_space<hbm>> -> memref<1x79x128xi32, #tpu.memory_space<hbm>>
      %dma_wait3A_299 = tpu.memref_squeeze %dma_wait3A_298 : memref<1x79x128xi32, #tpu.memory_space<hbm>> -> memref<79x128xi32, #tpu.memory_space<hbm>>
      tpu.wait_dma2 semaphore(%run_scoped3A : memref<!tpu.dma_semaphore, #tpu.memory_space<semaphore_mem>>) src(%dma_wait3A_299 : memref<79x128xi32, #tpu.memory_space<hbm>>) dst(%arg7 : memref<79x128xi32, #tpu.memory_space<vmem>>)
      tpu.yield
    }) : () -> ()
    "tpu.region"() ({
      %run_scoped3A = tpu.sem_alloc : memref<!tpu.dma_semaphore, #tpu.memory_space<semaphore_mem>>
      %dma_start3A_284 = arith.constant 0 : i32
      %dma_start3A_285 = arith.constant 0 : i32
      %dma_start3A_286 = tpu.memref_slice %arg4[%add3A, %dma_start3A_284, %dma_start3A_285] : memref<32x79x128xi32, #tpu.memory_space<hbm>> -> memref<1x79x128xi32, #tpu.memory_space<hbm>>
      %dma_start3A_287 = tpu.memref_squeeze %dma_start3A_286 : memref<1x79x128xi32, #tpu.memory_space<hbm>> -> memref<79x128xi32, #tpu.memory_space<hbm>>
      %dma_start3A_288 = arith.constant 0 : i32
      %dma_start3A_289 = arith.constant 0 : i32
      %dma_start3A_290 = tpu.memref_slice %arg4[%add3A, %dma_start3A_288, %dma_start3A_289] : memref<32x79x128xi32, #tpu.memory_space<hbm>> -> memref<1x79x128xi32, #tpu.memory_space<hbm>>
      %dma_start3A_291 = tpu.memref_squeeze %dma_start3A_290 : memref<1x79x128xi32, #tpu.memory_space<hbm>> -> memref<79x128xi32, #tpu.memory_space<hbm>>
      tpu.enqueue_dma source(%dma_start3A_291 : memref<79x128xi32, #tpu.memory_space<hbm>>) target(%arg8 : memref<79x128xi32, #tpu.memory_space<vmem>>) target_semaphore(%run_scoped3A : memref<!tpu.dma_semaphore, #tpu.memory_space<semaphore_mem>>)
      %dma_wait3A_292 = arith.constant 0 : i32
      %dma_wait3A_293 = arith.constant 0 : i32
      %dma_wait3A_294 = tpu.memref_slice %arg4[%add3A, %dma_wait3A_292, %dma_wait3A_293] : memref<32x79x128xi32, #tpu.memory_space<hbm>> -> memref<1x79x128xi32, #tpu.memory_space<hbm>>
      %dma_wait3A_295 = tpu.memref_squeeze %dma_wait3A_294 : memref<1x79x128xi32, #tpu.memory_space<hbm>> -> memref<79x128xi32, #tpu.memory_space<hbm>>
      %dma_wait3A_296 = arith.constant 0 : i32
      %dma_wait3A_297 = arith.constant 0 : i32
      %dma_wait3A_298 = tpu.memref_slice %arg4[%add3A, %dma_wait3A_296, %dma_wait3A_297] : memref<32x79x128xi32, #tpu.memory_space<hbm>> -> memref<1x79x128xi32, #tpu.memory_space<hbm>>
      %dma_wait3A_299 = tpu.memref_squeeze %dma_wait3A_298 : memref<1x79x128xi32, #tpu.memory_space<hbm>> -> memref<79x128xi32, #tpu.memory_space<hbm>>
      tpu.wait_dma2 semaphore(%run_scoped3A : memref<!tpu.dma_semaphore, #tpu.memory_space<semaphore_mem>>) src(%dma_wait3A_299 : memref<79x128xi32, #tpu.memory_space<hbm>>) dst(%arg8 : memref<79x128xi32, #tpu.memory_space<vmem>>)
      tpu.yield
    }) : () -> ()
    "tpu.region"() ({
      %run_scoped3A = tpu.sem_alloc : memref<!tpu.dma_semaphore, #tpu.memory_space<semaphore_mem>>
      %dma_start3A_284 = arith.constant 0 : i32
      %dma_start3A_285 = arith.constant 0 : i32
      %dma_start3A_286 = tpu.memref_slice %arg5[%add3A, %dma_start3A_284, %dma_start3A_285] : memref<32x79x128xi32, #tpu.memory_space<hbm>> -> memref<1x79x128xi32, #tpu.memory_space<hbm>>
      %dma_start3A_287 = tpu.memref_squeeze %dma_start3A_286 : memref<1x79x128xi32, #tpu.memory_space<hbm>> -> memref<79x128xi32, #tpu.memory_space<hbm>>
      %dma_start3A_288 = arith.constant 0 : i32
      %dma_start3A_289 = arith.constant 0 : i32
      %dma_start3A_290 = tpu.memref_slice %arg5[%add3A, %dma_start3A_288, %dma_start3A_289] : memref<32x79x128xi32, #tpu.memory_space<hbm>> -> memref<1x79x128xi32, #tpu.memory_space<hbm>>
      %dma_start3A_291 = tpu.memref_squeeze %dma_start3A_290 : memref<1x79x128xi32, #tpu.memory_space<hbm>> -> memref<79x128xi32, #tpu.memory_space<hbm>>
      tpu.enqueue_dma source(%dma_start3A_291 : memref<79x128xi32, #tpu.memory_space<hbm>>) target(%arg9 : memref<79x128xi32, #tpu.memory_space<vmem>>) target_semaphore(%run_scoped3A : memref<!tpu.dma_semaphore, #tpu.memory_space<semaphore_mem>>)
      %dma_wait3A_292 = arith.constant 0 : i32
      %dma_wait3A_293 = arith.constant 0 : i32
      %dma_wait3A_294 = tpu.memref_slice %arg5[%add3A, %dma_wait3A_292, %dma_wait3A_293] : memref<32x79x128xi32, #tpu.memory_space<hbm>> -> memref<1x79x128xi32, #tpu.memory_space<hbm>>
      %dma_wait3A_295 = tpu.memref_squeeze %dma_wait3A_294 : memref<1x79x128xi32, #tpu.memory_space<hbm>> -> memref<79x128xi32, #tpu.memory_space<hbm>>
      %dma_wait3A_296 = arith.constant 0 : i32
      %dma_wait3A_297 = arith.constant 0 : i32
      %dma_wait3A_298 = tpu.memref_slice %arg5[%add3A, %dma_wait3A_296, %dma_wait3A_297] : memref<32x79x128xi32, #tpu.memory_space<hbm>> -> memref<1x79x128xi32, #tpu.memory_space<hbm>>
      %dma_wait3A_299 = tpu.memref_squeeze %dma_wait3A_298 : memref<1x79x128xi32, #tpu.memory_space<hbm>> -> memref<79x128xi32, #tpu.memory_space<hbm>>
      tpu.wait_dma2 semaphore(%run_scoped3A : memref<!tpu.dma_semaphore, #tpu.memory_space<semaphore_mem>>) src(%dma_wait3A_299 : memref<79x128xi32, #tpu.memory_space<hbm>>) dst(%arg9 : memref<79x128xi32, #tpu.memory_space<vmem>>)
      tpu.yield
    }) : () -> ()
    %broadcast_in_dim3A = arith.constant 0.000000e+00 : f32
    %broadcast_in_dim3A_1 = vector.broadcast %broadcast_in_dim3A : f32 to vector<16xf32>
    %scan3A = arith.constant 0 : i32
    %scan3A_2 = arith.constant 0 : i32
    %scan3A_3 = arith.constant 128 : i32
    %scan3A_4 = arith.addi %scan3A_2, %scan3A_3 : i32
    %scan3A_5 = arith.constant 1 : i32
    scf.for %scan3A_284 = %scan3A_2 to %scan3A_4 step %scan3A_5  : i32 {
      %swap3A = arith.index_cast %scan3A_284 : i32 to index
      %swap3A_285 = arith.constant 0 : index
      %swap3A_286 = tpu.vector_load %arg11[%swap3A, %swap3A_285] {strides = array<i32>} : memref<128x64xf32, #tpu.memory_space<vmem>>, vector<1x16xf32>,
      %swap3A_287 = vector.shape_cast %swap3A_286 : vector<1x16xf32> to vector<16xf32>
      %swap3A_288 = vector.shape_cast %broadcast_in_dim3A_1 : vector<16xf32> to vector<1x16xf32>
      tpu.vector_store %arg11[%swap3A, %swap3A_285], %swap3A_288 {strides = array<i32>} : memref<128x64xf32, #tpu.memory_space<vmem>>, vector<1x16xf32>,
      %swap3A_289 = arith.index_cast %scan3A_284 : i32 to index
      %swap3A_290 = arith.constant 16 : index
      %swap3A_291 = tpu.vector_load %arg11[%swap3A_289, %swap3A_290] {strides = array<i32>} : memref<128x64xf32, #tpu.memory_space<vmem>>, vector<1x16xf32>,
      %swap3A_292 = vector.shape_cast %swap3A_291 : vector<1x16xf32> to vector<16xf32>
      %swap3A_293 = vector.shape_cast %broadcast_in_dim3A_1 : vector<16xf32> to vector<1x16xf32>
      tpu.vector_store %arg11[%swap3A_289, %swap3A_290], %swap3A_293 {strides = array<i32>} : memref<128x64xf32, #tpu.memory_space<vmem>>, vector<1x16xf32>,
      %swap3A_294 = arith.index_cast %scan3A_284 : i32 to index
      %swap3A_295 = arith.constant 32 : index
      %swap3A_296 = tpu.vector_load %arg11[%swap3A_294, %swap3A_295] {strides = array<i32>} : memref<128x64xf32, #tpu.memory_space<vmem>>, vector<1x16xf32>,
      %swap3A_297 = vector.shape_cast %swap3A_296 : vector<1x16xf32> to vector<16xf32>
      %swap3A_298 = vector.shape_cast %broadcast_in_dim3A_1 : vector<16xf32> to vector<1x16xf32>
      tpu.vector_store %arg11[%swap3A_294, %swap3A_295], %swap3A_298 {strides = array<i32>} : memref<128x64xf32, #tpu.memory_space<vmem>>, vector<1x16xf32>,
      %swap3A_299 = arith.index_cast %scan3A_284 : i32 to index
      %swap3A_300 = arith.constant 48 : index
      %swap3A_301 = tpu.vector_load %arg11[%swap3A_299, %swap3A_300] {strides = array<i32>} : memref<128x64xf32, #tpu.memory_space<vmem>>, vector<1x16xf32>,
      %swap3A_302 = vector.shape_cast %swap3A_301 : vector<1x16xf32> to vector<16xf32>
      %swap3A_303 = vector.shape_cast %broadcast_in_dim3A_1 : vector<16xf32> to vector<1x16xf32>
      tpu.vector_store %arg11[%swap3A_299, %swap3A_300], %swap3A_303 {strides = array<i32>} : memref<128x64xf32, #tpu.memory_space<vmem>>, vector<1x16xf32>,
    }
    %scan3A_6 = arith.constant 128 : i32
    %dma_start3A = arith.constant 0 : i32
    %dma_start3A_7 = arith.constant 0 : i32
    %dma_start3A_8 = arith.constant 0 : i32
    %dma_start3A_9 = arith.constant 0 : i32
    %dma_start3A_10 = tpu.memref_slice %arg10[%dma_start3A_7, %dma_start3A_8, %dma_start3A_9] : memref<6x128x64xf32, #tpu.memory_space<vmem>> -> memref<1x128x64xf32, #tpu.memory_space<vmem>>
    %dma_start3A_11 = tpu.memref_squeeze %dma_start3A_10 : memref<1x128x64xf32, #tpu.memory_space<vmem>> -> memref<128x64xf32, #tpu.memory_space<vmem>>
    %dma_start3A_12 = arith.constant 0 : i32
    %dma_start3A_13 = tpu.memref_slice %arg7[%dma_start3A, %dma_start3A_12] : memref<79x128xi32, #tpu.memory_space<vmem>> -> memref<1x128xi32, #tpu.memory_space<vmem>>
    %dma_start3A_14 = tpu.memref_squeeze %dma_start3A_13 : memref<1x128xi32, #tpu.memory_space<vmem>> -> memref<128xi32, #tpu.memory_space<vmem>>
    %dma_start3A_15 = arith.constant 0 : i32
    %dma_start3A_16 = arith.constant 0 : i32
    %dma_start3A_17 = tpu.memref_slice %arg2[%dma_start3A_15, %dma_start3A_16] : memref<20480x64xf32, #tpu.memory_space<hbm>> -> memref<20480x64xf32, #tpu.memory_space<hbm>>
    tpu.enqueue_indirect_dma source(%dma_start3A_17 : memref<20480x64xf32, #tpu.memory_space<hbm>>) target(%dma_start3A_11 : memref<128x64xf32, #tpu.memory_space<vmem>>) offsets(%dma_start3A_14 : memref<128xi32, #tpu.memory_space<vmem>>) semaphore(%arg13 : memref<!tpu.dma_semaphore, #tpu.memory_space<semaphore_mem>>)
    %dma_start3A_18 = arith.constant 1 : i32
    %dma_start3A_19 = arith.constant 1 : i32
    %dma_start3A_20 = arith.constant 0 : i32
    %dma_start3A_21 = arith.constant 0 : i32
    %dma_start3A_22 = tpu.memref_slice %arg10[%dma_start3A_19, %dma_start3A_20, %dma_start3A_21] : memref<6x128x64xf32, #tpu.memory_space<vmem>> -> memref<1x128x64xf32, #tpu.memory_space<vmem>>
    %dma_start3A_23 = tpu.memref_squeeze %dma_start3A_22 : memref<1x128x64xf32, #tpu.memory_space<vmem>> -> memref<128x64xf32, #tpu.memory_space<vmem>>
    %dma_start3A_24 = arith.constant 0 : i32
    %dma_start3A_25 = tpu.memref_slice %arg7[%dma_start3A_18, %dma_start3A_24] : memref<79x128xi32, #tpu.memory_space<vmem>> -> memref<1x128xi32, #tpu.memory_space<vmem>>
    %dma_start3A_26 = tpu.memref_squeeze %dma_start3A_25 : memref<1x128xi32, #tpu.memory_space<vmem>> -> memref<128xi32, #tpu.memory_space<vmem>>
    %dma_start3A_27 = arith.constant 0 : i32
    %dma_start3A_28 = arith.constant 0 : i32
    %dma_start3A_29 = tpu.memref_slice %arg2[%dma_start3A_27, %dma_start3A_28] : memref<20480x64xf32, #tpu.memory_space<hbm>> -> memref<20480x64xf32, #tpu.memory_space<hbm>>
    tpu.enqueue_indirect_dma source(%dma_start3A_29 : memref<20480x64xf32, #tpu.memory_space<hbm>>) target(%dma_start3A_23 : memref<128x64xf32, #tpu.memory_space<vmem>>) offsets(%dma_start3A_26 : memref<128xi32, #tpu.memory_space<vmem>>) semaphore(%arg14 : memref<!tpu.dma_semaphore, #tpu.memory_space<semaphore_mem>>)
    %dma_start3A_30 = arith.constant 2 : i32
    %dma_start3A_31 = arith.constant 2 : i32
    %dma_start3A_32 = arith.constant 0 : i32
    %dma_start3A_33 = arith.constant 0 : i32
    %dma_start3A_34 = tpu.memref_slice %arg10[%dma_start3A_31, %dma_start3A_32, %dma_start3A_33] : memref<6x128x64xf32, #tpu.memory_space<vmem>> -> memref<1x128x64xf32, #tpu.memory_space<vmem>>
    %dma_start3A_35 = tpu.memref_squeeze %dma_start3A_34 : memref<1x128x64xf32, #tpu.memory_space<vmem>> -> memref<128x64xf32, #tpu.memory_space<vmem>>
    %dma_start3A_36 = arith.constant 0 : i32
    %dma_start3A_37 = tpu.memref_slice %arg7[%dma_start3A_30, %dma_start3A_36] : memref<79x128xi32, #tpu.memory_space<vmem>> -> memref<1x128xi32, #tpu.memory_space<vmem>>
    %dma_start3A_38 = tpu.memref_squeeze %dma_start3A_37 : memref<1x128xi32, #tpu.memory_space<vmem>> -> memref<128xi32, #tpu.memory_space<vmem>>
    %dma_start3A_39 = arith.constant 0 : i32
    %dma_start3A_40 = arith.constant 0 : i32
    %dma_start3A_41 = tpu.memref_slice %arg2[%dma_start3A_39, %dma_start3A_40] : memref<20480x64xf32, #tpu.memory_space<hbm>> -> memref<20480x64xf32, #tpu.memory_space<hbm>>
    tpu.enqueue_indirect_dma source(%dma_start3A_41 : memref<20480x64xf32, #tpu.memory_space<hbm>>) target(%dma_start3A_35 : memref<128x64xf32, #tpu.memory_space<vmem>>) offsets(%dma_start3A_38 : memref<128xi32, #tpu.memory_space<vmem>>) semaphore(%arg15 : memref<!tpu.dma_semaphore, #tpu.memory_space<semaphore_mem>>)
    %mul3A_42 = arith.constant 640 : i32
    %mul3A_43 = arith.muli %arg1, %mul3A_42 : i32
    %add3A_44 = arith.constant 0 : i32
    %add3A_45 = arith.addi %mul3A_43, %add3A_44 : i32
    "tpu.region"() ({
      %run_scoped3A = tpu.sem_alloc : memref<!tpu.dma_semaphore, #tpu.memory_space<semaphore_mem>>
      %dma_start3A_284 = arith.constant 0 : i32
      %dma_start3A_285 = tpu.memref_slice %arg12[%add3A_45, %dma_start3A_284] : memref<10240x64xf32, #tpu.memory_space<vmem_shared>> -> memref<128x64xf32, #tpu.memory_space<vmem_shared>>
      %dma_start3A_286 = arith.constant 0 : i32
      %dma_start3A_287 = tpu.memref_slice %arg12[%add3A_45, %dma_start3A_286] : memref<10240x64xf32, #tpu.memory_space<vmem_shared>> -> memref<128x64xf32, #tpu.memory_space<vmem_shared>>
      tpu.enqueue_dma source(%arg11 : memref<128x64xf32, #tpu.memory_space<vmem>>) target(%dma_start3A_287 : memref<128x64xf32, #tpu.memory_space<vmem_shared>>) target_semaphore(%run_scoped3A : memref<!tpu.dma_semaphore, #tpu.memory_space<semaphore_mem>>)
      %dma_wait3A_288 = arith.constant 0 : i32
      %dma_wait3A_289 = tpu.memref_slice %arg12[%add3A_45, %dma_wait3A_288] : memref<10240x64xf32, #tpu.memory_space<vmem_shared>> -> memref<128x64xf32, #tpu.memory_space<vmem_shared>>
      %dma_wait3A_290 = arith.constant 0 : i32
      %dma_wait3A_291 = tpu.memref_slice %arg12[%add3A_45, %dma_wait3A_290] : memref<10240x64xf32, #tpu.memory_space<vmem_shared>> -> memref<128x64xf32, #tpu.memory_space<vmem_shared>>
      tpu.wait_dma2 semaphore(%run_scoped3A : memref<!tpu.dma_semaphore, #tpu.memory_space<semaphore_mem>>) src(%arg11 : memref<128x64xf32, #tpu.memory_space<vmem>>) dst(%dma_wait3A_291 : memref<128x64xf32, #tpu.memory_space<vmem_shared>>)
      tpu.yield
    }) : () -> ()
    %mul3A_46 = arith.constant 640 : i32
    %mul3A_47 = arith.muli %arg1, %mul3A_46 : i32
    %add3A_48 = arith.constant 128 : i32
    %add3A_49 = arith.addi %mul3A_47, %add3A_48 : i32
    "tpu.region"() ({
      %run_scoped3A = tpu.sem_alloc : memref<!tpu.dma_semaphore, #tpu.memory_space<semaphore_mem>>
      %dma_start3A_284 = arith.constant 0 : i32
      %dma_start3A_285 = tpu.memref_slice %arg12[%add3A_49, %dma_start3A_284] : memref<10240x64xf32, #tpu.memory_space<vmem_shared>> -> memref<128x64xf32, #tpu.memory_space<vmem_shared>>
      %dma_start3A_286 = arith.constant 0 : i32
      %dma_start3A_287 = tpu.memref_slice %arg12[%add3A_49, %dma_start3A_286] : memref<10240x64xf32, #tpu.memory_space<vmem_shared>> -> memref<128x64xf32, #tpu.memory_space<vmem_shared>>
      tpu.enqueue_dma source(%arg11 : memref<128x64xf32, #tpu.memory_space<vmem>>) target(%dma_start3A_287 : memref<128x64xf32, #tpu.memory_space<vmem_shared>>) target_semaphore(%run_scoped3A : memref<!tpu.dma_semaphore, #tpu.memory_space<semaphore_mem>>)
      %dma_wait3A_288 = arith.constant 0 : i32
      %dma_wait3A_289 = tpu.memref_slice %arg12[%add3A_49, %dma_wait3A_288] : memref<10240x64xf32, #tpu.memory_space<vmem_shared>> -> memref<128x64xf32, #tpu.memory_space<vmem_shared>>
      %dma_wait3A_290 = arith.constant 0 : i32
      %dma_wait3A_291 = tpu.memref_slice %arg12[%add3A_49, %dma_wait3A_290] : memref<10240x64xf32, #tpu.memory_space<vmem_shared>> -> memref<128x64xf32, #tpu.memory_space<vmem_shared>>
      tpu.wait_dma2 semaphore(%run_scoped3A : memref<!tpu.dma_semaphore, #tpu.memory_space<semaphore_mem>>) src(%arg11 : memref<128x64xf32, #tpu.memory_space<vmem>>) dst(%dma_wait3A_291 : memref<128x64xf32, #tpu.memory_space<vmem_shared>>)
      tpu.yield
    }) : () -> ()
    %mul3A_50 = arith.constant 640 : i32
    %mul3A_51 = arith.muli %arg1, %mul3A_50 : i32
    %add3A_52 = arith.constant 256 : i32
    %add3A_53 = arith.addi %mul3A_51, %add3A_52 : i32
    "tpu.region"() ({
      %run_scoped3A = tpu.sem_alloc : memref<!tpu.dma_semaphore, #tpu.memory_space<semaphore_mem>>
      %dma_start3A_284 = arith.constant 0 : i32
      %dma_start3A_285 = tpu.memref_slice %arg12[%add3A_53, %dma_start3A_284] : memref<10240x64xf32, #tpu.memory_space<vmem_shared>> -> memref<128x64xf32, #tpu.memory_space<vmem_shared>>
      %dma_start3A_286 = arith.constant 0 : i32
      %dma_start3A_287 = tpu.memref_slice %arg12[%add3A_53, %dma_start3A_286] : memref<10240x64xf32, #tpu.memory_space<vmem_shared>> -> memref<128x64xf32, #tpu.memory_space<vmem_shared>>
      tpu.enqueue_dma source(%arg11 : memref<128x64xf32, #tpu.memory_space<vmem>>) target(%dma_start3A_287 : memref<128x64xf32, #tpu.memory_space<vmem_shared>>) target_semaphore(%run_scoped3A : memref<!tpu.dma_semaphore, #tpu.memory_space<semaphore_mem>>)
      %dma_wait3A_288 = arith.constant 0 : i32
      %dma_wait3A_289 = tpu.memref_slice %arg12[%add3A_53, %dma_wait3A_288] : memref<10240x64xf32, #tpu.memory_space<vmem_shared>> -> memref<128x64xf32, #tpu.memory_space<vmem_shared>>
      %dma_wait3A_290 = arith.constant 0 : i32
      %dma_wait3A_291 = tpu.memref_slice %arg12[%add3A_53, %dma_wait3A_290] : memref<10240x64xf32, #tpu.memory_space<vmem_shared>> -> memref<128x64xf32, #tpu.memory_space<vmem_shared>>
      tpu.wait_dma2 semaphore(%run_scoped3A : memref<!tpu.dma_semaphore, #tpu.memory_space<semaphore_mem>>) src(%arg11 : memref<128x64xf32, #tpu.memory_space<vmem>>) dst(%dma_wait3A_291 : memref<128x64xf32, #tpu.memory_space<vmem_shared>>)
      tpu.yield
    }) : () -> ()
    %mul3A_54 = arith.constant 640 : i32
    %mul3A_55 = arith.muli %arg1, %mul3A_54 : i32
    %add3A_56 = arith.constant 384 : i32
    %add3A_57 = arith.addi %mul3A_55, %add3A_56 : i32
    "tpu.region"() ({
      %run_scoped3A = tpu.sem_alloc : memref<!tpu.dma_semaphore, #tpu.memory_space<semaphore_mem>>
      %dma_start3A_284 = arith.constant 0 : i32
      %dma_start3A_285 = tpu.memref_slice %arg12[%add3A_57, %dma_start3A_284] : memref<10240x64xf32, #tpu.memory_space<vmem_shared>> -> memref<128x64xf32, #tpu.memory_space<vmem_shared>>
      %dma_start3A_286 = arith.constant 0 : i32
      %dma_start3A_287 = tpu.memref_slice %arg12[%add3A_57, %dma_start3A_286] : memref<10240x64xf32, #tpu.memory_space<vmem_shared>> -> memref<128x64xf32, #tpu.memory_space<vmem_shared>>
      tpu.enqueue_dma source(%arg11 : memref<128x64xf32, #tpu.memory_space<vmem>>) target(%dma_start3A_287 : memref<128x64xf32, #tpu.memory_space<vmem_shared>>) target_semaphore(%run_scoped3A : memref<!tpu.dma_semaphore, #tpu.memory_space<semaphore_mem>>)
      %dma_wait3A_288 = arith.constant 0 : i32
      %dma_wait3A_289 = tpu.memref_slice %arg12[%add3A_57, %dma_wait3A_288] : memref<10240x64xf32, #tpu.memory_space<vmem_shared>> -> memref<128x64xf32, #tpu.memory_space<vmem_shared>>
      %dma_wait3A_290 = arith.constant 0 : i32
      %dma_wait3A_291 = tpu.memref_slice %arg12[%add3A_57, %dma_wait3A_290] : memref<10240x64xf32, #tpu.memory_space<vmem_shared>> -> memref<128x64xf32, #tpu.memory_space<vmem_shared>>
      tpu.wait_dma2 semaphore(%run_scoped3A : memref<!tpu.dma_semaphore, #tpu.memory_space<semaphore_mem>>) src(%arg11 : memref<128x64xf32, #tpu.memory_space<vmem>>) dst(%dma_wait3A_291 : memref<128x64xf32, #tpu.memory_space<vmem_shared>>)
      tpu.yield
    }) : () -> ()
    %mul3A_58 = arith.constant 640 : i32
    %mul3A_59 = arith.muli %arg1, %mul3A_58 : i32
    %add3A_60 = arith.constant 512 : i32
    %add3A_61 = arith.addi %mul3A_59, %add3A_60 : i32
    "tpu.region"() ({
      %run_scoped3A = tpu.sem_alloc : memref<!tpu.dma_semaphore, #tpu.memory_space<semaphore_mem>>
      %dma_start3A_284 = arith.constant 0 : i32
      %dma_start3A_285 = tpu.memref_slice %arg12[%add3A_61, %dma_start3A_284] : memref<10240x64xf32, #tpu.memory_space<vmem_shared>> -> memref<128x64xf32, #tpu.memory_space<vmem_shared>>
      %dma_start3A_286 = arith.constant 0 : i32
      %dma_start3A_287 = tpu.memref_slice %arg12[%add3A_61, %dma_start3A_286] : memref<10240x64xf32, #tpu.memory_space<vmem_shared>> -> memref<128x64xf32, #tpu.memory_space<vmem_shared>>
      tpu.enqueue_dma source(%arg11 : memref<128x64xf32, #tpu.memory_space<vmem>>) target(%dma_start3A_287 : memref<128x64xf32, #tpu.memory_space<vmem_shared>>) target_semaphore(%run_scoped3A : memref<!tpu.dma_semaphore, #tpu.memory_space<semaphore_mem>>)
      %dma_wait3A_288 = arith.constant 0 : i32
      %dma_wait3A_289 = tpu.memref_slice %arg12[%add3A_61, %dma_wait3A_288] : memref<10240x64xf32, #tpu.memory_space<vmem_shared>> -> memref<128x64xf32, #tpu.memory_space<vmem_shared>>
      %dma_wait3A_290 = arith.constant 0 : i32
      %dma_wait3A_291 = tpu.memref_slice %arg12[%add3A_61, %dma_wait3A_290] : memref<10240x64xf32, #tpu.memory_space<vmem_shared>> -> memref<128x64xf32, #tpu.memory_space<vmem_shared>>
      tpu.wait_dma2 semaphore(%run_scoped3A : memref<!tpu.dma_semaphore, #tpu.memory_space<semaphore_mem>>) src(%arg11 : memref<128x64xf32, #tpu.memory_space<vmem>>) dst(%dma_wait3A_291 : memref<128x64xf32, #tpu.memory_space<vmem_shared>>)
      tpu.yield
    }) : () -> ()
    %barrier3A = arith.constant 0 : index
    tpu.barrier barrier_id(%barrier3A)
    %scan3A_62 = arith.constant 0 : i32
    %scan3A_63 = arith.constant 0 : i32
    %scan3A_64 = arith.constant 14 : i32
    %scan3A_65 = arith.addi %scan3A_63, %scan3A_64 : i32
    %scan3A_66 = arith.constant 1 : i32
    scf.for %scan3A_284 = %scan3A_63 to %scan3A_65 step %scan3A_66  : i32 {
      %mul3A_285 = arith.constant 6 : i32
      %mul3A_286 = arith.muli %scan3A_284, %mul3A_285 : i32
      %add3A_287 = arith.constant 0 : i32
      %add3A_288 = arith.addi %mul3A_286, %add3A_287 : i32
      %lt3A = arith.constant 79 : i32
      %lt3A_289 = arith.cmpi slt, %add3A_288, %lt3A : i32
      %convert_element_type3A = arith.extui %lt3A_289 : i1 to i32
      %cond3A = arith.constant 0 : i32
      %cond3A_290 = arith.cmpi ne, %convert_element_type3A, %cond3A : i32
      scf.if %cond3A_290 {
        %dma_wait3A_336 = arith.constant 0 : i32
        %dma_wait3A_337 = arith.constant 0 : i32
        %dma_wait3A_338 = arith.constant 0 : i32
        %dma_wait3A_339 = tpu.memref_slice %arg10[%dma_wait3A_336, %dma_wait3A_337, %dma_wait3A_338] : memref<6x128x64xf32, #tpu.memory_space<vmem>> -> memref<1x128x64xf32, #tpu.memory_space<vmem>>
        %dma_wait3A_340 = tpu.memref_squeeze %dma_wait3A_339 : memref<1x128x64xf32, #tpu.memory_space<vmem>> -> memref<128x64xf32, #tpu.memory_space<vmem>>
        %dma_wait3A_341 = arith.constant 0 : i32
        %dma_wait3A_342 = tpu.memref_slice %arg7[%add3A_288, %dma_wait3A_341] : memref<79x128xi32, #tpu.memory_space<vmem>> -> memref<1x128xi32, #tpu.memory_space<vmem>>
        %dma_wait3A_343 = tpu.memref_squeeze %dma_wait3A_342 : memref<1x128xi32, #tpu.memory_space<vmem>> -> memref<128xi32, #tpu.memory_space<vmem>>
        %dma_wait3A_344 = arith.constant 0 : i32
        %dma_wait3A_345 = arith.constant 0 : i32
        %dma_wait3A_346 = tpu.memref_slice %arg2[%dma_wait3A_344, %dma_wait3A_345] : memref<20480x64xf32, #tpu.memory_space<hbm>> -> memref<20480x64xf32, #tpu.memory_space<hbm>>
        tpu.wait_indirect_dma semaphore(%arg13 : memref<!tpu.dma_semaphore, #tpu.memory_space<semaphore_mem>>) src(%dma_wait3A_346 : memref<20480x64xf32, #tpu.memory_space<hbm>>) dst(%dma_wait3A_340 : memref<128x64xf32, #tpu.memory_space<vmem>>)
        %dma_start3A_347 = arith.constant 0 : i32
        %dma_start3A_348 = arith.constant 0 : i32
        %dma_start3A_349 = arith.constant 0 : i32
        %dma_start3A_350 = tpu.memref_slice %arg10[%dma_start3A_347, %dma_start3A_348, %dma_start3A_349] : memref<6x128x64xf32, #tpu.memory_space<vmem>> -> memref<1x128x64xf32, #tpu.memory_space<vmem>>
        %dma_start3A_351 = tpu.memref_squeeze %dma_start3A_350 : memref<1x128x64xf32, #tpu.memory_space<vmem>> -> memref<128x64xf32, #tpu.memory_space<vmem>>
        %dma_start3A_352 = arith.constant 0 : i32
        %dma_start3A_353 = tpu.memref_slice %arg9[%add3A_288, %dma_start3A_352] : memref<79x128xi32, #tpu.memory_space<vmem>> -> memref<1x128xi32, #tpu.memory_space<vmem>>
        %dma_start3A_354 = tpu.memref_squeeze %dma_start3A_353 : memref<1x128xi32, #tpu.memory_space<vmem>> -> memref<128xi32, #tpu.memory_space<vmem>>
        %dma_start3A_355 = arith.constant 0 : i32
        %dma_start3A_356 = arith.constant 0 : i32
        %dma_start3A_357 = tpu.memref_slice %arg12[%dma_start3A_355, %dma_start3A_356] : memref<10240x64xf32, #tpu.memory_space<vmem_shared>> -> memref<10240x64xf32, #tpu.memory_space<vmem_shared>>
        tpu.enqueue_indirect_dma source(%dma_start3A_351 : memref<128x64xf32, #tpu.memory_space<vmem>>) target(%dma_start3A_357 : memref<10240x64xf32, #tpu.memory_space<vmem_shared>>) offsets(%dma_start3A_354 : memref<128xi32, #tpu.memory_space<vmem>>) semaphore(%arg19 : memref<!tpu.dma_semaphore, #tpu.memory_space<semaphore_mem>>) {add = true}
        %add3A_358 = arith.constant 3 : i32
        %add3A_359 = arith.addi %add3A_288, %add3A_358 : i32
        %lt3A_360 = arith.constant 79 : i32
        %lt3A_361 = arith.cmpi slt, %add3A_359, %lt3A_360 : i32
        %convert_element_type3A_362 = arith.extui %lt3A_361 : i1 to i32
        %cond3A_363 = arith.constant 0 : i32
        %cond3A_364 = arith.cmpi ne, %convert_element_type3A_362, %cond3A_363 : i32
        scf.if %cond3A_364 {
          %ge3A = arith.constant 6 : i32
          %ge3A_365 = arith.cmpi sge, %add3A_359, %ge3A : i32
          %convert_element_type3A_366 = arith.extui %ge3A_365 : i1 to i32
          %cond3A_367 = arith.constant 0 : i32
          %cond3A_368 = arith.cmpi ne, %convert_element_type3A_366, %cond3A_367 : i32
          scf.if %cond3A_368 {
            %dma_wait3A_380 = arith.constant 3 : i32
            %dma_wait3A_381 = arith.constant 0 : i32
            %dma_wait3A_382 = arith.constant 0 : i32
            %dma_wait3A_383 = tpu.memref_slice %arg10[%dma_wait3A_380, %dma_wait3A_381, %dma_wait3A_382] : memref<6x128x64xf32, #tpu.memory_space<vmem>> -> memref<1x128x64xf32, #tpu.memory_space<vmem>>
            %dma_wait3A_384 = tpu.memref_squeeze %dma_wait3A_383 : memref<1x128x64xf32, #tpu.memory_space<vmem>> -> memref<128x64xf32, #tpu.memory_space<vmem>>
            %dma_wait3A_385 = arith.constant 0 : i32
            %dma_wait3A_386 = tpu.memref_slice %arg9[%add3A_359, %dma_wait3A_385] : memref<79x128xi32, #tpu.memory_space<vmem>> -> memref<1x128xi32, #tpu.memory_space<vmem>>
            %dma_wait3A_387 = tpu.memref_squeeze %dma_wait3A_386 : memref<1x128xi32, #tpu.memory_space<vmem>> -> memref<128xi32, #tpu.memory_space<vmem>>
            %dma_wait3A_388 = arith.constant 0 : i32
            %dma_wait3A_389 = arith.constant 0 : i32
            %dma_wait3A_390 = tpu.memref_slice %arg12[%dma_wait3A_388, %dma_wait3A_389] : memref<10240x64xf32, #tpu.memory_space<vmem_shared>> -> memref<10240x64xf32, #tpu.memory_space<vmem_shared>>
            tpu.wait_indirect_dma semaphore(%arg22 : memref<!tpu.dma_semaphore, #tpu.memory_space<semaphore_mem>>) src(%dma_wait3A_384 : memref<128x64xf32, #tpu.memory_space<vmem>>) dst(%dma_wait3A_390 : memref<10240x64xf32, #tpu.memory_space<vmem_shared>>)
          } else {
          }
          %dma_start3A_369 = arith.constant 3 : i32
          %dma_start3A_370 = arith.constant 0 : i32
          %dma_start3A_371 = arith.constant 0 : i32
          %dma_start3A_372 = tpu.memref_slice %arg10[%dma_start3A_369, %dma_start3A_370, %dma_start3A_371] : memref<6x128x64xf32, #tpu.memory_space<vmem>> -> memref<1x128x64xf32, #tpu.memory_space<vmem>>
          %dma_start3A_373 = tpu.memref_squeeze %dma_start3A_372 : memref<1x128x64xf32, #tpu.memory_space<vmem>> -> memref<128x64xf32, #tpu.memory_space<vmem>>
          %dma_start3A_374 = arith.constant 0 : i32
          %dma_start3A_375 = tpu.memref_slice %arg7[%add3A_359, %dma_start3A_374] : memref<79x128xi32, #tpu.memory_space<vmem>> -> memref<1x128xi32, #tpu.memory_space<vmem>>
          %dma_start3A_376 = tpu.memref_squeeze %dma_start3A_375 : memref<1x128xi32, #tpu.memory_space<vmem>> -> memref<128xi32, #tpu.memory_space<vmem>>
          %dma_start3A_377 = arith.constant 0 : i32
          %dma_start3A_378 = arith.constant 0 : i32
          %dma_start3A_379 = tpu.memref_slice %arg2[%dma_start3A_377, %dma_start3A_378] : memref<20480x64xf32, #tpu.memory_space<hbm>> -> memref<20480x64xf32, #tpu.memory_space<hbm>>
          tpu.enqueue_indirect_dma source(%dma_start3A_379 : memref<20480x64xf32, #tpu.memory_space<hbm>>) target(%dma_start3A_373 : memref<128x64xf32, #tpu.memory_space<vmem>>) offsets(%dma_start3A_376 : memref<128xi32, #tpu.memory_space<vmem>>) semaphore(%arg16 : memref<!tpu.dma_semaphore, #tpu.memory_space<semaphore_mem>>)
        } else {
        }
      } else {
      }
      %mul3A_291 = arith.constant 6 : i32
      %mul3A_292 = arith.muli %scan3A_284, %mul3A_291 : i32
      %add3A_293 = arith.constant 1 : i32
      %add3A_294 = arith.addi %mul3A_292, %add3A_293 : i32
      %lt3A_295 = arith.constant 79 : i32
      %lt3A_296 = arith.cmpi slt, %add3A_294, %lt3A_295 : i32
      %convert_element_type3A_297 = arith.extui %lt3A_296 : i1 to i32
      %cond3A_298 = arith.constant 0 : i32
      %cond3A_299 = arith.cmpi ne, %convert_element_type3A_297, %cond3A_298 : i32
      scf.if %cond3A_299 {
        %dma_wait3A_336 = arith.constant 1 : i32
        %dma_wait3A_337 = arith.constant 0 : i32
        %dma_wait3A_338 = arith.constant 0 : i32
        %dma_wait3A_339 = tpu.memref_slice %arg10[%dma_wait3A_336, %dma_wait3A_337, %dma_wait3A_338] : memref<6x128x64xf32, #tpu.memory_space<vmem>> -> memref<1x128x64xf32, #tpu.memory_space<vmem>>
        %dma_wait3A_340 = tpu.memref_squeeze %dma_wait3A_339 : memref<1x128x64xf32, #tpu.memory_space<vmem>> -> memref<128x64xf32, #tpu.memory_space<vmem>>
        %dma_wait3A_341 = arith.constant 0 : i32
        %dma_wait3A_342 = tpu.memref_slice %arg7[%add3A_294, %dma_wait3A_341] : memref<79x128xi32, #tpu.memory_space<vmem>> -> memref<1x128xi32, #tpu.memory_space<vmem>>
        %dma_wait3A_343 = tpu.memref_squeeze %dma_wait3A_342 : memref<1x128xi32, #tpu.memory_space<vmem>> -> memref<128xi32, #tpu.memory_space<vmem>>
        %dma_wait3A_344 = arith.constant 0 : i32
        %dma_wait3A_345 = arith.constant 0 : i32
        %dma_wait3A_346 = tpu.memref_slice %arg2[%dma_wait3A_344, %dma_wait3A_345] : memref<20480x64xf32, #tpu.memory_space<hbm>> -> memref<20480x64xf32, #tpu.memory_space<hbm>>
        tpu.wait_indirect_dma semaphore(%arg14 : memref<!tpu.dma_semaphore, #tpu.memory_space<semaphore_mem>>) src(%dma_wait3A_346 : memref<20480x64xf32, #tpu.memory_space<hbm>>) dst(%dma_wait3A_340 : memref<128x64xf32, #tpu.memory_space<vmem>>)
        %dma_start3A_347 = arith.constant 1 : i32
        %dma_start3A_348 = arith.constant 0 : i32
        %dma_start3A_349 = arith.constant 0 : i32
        %dma_start3A_350 = tpu.memref_slice %arg10[%dma_start3A_347, %dma_start3A_348, %dma_start3A_349] : memref<6x128x64xf32, #tpu.memory_space<vmem>> -> memref<1x128x64xf32, #tpu.memory_space<vmem>>
        %dma_start3A_351 = tpu.memref_squeeze %dma_start3A_350 : memref<1x128x64xf32, #tpu.memory_space<vmem>> -> memref<128x64xf32, #tpu.memory_space<vmem>>
        %dma_start3A_352 = arith.constant 0 : i32
        %dma_start3A_353 = tpu.memref_slice %arg9[%add3A_294, %dma_start3A_352] : memref<79x128xi32, #tpu.memory_space<vmem>> -> memref<1x128xi32, #tpu.memory_space<vmem>>
        %dma_start3A_354 = tpu.memref_squeeze %dma_start3A_353 : memref<1x128xi32, #tpu.memory_space<vmem>> -> memref<128xi32, #tpu.memory_space<vmem>>
        %dma_start3A_355 = arith.constant 0 : i32
        %dma_start3A_356 = arith.constant 0 : i32
        %dma_start3A_357 = tpu.memref_slice %arg12[%dma_start3A_355, %dma_start3A_356] : memref<10240x64xf32, #tpu.memory_space<vmem_shared>> -> memref<10240x64xf32, #tpu.memory_space<vmem_shared>>
        tpu.enqueue_indirect_dma source(%dma_start3A_351 : memref<128x64xf32, #tpu.memory_space<vmem>>) target(%dma_start3A_357 : memref<10240x64xf32, #tpu.memory_space<vmem_shared>>) offsets(%dma_start3A_354 : memref<128xi32, #tpu.memory_space<vmem>>) semaphore(%arg20 : memref<!tpu.dma_semaphore, #tpu.memory_space<semaphore_mem>>) {add = true}
        %add3A_358 = arith.constant 3 : i32
        %add3A_359 = arith.addi %add3A_294, %add3A_358 : i32
        %lt3A_360 = arith.constant 79 : i32
        %lt3A_361 = arith.cmpi slt, %add3A_359, %lt3A_360 : i32
        %convert_element_type3A_362 = arith.extui %lt3A_361 : i1 to i32
        %cond3A_363 = arith.constant 0 : i32
        %cond3A_364 = arith.cmpi ne, %convert_element_type3A_362, %cond3A_363 : i32
        scf.if %cond3A_364 {
          %ge3A = arith.constant 6 : i32
          %ge3A_365 = arith.cmpi sge, %add3A_359, %ge3A : i32
          %convert_element_type3A_366 = arith.extui %ge3A_365 : i1 to i32
          %cond3A_367 = arith.constant 0 : i32
          %cond3A_368 = arith.cmpi ne, %convert_element_type3A_366, %cond3A_367 : i32
          scf.if %cond3A_368 {
            %dma_wait3A_380 = arith.constant 4 : i32
            %dma_wait3A_381 = arith.constant 0 : i32
            %dma_wait3A_382 = arith.constant 0 : i32
            %dma_wait3A_383 = tpu.memref_slice %arg10[%dma_wait3A_380, %dma_wait3A_381, %dma_wait3A_382] : memref<6x128x64xf32, #tpu.memory_space<vmem>> -> memref<1x128x64xf32, #tpu.memory_space<vmem>>
            %dma_wait3A_384 = tpu.memref_squeeze %dma_wait3A_383 : memref<1x128x64xf32, #tpu.memory_space<vmem>> -> memref<128x64xf32, #tpu.memory_space<vmem>>
            %dma_wait3A_385 = arith.constant 0 : i32
            %dma_wait3A_386 = tpu.memref_slice %arg9[%add3A_359, %dma_wait3A_385] : memref<79x128xi32, #tpu.memory_space<vmem>> -> memref<1x128xi32, #tpu.memory_space<vmem>>
            %dma_wait3A_387 = tpu.memref_squeeze %dma_wait3A_386 : memref<1x128xi32, #tpu.memory_space<vmem>> -> memref<128xi32, #tpu.memory_space<vmem>>
            %dma_wait3A_388 = arith.constant 0 : i32
            %dma_wait3A_389 = arith.constant 0 : i32
            %dma_wait3A_390 = tpu.memref_slice %arg12[%dma_wait3A_388, %dma_wait3A_389] : memref<10240x64xf32, #tpu.memory_space<vmem_shared>> -> memref<10240x64xf32, #tpu.memory_space<vmem_shared>>
            tpu.wait_indirect_dma semaphore(%arg23 : memref<!tpu.dma_semaphore, #tpu.memory_space<semaphore_mem>>) src(%dma_wait3A_384 : memref<128x64xf32, #tpu.memory_space<vmem>>) dst(%dma_wait3A_390 : memref<10240x64xf32, #tpu.memory_space<vmem_shared>>)
          } else {
          }
          %dma_start3A_369 = arith.constant 4 : i32
          %dma_start3A_370 = arith.constant 0 : i32
          %dma_start3A_371 = arith.constant 0 : i32
          %dma_start3A_372 = tpu.memref_slice %arg10[%dma_start3A_369, %dma_start3A_370, %dma_start3A_371] : memref<6x128x64xf32, #tpu.memory_space<vmem>> -> memref<1x128x64xf32, #tpu.memory_space<vmem>>
          %dma_start3A_373 = tpu.memref_squeeze %dma_start3A_372 : memref<1x128x64xf32, #tpu.memory_space<vmem>> -> memref<128x64xf32, #tpu.memory_space<vmem>>
          %dma_start3A_374 = arith.constant 0 : i32
          %dma_start3A_375 = tpu.memref_slice %arg7[%add3A_359, %dma_start3A_374] : memref<79x128xi32, #tpu.memory_space<vmem>> -> memref<1x128xi32, #tpu.memory_space<vmem>>
          %dma_start3A_376 = tpu.memref_squeeze %dma_start3A_375 : memref<1x128xi32, #tpu.memory_space<vmem>> -> memref<128xi32, #tpu.memory_space<vmem>>
          %dma_start3A_377 = arith.constant 0 : i32
          %dma_start3A_378 = arith.constant 0 : i32
          %dma_start3A_379 = tpu.memref_slice %arg2[%dma_start3A_377, %dma_start3A_378] : memref<20480x64xf32, #tpu.memory_space<hbm>> -> memref<20480x64xf32, #tpu.memory_space<hbm>>
          tpu.enqueue_indirect_dma source(%dma_start3A_379 : memref<20480x64xf32, #tpu.memory_space<hbm>>) target(%dma_start3A_373 : memref<128x64xf32, #tpu.memory_space<vmem>>) offsets(%dma_start3A_376 : memref<128xi32, #tpu.memory_space<vmem>>) semaphore(%arg17 : memref<!tpu.dma_semaphore, #tpu.memory_space<semaphore_mem>>)
        } else {
        }
      } else {
      }
      %mul3A_300 = arith.constant 6 : i32
      %mul3A_301 = arith.muli %scan3A_284, %mul3A_300 : i32
      %add3A_302 = arith.constant 2 : i32
      %add3A_303 = arith.addi %mul3A_301, %add3A_302 : i32
      %lt3A_304 = arith.constant 79 : i32
      %lt3A_305 = arith.cmpi slt, %add3A_303, %lt3A_304 : i32
      %convert_element_type3A_306 = arith.extui %lt3A_305 : i1 to i32
      %cond3A_307 = arith.constant 0 : i32
      %cond3A_308 = arith.cmpi ne, %convert_element_type3A_306, %cond3A_307 : i32
      scf.if %cond3A_308 {
        %dma_wait3A_336 = arith.constant 2 : i32
        %dma_wait3A_337 = arith.constant 0 : i32
        %dma_wait3A_338 = arith.constant 0 : i32
        %dma_wait3A_339 = tpu.memref_slice %arg10[%dma_wait3A_336, %dma_wait3A_337, %dma_wait3A_338] : memref<6x128x64xf32, #tpu.memory_space<vmem>> -> memref<1x128x64xf32, #tpu.memory_space<vmem>>
        %dma_wait3A_340 = tpu.memref_squeeze %dma_wait3A_339 : memref<1x128x64xf32, #tpu.memory_space<vmem>> -> memref<128x64xf32, #tpu.memory_space<vmem>>
        %dma_wait3A_341 = arith.constant 0 : i32
        %dma_wait3A_342 = tpu.memref_slice %arg7[%add3A_303, %dma_wait3A_341] : memref<79x128xi32, #tpu.memory_space<vmem>> -> memref<1x128xi32, #tpu.memory_space<vmem>>
        %dma_wait3A_343 = tpu.memref_squeeze %dma_wait3A_342 : memref<1x128xi32, #tpu.memory_space<vmem>> -> memref<128xi32, #tpu.memory_space<vmem>>
        %dma_wait3A_344 = arith.constant 0 : i32
        %dma_wait3A_345 = arith.constant 0 : i32
        %dma_wait3A_346 = tpu.memref_slice %arg2[%dma_wait3A_344, %dma_wait3A_345] : memref<20480x64xf32, #tpu.memory_space<hbm>> -> memref<20480x64xf32, #tpu.memory_space<hbm>>
        tpu.wait_indirect_dma semaphore(%arg15 : memref<!tpu.dma_semaphore, #tpu.memory_space<semaphore_mem>>) src(%dma_wait3A_346 : memref<20480x64xf32, #tpu.memory_space<hbm>>) dst(%dma_wait3A_340 : memref<128x64xf32, #tpu.memory_space<vmem>>)
        %dma_start3A_347 = arith.constant 2 : i32
        %dma_start3A_348 = arith.constant 0 : i32
        %dma_start3A_349 = arith.constant 0 : i32
        %dma_start3A_350 = tpu.memref_slice %arg10[%dma_start3A_347, %dma_start3A_348, %dma_start3A_349] : memref<6x128x64xf32, #tpu.memory_space<vmem>> -> memref<1x128x64xf32, #tpu.memory_space<vmem>>
        %dma_start3A_351 = tpu.memref_squeeze %dma_start3A_350 : memref<1x128x64xf32, #tpu.memory_space<vmem>> -> memref<128x64xf32, #tpu.memory_space<vmem>>
        %dma_start3A_352 = arith.constant 0 : i32
        %dma_start3A_353 = tpu.memref_slice %arg9[%add3A_303, %dma_start3A_352] : memref<79x128xi32, #tpu.memory_space<vmem>> -> memref<1x128xi32, #tpu.memory_space<vmem>>
        %dma_start3A_354 = tpu.memref_squeeze %dma_start3A_353 : memref<1x128xi32, #tpu.memory_space<vmem>> -> memref<128xi32, #tpu.memory_space<vmem>>
        %dma_start3A_355 = arith.constant 0 : i32
        %dma_start3A_356 = arith.constant 0 : i32
        %dma_start3A_357 = tpu.memref_slice %arg12[%dma_start3A_355, %dma_start3A_356] : memref<10240x64xf32, #tpu.memory_space<vmem_shared>> -> memref<10240x64xf32, #tpu.memory_space<vmem_shared>>
        tpu.enqueue_indirect_dma source(%dma_start3A_351 : memref<128x64xf32, #tpu.memory_space<vmem>>) target(%dma_start3A_357 : memref<10240x64xf32, #tpu.memory_space<vmem_shared>>) offsets(%dma_start3A_354 : memref<128xi32, #tpu.memory_space<vmem>>) semaphore(%arg21 : memref<!tpu.dma_semaphore, #tpu.memory_space<semaphore_mem>>) {add = true}
        %add3A_358 = arith.constant 3 : i32
        %add3A_359 = arith.addi %add3A_303, %add3A_358 : i32
        %lt3A_360 = arith.constant 79 : i32
        %lt3A_361 = arith.cmpi slt, %add3A_359, %lt3A_360 : i32
        %convert_element_type3A_362 = arith.extui %lt3A_361 : i1 to i32
        %cond3A_363 = arith.constant 0 : i32
        %cond3A_364 = arith.cmpi ne, %convert_element_type3A_362, %cond3A_363 : i32
        scf.if %cond3A_364 {
          %ge3A = arith.constant 6 : i32
          %ge3A_365 = arith.cmpi sge, %add3A_359, %ge3A : i32
          %convert_element_type3A_366 = arith.extui %ge3A_365 : i1 to i32
          %cond3A_367 = arith.constant 0 : i32
          %cond3A_368 = arith.cmpi ne, %convert_element_type3A_366, %cond3A_367 : i32
          scf.if %cond3A_368 {
            %dma_wait3A_380 = arith.constant 5 : i32
            %dma_wait3A_381 = arith.constant 0 : i32
            %dma_wait3A_382 = arith.constant 0 : i32
            %dma_wait3A_383 = tpu.memref_slice %arg10[%dma_wait3A_380, %dma_wait3A_381, %dma_wait3A_382] : memref<6x128x64xf32, #tpu.memory_space<vmem>> -> memref<1x128x64xf32, #tpu.memory_space<vmem>>
            %dma_wait3A_384 = tpu.memref_squeeze %dma_wait3A_383 : memref<1x128x64xf32, #tpu.memory_space<vmem>> -> memref<128x64xf32, #tpu.memory_space<vmem>>
            %dma_wait3A_385 = arith.constant 0 : i32
            %dma_wait3A_386 = tpu.memref_slice %arg9[%add3A_359, %dma_wait3A_385] : memref<79x128xi32, #tpu.memory_space<vmem>> -> memref<1x128xi32, #tpu.memory_space<vmem>>
            %dma_wait3A_387 = tpu.memref_squeeze %dma_wait3A_386 : memref<1x128xi32, #tpu.memory_space<vmem>> -> memref<128xi32, #tpu.memory_space<vmem>>
            %dma_wait3A_388 = arith.constant 0 : i32
            %dma_wait3A_389 = arith.constant 0 : i32
            %dma_wait3A_390 = tpu.memref_slice %arg12[%dma_wait3A_388, %dma_wait3A_389] : memref<10240x64xf32, #tpu.memory_space<vmem_shared>> -> memref<10240x64xf32, #tpu.memory_space<vmem_shared>>
            tpu.wait_indirect_dma semaphore(%arg24 : memref<!tpu.dma_semaphore, #tpu.memory_space<semaphore_mem>>) src(%dma_wait3A_384 : memref<128x64xf32, #tpu.memory_space<vmem>>) dst(%dma_wait3A_390 : memref<10240x64xf32, #tpu.memory_space<vmem_shared>>)
          } else {
          }
          %dma_start3A_369 = arith.constant 5 : i32
          %dma_start3A_370 = arith.constant 0 : i32
          %dma_start3A_371 = arith.constant 0 : i32
          %dma_start3A_372 = tpu.memref_slice %arg10[%dma_start3A_369, %dma_start3A_370, %dma_start3A_371] : memref<6x128x64xf32, #tpu.memory_space<vmem>> -> memref<1x128x64xf32, #tpu.memory_space<vmem>>
          %dma_start3A_373 = tpu.memref_squeeze %dma_start3A_372 : memref<1x128x64xf32, #tpu.memory_space<vmem>> -> memref<128x64xf32, #tpu.memory_space<vmem>>
          %dma_start3A_374 = arith.constant 0 : i32
          %dma_start3A_375 = tpu.memref_slice %arg7[%add3A_359, %dma_start3A_374] : memref<79x128xi32, #tpu.memory_space<vmem>> -> memref<1x128xi32, #tpu.memory_space<vmem>>
          %dma_start3A_376 = tpu.memref_squeeze %dma_start3A_375 : memref<1x128xi32, #tpu.memory_space<vmem>> -> memref<128xi32, #tpu.memory_space<vmem>>
          %dma_start3A_377 = arith.constant 0 : i32
          %dma_start3A_378 = arith.constant 0 : i32
          %dma_start3A_379 = tpu.memref_slice %arg2[%dma_start3A_377, %dma_start3A_378] : memref<20480x64xf32, #tpu.memory_space<hbm>> -> memref<20480x64xf32, #tpu.memory_space<hbm>>
          tpu.enqueue_indirect_dma source(%dma_start3A_379 : memref<20480x64xf32, #tpu.memory_space<hbm>>) target(%dma_start3A_373 : memref<128x64xf32, #tpu.memory_space<vmem>>) offsets(%dma_start3A_376 : memref<128xi32, #tpu.memory_space<vmem>>) semaphore(%arg18 : memref<!tpu.dma_semaphore, #tpu.memory_space<semaphore_mem>>)
        } else {
        }
      } else {
      }
      %mul3A_309 = arith.constant 6 : i32
      %mul3A_310 = arith.muli %scan3A_284, %mul3A_309 : i32
      %add3A_311 = arith.constant 3 : i32
      %add3A_312 = arith.addi %mul3A_310, %add3A_311 : i32
      %lt3A_313 = arith.constant 79 : i32
      %lt3A_314 = arith.cmpi slt, %add3A_312, %lt3A_313 : i32
      %convert_element_type3A_315 = arith.extui %lt3A_314 : i1 to i32
      %cond3A_316 = arith.constant 0 : i32
      %cond3A_317 = arith.cmpi ne, %convert_element_type3A_315, %cond3A_316 : i32
      scf.if %cond3A_317 {
        %dma_wait3A_336 = arith.constant 3 : i32
        %dma_wait3A_337 = arith.constant 0 : i32
        %dma_wait3A_338 = arith.constant 0 : i32
        %dma_wait3A_339 = tpu.memref_slice %arg10[%dma_wait3A_336, %dma_wait3A_337, %dma_wait3A_338] : memref<6x128x64xf32, #tpu.memory_space<vmem>> -> memref<1x128x64xf32, #tpu.memory_space<vmem>>
        %dma_wait3A_340 = tpu.memref_squeeze %dma_wait3A_339 : memref<1x128x64xf32, #tpu.memory_space<vmem>> -> memref<128x64xf32, #tpu.memory_space<vmem>>
        %dma_wait3A_341 = arith.constant 0 : i32
        %dma_wait3A_342 = tpu.memref_slice %arg7[%add3A_312, %dma_wait3A_341] : memref<79x128xi32, #tpu.memory_space<vmem>> -> memref<1x128xi32, #tpu.memory_space<vmem>>
        %dma_wait3A_343 = tpu.memref_squeeze %dma_wait3A_342 : memref<1x128xi32, #tpu.memory_space<vmem>> -> memref<128xi32, #tpu.memory_space<vmem>>
        %dma_wait3A_344 = arith.constant 0 : i32
        %dma_wait3A_345 = arith.constant 0 : i32
        %dma_wait3A_346 = tpu.memref_slice %arg2[%dma_wait3A_344, %dma_wait3A_345] : memref<20480x64xf32, #tpu.memory_space<hbm>> -> memref<20480x64xf32, #tpu.memory_space<hbm>>
        tpu.wait_indirect_dma semaphore(%arg16 : memref<!tpu.dma_semaphore, #tpu.memory_space<semaphore_mem>>) src(%dma_wait3A_346 : memref<20480x64xf32, #tpu.memory_space<hbm>>) dst(%dma_wait3A_340 : memref<128x64xf32, #tpu.memory_space<vmem>>)
        %dma_start3A_347 = arith.constant 3 : i32
        %dma_start3A_348 = arith.constant 0 : i32
        %dma_start3A_349 = arith.constant 0 : i32
        %dma_start3A_350 = tpu.memref_slice %arg10[%dma_start3A_347, %dma_start3A_348, %dma_start3A_349] : memref<6x128x64xf32, #tpu.memory_space<vmem>> -> memref<1x128x64xf32, #tpu.memory_space<vmem>>
        %dma_start3A_351 = tpu.memref_squeeze %dma_start3A_350 : memref<1x128x64xf32, #tpu.memory_space<vmem>> -> memref<128x64xf32, #tpu.memory_space<vmem>>
        %dma_start3A_352 = arith.constant 0 : i32
        %dma_start3A_353 = tpu.memref_slice %arg9[%add3A_312, %dma_start3A_352] : memref<79x128xi32, #tpu.memory_space<vmem>> -> memref<1x128xi32, #tpu.memory_space<vmem>>
        %dma_start3A_354 = tpu.memref_squeeze %dma_start3A_353 : memref<1x128xi32, #tpu.memory_space<vmem>> -> memref<128xi32, #tpu.memory_space<vmem>>
        %dma_start3A_355 = arith.constant 0 : i32
        %dma_start3A_356 = arith.constant 0 : i32
        %dma_start3A_357 = tpu.memref_slice %arg12[%dma_start3A_355, %dma_start3A_356] : memref<10240x64xf32, #tpu.memory_space<vmem_shared>> -> memref<10240x64xf32, #tpu.memory_space<vmem_shared>>
        tpu.enqueue_indirect_dma source(%dma_start3A_351 : memref<128x64xf32, #tpu.memory_space<vmem>>) target(%dma_start3A_357 : memref<10240x64xf32, #tpu.memory_space<vmem_shared>>) offsets(%dma_start3A_354 : memref<128xi32, #tpu.memory_space<vmem>>) semaphore(%arg22 : memref<!tpu.dma_semaphore, #tpu.memory_space<semaphore_mem>>) {add = true}
        %add3A_358 = arith.constant 3 : i32
        %add3A_359 = arith.addi %add3A_312, %add3A_358 : i32
        %lt3A_360 = arith.constant 79 : i32
        %lt3A_361 = arith.cmpi slt, %add3A_359, %lt3A_360 : i32
        %convert_element_type3A_362 = arith.extui %lt3A_361 : i1 to i32
        %cond3A_363 = arith.constant 0 : i32
        %cond3A_364 = arith.cmpi ne, %convert_element_type3A_362, %cond3A_363 : i32
        scf.if %cond3A_364 {
          %ge3A = arith.constant 6 : i32
          %ge3A_365 = arith.cmpi sge, %add3A_359, %ge3A : i32
          %convert_element_type3A_366 = arith.extui %ge3A_365 : i1 to i32
          %cond3A_367 = arith.constant 0 : i32
          %cond3A_368 = arith.cmpi ne, %convert_element_type3A_366, %cond3A_367 : i32
          scf.if %cond3A_368 {
            %dma_wait3A_380 = arith.constant 0 : i32
            %dma_wait3A_381 = arith.constant 0 : i32
            %dma_wait3A_382 = arith.constant 0 : i32
            %dma_wait3A_383 = tpu.memref_slice %arg10[%dma_wait3A_380, %dma_wait3A_381, %dma_wait3A_382] : memref<6x128x64xf32, #tpu.memory_space<vmem>> -> memref<1x128x64xf32, #tpu.memory_space<vmem>>
            %dma_wait3A_384 = tpu.memref_squeeze %dma_wait3A_383 : memref<1x128x64xf32, #tpu.memory_space<vmem>> -> memref<128x64xf32, #tpu.memory_space<vmem>>
            %dma_wait3A_385 = arith.constant 0 : i32
            %dma_wait3A_386 = tpu.memref_slice %arg9[%add3A_359, %dma_wait3A_385] : memref<79x128xi32, #tpu.memory_space<vmem>> -> memref<1x128xi32, #tpu.memory_space<vmem>>
            %dma_wait3A_387 = tpu.memref_squeeze %dma_wait3A_386 : memref<1x128xi32, #tpu.memory_space<vmem>> -> memref<128xi32, #tpu.memory_space<vmem>>
            %dma_wait3A_388 = arith.constant 0 : i32
            %dma_wait3A_389 = arith.constant 0 : i32
            %dma_wait3A_390 = tpu.memref_slice %arg12[%dma_wait3A_388, %dma_wait3A_389] : memref<10240x64xf32, #tpu.memory_space<vmem_shared>> -> memref<10240x64xf32, #tpu.memory_space<vmem_shared>>
            tpu.wait_indirect_dma semaphore(%arg19 : memref<!tpu.dma_semaphore, #tpu.memory_space<semaphore_mem>>) src(%dma_wait3A_384 : memref<128x64xf32, #tpu.memory_space<vmem>>) dst(%dma_wait3A_390 : memref<10240x64xf32, #tpu.memory_space<vmem_shared>>)
          } else {
          }
          %dma_start3A_369 = arith.constant 0 : i32
          %dma_start3A_370 = arith.constant 0 : i32
          %dma_start3A_371 = arith.constant 0 : i32
          %dma_start3A_372 = tpu.memref_slice %arg10[%dma_start3A_369, %dma_start3A_370, %dma_start3A_371] : memref<6x128x64xf32, #tpu.memory_space<vmem>> -> memref<1x128x64xf32, #tpu.memory_space<vmem>>
          %dma_start3A_373 = tpu.memref_squeeze %dma_start3A_372 : memref<1x128x64xf32, #tpu.memory_space<vmem>> -> memref<128x64xf32, #tpu.memory_space<vmem>>
          %dma_start3A_374 = arith.constant 0 : i32
          %dma_start3A_375 = tpu.memref_slice %arg7[%add3A_359, %dma_start3A_374] : memref<79x128xi32, #tpu.memory_space<vmem>> -> memref<1x128xi32, #tpu.memory_space<vmem>>
          %dma_start3A_376 = tpu.memref_squeeze %dma_start3A_375 : memref<1x128xi32, #tpu.memory_space<vmem>> -> memref<128xi32, #tpu.memory_space<vmem>>
          %dma_start3A_377 = arith.constant 0 : i32
          %dma_start3A_378 = arith.constant 0 : i32
          %dma_start3A_379 = tpu.memref_slice %arg2[%dma_start3A_377, %dma_start3A_378] : memref<20480x64xf32, #tpu.memory_space<hbm>> -> memref<20480x64xf32, #tpu.memory_space<hbm>>
          tpu.enqueue_indirect_dma source(%dma_start3A_379 : memref<20480x64xf32, #tpu.memory_space<hbm>>) target(%dma_start3A_373 : memref<128x64xf32, #tpu.memory_space<vmem>>) offsets(%dma_start3A_376 : memref<128xi32, #tpu.memory_space<vmem>>) semaphore(%arg13 : memref<!tpu.dma_semaphore, #tpu.memory_space<semaphore_mem>>)
        } else {
        }
      } else {
      }
      %mul3A_318 = arith.constant 6 : i32
      %mul3A_319 = arith.muli %scan3A_284, %mul3A_318 : i32
      %add3A_320 = arith.constant 4 : i32
      %add3A_321 = arith.addi %mul3A_319, %add3A_320 : i32
      %lt3A_322 = arith.constant 79 : i32
      %lt3A_323 = arith.cmpi slt, %add3A_321, %lt3A_322 : i32
      %convert_element_type3A_324 = arith.extui %lt3A_323 : i1 to i32
      %cond3A_325 = arith.constant 0 : i32
      %cond3A_326 = arith.cmpi ne, %convert_element_type3A_324, %cond3A_325 : i32
      scf.if %cond3A_326 {
        %dma_wait3A_336 = arith.constant 4 : i32
        %dma_wait3A_337 = arith.constant 0 : i32
        %dma_wait3A_338 = arith.constant 0 : i32
        %dma_wait3A_339 = tpu.memref_slice %arg10[%dma_wait3A_336, %dma_wait3A_337, %dma_wait3A_338] : memref<6x128x64xf32, #tpu.memory_space<vmem>> -> memref<1x128x64xf32, #tpu.memory_space<vmem>>
        %dma_wait3A_340 = tpu.memref_squeeze %dma_wait3A_339 : memref<1x128x64xf32, #tpu.memory_space<vmem>> -> memref<128x64xf32, #tpu.memory_space<vmem>>
        %dma_wait3A_341 = arith.constant 0 : i32
        %dma_wait3A_342 = tpu.memref_slice %arg7[%add3A_321, %dma_wait3A_341] : memref<79x128xi32, #tpu.memory_space<vmem>> -> memref<1x128xi32, #tpu.memory_space<vmem>>
        %dma_wait3A_343 = tpu.memref_squeeze %dma_wait3A_342 : memref<1x128xi32, #tpu.memory_space<vmem>> -> memref<128xi32, #tpu.memory_space<vmem>>
        %dma_wait3A_344 = arith.constant 0 : i32
        %dma_wait3A_345 = arith.constant 0 : i32
        %dma_wait3A_346 = tpu.memref_slice %arg2[%dma_wait3A_344, %dma_wait3A_345] : memref<20480x64xf32, #tpu.memory_space<hbm>> -> memref<20480x64xf32, #tpu.memory_space<hbm>>
        tpu.wait_indirect_dma semaphore(%arg17 : memref<!tpu.dma_semaphore, #tpu.memory_space<semaphore_mem>>) src(%dma_wait3A_346 : memref<20480x64xf32, #tpu.memory_space<hbm>>) dst(%dma_wait3A_340 : memref<128x64xf32, #tpu.memory_space<vmem>>)
        %dma_start3A_347 = arith.constant 4 : i32
        %dma_start3A_348 = arith.constant 0 : i32
        %dma_start3A_349 = arith.constant 0 : i32
        %dma_start3A_350 = tpu.memref_slice %arg10[%dma_start3A_347, %dma_start3A_348, %dma_start3A_349] : memref<6x128x64xf32, #tpu.memory_space<vmem>> -> memref<1x128x64xf32, #tpu.memory_space<vmem>>
        %dma_start3A_351 = tpu.memref_squeeze %dma_start3A_350 : memref<1x128x64xf32, #tpu.memory_space<vmem>> -> memref<128x64xf32, #tpu.memory_space<vmem>>
        %dma_start3A_352 = arith.constant 0 : i32
        %dma_start3A_353 = tpu.memref_slice %arg9[%add3A_321, %dma_start3A_352] : memref<79x128xi32, #tpu.memory_space<vmem>> -> memref<1x128xi32, #tpu.memory_space<vmem>>
        %dma_start3A_354 = tpu.memref_squeeze %dma_start3A_353 : memref<1x128xi32, #tpu.memory_space<vmem>> -> memref<128xi32, #tpu.memory_space<vmem>>
        %dma_start3A_355 = arith.constant 0 : i32
        %dma_start3A_356 = arith.constant 0 : i32
        %dma_start3A_357 = tpu.memref_slice %arg12[%dma_start3A_355, %dma_start3A_356] : memref<10240x64xf32, #tpu.memory_space<vmem_shared>> -> memref<10240x64xf32, #tpu.memory_space<vmem_shared>>
        tpu.enqueue_indirect_dma source(%dma_start3A_351 : memref<128x64xf32, #tpu.memory_space<vmem>>) target(%dma_start3A_357 : memref<10240x64xf32, #tpu.memory_space<vmem_shared>>) offsets(%dma_start3A_354 : memref<128xi32, #tpu.memory_space<vmem>>) semaphore(%arg23 : memref<!tpu.dma_semaphore, #tpu.memory_space<semaphore_mem>>) {add = true}
        %add3A_358 = arith.constant 3 : i32
        %add3A_359 = arith.addi %add3A_321, %add3A_358 : i32
        %lt3A_360 = arith.constant 79 : i32
        %lt3A_361 = arith.cmpi slt, %add3A_359, %lt3A_360 : i32
        %convert_element_type3A_362 = arith.extui %lt3A_361 : i1 to i32
        %cond3A_363 = arith.constant 0 : i32
        %cond3A_364 = arith.cmpi ne, %convert_element_type3A_362, %cond3A_363 : i32
        scf.if %cond3A_364 {
          %ge3A = arith.constant 6 : i32
          %ge3A_365 = arith.cmpi sge, %add3A_359, %ge3A : i32
          %convert_element_type3A_366 = arith.extui %ge3A_365 : i1 to i32
          %cond3A_367 = arith.constant 0 : i32
          %cond3A_368 = arith.cmpi ne, %convert_element_type3A_366, %cond3A_367 : i32
          scf.if %cond3A_368 {
            %dma_wait3A_380 = arith.constant 1 : i32
            %dma_wait3A_381 = arith.constant 0 : i32
            %dma_wait3A_382 = arith.constant 0 : i32
            %dma_wait3A_383 = tpu.memref_slice %arg10[%dma_wait3A_380, %dma_wait3A_381, %dma_wait3A_382] : memref<6x128x64xf32, #tpu.memory_space<vmem>> -> memref<1x128x64xf32, #tpu.memory_space<vmem>>
            %dma_wait3A_384 = tpu.memref_squeeze %dma_wait3A_383 : memref<1x128x64xf32, #tpu.memory_space<vmem>> -> memref<128x64xf32, #tpu.memory_space<vmem>>
            %dma_wait3A_385 = arith.constant 0 : i32
            %dma_wait3A_386 = tpu.memref_slice %arg9[%add3A_359, %dma_wait3A_385] : memref<79x128xi32, #tpu.memory_space<vmem>> -> memref<1x128xi32, #tpu.memory_space<vmem>>
            %dma_wait3A_387 = tpu.memref_squeeze %dma_wait3A_386 : memref<1x128xi32, #tpu.memory_space<vmem>> -> memref<128xi32, #tpu.memory_space<vmem>>
            %dma_wait3A_388 = arith.constant 0 : i32
            %dma_wait3A_389 = arith.constant 0 : i32
            %dma_wait3A_390 = tpu.memref_slice %arg12[%dma_wait3A_388, %dma_wait3A_389] : memref<10240x64xf32, #tpu.memory_space<vmem_shared>> -> memref<10240x64xf32, #tpu.memory_space<vmem_shared>>
            tpu.wait_indirect_dma semaphore(%arg20 : memref<!tpu.dma_semaphore, #tpu.memory_space<semaphore_mem>>) src(%dma_wait3A_384 : memref<128x64xf32, #tpu.memory_space<vmem>>) dst(%dma_wait3A_390 : memref<10240x64xf32, #tpu.memory_space<vmem_shared>>)
          } else {
          }
          %dma_start3A_369 = arith.constant 1 : i32
          %dma_start3A_370 = arith.constant 0 : i32
          %dma_start3A_371 = arith.constant 0 : i32
          %dma_start3A_372 = tpu.memref_slice %arg10[%dma_start3A_369, %dma_start3A_370, %dma_start3A_371] : memref<6x128x64xf32, #tpu.memory_space<vmem>> -> memref<1x128x64xf32, #tpu.memory_space<vmem>>
          %dma_start3A_373 = tpu.memref_squeeze %dma_start3A_372 : memref<1x128x64xf32, #tpu.memory_space<vmem>> -> memref<128x64xf32, #tpu.memory_space<vmem>>
          %dma_start3A_374 = arith.constant 0 : i32
          %dma_start3A_375 = tpu.memref_slice %arg7[%add3A_359, %dma_start3A_374] : memref<79x128xi32, #tpu.memory_space<vmem>> -> memref<1x128xi32, #tpu.memory_space<vmem>>
          %dma_start3A_376 = tpu.memref_squeeze %dma_start3A_375 : memref<1x128xi32, #tpu.memory_space<vmem>> -> memref<128xi32, #tpu.memory_space<vmem>>
          %dma_start3A_377 = arith.constant 0 : i32
          %dma_start3A_378 = arith.constant 0 : i32
          %dma_start3A_379 = tpu.memref_slice %arg2[%dma_start3A_377, %dma_start3A_378] : memref<20480x64xf32, #tpu.memory_space<hbm>> -> memref<20480x64xf32, #tpu.memory_space<hbm>>
          tpu.enqueue_indirect_dma source(%dma_start3A_379 : memref<20480x64xf32, #tpu.memory_space<hbm>>) target(%dma_start3A_373 : memref<128x64xf32, #tpu.memory_space<vmem>>) offsets(%dma_start3A_376 : memref<128xi32, #tpu.memory_space<vmem>>) semaphore(%arg14 : memref<!tpu.dma_semaphore, #tpu.memory_space<semaphore_mem>>)
        } else {
        }
      } else {
      }
      %mul3A_327 = arith.constant 6 : i32
      %mul3A_328 = arith.muli %scan3A_284, %mul3A_327 : i32
      %add3A_329 = arith.constant 5 : i32
      %add3A_330 = arith.addi %mul3A_328, %add3A_329 : i32
      %lt3A_331 = arith.constant 79 : i32
      %lt3A_332 = arith.cmpi slt, %add3A_330, %lt3A_331 : i32
      %convert_element_type3A_333 = arith.extui %lt3A_332 : i1 to i32
      %cond3A_334 = arith.constant 0 : i32
      %cond3A_335 = arith.cmpi ne, %convert_element_type3A_333, %cond3A_334 : i32
      scf.if %cond3A_335 {
        %dma_wait3A_336 = arith.constant 5 : i32
        %dma_wait3A_337 = arith.constant 0 : i32
        %dma_wait3A_338 = arith.constant 0 : i32
        %dma_wait3A_339 = tpu.memref_slice %arg10[%dma_wait3A_336, %dma_wait3A_337, %dma_wait3A_338] : memref<6x128x64xf32, #tpu.memory_space<vmem>> -> memref<1x128x64xf32, #tpu.memory_space<vmem>>
        %dma_wait3A_340 = tpu.memref_squeeze %dma_wait3A_339 : memref<1x128x64xf32, #tpu.memory_space<vmem>> -> memref<128x64xf32, #tpu.memory_space<vmem>>
        %dma_wait3A_341 = arith.constant 0 : i32
        %dma_wait3A_342 = tpu.memref_slice %arg7[%add3A_330, %dma_wait3A_341] : memref<79x128xi32, #tpu.memory_space<vmem>> -> memref<1x128xi32, #tpu.memory_space<vmem>>
        %dma_wait3A_343 = tpu.memref_squeeze %dma_wait3A_342 : memref<1x128xi32, #tpu.memory_space<vmem>> -> memref<128xi32, #tpu.memory_space<vmem>>
        %dma_wait3A_344 = arith.constant 0 : i32
        %dma_wait3A_345 = arith.constant 0 : i32
        %dma_wait3A_346 = tpu.memref_slice %arg2[%dma_wait3A_344, %dma_wait3A_345] : memref<20480x64xf32, #tpu.memory_space<hbm>> -> memref<20480x64xf32, #tpu.memory_space<hbm>>
        tpu.wait_indirect_dma semaphore(%arg18 : memref<!tpu.dma_semaphore, #tpu.memory_space<semaphore_mem>>) src(%dma_wait3A_346 : memref<20480x64xf32, #tpu.memory_space<hbm>>) dst(%dma_wait3A_340 : memref<128x64xf32, #tpu.memory_space<vmem>>)
        %dma_start3A_347 = arith.constant 5 : i32
        %dma_start3A_348 = arith.constant 0 : i32
        %dma_start3A_349 = arith.constant 0 : i32
        %dma_start3A_350 = tpu.memref_slice %arg10[%dma_start3A_347, %dma_start3A_348, %dma_start3A_349] : memref<6x128x64xf32, #tpu.memory_space<vmem>> -> memref<1x128x64xf32, #tpu.memory_space<vmem>>
        %dma_start3A_351 = tpu.memref_squeeze %dma_start3A_350 : memref<1x128x64xf32, #tpu.memory_space<vmem>> -> memref<128x64xf32, #tpu.memory_space<vmem>>
        %dma_start3A_352 = arith.constant 0 : i32
        %dma_start3A_353 = tpu.memref_slice %arg9[%add3A_330, %dma_start3A_352] : memref<79x128xi32, #tpu.memory_space<vmem>> -> memref<1x128xi32, #tpu.memory_space<vmem>>
        %dma_start3A_354 = tpu.memref_squeeze %dma_start3A_353 : memref<1x128xi32, #tpu.memory_space<vmem>> -> memref<128xi32, #tpu.memory_space<vmem>>
        %dma_start3A_355 = arith.constant 0 : i32
        %dma_start3A_356 = arith.constant 0 : i32
        %dma_start3A_357 = tpu.memref_slice %arg12[%dma_start3A_355, %dma_start3A_356] : memref<10240x64xf32, #tpu.memory_space<vmem_shared>> -> memref<10240x64xf32, #tpu.memory_space<vmem_shared>>
        tpu.enqueue_indirect_dma source(%dma_start3A_351 : memref<128x64xf32, #tpu.memory_space<vmem>>) target(%dma_start3A_357 : memref<10240x64xf32, #tpu.memory_space<vmem_shared>>) offsets(%dma_start3A_354 : memref<128xi32, #tpu.memory_space<vmem>>) semaphore(%arg24 : memref<!tpu.dma_semaphore, #tpu.memory_space<semaphore_mem>>) {add = true}
        %add3A_358 = arith.constant 3 : i32
        %add3A_359 = arith.addi %add3A_330, %add3A_358 : i32
        %lt3A_360 = arith.constant 79 : i32
        %lt3A_361 = arith.cmpi slt, %add3A_359, %lt3A_360 : i32
        %convert_element_type3A_362 = arith.extui %lt3A_361 : i1 to i32
        %cond3A_363 = arith.constant 0 : i32
        %cond3A_364 = arith.cmpi ne, %convert_element_type3A_362, %cond3A_363 : i32
        scf.if %cond3A_364 {
          %ge3A = arith.constant 6 : i32
          %ge3A_365 = arith.cmpi sge, %add3A_359, %ge3A : i32
          %convert_element_type3A_366 = arith.extui %ge3A_365 : i1 to i32
          %cond3A_367 = arith.constant 0 : i32
          %cond3A_368 = arith.cmpi ne, %convert_element_type3A_366, %cond3A_367 : i32
          scf.if %cond3A_368 {
            %dma_wait3A_380 = arith.constant 2 : i32
            %dma_wait3A_381 = arith.constant 0 : i32
            %dma_wait3A_382 = arith.constant 0 : i32
            %dma_wait3A_383 = tpu.memref_slice %arg10[%dma_wait3A_380, %dma_wait3A_381, %dma_wait3A_382] : memref<6x128x64xf32, #tpu.memory_space<vmem>> -> memref<1x128x64xf32, #tpu.memory_space<vmem>>
            %dma_wait3A_384 = tpu.memref_squeeze %dma_wait3A_383 : memref<1x128x64xf32, #tpu.memory_space<vmem>> -> memref<128x64xf32, #tpu.memory_space<vmem>>
            %dma_wait3A_385 = arith.constant 0 : i32
            %dma_wait3A_386 = tpu.memref_slice %arg9[%add3A_359, %dma_wait3A_385] : memref<79x128xi32, #tpu.memory_space<vmem>> -> memref<1x128xi32, #tpu.memory_space<vmem>>
            %dma_wait3A_387 = tpu.memref_squeeze %dma_wait3A_386 : memref<1x128xi32, #tpu.memory_space<vmem>> -> memref<128xi32, #tpu.memory_space<vmem>>
            %dma_wait3A_388 = arith.constant 0 : i32
            %dma_wait3A_389 = arith.constant 0 : i32
            %dma_wait3A_390 = tpu.memref_slice %arg12[%dma_wait3A_388, %dma_wait3A_389] : memref<10240x64xf32, #tpu.memory_space<vmem_shared>> -> memref<10240x64xf32, #tpu.memory_space<vmem_shared>>
            tpu.wait_indirect_dma semaphore(%arg21 : memref<!tpu.dma_semaphore, #tpu.memory_space<semaphore_mem>>) src(%dma_wait3A_384 : memref<128x64xf32, #tpu.memory_space<vmem>>) dst(%dma_wait3A_390 : memref<10240x64xf32, #tpu.memory_space<vmem_shared>>)
          } else {
          }
          %dma_start3A_369 = arith.constant 2 : i32
          %dma_start3A_370 = arith.constant 0 : i32
          %dma_start3A_371 = arith.constant 0 : i32
          %dma_start3A_372 = tpu.memref_slice %arg10[%dma_start3A_369, %dma_start3A_370, %dma_start3A_371] : memref<6x128x64xf32, #tpu.memory_space<vmem>> -> memref<1x128x64xf32, #tpu.memory_space<vmem>>
          %dma_start3A_373 = tpu.memref_squeeze %dma_start3A_372 : memref<1x128x64xf32, #tpu.memory_space<vmem>> -> memref<128x64xf32, #tpu.memory_space<vmem>>
          %dma_start3A_374 = arith.constant 0 : i32
          %dma_start3A_375 = tpu.memref_slice %arg7[%add3A_359, %dma_start3A_374] : memref<79x128xi32, #tpu.memory_space<vmem>> -> memref<1x128xi32, #tpu.memory_space<vmem>>
          %dma_start3A_376 = tpu.memref_squeeze %dma_start3A_375 : memref<1x128xi32, #tpu.memory_space<vmem>> -> memref<128xi32, #tpu.memory_space<vmem>>
          %dma_start3A_377 = arith.constant 0 : i32
          %dma_start3A_378 = arith.constant 0 : i32
          %dma_start3A_379 = tpu.memref_slice %arg2[%dma_start3A_377, %dma_start3A_378] : memref<20480x64xf32, #tpu.memory_space<hbm>> -> memref<20480x64xf32, #tpu.memory_space<hbm>>
          tpu.enqueue_indirect_dma source(%dma_start3A_379 : memref<20480x64xf32, #tpu.memory_space<hbm>>) target(%dma_start3A_373 : memref<128x64xf32, #tpu.memory_space<vmem>>) offsets(%dma_start3A_376 : memref<128xi32, #tpu.memory_space<vmem>>) semaphore(%arg15 : memref<!tpu.dma_semaphore, #tpu.memory_space<semaphore_mem>>)
        } else {
        }
      } else {
      }
    }
    %scan3A_67 = arith.constant 14 : i32
    %dma_wait3A = arith.constant 1 : i32
    %dma_wait3A_68 = arith.constant 73 : i32
    %dma_wait3A_69 = arith.constant 0 : i32
    %dma_wait3A_70 = arith.constant 0 : i32
    %dma_wait3A_71 = tpu.memref_slice %arg10[%dma_wait3A, %dma_wait3A_69, %dma_wait3A_70] : memref<6x128x64xf32, #tpu.memory_space<vmem>> -> memref<1x128x64xf32, #tpu.memory_space<vmem>>
    %dma_wait3A_72 = tpu.memref_squeeze %dma_wait3A_71 : memref<1x128x64xf32, #tpu.memory_space<vmem>> -> memref<128x64xf32, #tpu.memory_space<vmem>>
    %dma_wait3A_73 = arith.constant 0 : i32
    %dma_wait3A_74 = tpu.memref_slice %arg9[%dma_wait3A_68, %dma_wait3A_73] : memref<79x128xi32, #tpu.memory_space<vmem>> -> memref<1x128xi32, #tpu.memory_space<vmem>>
    %dma_wait3A_75 = tpu.memref_squeeze %dma_wait3A_74 : memref<1x128xi32, #tpu.memory_space<vmem>> -> memref<128xi32, #tpu.memory_space<vmem>>
    %dma_wait3A_76 = arith.constant 0 : i32
    %dma_wait3A_77 = arith.constant 0 : i32
    %dma_wait3A_78 = tpu.memref_slice %arg12[%dma_wait3A_76, %dma_wait3A_77] : memref<10240x64xf32, #tpu.memory_space<vmem_shared>> -> memref<10240x64xf32, #tpu.memory_space<vmem_shared>>
    tpu.wait_indirect_dma semaphore(%arg20 : memref<!tpu.dma_semaphore, #tpu.memory_space<semaphore_mem>>) src(%dma_wait3A_72 : memref<128x64xf32, #tpu.memory_space<vmem>>) dst(%dma_wait3A_78 : memref<10240x64xf32, #tpu.memory_space<vmem_shared>>)
    %dma_wait3A_79 = arith.constant 2 : i32
    %dma_wait3A_80 = arith.constant 74 : i32
    %dma_wait3A_81 = arith.constant 0 : i32
    %dma_wait3A_82 = arith.constant 0 : i32
    %dma_wait3A_83 = tpu.memref_slice %arg10[%dma_wait3A_79, %dma_wait3A_81, %dma_wait3A_82] : memref<6x128x64xf32, #tpu.memory_space<vmem>> -> memref<1x128x64xf32, #tpu.memory_space<vmem>>
    %dma_wait3A_84 = tpu.memref_squeeze %dma_wait3A_83 : memref<1x128x64xf32, #tpu.memory_space<vmem>> -> memref<128x64xf32, #tpu.memory_space<vmem>>
    %dma_wait3A_85 = arith.constant 0 : i32
    %dma_wait3A_86 = tpu.memref_slice %arg9[%dma_wait3A_80, %dma_wait3A_85] : memref<79x128xi32, #tpu.memory_space<vmem>> -> memref<1x128xi32, #tpu.memory_space<vmem>>
    %dma_wait3A_87 = tpu.memref_squeeze %dma_wait3A_86 : memref<1x128xi32, #tpu.memory_space<vmem>> -> memref<128xi32, #tpu.memory_space<vmem>>
    %dma_wait3A_88 = arith.constant 0 : i32
    %dma_wait3A_89 = arith.constant 0 : i32
    %dma_wait3A_90 = tpu.memref_slice %arg12[%dma_wait3A_88, %dma_wait3A_89] : memref<10240x64xf32, #tpu.memory_space<vmem_shared>> -> memref<10240x64xf32, #tpu.memory_space<vmem_shared>>
    tpu.wait_indirect_dma semaphore(%arg21 : memref<!tpu.dma_semaphore, #tpu.memory_space<semaphore_mem>>) src(%dma_wait3A_84 : memref<128x64xf32, #tpu.memory_space<vmem>>) dst(%dma_wait3A_90 : memref<10240x64xf32, #tpu.memory_space<vmem_shared>>)
    %dma_wait3A_91 = arith.constant 3 : i32
    %dma_wait3A_92 = arith.constant 75 : i32
    %dma_wait3A_93 = arith.constant 0 : i32
    %dma_wait3A_94 = arith.constant 0 : i32
    %dma_wait3A_95 = tpu.memref_slice %arg10[%dma_wait3A_91, %dma_wait3A_93, %dma_wait3A_94] : memref<6x128x64xf32, #tpu.memory_space<vmem>> -> memref<1x128x64xf32, #tpu.memory_space<vmem>>
    %dma_wait3A_96 = tpu.memref_squeeze %dma_wait3A_95 : memref<1x128x64xf32, #tpu.memory_space<vmem>> -> memref<128x64xf32, #tpu.memory_space<vmem>>
    %dma_wait3A_97 = arith.constant 0 : i32
    %dma_wait3A_98 = tpu.memref_slice %arg9[%dma_wait3A_92, %dma_wait3A_97] : memref<79x128xi32, #tpu.memory_space<vmem>> -> memref<1x128xi32, #tpu.memory_space<vmem>>
    %dma_wait3A_99 = tpu.memref_squeeze %dma_wait3A_98 : memref<1x128xi32, #tpu.memory_space<vmem>> -> memref<128xi32, #tpu.memory_space<vmem>>
    %dma_wait3A_100 = arith.constant 0 : i32
    %dma_wait3A_101 = arith.constant 0 : i32
    %dma_wait3A_102 = tpu.memref_slice %arg12[%dma_wait3A_100, %dma_wait3A_101] : memref<10240x64xf32, #tpu.memory_space<vmem_shared>> -> memref<10240x64xf32, #tpu.memory_space<vmem_shared>>
    tpu.wait_indirect_dma semaphore(%arg22 : memref<!tpu.dma_semaphore, #tpu.memory_space<semaphore_mem>>) src(%dma_wait3A_96 : memref<128x64xf32, #tpu.memory_space<vmem>>) dst(%dma_wait3A_102 : memref<10240x64xf32, #tpu.memory_space<vmem_shared>>)
    %dma_wait3A_103 = arith.constant 4 : i32
    %dma_wait3A_104 = arith.constant 76 : i32
    %dma_wait3A_105 = arith.constant 0 : i32
    %dma_wait3A_106 = arith.constant 0 : i32
    %dma_wait3A_107 = tpu.memref_slice %arg10[%dma_wait3A_103, %dma_wait3A_105, %dma_wait3A_106] : memref<6x128x64xf32, #tpu.memory_space<vmem>> -> memref<1x128x64xf32, #tpu.memory_space<vmem>>
    %dma_wait3A_108 = tpu.memref_squeeze %dma_wait3A_107 : memref<1x128x64xf32, #tpu.memory_space<vmem>> -> memref<128x64xf32, #tpu.memory_space<vmem>>
    %dma_wait3A_109 = arith.constant 0 : i32
    %dma_wait3A_110 = tpu.memref_slice %arg9[%dma_wait3A_104, %dma_wait3A_109] : memref<79x128xi32, #tpu.memory_space<vmem>> -> memref<1x128xi32, #tpu.memory_space<vmem>>
    %dma_wait3A_111 = tpu.memref_squeeze %dma_wait3A_110 : memref<1x128xi32, #tpu.memory_space<vmem>> -> memref<128xi32, #tpu.memory_space<vmem>>
    %dma_wait3A_112 = arith.constant 0 : i32
    %dma_wait3A_113 = arith.constant 0 : i32
    %dma_wait3A_114 = tpu.memref_slice %arg12[%dma_wait3A_112, %dma_wait3A_113] : memref<10240x64xf32, #tpu.memory_space<vmem_shared>> -> memref<10240x64xf32, #tpu.memory_space<vmem_shared>>
    tpu.wait_indirect_dma semaphore(%arg23 : memref<!tpu.dma_semaphore, #tpu.memory_space<semaphore_mem>>) src(%dma_wait3A_108 : memref<128x64xf32, #tpu.memory_space<vmem>>) dst(%dma_wait3A_114 : memref<10240x64xf32, #tpu.memory_space<vmem_shared>>)
    %dma_wait3A_115 = arith.constant 5 : i32
    %dma_wait3A_116 = arith.constant 77 : i32
    %dma_wait3A_117 = arith.constant 0 : i32
    %dma_wait3A_118 = arith.constant 0 : i32
    %dma_wait3A_119 = tpu.memref_slice %arg10[%dma_wait3A_115, %dma_wait3A_117, %dma_wait3A_118] : memref<6x128x64xf32, #tpu.memory_space<vmem>> -> memref<1x128x64xf32, #tpu.memory_space<vmem>>
    %dma_wait3A_120 = tpu.memref_squeeze %dma_wait3A_119 : memref<1x128x64xf32, #tpu.memory_space<vmem>> -> memref<128x64xf32, #tpu.memory_space<vmem>>
    %dma_wait3A_121 = arith.constant 0 : i32
    %dma_wait3A_122 = tpu.memref_slice %arg9[%dma_wait3A_116, %dma_wait3A_121] : memref<79x128xi32, #tpu.memory_space<vmem>> -> memref<1x128xi32, #tpu.memory_space<vmem>>
    %dma_wait3A_123 = tpu.memref_squeeze %dma_wait3A_122 : memref<1x128xi32, #tpu.memory_space<vmem>> -> memref<128xi32, #tpu.memory_space<vmem>>
    %dma_wait3A_124 = arith.constant 0 : i32
    %dma_wait3A_125 = arith.constant 0 : i32
    %dma_wait3A_126 = tpu.memref_slice %arg12[%dma_wait3A_124, %dma_wait3A_125] : memref<10240x64xf32, #tpu.memory_space<vmem_shared>> -> memref<10240x64xf32, #tpu.memory_space<vmem_shared>>
    tpu.wait_indirect_dma semaphore(%arg24 : memref<!tpu.dma_semaphore, #tpu.memory_space<semaphore_mem>>) src(%dma_wait3A_120 : memref<128x64xf32, #tpu.memory_space<vmem>>) dst(%dma_wait3A_126 : memref<10240x64xf32, #tpu.memory_space<vmem_shared>>)
    %dma_wait3A_127 = arith.constant 0 : i32
    %dma_wait3A_128 = arith.constant 78 : i32
    %dma_wait3A_129 = arith.constant 0 : i32
    %dma_wait3A_130 = arith.constant 0 : i32
    %dma_wait3A_131 = tpu.memref_slice %arg10[%dma_wait3A_127, %dma_wait3A_129, %dma_wait3A_130] : memref<6x128x64xf32, #tpu.memory_space<vmem>> -> memref<1x128x64xf32, #tpu.memory_space<vmem>>
    %dma_wait3A_132 = tpu.memref_squeeze %dma_wait3A_131 : memref<1x128x64xf32, #tpu.memory_space<vmem>> -> memref<128x64xf32, #tpu.memory_space<vmem>>
    %dma_wait3A_133 = arith.constant 0 : i32
    %dma_wait3A_134 = tpu.memref_slice %arg9[%dma_wait3A_128, %dma_wait3A_133] : memref<79x128xi32, #tpu.memory_space<vmem>> -> memref<1x128xi32, #tpu.memory_space<vmem>>
    %dma_wait3A_135 = tpu.memref_squeeze %dma_wait3A_134 : memref<1x128xi32, #tpu.memory_space<vmem>> -> memref<128xi32, #tpu.memory_space<vmem>>
    %dma_wait3A_136 = arith.constant 0 : i32
    %dma_wait3A_137 = arith.constant 0 : i32
    %dma_wait3A_138 = tpu.memref_slice %arg12[%dma_wait3A_136, %dma_wait3A_137] : memref<10240x64xf32, #tpu.memory_space<vmem_shared>> -> memref<10240x64xf32, #tpu.memory_space<vmem_shared>>
    tpu.wait_indirect_dma semaphore(%arg19 : memref<!tpu.dma_semaphore, #tpu.memory_space<semaphore_mem>>) src(%dma_wait3A_132 : memref<128x64xf32, #tpu.memory_space<vmem>>) dst(%dma_wait3A_138 : memref<10240x64xf32, #tpu.memory_space<vmem_shared>>)
    %dma_start3A_139 = arith.constant 0 : i32
    %dma_start3A_140 = arith.constant 0 : i32
    %dma_start3A_141 = arith.constant 0 : i32
    %dma_start3A_142 = arith.constant 0 : i32
    %dma_start3A_143 = tpu.memref_slice %arg10[%dma_start3A_140, %dma_start3A_141, %dma_start3A_142] : memref<6x128x64xf32, #tpu.memory_space<vmem>> -> memref<1x128x64xf32, #tpu.memory_space<vmem>>
    %dma_start3A_144 = tpu.memref_squeeze %dma_start3A_143 : memref<1x128x64xf32, #tpu.memory_space<vmem>> -> memref<128x64xf32, #tpu.memory_space<vmem>>
    %dma_start3A_145 = arith.constant 0 : i32
    %dma_start3A_146 = tpu.memref_slice %arg8[%dma_start3A_139, %dma_start3A_145] : memref<79x128xi32, #tpu.memory_space<vmem>> -> memref<1x128xi32, #tpu.memory_space<vmem>>
    %dma_start3A_147 = tpu.memref_squeeze %dma_start3A_146 : memref<1x128xi32, #tpu.memory_space<vmem>> -> memref<128xi32, #tpu.memory_space<vmem>>
    %dma_start3A_148 = arith.constant 0 : i32
    %dma_start3A_149 = arith.constant 0 : i32
    %dma_start3A_150 = tpu.memref_slice %arg2[%dma_start3A_148, %dma_start3A_149] : memref<20480x64xf32, #tpu.memory_space<hbm>> -> memref<20480x64xf32, #tpu.memory_space<hbm>>
    tpu.enqueue_indirect_dma source(%dma_start3A_150 : memref<20480x64xf32, #tpu.memory_space<hbm>>) target(%dma_start3A_144 : memref<128x64xf32, #tpu.memory_space<vmem>>) offsets(%dma_start3A_147 : memref<128xi32, #tpu.memory_space<vmem>>) semaphore(%arg13 : memref<!tpu.dma_semaphore, #tpu.memory_space<semaphore_mem>>)
    %dma_start3A_151 = arith.constant 1 : i32
    %dma_start3A_152 = arith.constant 1 : i32
    %dma_start3A_153 = arith.constant 0 : i32
    %dma_start3A_154 = arith.constant 0 : i32
    %dma_start3A_155 = tpu.memref_slice %arg10[%dma_start3A_152, %dma_start3A_153, %dma_start3A_154] : memref<6x128x64xf32, #tpu.memory_space<vmem>> -> memref<1x128x64xf32, #tpu.memory_space<vmem>>
    %dma_start3A_156 = tpu.memref_squeeze %dma_start3A_155 : memref<1x128x64xf32, #tpu.memory_space<vmem>> -> memref<128x64xf32, #tpu.memory_space<vmem>>
    %dma_start3A_157 = arith.constant 0 : i32
    %dma_start3A_158 = tpu.memref_slice %arg8[%dma_start3A_151, %dma_start3A_157] : memref<79x128xi32, #tpu.memory_space<vmem>> -> memref<1x128xi32, #tpu.memory_space<vmem>>
    %dma_start3A_159 = tpu.memref_squeeze %dma_start3A_158 : memref<1x128xi32, #tpu.memory_space<vmem>> -> memref<128xi32, #tpu.memory_space<vmem>>
    %dma_start3A_160 = arith.constant 0 : i32
    %dma_start3A_161 = arith.constant 0 : i32
    %dma_start3A_162 = tpu.memref_slice %arg2[%dma_start3A_160, %dma_start3A_161] : memref<20480x64xf32, #tpu.memory_space<hbm>> -> memref<20480x64xf32, #tpu.memory_space<hbm>>
    tpu.enqueue_indirect_dma source(%dma_start3A_162 : memref<20480x64xf32, #tpu.memory_space<hbm>>) target(%dma_start3A_156 : memref<128x64xf32, #tpu.memory_space<vmem>>) offsets(%dma_start3A_159 : memref<128xi32, #tpu.memory_space<vmem>>) semaphore(%arg14 : memref<!tpu.dma_semaphore, #tpu.memory_space<semaphore_mem>>)
    %dma_start3A_163 = arith.constant 2 : i32
    %dma_start3A_164 = arith.constant 2 : i32
    %dma_start3A_165 = arith.constant 0 : i32
    %dma_start3A_166 = arith.constant 0 : i32
    %dma_start3A_167 = tpu.memref_slice %arg10[%dma_start3A_164, %dma_start3A_165, %dma_start3A_166] : memref<6x128x64xf32, #tpu.memory_space<vmem>> -> memref<1x128x64xf32, #tpu.memory_space<vmem>>
    %dma_start3A_168 = tpu.memref_squeeze %dma_start3A_167 : memref<1x128x64xf32, #tpu.memory_space<vmem>> -> memref<128x64xf32, #tpu.memory_space<vmem>>
    %dma_start3A_169 = arith.constant 0 : i32
    %dma_start3A_170 = tpu.memref_slice %arg8[%dma_start3A_163, %dma_start3A_169] : memref<79x128xi32, #tpu.memory_space<vmem>> -> memref<1x128xi32, #tpu.memory_space<vmem>>
    %dma_start3A_171 = tpu.memref_squeeze %dma_start3A_170 : memref<1x128xi32, #tpu.memory_space<vmem>> -> memref<128xi32, #tpu.memory_space<vmem>>
    %dma_start3A_172 = arith.constant 0 : i32
    %dma_start3A_173 = arith.constant 0 : i32
    %dma_start3A_174 = tpu.memref_slice %arg2[%dma_start3A_172, %dma_start3A_173] : memref<20480x64xf32, #tpu.memory_space<hbm>> -> memref<20480x64xf32, #tpu.memory_space<hbm>>
    tpu.enqueue_indirect_dma source(%dma_start3A_174 : memref<20480x64xf32, #tpu.memory_space<hbm>>) target(%dma_start3A_168 : memref<128x64xf32, #tpu.memory_space<vmem>>) offsets(%dma_start3A_171 : memref<128xi32, #tpu.memory_space<vmem>>) semaphore(%arg15 : memref<!tpu.dma_semaphore, #tpu.memory_space<semaphore_mem>>)
    %barrier3A_175 = arith.constant 0 : index
    tpu.barrier barrier_id(%barrier3A_175)
    %mul3A_176 = arith.constant 640 : i32
    %mul3A_177 = arith.muli %arg1, %mul3A_176 : i32
    %mul3A_178 = arith.constant 640 : i32
    %mul3A_179 = arith.muli %arg1, %mul3A_178 : i32
    "tpu.region"() ({
      %run_scoped3A = tpu.sem_alloc : memref<!tpu.dma_semaphore, #tpu.memory_space<semaphore_mem>>
      %dma_start3A_284 = arith.constant 0 : i32
      %dma_start3A_285 = arith.constant 0 : i32
      %dma_start3A_286 = tpu.memref_slice %arg6[%arg0, %dma_start3A_284, %dma_start3A_285] : memref<2x10240x128xf32, #tpu.memory_space<hbm>> -> memref<1x10240x128xf32, #tpu.memory_space<hbm>>
      %dma_start3A_287 = tpu.memref_squeeze %dma_start3A_286 : memref<1x10240x128xf32, #tpu.memory_space<hbm>> -> memref<10240x128xf32, #tpu.memory_space<hbm>>
      %dma_start3A_288 = arith.constant 0 : i32
      %dma_start3A_289 = tpu.memref_slice %dma_start3A_287[%mul3A_179, %dma_start3A_288] : memref<10240x128xf32, #tpu.memory_space<hbm>> -> memref<640x64xf32, #tpu.memory_space<hbm>>
      %dma_start3A_290 = arith.constant 0 : i32
      %dma_start3A_291 = tpu.memref_slice %arg12[%mul3A_177, %dma_start3A_290] : memref<10240x64xf32, #tpu.memory_space<vmem_shared>> -> memref<640x64xf32, #tpu.memory_space<vmem_shared>>
      tpu.enqueue_dma source(%dma_start3A_291 : memref<640x64xf32, #tpu.memory_space<vmem_shared>>) target(%dma_start3A_289 : memref<640x64xf32, #tpu.memory_space<hbm>>) target_semaphore(%run_scoped3A : memref<!tpu.dma_semaphore, #tpu.memory_space<semaphore_mem>>)
      %dma_wait3A_292 = arith.constant 0 : i32
      %dma_wait3A_293 = arith.constant 0 : i32
      %dma_wait3A_294 = tpu.memref_slice %arg6[%arg0, %dma_wait3A_292, %dma_wait3A_293] : memref<2x10240x128xf32, #tpu.memory_space<hbm>> -> memref<1x10240x128xf32, #tpu.memory_space<hbm>>
      %dma_wait3A_295 = tpu.memref_squeeze %dma_wait3A_294 : memref<1x10240x128xf32, #tpu.memory_space<hbm>> -> memref<10240x128xf32, #tpu.memory_space<hbm>>
      %dma_wait3A_296 = arith.constant 0 : i32
      %dma_wait3A_297 = tpu.memref_slice %dma_wait3A_295[%mul3A_179, %dma_wait3A_296] : memref<10240x128xf32, #tpu.memory_space<hbm>> -> memref<640x64xf32, #tpu.memory_space<hbm>>
      %dma_wait3A_298 = arith.constant 0 : i32
      %dma_wait3A_299 = tpu.memref_slice %arg12[%mul3A_177, %dma_wait3A_298] : memref<10240x64xf32, #tpu.memory_space<vmem_shared>> -> memref<640x64xf32, #tpu.memory_space<vmem_shared>>
      tpu.wait_dma2 semaphore(%run_scoped3A : memref<!tpu.dma_semaphore, #tpu.memory_space<semaphore_mem>>) src(%dma_wait3A_299 : memref<640x64xf32, #tpu.memory_space<vmem_shared>>) dst(%dma_wait3A_297 : memref<640x64xf32, #tpu.memory_space<hbm>>)
      tpu.yield
    }) : () -> ()
    %mul3A_180 = arith.constant 640 : i32
    %mul3A_181 = arith.muli %arg1, %mul3A_180 : i32
    %add3A_182 = arith.constant 0 : i32
    %add3A_183 = arith.addi %mul3A_181, %add3A_182 : i32
    "tpu.region"() ({
      %run_scoped3A = tpu.sem_alloc : memref<!tpu.dma_semaphore, #tpu.memory_space<semaphore_mem>>
      %dma_start3A_284 = arith.constant 0 : i32
      %dma_start3A_285 = tpu.memref_slice %arg12[%add3A_183, %dma_start3A_284] : memref<10240x64xf32, #tpu.memory_space<vmem_shared>> -> memref<128x64xf32, #tpu.memory_space<vmem_shared>>
      %dma_start3A_286 = arith.constant 0 : i32
      %dma_start3A_287 = tpu.memref_slice %arg12[%add3A_183, %dma_start3A_286] : memref<10240x64xf32, #tpu.memory_space<vmem_shared>> -> memref<128x64xf32, #tpu.memory_space<vmem_shared>>
      tpu.enqueue_dma source(%arg11 : memref<128x64xf32, #tpu.memory_space<vmem>>) target(%dma_start3A_287 : memref<128x64xf32, #tpu.memory_space<vmem_shared>>) target_semaphore(%run_scoped3A : memref<!tpu.dma_semaphore, #tpu.memory_space<semaphore_mem>>)
      %dma_wait3A_288 = arith.constant 0 : i32
      %dma_wait3A_289 = tpu.memref_slice %arg12[%add3A_183, %dma_wait3A_288] : memref<10240x64xf32, #tpu.memory_space<vmem_shared>> -> memref<128x64xf32, #tpu.memory_space<vmem_shared>>
      %dma_wait3A_290 = arith.constant 0 : i32
      %dma_wait3A_291 = tpu.memref_slice %arg12[%add3A_183, %dma_wait3A_290] : memref<10240x64xf32, #tpu.memory_space<vmem_shared>> -> memref<128x64xf32, #tpu.memory_space<vmem_shared>>
      tpu.wait_dma2 semaphore(%run_scoped3A : memref<!tpu.dma_semaphore, #tpu.memory_space<semaphore_mem>>) src(%arg11 : memref<128x64xf32, #tpu.memory_space<vmem>>) dst(%dma_wait3A_291 : memref<128x64xf32, #tpu.memory_space<vmem_shared>>)
      tpu.yield
    }) : () -> ()
    %mul3A_184 = arith.constant 640 : i32
    %mul3A_185 = arith.muli %arg1, %mul3A_184 : i32
    %add3A_186 = arith.constant 128 : i32
    %add3A_187 = arith.addi %mul3A_185, %add3A_186 : i32
    "tpu.region"() ({
      %run_scoped3A = tpu.sem_alloc : memref<!tpu.dma_semaphore, #tpu.memory_space<semaphore_mem>>
      %dma_start3A_284 = arith.constant 0 : i32
      %dma_start3A_285 = tpu.memref_slice %arg12[%add3A_187, %dma_start3A_284] : memref<10240x64xf32, #tpu.memory_space<vmem_shared>> -> memref<128x64xf32, #tpu.memory_space<vmem_shared>>
      %dma_start3A_286 = arith.constant 0 : i32
      %dma_start3A_287 = tpu.memref_slice %arg12[%add3A_187, %dma_start3A_286] : memref<10240x64xf32, #tpu.memory_space<vmem_shared>> -> memref<128x64xf32, #tpu.memory_space<vmem_shared>>
      tpu.enqueue_dma source(%arg11 : memref<128x64xf32, #tpu.memory_space<vmem>>) target(%dma_start3A_287 : memref<128x64xf32, #tpu.memory_space<vmem_shared>>) target_semaphore(%run_scoped3A : memref<!tpu.dma_semaphore, #tpu.memory_space<semaphore_mem>>)
      %dma_wait3A_288 = arith.constant 0 : i32
      %dma_wait3A_289 = tpu.memref_slice %arg12[%add3A_187, %dma_wait3A_288] : memref<10240x64xf32, #tpu.memory_space<vmem_shared>> -> memref<128x64xf32, #tpu.memory_space<vmem_shared>>
      %dma_wait3A_290 = arith.constant 0 : i32
      %dma_wait3A_291 = tpu.memref_slice %arg12[%add3A_187, %dma_wait3A_290] : memref<10240x64xf32, #tpu.memory_space<vmem_shared>> -> memref<128x64xf32, #tpu.memory_space<vmem_shared>>
      tpu.wait_dma2 semaphore(%run_scoped3A : memref<!tpu.dma_semaphore, #tpu.memory_space<semaphore_mem>>) src(%arg11 : memref<128x64xf32, #tpu.memory_space<vmem>>) dst(%dma_wait3A_291 : memref<128x64xf32, #tpu.memory_space<vmem_shared>>)
      tpu.yield
    }) : () -> ()
    %mul3A_188 = arith.constant 640 : i32
    %mul3A_189 = arith.muli %arg1, %mul3A_188 : i32
    %add3A_190 = arith.constant 256 : i32
    %add3A_191 = arith.addi %mul3A_189, %add3A_190 : i32
    "tpu.region"() ({
      %run_scoped3A = tpu.sem_alloc : memref<!tpu.dma_semaphore, #tpu.memory_space<semaphore_mem>>
      %dma_start3A_284 = arith.constant 0 : i32
      %dma_start3A_285 = tpu.memref_slice %arg12[%add3A_191, %dma_start3A_284] : memref<10240x64xf32, #tpu.memory_space<vmem_shared>> -> memref<128x64xf32, #tpu.memory_space<vmem_shared>>
      %dma_start3A_286 = arith.constant 0 : i32
      %dma_start3A_287 = tpu.memref_slice %arg12[%add3A_191, %dma_start3A_286] : memref<10240x64xf32, #tpu.memory_space<vmem_shared>> -> memref<128x64xf32, #tpu.memory_space<vmem_shared>>
      tpu.enqueue_dma source(%arg11 : memref<128x64xf32, #tpu.memory_space<vmem>>) target(%dma_start3A_287 : memref<128x64xf32, #tpu.memory_space<vmem_shared>>) target_semaphore(%run_scoped3A : memref<!tpu.dma_semaphore, #tpu.memory_space<semaphore_mem>>)
      %dma_wait3A_288 = arith.constant 0 : i32
      %dma_wait3A_289 = tpu.memref_slice %arg12[%add3A_191, %dma_wait3A_288] : memref<10240x64xf32, #tpu.memory_space<vmem_shared>> -> memref<128x64xf32, #tpu.memory_space<vmem_shared>>
      %dma_wait3A_290 = arith.constant 0 : i32
      %dma_wait3A_291 = tpu.memref_slice %arg12[%add3A_191, %dma_wait3A_290] : memref<10240x64xf32, #tpu.memory_space<vmem_shared>> -> memref<128x64xf32, #tpu.memory_space<vmem_shared>>
      tpu.wait_dma2 semaphore(%run_scoped3A : memref<!tpu.dma_semaphore, #tpu.memory_space<semaphore_mem>>) src(%arg11 : memref<128x64xf32, #tpu.memory_space<vmem>>) dst(%dma_wait3A_291 : memref<128x64xf32, #tpu.memory_space<vmem_shared>>)
      tpu.yield
    }) : () -> ()
    %mul3A_192 = arith.constant 640 : i32
    %mul3A_193 = arith.muli %arg1, %mul3A_192 : i32
    %add3A_194 = arith.constant 384 : i32
    %add3A_195 = arith.addi %mul3A_193, %add3A_194 : i32
    "tpu.region"() ({
      %run_scoped3A = tpu.sem_alloc : memref<!tpu.dma_semaphore, #tpu.memory_space<semaphore_mem>>
      %dma_start3A_284 = arith.constant 0 : i32
      %dma_start3A_285 = tpu.memref_slice %arg12[%add3A_195, %dma_start3A_284] : memref<10240x64xf32, #tpu.memory_space<vmem_shared>> -> memref<128x64xf32, #tpu.memory_space<vmem_shared>>
      %dma_start3A_286 = arith.constant 0 : i32
      %dma_start3A_287 = tpu.memref_slice %arg12[%add3A_195, %dma_start3A_286] : memref<10240x64xf32, #tpu.memory_space<vmem_shared>> -> memref<128x64xf32, #tpu.memory_space<vmem_shared>>
      tpu.enqueue_dma source(%arg11 : memref<128x64xf32, #tpu.memory_space<vmem>>) target(%dma_start3A_287 : memref<128x64xf32, #tpu.memory_space<vmem_shared>>) target_semaphore(%run_scoped3A : memref<!tpu.dma_semaphore, #tpu.memory_space<semaphore_mem>>)
      %dma_wait3A_288 = arith.constant 0 : i32
      %dma_wait3A_289 = tpu.memref_slice %arg12[%add3A_195, %dma_wait3A_288] : memref<10240x64xf32, #tpu.memory_space<vmem_shared>> -> memref<128x64xf32, #tpu.memory_space<vmem_shared>>
      %dma_wait3A_290 = arith.constant 0 : i32
      %dma_wait3A_291 = tpu.memref_slice %arg12[%add3A_195, %dma_wait3A_290] : memref<10240x64xf32, #tpu.memory_space<vmem_shared>> -> memref<128x64xf32, #tpu.memory_space<vmem_shared>>
      tpu.wait_dma2 semaphore(%run_scoped3A : memref<!tpu.dma_semaphore, #tpu.memory_space<semaphore_mem>>) src(%arg11 : memref<128x64xf32, #tpu.memory_space<vmem>>) dst(%dma_wait3A_291 : memref<128x64xf32, #tpu.memory_space<vmem_shared>>)
      tpu.yield
    }) : () -> ()
    %mul3A_196 = arith.constant 640 : i32
    %mul3A_197 = arith.muli %arg1, %mul3A_196 : i32
    %add3A_198 = arith.constant 512 : i32
    %add3A_199 = arith.addi %mul3A_197, %add3A_198 : i32
    "tpu.region"() ({
      %run_scoped3A = tpu.sem_alloc : memref<!tpu.dma_semaphore, #tpu.memory_space<semaphore_mem>>
      %dma_start3A_284 = arith.constant 0 : i32
      %dma_start3A_285 = tpu.memref_slice %arg12[%add3A_199, %dma_start3A_284] : memref<10240x64xf32, #tpu.memory_space<vmem_shared>> -> memref<128x64xf32, #tpu.memory_space<vmem_shared>>
      %dma_start3A_286 = arith.constant 0 : i32
      %dma_start3A_287 = tpu.memref_slice %arg12[%add3A_199, %dma_start3A_286] : memref<10240x64xf32, #tpu.memory_space<vmem_shared>> -> memref<128x64xf32, #tpu.memory_space<vmem_shared>>
      tpu.enqueue_dma source(%arg11 : memref<128x64xf32, #tpu.memory_space<vmem>>) target(%dma_start3A_287 : memref<128x64xf32, #tpu.memory_space<vmem_shared>>) target_semaphore(%run_scoped3A : memref<!tpu.dma_semaphore, #tpu.memory_space<semaphore_mem>>)
      %dma_wait3A_288 = arith.constant 0 : i32
      %dma_wait3A_289 = tpu.memref_slice %arg12[%add3A_199, %dma_wait3A_288] : memref<10240x64xf32, #tpu.memory_space<vmem_shared>> -> memref<128x64xf32, #tpu.memory_space<vmem_shared>>
      %dma_wait3A_290 = arith.constant 0 : i32
      %dma_wait3A_291 = tpu.memref_slice %arg12[%add3A_199, %dma_wait3A_290] : memref<10240x64xf32, #tpu.memory_space<vmem_shared>> -> memref<128x64xf32, #tpu.memory_space<vmem_shared>>
      tpu.wait_dma2 semaphore(%run_scoped3A : memref<!tpu.dma_semaphore, #tpu.memory_space<semaphore_mem>>) src(%arg11 : memref<128x64xf32, #tpu.memory_space<vmem>>) dst(%dma_wait3A_291 : memref<128x64xf32, #tpu.memory_space<vmem_shared>>)
      tpu.yield
    }) : () -> ()
    %barrier3A_200 = arith.constant 0 : index
    tpu.barrier barrier_id(%barrier3A_200)
    %scan3A_201 = arith.constant 0 : i32
    %scan3A_202 = arith.constant 0 : i32
    %scan3A_203 = arith.constant 14 : i32
    %scan3A_204 = arith.addi %scan3A_202, %scan3A_203 : i32
    %scan3A_205 = arith.constant 1 : i32
    scf.for %scan3A_284 = %scan3A_202 to %scan3A_204 step %scan3A_205  : i32 {
      %mul3A_285 = arith.constant 6 : i32
      %mul3A_286 = arith.muli %scan3A_284, %mul3A_285 : i32
      %add3A_287 = arith.constant 0 : i32
      %add3A_288 = arith.addi %mul3A_286, %add3A_287 : i32
      %lt3A = arith.constant 79 : i32
      %lt3A_289 = arith.cmpi slt, %add3A_288, %lt3A : i32
      %convert_element_type3A = arith.extui %lt3A_289 : i1 to i32
      %cond3A = arith.constant 0 : i32
      %cond3A_290 = arith.cmpi ne, %convert_element_type3A, %cond3A : i32
      scf.if %cond3A_290 {
        %dma_wait3A_336 = arith.constant 0 : i32
        %dma_wait3A_337 = arith.constant 0 : i32
        %dma_wait3A_338 = arith.constant 0 : i32
        %dma_wait3A_339 = tpu.memref_slice %arg10[%dma_wait3A_336, %dma_wait3A_337, %dma_wait3A_338] : memref<6x128x64xf32, #tpu.memory_space<vmem>> -> memref<1x128x64xf32, #tpu.memory_space<vmem>>
        %dma_wait3A_340 = tpu.memref_squeeze %dma_wait3A_339 : memref<1x128x64xf32, #tpu.memory_space<vmem>> -> memref<128x64xf32, #tpu.memory_space<vmem>>
        %dma_wait3A_341 = arith.constant 0 : i32
        %dma_wait3A_342 = tpu.memref_slice %arg8[%add3A_288, %dma_wait3A_341] : memref<79x128xi32, #tpu.memory_space<vmem>> -> memref<1x128xi32, #tpu.memory_space<vmem>>
        %dma_wait3A_343 = tpu.memref_squeeze %dma_wait3A_342 : memref<1x128xi32, #tpu.memory_space<vmem>> -> memref<128xi32, #tpu.memory_space<vmem>>
        %dma_wait3A_344 = arith.constant 0 : i32
        %dma_wait3A_345 = arith.constant 0 : i32
        %dma_wait3A_346 = tpu.memref_slice %arg2[%dma_wait3A_344, %dma_wait3A_345] : memref<20480x64xf32, #tpu.memory_space<hbm>> -> memref<20480x64xf32, #tpu.memory_space<hbm>>
        tpu.wait_indirect_dma semaphore(%arg13 : memref<!tpu.dma_semaphore, #tpu.memory_space<semaphore_mem>>) src(%dma_wait3A_346 : memref<20480x64xf32, #tpu.memory_space<hbm>>) dst(%dma_wait3A_340 : memref<128x64xf32, #tpu.memory_space<vmem>>)
        %dma_start3A_347 = arith.constant 0 : i32
        %dma_start3A_348 = arith.constant 0 : i32
        %dma_start3A_349 = arith.constant 0 : i32
        %dma_start3A_350 = tpu.memref_slice %arg10[%dma_start3A_347, %dma_start3A_348, %dma_start3A_349] : memref<6x128x64xf32, #tpu.memory_space<vmem>> -> memref<1x128x64xf32, #tpu.memory_space<vmem>>
        %dma_start3A_351 = tpu.memref_squeeze %dma_start3A_350 : memref<1x128x64xf32, #tpu.memory_space<vmem>> -> memref<128x64xf32, #tpu.memory_space<vmem>>
        %dma_start3A_352 = arith.constant 0 : i32
        %dma_start3A_353 = tpu.memref_slice %arg9[%add3A_288, %dma_start3A_352] : memref<79x128xi32, #tpu.memory_space<vmem>> -> memref<1x128xi32, #tpu.memory_space<vmem>>
        %dma_start3A_354 = tpu.memref_squeeze %dma_start3A_353 : memref<1x128xi32, #tpu.memory_space<vmem>> -> memref<128xi32, #tpu.memory_space<vmem>>
        %dma_start3A_355 = arith.constant 0 : i32
        %dma_start3A_356 = arith.constant 0 : i32
        %dma_start3A_357 = tpu.memref_slice %arg12[%dma_start3A_355, %dma_start3A_356] : memref<10240x64xf32, #tpu.memory_space<vmem_shared>> -> memref<10240x64xf32, #tpu.memory_space<vmem_shared>>
        tpu.enqueue_indirect_dma source(%dma_start3A_351 : memref<128x64xf32, #tpu.memory_space<vmem>>) target(%dma_start3A_357 : memref<10240x64xf32, #tpu.memory_space<vmem_shared>>) offsets(%dma_start3A_354 : memref<128xi32, #tpu.memory_space<vmem>>) semaphore(%arg19 : memref<!tpu.dma_semaphore, #tpu.memory_space<semaphore_mem>>) {add = true}
        %add3A_358 = arith.constant 3 : i32
        %add3A_359 = arith.addi %add3A_288, %add3A_358 : i32
        %lt3A_360 = arith.constant 79 : i32
        %lt3A_361 = arith.cmpi slt, %add3A_359, %lt3A_360 : i32
        %convert_element_type3A_362 = arith.extui %lt3A_361 : i1 to i32
        %cond3A_363 = arith.constant 0 : i32
        %cond3A_364 = arith.cmpi ne, %convert_element_type3A_362, %cond3A_363 : i32
        scf.if %cond3A_364 {
          %ge3A = arith.constant 6 : i32
          %ge3A_365 = arith.cmpi sge, %add3A_359, %ge3A : i32
          %convert_element_type3A_366 = arith.extui %ge3A_365 : i1 to i32
          %cond3A_367 = arith.constant 0 : i32
          %cond3A_368 = arith.cmpi ne, %convert_element_type3A_366, %cond3A_367 : i32
          scf.if %cond3A_368 {
            %dma_wait3A_380 = arith.constant 3 : i32
            %dma_wait3A_381 = arith.constant 0 : i32
            %dma_wait3A_382 = arith.constant 0 : i32
            %dma_wait3A_383 = tpu.memref_slice %arg10[%dma_wait3A_380, %dma_wait3A_381, %dma_wait3A_382] : memref<6x128x64xf32, #tpu.memory_space<vmem>> -> memref<1x128x64xf32, #tpu.memory_space<vmem>>
            %dma_wait3A_384 = tpu.memref_squeeze %dma_wait3A_383 : memref<1x128x64xf32, #tpu.memory_space<vmem>> -> memref<128x64xf32, #tpu.memory_space<vmem>>
            %dma_wait3A_385 = arith.constant 0 : i32
            %dma_wait3A_386 = tpu.memref_slice %arg9[%add3A_359, %dma_wait3A_385] : memref<79x128xi32, #tpu.memory_space<vmem>> -> memref<1x128xi32, #tpu.memory_space<vmem>>
            %dma_wait3A_387 = tpu.memref_squeeze %dma_wait3A_386 : memref<1x128xi32, #tpu.memory_space<vmem>> -> memref<128xi32, #tpu.memory_space<vmem>>
            %dma_wait3A_388 = arith.constant 0 : i32
            %dma_wait3A_389 = arith.constant 0 : i32
            %dma_wait3A_390 = tpu.memref_slice %arg12[%dma_wait3A_388, %dma_wait3A_389] : memref<10240x64xf32, #tpu.memory_space<vmem_shared>> -> memref<10240x64xf32, #tpu.memory_space<vmem_shared>>
            tpu.wait_indirect_dma semaphore(%arg22 : memref<!tpu.dma_semaphore, #tpu.memory_space<semaphore_mem>>) src(%dma_wait3A_384 : memref<128x64xf32, #tpu.memory_space<vmem>>) dst(%dma_wait3A_390 : memref<10240x64xf32, #tpu.memory_space<vmem_shared>>)
          } else {
          }
          %dma_start3A_369 = arith.constant 3 : i32
          %dma_start3A_370 = arith.constant 0 : i32
          %dma_start3A_371 = arith.constant 0 : i32
          %dma_start3A_372 = tpu.memref_slice %arg10[%dma_start3A_369, %dma_start3A_370, %dma_start3A_371] : memref<6x128x64xf32, #tpu.memory_space<vmem>> -> memref<1x128x64xf32, #tpu.memory_space<vmem>>
          %dma_start3A_373 = tpu.memref_squeeze %dma_start3A_372 : memref<1x128x64xf32, #tpu.memory_space<vmem>> -> memref<128x64xf32, #tpu.memory_space<vmem>>
          %dma_start3A_374 = arith.constant 0 : i32
          %dma_start3A_375 = tpu.memref_slice %arg8[%add3A_359, %dma_start3A_374] : memref<79x128xi32, #tpu.memory_space<vmem>> -> memref<1x128xi32, #tpu.memory_space<vmem>>
          %dma_start3A_376 = tpu.memref_squeeze %dma_start3A_375 : memref<1x128xi32, #tpu.memory_space<vmem>> -> memref<128xi32, #tpu.memory_space<vmem>>
          %dma_start3A_377 = arith.constant 0 : i32
          %dma_start3A_378 = arith.constant 0 : i32
          %dma_start3A_379 = tpu.memref_slice %arg2[%dma_start3A_377, %dma_start3A_378] : memref<20480x64xf32, #tpu.memory_space<hbm>> -> memref<20480x64xf32, #tpu.memory_space<hbm>>
          tpu.enqueue_indirect_dma source(%dma_start3A_379 : memref<20480x64xf32, #tpu.memory_space<hbm>>) target(%dma_start3A_373 : memref<128x64xf32, #tpu.memory_space<vmem>>) offsets(%dma_start3A_376 : memref<128xi32, #tpu.memory_space<vmem>>) semaphore(%arg16 : memref<!tpu.dma_semaphore, #tpu.memory_space<semaphore_mem>>)
        } else {
        }
      } else {
      }
      %mul3A_291 = arith.constant 6 : i32
      %mul3A_292 = arith.muli %scan3A_284, %mul3A_291 : i32
      %add3A_293 = arith.constant 1 : i32
      %add3A_294 = arith.addi %mul3A_292, %add3A_293 : i32
      %lt3A_295 = arith.constant 79 : i32
      %lt3A_296 = arith.cmpi slt, %add3A_294, %lt3A_295 : i32
      %convert_element_type3A_297 = arith.extui %lt3A_296 : i1 to i32
      %cond3A_298 = arith.constant 0 : i32
      %cond3A_299 = arith.cmpi ne, %convert_element_type3A_297, %cond3A_298 : i32
      scf.if %cond3A_299 {
        %dma_wait3A_336 = arith.constant 1 : i32
        %dma_wait3A_337 = arith.constant 0 : i32
        %dma_wait3A_338 = arith.constant 0 : i32
        %dma_wait3A_339 = tpu.memref_slice %arg10[%dma_wait3A_336, %dma_wait3A_337, %dma_wait3A_338] : memref<6x128x64xf32, #tpu.memory_space<vmem>> -> memref<1x128x64xf32, #tpu.memory_space<vmem>>
        %dma_wait3A_340 = tpu.memref_squeeze %dma_wait3A_339 : memref<1x128x64xf32, #tpu.memory_space<vmem>> -> memref<128x64xf32, #tpu.memory_space<vmem>>
        %dma_wait3A_341 = arith.constant 0 : i32
        %dma_wait3A_342 = tpu.memref_slice %arg8[%add3A_294, %dma_wait3A_341] : memref<79x128xi32, #tpu.memory_space<vmem>> -> memref<1x128xi32, #tpu.memory_space<vmem>>
        %dma_wait3A_343 = tpu.memref_squeeze %dma_wait3A_342 : memref<1x128xi32, #tpu.memory_space<vmem>> -> memref<128xi32, #tpu.memory_space<vmem>>
        %dma_wait3A_344 = arith.constant 0 : i32
        %dma_wait3A_345 = arith.constant 0 : i32
        %dma_wait3A_346 = tpu.memref_slice %arg2[%dma_wait3A_344, %dma_wait3A_345] : memref<20480x64xf32, #tpu.memory_space<hbm>> -> memref<20480x64xf32, #tpu.memory_space<hbm>>
        tpu.wait_indirect_dma semaphore(%arg14 : memref<!tpu.dma_semaphore, #tpu.memory_space<semaphore_mem>>) src(%dma_wait3A_346 : memref<20480x64xf32, #tpu.memory_space<hbm>>) dst(%dma_wait3A_340 : memref<128x64xf32, #tpu.memory_space<vmem>>)
        %dma_start3A_347 = arith.constant 1 : i32
        %dma_start3A_348 = arith.constant 0 : i32
        %dma_start3A_349 = arith.constant 0 : i32
        %dma_start3A_350 = tpu.memref_slice %arg10[%dma_start3A_347, %dma_start3A_348, %dma_start3A_349] : memref<6x128x64xf32, #tpu.memory_space<vmem>> -> memref<1x128x64xf32, #tpu.memory_space<vmem>>
        %dma_start3A_351 = tpu.memref_squeeze %dma_start3A_350 : memref<1x128x64xf32, #tpu.memory_space<vmem>> -> memref<128x64xf32, #tpu.memory_space<vmem>>
        %dma_start3A_352 = arith.constant 0 : i32
        %dma_start3A_353 = tpu.memref_slice %arg9[%add3A_294, %dma_start3A_352] : memref<79x128xi32, #tpu.memory_space<vmem>> -> memref<1x128xi32, #tpu.memory_space<vmem>>
        %dma_start3A_354 = tpu.memref_squeeze %dma_start3A_353 : memref<1x128xi32, #tpu.memory_space<vmem>> -> memref<128xi32, #tpu.memory_space<vmem>>
        %dma_start3A_355 = arith.constant 0 : i32
        %dma_start3A_356 = arith.constant 0 : i32
        %dma_start3A_357 = tpu.memref_slice %arg12[%dma_start3A_355, %dma_start3A_356] : memref<10240x64xf32, #tpu.memory_space<vmem_shared>> -> memref<10240x64xf32, #tpu.memory_space<vmem_shared>>
        tpu.enqueue_indirect_dma source(%dma_start3A_351 : memref<128x64xf32, #tpu.memory_space<vmem>>) target(%dma_start3A_357 : memref<10240x64xf32, #tpu.memory_space<vmem_shared>>) offsets(%dma_start3A_354 : memref<128xi32, #tpu.memory_space<vmem>>) semaphore(%arg20 : memref<!tpu.dma_semaphore, #tpu.memory_space<semaphore_mem>>) {add = true}
        %add3A_358 = arith.constant 3 : i32
        %add3A_359 = arith.addi %add3A_294, %add3A_358 : i32
        %lt3A_360 = arith.constant 79 : i32
        %lt3A_361 = arith.cmpi slt, %add3A_359, %lt3A_360 : i32
        %convert_element_type3A_362 = arith.extui %lt3A_361 : i1 to i32
        %cond3A_363 = arith.constant 0 : i32
        %cond3A_364 = arith.cmpi ne, %convert_element_type3A_362, %cond3A_363 : i32
        scf.if %cond3A_364 {
          %ge3A = arith.constant 6 : i32
          %ge3A_365 = arith.cmpi sge, %add3A_359, %ge3A : i32
          %convert_element_type3A_366 = arith.extui %ge3A_365 : i1 to i32
          %cond3A_367 = arith.constant 0 : i32
          %cond3A_368 = arith.cmpi ne, %convert_element_type3A_366, %cond3A_367 : i32
          scf.if %cond3A_368 {
            %dma_wait3A_380 = arith.constant 4 : i32
            %dma_wait3A_381 = arith.constant 0 : i32
            %dma_wait3A_382 = arith.constant 0 : i32
            %dma_wait3A_383 = tpu.memref_slice %arg10[%dma_wait3A_380, %dma_wait3A_381, %dma_wait3A_382] : memref<6x128x64xf32, #tpu.memory_space<vmem>> -> memref<1x128x64xf32, #tpu.memory_space<vmem>>
            %dma_wait3A_384 = tpu.memref_squeeze %dma_wait3A_383 : memref<1x128x64xf32, #tpu.memory_space<vmem>> -> memref<128x64xf32, #tpu.memory_space<vmem>>
            %dma_wait3A_385 = arith.constant 0 : i32
            %dma_wait3A_386 = tpu.memref_slice %arg9[%add3A_359, %dma_wait3A_385] : memref<79x128xi32, #tpu.memory_space<vmem>> -> memref<1x128xi32, #tpu.memory_space<vmem>>
            %dma_wait3A_387 = tpu.memref_squeeze %dma_wait3A_386 : memref<1x128xi32, #tpu.memory_space<vmem>> -> memref<128xi32, #tpu.memory_space<vmem>>
            %dma_wait3A_388 = arith.constant 0 : i32
            %dma_wait3A_389 = arith.constant 0 : i32
            %dma_wait3A_390 = tpu.memref_slice %arg12[%dma_wait3A_388, %dma_wait3A_389] : memref<10240x64xf32, #tpu.memory_space<vmem_shared>> -> memref<10240x64xf32, #tpu.memory_space<vmem_shared>>
            tpu.wait_indirect_dma semaphore(%arg23 : memref<!tpu.dma_semaphore, #tpu.memory_space<semaphore_mem>>) src(%dma_wait3A_384 : memref<128x64xf32, #tpu.memory_space<vmem>>) dst(%dma_wait3A_390 : memref<10240x64xf32, #tpu.memory_space<vmem_shared>>)
          } else {
          }
          %dma_start3A_369 = arith.constant 4 : i32
          %dma_start3A_370 = arith.constant 0 : i32
          %dma_start3A_371 = arith.constant 0 : i32
          %dma_start3A_372 = tpu.memref_slice %arg10[%dma_start3A_369, %dma_start3A_370, %dma_start3A_371] : memref<6x128x64xf32, #tpu.memory_space<vmem>> -> memref<1x128x64xf32, #tpu.memory_space<vmem>>
          %dma_start3A_373 = tpu.memref_squeeze %dma_start3A_372 : memref<1x128x64xf32, #tpu.memory_space<vmem>> -> memref<128x64xf32, #tpu.memory_space<vmem>>
          %dma_start3A_374 = arith.constant 0 : i32
          %dma_start3A_375 = tpu.memref_slice %arg8[%add3A_359, %dma_start3A_374] : memref<79x128xi32, #tpu.memory_space<vmem>> -> memref<1x128xi32, #tpu.memory_space<vmem>>
          %dma_start3A_376 = tpu.memref_squeeze %dma_start3A_375 : memref<1x128xi32, #tpu.memory_space<vmem>> -> memref<128xi32, #tpu.memory_space<vmem>>
          %dma_start3A_377 = arith.constant 0 : i32
          %dma_start3A_378 = arith.constant 0 : i32
          %dma_start3A_379 = tpu.memref_slice %arg2[%dma_start3A_377, %dma_start3A_378] : memref<20480x64xf32, #tpu.memory_space<hbm>> -> memref<20480x64xf32, #tpu.memory_space<hbm>>
          tpu.enqueue_indirect_dma source(%dma_start3A_379 : memref<20480x64xf32, #tpu.memory_space<hbm>>) target(%dma_start3A_373 : memref<128x64xf32, #tpu.memory_space<vmem>>) offsets(%dma_start3A_376 : memref<128xi32, #tpu.memory_space<vmem>>) semaphore(%arg17 : memref<!tpu.dma_semaphore, #tpu.memory_space<semaphore_mem>>)
        } else {
        }
      } else {
      }
      %mul3A_300 = arith.constant 6 : i32
      %mul3A_301 = arith.muli %scan3A_284, %mul3A_300 : i32
      %add3A_302 = arith.constant 2 : i32
      %add3A_303 = arith.addi %mul3A_301, %add3A_302 : i32
      %lt3A_304 = arith.constant 79 : i32
      %lt3A_305 = arith.cmpi slt, %add3A_303, %lt3A_304 : i32
      %convert_element_type3A_306 = arith.extui %lt3A_305 : i1 to i32
      %cond3A_307 = arith.constant 0 : i32
      %cond3A_308 = arith.cmpi ne, %convert_element_type3A_306, %cond3A_307 : i32
      scf.if %cond3A_308 {
        %dma_wait3A_336 = arith.constant 2 : i32
        %dma_wait3A_337 = arith.constant 0 : i32
        %dma_wait3A_338 = arith.constant 0 : i32
        %dma_wait3A_339 = tpu.memref_slice %arg10[%dma_wait3A_336, %dma_wait3A_337, %dma_wait3A_338] : memref<6x128x64xf32, #tpu.memory_space<vmem>> -> memref<1x128x64xf32, #tpu.memory_space<vmem>>
        %dma_wait3A_340 = tpu.memref_squeeze %dma_wait3A_339 : memref<1x128x64xf32, #tpu.memory_space<vmem>> -> memref<128x64xf32, #tpu.memory_space<vmem>>
        %dma_wait3A_341 = arith.constant 0 : i32
        %dma_wait3A_342 = tpu.memref_slice %arg8[%add3A_303, %dma_wait3A_341] : memref<79x128xi32, #tpu.memory_space<vmem>> -> memref<1x128xi32, #tpu.memory_space<vmem>>
        %dma_wait3A_343 = tpu.memref_squeeze %dma_wait3A_342 : memref<1x128xi32, #tpu.memory_space<vmem>> -> memref<128xi32, #tpu.memory_space<vmem>>
        %dma_wait3A_344 = arith.constant 0 : i32
        %dma_wait3A_345 = arith.constant 0 : i32
        %dma_wait3A_346 = tpu.memref_slice %arg2[%dma_wait3A_344, %dma_wait3A_345] : memref<20480x64xf32, #tpu.memory_space<hbm>> -> memref<20480x64xf32, #tpu.memory_space<hbm>>
        tpu.wait_indirect_dma semaphore(%arg15 : memref<!tpu.dma_semaphore, #tpu.memory_space<semaphore_mem>>) src(%dma_wait3A_346 : memref<20480x64xf32, #tpu.memory_space<hbm>>) dst(%dma_wait3A_340 : memref<128x64xf32, #tpu.memory_space<vmem>>)
        %dma_start3A_347 = arith.constant 2 : i32
        %dma_start3A_348 = arith.constant 0 : i32
        %dma_start3A_349 = arith.constant 0 : i32
        %dma_start3A_350 = tpu.memref_slice %arg10[%dma_start3A_347, %dma_start3A_348, %dma_start3A_349] : memref<6x128x64xf32, #tpu.memory_space<vmem>> -> memref<1x128x64xf32, #tpu.memory_space<vmem>>
        %dma_start3A_351 = tpu.memref_squeeze %dma_start3A_350 : memref<1x128x64xf32, #tpu.memory_space<vmem>> -> memref<128x64xf32, #tpu.memory_space<vmem>>
        %dma_start3A_352 = arith.constant 0 : i32
        %dma_start3A_353 = tpu.memref_slice %arg9[%add3A_303, %dma_start3A_352] : memref<79x128xi32, #tpu.memory_space<vmem>> -> memref<1x128xi32, #tpu.memory_space<vmem>>
        %dma_start3A_354 = tpu.memref_squeeze %dma_start3A_353 : memref<1x128xi32, #tpu.memory_space<vmem>> -> memref<128xi32, #tpu.memory_space<vmem>>
        %dma_start3A_355 = arith.constant 0 : i32
        %dma_start3A_356 = arith.constant 0 : i32
        %dma_start3A_357 = tpu.memref_slice %arg12[%dma_start3A_355, %dma_start3A_356] : memref<10240x64xf32, #tpu.memory_space<vmem_shared>> -> memref<10240x64xf32, #tpu.memory_space<vmem_shared>>
        tpu.enqueue_indirect_dma source(%dma_start3A_351 : memref<128x64xf32, #tpu.memory_space<vmem>>) target(%dma_start3A_357 : memref<10240x64xf32, #tpu.memory_space<vmem_shared>>) offsets(%dma_start3A_354 : memref<128xi32, #tpu.memory_space<vmem>>) semaphore(%arg21 : memref<!tpu.dma_semaphore, #tpu.memory_space<semaphore_mem>>) {add = true}
        %add3A_358 = arith.constant 3 : i32
        %add3A_359 = arith.addi %add3A_303, %add3A_358 : i32
        %lt3A_360 = arith.constant 79 : i32
        %lt3A_361 = arith.cmpi slt, %add3A_359, %lt3A_360 : i32
        %convert_element_type3A_362 = arith.extui %lt3A_361 : i1 to i32
        %cond3A_363 = arith.constant 0 : i32
        %cond3A_364 = arith.cmpi ne, %convert_element_type3A_362, %cond3A_363 : i32
        scf.if %cond3A_364 {
          %ge3A = arith.constant 6 : i32
          %ge3A_365 = arith.cmpi sge, %add3A_359, %ge3A : i32
          %convert_element_type3A_366 = arith.extui %ge3A_365 : i1 to i32
          %cond3A_367 = arith.constant 0 : i32
          %cond3A_368 = arith.cmpi ne, %convert_element_type3A_366, %cond3A_367 : i32
          scf.if %cond3A_368 {
            %dma_wait3A_380 = arith.constant 5 : i32
            %dma_wait3A_381 = arith.constant 0 : i32
            %dma_wait3A_382 = arith.constant 0 : i32
            %dma_wait3A_383 = tpu.memref_slice %arg10[%dma_wait3A_380, %dma_wait3A_381, %dma_wait3A_382] : memref<6x128x64xf32, #tpu.memory_space<vmem>> -> memref<1x128x64xf32, #tpu.memory_space<vmem>>
            %dma_wait3A_384 = tpu.memref_squeeze %dma_wait3A_383 : memref<1x128x64xf32, #tpu.memory_space<vmem>> -> memref<128x64xf32, #tpu.memory_space<vmem>>
            %dma_wait3A_385 = arith.constant 0 : i32
            %dma_wait3A_386 = tpu.memref_slice %arg9[%add3A_359, %dma_wait3A_385] : memref<79x128xi32, #tpu.memory_space<vmem>> -> memref<1x128xi32, #tpu.memory_space<vmem>>
            %dma_wait3A_387 = tpu.memref_squeeze %dma_wait3A_386 : memref<1x128xi32, #tpu.memory_space<vmem>> -> memref<128xi32, #tpu.memory_space<vmem>>
            %dma_wait3A_388 = arith.constant 0 : i32
            %dma_wait3A_389 = arith.constant 0 : i32
            %dma_wait3A_390 = tpu.memref_slice %arg12[%dma_wait3A_388, %dma_wait3A_389] : memref<10240x64xf32, #tpu.memory_space<vmem_shared>> -> memref<10240x64xf32, #tpu.memory_space<vmem_shared>>
            tpu.wait_indirect_dma semaphore(%arg24 : memref<!tpu.dma_semaphore, #tpu.memory_space<semaphore_mem>>) src(%dma_wait3A_384 : memref<128x64xf32, #tpu.memory_space<vmem>>) dst(%dma_wait3A_390 : memref<10240x64xf32, #tpu.memory_space<vmem_shared>>)
          } else {
          }
          %dma_start3A_369 = arith.constant 5 : i32
          %dma_start3A_370 = arith.constant 0 : i32
          %dma_start3A_371 = arith.constant 0 : i32
          %dma_start3A_372 = tpu.memref_slice %arg10[%dma_start3A_369, %dma_start3A_370, %dma_start3A_371] : memref<6x128x64xf32, #tpu.memory_space<vmem>> -> memref<1x128x64xf32, #tpu.memory_space<vmem>>
          %dma_start3A_373 = tpu.memref_squeeze %dma_start3A_372 : memref<1x128x64xf32, #tpu.memory_space<vmem>> -> memref<128x64xf32, #tpu.memory_space<vmem>>
          %dma_start3A_374 = arith.constant 0 : i32
          %dma_start3A_375 = tpu.memref_slice %arg8[%add3A_359, %dma_start3A_374] : memref<79x128xi32, #tpu.memory_space<vmem>> -> memref<1x128xi32, #tpu.memory_space<vmem>>
          %dma_start3A_376 = tpu.memref_squeeze %dma_start3A_375 : memref<1x128xi32, #tpu.memory_space<vmem>> -> memref<128xi32, #tpu.memory_space<vmem>>
          %dma_start3A_377 = arith.constant 0 : i32
          %dma_start3A_378 = arith.constant 0 : i32
          %dma_start3A_379 = tpu.memref_slice %arg2[%dma_start3A_377, %dma_start3A_378] : memref<20480x64xf32, #tpu.memory_space<hbm>> -> memref<20480x64xf32, #tpu.memory_space<hbm>>
          tpu.enqueue_indirect_dma source(%dma_start3A_379 : memref<20480x64xf32, #tpu.memory_space<hbm>>) target(%dma_start3A_373 : memref<128x64xf32, #tpu.memory_space<vmem>>) offsets(%dma_start3A_376 : memref<128xi32, #tpu.memory_space<vmem>>) semaphore(%arg18 : memref<!tpu.dma_semaphore, #tpu.memory_space<semaphore_mem>>)
        } else {
        }
      } else {
      }
      %mul3A_309 = arith.constant 6 : i32
      %mul3A_310 = arith.muli %scan3A_284, %mul3A_309 : i32
      %add3A_311 = arith.constant 3 : i32
      %add3A_312 = arith.addi %mul3A_310, %add3A_311 : i32
      %lt3A_313 = arith.constant 79 : i32
      %lt3A_314 = arith.cmpi slt, %add3A_312, %lt3A_313 : i32
      %convert_element_type3A_315 = arith.extui %lt3A_314 : i1 to i32
      %cond3A_316 = arith.constant 0 : i32
      %cond3A_317 = arith.cmpi ne, %convert_element_type3A_315, %cond3A_316 : i32
      scf.if %cond3A_317 {
        %dma_wait3A_336 = arith.constant 3 : i32
        %dma_wait3A_337 = arith.constant 0 : i32
        %dma_wait3A_338 = arith.constant 0 : i32
        %dma_wait3A_339 = tpu.memref_slice %arg10[%dma_wait3A_336, %dma_wait3A_337, %dma_wait3A_338] : memref<6x128x64xf32, #tpu.memory_space<vmem>> -> memref<1x128x64xf32, #tpu.memory_space<vmem>>
        %dma_wait3A_340 = tpu.memref_squeeze %dma_wait3A_339 : memref<1x128x64xf32, #tpu.memory_space<vmem>> -> memref<128x64xf32, #tpu.memory_space<vmem>>
        %dma_wait3A_341 = arith.constant 0 : i32
        %dma_wait3A_342 = tpu.memref_slice %arg8[%add3A_312, %dma_wait3A_341] : memref<79x128xi32, #tpu.memory_space<vmem>> -> memref<1x128xi32, #tpu.memory_space<vmem>>
        %dma_wait3A_343 = tpu.memref_squeeze %dma_wait3A_342 : memref<1x128xi32, #tpu.memory_space<vmem>> -> memref<128xi32, #tpu.memory_space<vmem>>
        %dma_wait3A_344 = arith.constant 0 : i32
        %dma_wait3A_345 = arith.constant 0 : i32
        %dma_wait3A_346 = tpu.memref_slice %arg2[%dma_wait3A_344, %dma_wait3A_345] : memref<20480x64xf32, #tpu.memory_space<hbm>> -> memref<20480x64xf32, #tpu.memory_space<hbm>>
        tpu.wait_indirect_dma semaphore(%arg16 : memref<!tpu.dma_semaphore, #tpu.memory_space<semaphore_mem>>) src(%dma_wait3A_346 : memref<20480x64xf32, #tpu.memory_space<hbm>>) dst(%dma_wait3A_340 : memref<128x64xf32, #tpu.memory_space<vmem>>)
        %dma_start3A_347 = arith.constant 3 : i32
        %dma_start3A_348 = arith.constant 0 : i32
        %dma_start3A_349 = arith.constant 0 : i32
        %dma_start3A_350 = tpu.memref_slice %arg10[%dma_start3A_347, %dma_start3A_348, %dma_start3A_349] : memref<6x128x64xf32, #tpu.memory_space<vmem>> -> memref<1x128x64xf32, #tpu.memory_space<vmem>>
        %dma_start3A_351 = tpu.memref_squeeze %dma_start3A_350 : memref<1x128x64xf32, #tpu.memory_space<vmem>> -> memref<128x64xf32, #tpu.memory_space<vmem>>
        %dma_start3A_352 = arith.constant 0 : i32
        %dma_start3A_353 = tpu.memref_slice %arg9[%add3A_312, %dma_start3A_352] : memref<79x128xi32, #tpu.memory_space<vmem>> -> memref<1x128xi32, #tpu.memory_space<vmem>>
        %dma_start3A_354 = tpu.memref_squeeze %dma_start3A_353 : memref<1x128xi32, #tpu.memory_space<vmem>> -> memref<128xi32, #tpu.memory_space<vmem>>
        %dma_start3A_355 = arith.constant 0 : i32
        %dma_start3A_356 = arith.constant 0 : i32
        %dma_start3A_357 = tpu.memref_slice %arg12[%dma_start3A_355, %dma_start3A_356] : memref<10240x64xf32, #tpu.memory_space<vmem_shared>> -> memref<10240x64xf32, #tpu.memory_space<vmem_shared>>
        tpu.enqueue_indirect_dma source(%dma_start3A_351 : memref<128x64xf32, #tpu.memory_space<vmem>>) target(%dma_start3A_357 : memref<10240x64xf32, #tpu.memory_space<vmem_shared>>) offsets(%dma_start3A_354 : memref<128xi32, #tpu.memory_space<vmem>>) semaphore(%arg22 : memref<!tpu.dma_semaphore, #tpu.memory_space<semaphore_mem>>) {add = true}
        %add3A_358 = arith.constant 3 : i32
        %add3A_359 = arith.addi %add3A_312, %add3A_358 : i32
        %lt3A_360 = arith.constant 79 : i32
        %lt3A_361 = arith.cmpi slt, %add3A_359, %lt3A_360 : i32
        %convert_element_type3A_362 = arith.extui %lt3A_361 : i1 to i32
        %cond3A_363 = arith.constant 0 : i32
        %cond3A_364 = arith.cmpi ne, %convert_element_type3A_362, %cond3A_363 : i32
        scf.if %cond3A_364 {
          %ge3A = arith.constant 6 : i32
          %ge3A_365 = arith.cmpi sge, %add3A_359, %ge3A : i32
          %convert_element_type3A_366 = arith.extui %ge3A_365 : i1 to i32
          %cond3A_367 = arith.constant 0 : i32
          %cond3A_368 = arith.cmpi ne, %convert_element_type3A_366, %cond3A_367 : i32
          scf.if %cond3A_368 {
            %dma_wait3A_380 = arith.constant 0 : i32
            %dma_wait3A_381 = arith.constant 0 : i32
            %dma_wait3A_382 = arith.constant 0 : i32
            %dma_wait3A_383 = tpu.memref_slice %arg10[%dma_wait3A_380, %dma_wait3A_381, %dma_wait3A_382] : memref<6x128x64xf32, #tpu.memory_space<vmem>> -> memref<1x128x64xf32, #tpu.memory_space<vmem>>
            %dma_wait3A_384 = tpu.memref_squeeze %dma_wait3A_383 : memref<1x128x64xf32, #tpu.memory_space<vmem>> -> memref<128x64xf32, #tpu.memory_space<vmem>>
            %dma_wait3A_385 = arith.constant 0 : i32
            %dma_wait3A_386 = tpu.memref_slice %arg9[%add3A_359, %dma_wait3A_385] : memref<79x128xi32, #tpu.memory_space<vmem>> -> memref<1x128xi32, #tpu.memory_space<vmem>>
            %dma_wait3A_387 = tpu.memref_squeeze %dma_wait3A_386 : memref<1x128xi32, #tpu.memory_space<vmem>> -> memref<128xi32, #tpu.memory_space<vmem>>
            %dma_wait3A_388 = arith.constant 0 : i32
            %dma_wait3A_389 = arith.constant 0 : i32
            %dma_wait3A_390 = tpu.memref_slice %arg12[%dma_wait3A_388, %dma_wait3A_389] : memref<10240x64xf32, #tpu.memory_space<vmem_shared>> -> memref<10240x64xf32, #tpu.memory_space<vmem_shared>>
            tpu.wait_indirect_dma semaphore(%arg19 : memref<!tpu.dma_semaphore, #tpu.memory_space<semaphore_mem>>) src(%dma_wait3A_384 : memref<128x64xf32, #tpu.memory_space<vmem>>) dst(%dma_wait3A_390 : memref<10240x64xf32, #tpu.memory_space<vmem_shared>>)
          } else {
          }
          %dma_start3A_369 = arith.constant 0 : i32
          %dma_start3A_370 = arith.constant 0 : i32
          %dma_start3A_371 = arith.constant 0 : i32
          %dma_start3A_372 = tpu.memref_slice %arg10[%dma_start3A_369, %dma_start3A_370, %dma_start3A_371] : memref<6x128x64xf32, #tpu.memory_space<vmem>> -> memref<1x128x64xf32, #tpu.memory_space<vmem>>
          %dma_start3A_373 = tpu.memref_squeeze %dma_start3A_372 : memref<1x128x64xf32, #tpu.memory_space<vmem>> -> memref<128x64xf32, #tpu.memory_space<vmem>>
          %dma_start3A_374 = arith.constant 0 : i32
          %dma_start3A_375 = tpu.memref_slice %arg8[%add3A_359, %dma_start3A_374] : memref<79x128xi32, #tpu.memory_space<vmem>> -> memref<1x128xi32, #tpu.memory_space<vmem>>
          %dma_start3A_376 = tpu.memref_squeeze %dma_start3A_375 : memref<1x128xi32, #tpu.memory_space<vmem>> -> memref<128xi32, #tpu.memory_space<vmem>>
          %dma_start3A_377 = arith.constant 0 : i32
          %dma_start3A_378 = arith.constant 0 : i32
          %dma_start3A_379 = tpu.memref_slice %arg2[%dma_start3A_377, %dma_start3A_378] : memref<20480x64xf32, #tpu.memory_space<hbm>> -> memref<20480x64xf32, #tpu.memory_space<hbm>>
          tpu.enqueue_indirect_dma source(%dma_start3A_379 : memref<20480x64xf32, #tpu.memory_space<hbm>>) target(%dma_start3A_373 : memref<128x64xf32, #tpu.memory_space<vmem>>) offsets(%dma_start3A_376 : memref<128xi32, #tpu.memory_space<vmem>>) semaphore(%arg13 : memref<!tpu.dma_semaphore, #tpu.memory_space<semaphore_mem>>)
        } else {
        }
      } else {
      }
      %mul3A_318 = arith.constant 6 : i32
      %mul3A_319 = arith.muli %scan3A_284, %mul3A_318 : i32
      %add3A_320 = arith.constant 4 : i32
      %add3A_321 = arith.addi %mul3A_319, %add3A_320 : i32
      %lt3A_322 = arith.constant 79 : i32
      %lt3A_323 = arith.cmpi slt, %add3A_321, %lt3A_322 : i32
      %convert_element_type3A_324 = arith.extui %lt3A_323 : i1 to i32
      %cond3A_325 = arith.constant 0 : i32
      %cond3A_326 = arith.cmpi ne, %convert_element_type3A_324, %cond3A_325 : i32
      scf.if %cond3A_326 {
        %dma_wait3A_336 = arith.constant 4 : i32
        %dma_wait3A_337 = arith.constant 0 : i32
        %dma_wait3A_338 = arith.constant 0 : i32
        %dma_wait3A_339 = tpu.memref_slice %arg10[%dma_wait3A_336, %dma_wait3A_337, %dma_wait3A_338] : memref<6x128x64xf32, #tpu.memory_space<vmem>> -> memref<1x128x64xf32, #tpu.memory_space<vmem>>
        %dma_wait3A_340 = tpu.memref_squeeze %dma_wait3A_339 : memref<1x128x64xf32, #tpu.memory_space<vmem>> -> memref<128x64xf32, #tpu.memory_space<vmem>>
        %dma_wait3A_341 = arith.constant 0 : i32
        %dma_wait3A_342 = tpu.memref_slice %arg8[%add3A_321, %dma_wait3A_341] : memref<79x128xi32, #tpu.memory_space<vmem>> -> memref<1x128xi32, #tpu.memory_space<vmem>>
        %dma_wait3A_343 = tpu.memref_squeeze %dma_wait3A_342 : memref<1x128xi32, #tpu.memory_space<vmem>> -> memref<128xi32, #tpu.memory_space<vmem>>
        %dma_wait3A_344 = arith.constant 0 : i32
        %dma_wait3A_345 = arith.constant 0 : i32
        %dma_wait3A_346 = tpu.memref_slice %arg2[%dma_wait3A_344, %dma_wait3A_345] : memref<20480x64xf32, #tpu.memory_space<hbm>> -> memref<20480x64xf32, #tpu.memory_space<hbm>>
        tpu.wait_indirect_dma semaphore(%arg17 : memref<!tpu.dma_semaphore, #tpu.memory_space<semaphore_mem>>) src(%dma_wait3A_346 : memref<20480x64xf32, #tpu.memory_space<hbm>>) dst(%dma_wait3A_340 : memref<128x64xf32, #tpu.memory_space<vmem>>)
        %dma_start3A_347 = arith.constant 4 : i32
        %dma_start3A_348 = arith.constant 0 : i32
        %dma_start3A_349 = arith.constant 0 : i32
        %dma_start3A_350 = tpu.memref_slice %arg10[%dma_start3A_347, %dma_start3A_348, %dma_start3A_349] : memref<6x128x64xf32, #tpu.memory_space<vmem>> -> memref<1x128x64xf32, #tpu.memory_space<vmem>>
        %dma_start3A_351 = tpu.memref_squeeze %dma_start3A_350 : memref<1x128x64xf32, #tpu.memory_space<vmem>> -> memref<128x64xf32, #tpu.memory_space<vmem>>
        %dma_start3A_352 = arith.constant 0 : i32
        %dma_start3A_353 = tpu.memref_slice %arg9[%add3A_321, %dma_start3A_352] : memref<79x128xi32, #tpu.memory_space<vmem>> -> memref<1x128xi32, #tpu.memory_space<vmem>>
        %dma_start3A_354 = tpu.memref_squeeze %dma_start3A_353 : memref<1x128xi32, #tpu.memory_space<vmem>> -> memref<128xi32, #tpu.memory_space<vmem>>
        %dma_start3A_355 = arith.constant 0 : i32
        %dma_start3A_356 = arith.constant 0 : i32
        %dma_start3A_357 = tpu.memref_slice %arg12[%dma_start3A_355, %dma_start3A_356] : memref<10240x64xf32, #tpu.memory_space<vmem_shared>> -> memref<10240x64xf32, #tpu.memory_space<vmem_shared>>
        tpu.enqueue_indirect_dma source(%dma_start3A_351 : memref<128x64xf32, #tpu.memory_space<vmem>>) target(%dma_start3A_357 : memref<10240x64xf32, #tpu.memory_space<vmem_shared>>) offsets(%dma_start3A_354 : memref<128xi32, #tpu.memory_space<vmem>>) semaphore(%arg23 : memref<!tpu.dma_semaphore, #tpu.memory_space<semaphore_mem>>) {add = true}
        %add3A_358 = arith.constant 3 : i32
        %add3A_359 = arith.addi %add3A_321, %add3A_358 : i32
        %lt3A_360 = arith.constant 79 : i32
        %lt3A_361 = arith.cmpi slt, %add3A_359, %lt3A_360 : i32
        %convert_element_type3A_362 = arith.extui %lt3A_361 : i1 to i32
        %cond3A_363 = arith.constant 0 : i32
        %cond3A_364 = arith.cmpi ne, %convert_element_type3A_362, %cond3A_363 : i32
        scf.if %cond3A_364 {
          %ge3A = arith.constant 6 : i32
          %ge3A_365 = arith.cmpi sge, %add3A_359, %ge3A : i32
          %convert_element_type3A_366 = arith.extui %ge3A_365 : i1 to i32
          %cond3A_367 = arith.constant 0 : i32
          %cond3A_368 = arith.cmpi ne, %convert_element_type3A_366, %cond3A_367 : i32
          scf.if %cond3A_368 {
            %dma_wait3A_380 = arith.constant 1 : i32
            %dma_wait3A_381 = arith.constant 0 : i32
            %dma_wait3A_382 = arith.constant 0 : i32
            %dma_wait3A_383 = tpu.memref_slice %arg10[%dma_wait3A_380, %dma_wait3A_381, %dma_wait3A_382] : memref<6x128x64xf32, #tpu.memory_space<vmem>> -> memref<1x128x64xf32, #tpu.memory_space<vmem>>
            %dma_wait3A_384 = tpu.memref_squeeze %dma_wait3A_383 : memref<1x128x64xf32, #tpu.memory_space<vmem>> -> memref<128x64xf32, #tpu.memory_space<vmem>>
            %dma_wait3A_385 = arith.constant 0 : i32
            %dma_wait3A_386 = tpu.memref_slice %arg9[%add3A_359, %dma_wait3A_385] : memref<79x128xi32, #tpu.memory_space<vmem>> -> memref<1x128xi32, #tpu.memory_space<vmem>>
            %dma_wait3A_387 = tpu.memref_squeeze %dma_wait3A_386 : memref<1x128xi32, #tpu.memory_space<vmem>> -> memref<128xi32, #tpu.memory_space<vmem>>
            %dma_wait3A_388 = arith.constant 0 : i32
            %dma_wait3A_389 = arith.constant 0 : i32
            %dma_wait3A_390 = tpu.memref_slice %arg12[%dma_wait3A_388, %dma_wait3A_389] : memref<10240x64xf32, #tpu.memory_space<vmem_shared>> -> memref<10240x64xf32, #tpu.memory_space<vmem_shared>>
            tpu.wait_indirect_dma semaphore(%arg20 : memref<!tpu.dma_semaphore, #tpu.memory_space<semaphore_mem>>) src(%dma_wait3A_384 : memref<128x64xf32, #tpu.memory_space<vmem>>) dst(%dma_wait3A_390 : memref<10240x64xf32, #tpu.memory_space<vmem_shared>>)
          } else {
          }
          %dma_start3A_369 = arith.constant 1 : i32
          %dma_start3A_370 = arith.constant 0 : i32
          %dma_start3A_371 = arith.constant 0 : i32
          %dma_start3A_372 = tpu.memref_slice %arg10[%dma_start3A_369, %dma_start3A_370, %dma_start3A_371] : memref<6x128x64xf32, #tpu.memory_space<vmem>> -> memref<1x128x64xf32, #tpu.memory_space<vmem>>
          %dma_start3A_373 = tpu.memref_squeeze %dma_start3A_372 : memref<1x128x64xf32, #tpu.memory_space<vmem>> -> memref<128x64xf32, #tpu.memory_space<vmem>>
          %dma_start3A_374 = arith.constant 0 : i32
          %dma_start3A_375 = tpu.memref_slice %arg8[%add3A_359, %dma_start3A_374] : memref<79x128xi32, #tpu.memory_space<vmem>> -> memref<1x128xi32, #tpu.memory_space<vmem>>
          %dma_start3A_376 = tpu.memref_squeeze %dma_start3A_375 : memref<1x128xi32, #tpu.memory_space<vmem>> -> memref<128xi32, #tpu.memory_space<vmem>>
          %dma_start3A_377 = arith.constant 0 : i32
          %dma_start3A_378 = arith.constant 0 : i32
          %dma_start3A_379 = tpu.memref_slice %arg2[%dma_start3A_377, %dma_start3A_378] : memref<20480x64xf32, #tpu.memory_space<hbm>> -> memref<20480x64xf32, #tpu.memory_space<hbm>>
          tpu.enqueue_indirect_dma source(%dma_start3A_379 : memref<20480x64xf32, #tpu.memory_space<hbm>>) target(%dma_start3A_373 : memref<128x64xf32, #tpu.memory_space<vmem>>) offsets(%dma_start3A_376 : memref<128xi32, #tpu.memory_space<vmem>>) semaphore(%arg14 : memref<!tpu.dma_semaphore, #tpu.memory_space<semaphore_mem>>)
        } else {
        }
      } else {
      }
      %mul3A_327 = arith.constant 6 : i32
      %mul3A_328 = arith.muli %scan3A_284, %mul3A_327 : i32
      %add3A_329 = arith.constant 5 : i32
      %add3A_330 = arith.addi %mul3A_328, %add3A_329 : i32
      %lt3A_331 = arith.constant 79 : i32
      %lt3A_332 = arith.cmpi slt, %add3A_330, %lt3A_331 : i32
      %convert_element_type3A_333 = arith.extui %lt3A_332 : i1 to i32
      %cond3A_334 = arith.constant 0 : i32
      %cond3A_335 = arith.cmpi ne, %convert_element_type3A_333, %cond3A_334 : i32
      scf.if %cond3A_335 {
        %dma_wait3A_336 = arith.constant 5 : i32
        %dma_wait3A_337 = arith.constant 0 : i32
        %dma_wait3A_338 = arith.constant 0 : i32
        %dma_wait3A_339 = tpu.memref_slice %arg10[%dma_wait3A_336, %dma_wait3A_337, %dma_wait3A_338] : memref<6x128x64xf32, #tpu.memory_space<vmem>> -> memref<1x128x64xf32, #tpu.memory_space<vmem>>
        %dma_wait3A_340 = tpu.memref_squeeze %dma_wait3A_339 : memref<1x128x64xf32, #tpu.memory_space<vmem>> -> memref<128x64xf32, #tpu.memory_space<vmem>>
        %dma_wait3A_341 = arith.constant 0 : i32
        %dma_wait3A_342 = tpu.memref_slice %arg8[%add3A_330, %dma_wait3A_341] : memref<79x128xi32, #tpu.memory_space<vmem>> -> memref<1x128xi32, #tpu.memory_space<vmem>>
        %dma_wait3A_343 = tpu.memref_squeeze %dma_wait3A_342 : memref<1x128xi32, #tpu.memory_space<vmem>> -> memref<128xi32, #tpu.memory_space<vmem>>
        %dma_wait3A_344 = arith.constant 0 : i32
        %dma_wait3A_345 = arith.constant 0 : i32
        %dma_wait3A_346 = tpu.memref_slice %arg2[%dma_wait3A_344, %dma_wait3A_345] : memref<20480x64xf32, #tpu.memory_space<hbm>> -> memref<20480x64xf32, #tpu.memory_space<hbm>>
        tpu.wait_indirect_dma semaphore(%arg18 : memref<!tpu.dma_semaphore, #tpu.memory_space<semaphore_mem>>) src(%dma_wait3A_346 : memref<20480x64xf32, #tpu.memory_space<hbm>>) dst(%dma_wait3A_340 : memref<128x64xf32, #tpu.memory_space<vmem>>)
        %dma_start3A_347 = arith.constant 5 : i32
        %dma_start3A_348 = arith.constant 0 : i32
        %dma_start3A_349 = arith.constant 0 : i32
        %dma_start3A_350 = tpu.memref_slice %arg10[%dma_start3A_347, %dma_start3A_348, %dma_start3A_349] : memref<6x128x64xf32, #tpu.memory_space<vmem>> -> memref<1x128x64xf32, #tpu.memory_space<vmem>>
        %dma_start3A_351 = tpu.memref_squeeze %dma_start3A_350 : memref<1x128x64xf32, #tpu.memory_space<vmem>> -> memref<128x64xf32, #tpu.memory_space<vmem>>
        %dma_start3A_352 = arith.constant 0 : i32
        %dma_start3A_353 = tpu.memref_slice %arg9[%add3A_330, %dma_start3A_352] : memref<79x128xi32, #tpu.memory_space<vmem>> -> memref<1x128xi32, #tpu.memory_space<vmem>>
        %dma_start3A_354 = tpu.memref_squeeze %dma_start3A_353 : memref<1x128xi32, #tpu.memory_space<vmem>> -> memref<128xi32, #tpu.memory_space<vmem>>
        %dma_start3A_355 = arith.constant 0 : i32
        %dma_start3A_356 = arith.constant 0 : i32
        %dma_start3A_357 = tpu.memref_slice %arg12[%dma_start3A_355, %dma_start3A_356] : memref<10240x64xf32, #tpu.memory_space<vmem_shared>> -> memref<10240x64xf32, #tpu.memory_space<vmem_shared>>
        tpu.enqueue_indirect_dma source(%dma_start3A_351 : memref<128x64xf32, #tpu.memory_space<vmem>>) target(%dma_start3A_357 : memref<10240x64xf32, #tpu.memory_space<vmem_shared>>) offsets(%dma_start3A_354 : memref<128xi32, #tpu.memory_space<vmem>>) semaphore(%arg24 : memref<!tpu.dma_semaphore, #tpu.memory_space<semaphore_mem>>) {add = true}
        %add3A_358 = arith.constant 3 : i32
        %add3A_359 = arith.addi %add3A_330, %add3A_358 : i32
        %lt3A_360 = arith.constant 79 : i32
        %lt3A_361 = arith.cmpi slt, %add3A_359, %lt3A_360 : i32
        %convert_element_type3A_362 = arith.extui %lt3A_361 : i1 to i32
        %cond3A_363 = arith.constant 0 : i32
        %cond3A_364 = arith.cmpi ne, %convert_element_type3A_362, %cond3A_363 : i32
        scf.if %cond3A_364 {
          %ge3A = arith.constant 6 : i32
          %ge3A_365 = arith.cmpi sge, %add3A_359, %ge3A : i32
          %convert_element_type3A_366 = arith.extui %ge3A_365 : i1 to i32
          %cond3A_367 = arith.constant 0 : i32
          %cond3A_368 = arith.cmpi ne, %convert_element_type3A_366, %cond3A_367 : i32
          scf.if %cond3A_368 {
            %dma_wait3A_380 = arith.constant 2 : i32
            %dma_wait3A_381 = arith.constant 0 : i32
            %dma_wait3A_382 = arith.constant 0 : i32
            %dma_wait3A_383 = tpu.memref_slice %arg10[%dma_wait3A_380, %dma_wait3A_381, %dma_wait3A_382] : memref<6x128x64xf32, #tpu.memory_space<vmem>> -> memref<1x128x64xf32, #tpu.memory_space<vmem>>
            %dma_wait3A_384 = tpu.memref_squeeze %dma_wait3A_383 : memref<1x128x64xf32, #tpu.memory_space<vmem>> -> memref<128x64xf32, #tpu.memory_space<vmem>>
            %dma_wait3A_385 = arith.constant 0 : i32
            %dma_wait3A_386 = tpu.memref_slice %arg9[%add3A_359, %dma_wait3A_385] : memref<79x128xi32, #tpu.memory_space<vmem>> -> memref<1x128xi32, #tpu.memory_space<vmem>>
            %dma_wait3A_387 = tpu.memref_squeeze %dma_wait3A_386 : memref<1x128xi32, #tpu.memory_space<vmem>> -> memref<128xi32, #tpu.memory_space<vmem>>
            %dma_wait3A_388 = arith.constant 0 : i32
            %dma_wait3A_389 = arith.constant 0 : i32
            %dma_wait3A_390 = tpu.memref_slice %arg12[%dma_wait3A_388, %dma_wait3A_389] : memref<10240x64xf32, #tpu.memory_space<vmem_shared>> -> memref<10240x64xf32, #tpu.memory_space<vmem_shared>>
            tpu.wait_indirect_dma semaphore(%arg21 : memref<!tpu.dma_semaphore, #tpu.memory_space<semaphore_mem>>) src(%dma_wait3A_384 : memref<128x64xf32, #tpu.memory_space<vmem>>) dst(%dma_wait3A_390 : memref<10240x64xf32, #tpu.memory_space<vmem_shared>>)
          } else {
          }
          %dma_start3A_369 = arith.constant 2 : i32
          %dma_start3A_370 = arith.constant 0 : i32
          %dma_start3A_371 = arith.constant 0 : i32
          %dma_start3A_372 = tpu.memref_slice %arg10[%dma_start3A_369, %dma_start3A_370, %dma_start3A_371] : memref<6x128x64xf32, #tpu.memory_space<vmem>> -> memref<1x128x64xf32, #tpu.memory_space<vmem>>
          %dma_start3A_373 = tpu.memref_squeeze %dma_start3A_372 : memref<1x128x64xf32, #tpu.memory_space<vmem>> -> memref<128x64xf32, #tpu.memory_space<vmem>>
          %dma_start3A_374 = arith.constant 0 : i32
          %dma_start3A_375 = tpu.memref_slice %arg8[%add3A_359, %dma_start3A_374] : memref<79x128xi32, #tpu.memory_space<vmem>> -> memref<1x128xi32, #tpu.memory_space<vmem>>
          %dma_start3A_376 = tpu.memref_squeeze %dma_start3A_375 : memref<1x128xi32, #tpu.memory_space<vmem>> -> memref<128xi32, #tpu.memory_space<vmem>>
          %dma_start3A_377 = arith.constant 0 : i32
          %dma_start3A_378 = arith.constant 0 : i32
          %dma_start3A_379 = tpu.memref_slice %arg2[%dma_start3A_377, %dma_start3A_378] : memref<20480x64xf32, #tpu.memory_space<hbm>> -> memref<20480x64xf32, #tpu.memory_space<hbm>>
          tpu.enqueue_indirect_dma source(%dma_start3A_379 : memref<20480x64xf32, #tpu.memory_space<hbm>>) target(%dma_start3A_373 : memref<128x64xf32, #tpu.memory_space<vmem>>) offsets(%dma_start3A_376 : memref<128xi32, #tpu.memory_space<vmem>>) semaphore(%arg15 : memref<!tpu.dma_semaphore, #tpu.memory_space<semaphore_mem>>)
        } else {
        }
      } else {
      }
    }
    %scan3A_206 = arith.constant 14 : i32
    %dma_wait3A_207 = arith.constant 1 : i32
    %dma_wait3A_208 = arith.constant 73 : i32
    %dma_wait3A_209 = arith.constant 0 : i32
    %dma_wait3A_210 = arith.constant 0 : i32
    %dma_wait3A_211 = tpu.memref_slice %arg10[%dma_wait3A_207, %dma_wait3A_209, %dma_wait3A_210] : memref<6x128x64xf32, #tpu.memory_space<vmem>> -> memref<1x128x64xf32, #tpu.memory_space<vmem>>
    %dma_wait3A_212 = tpu.memref_squeeze %dma_wait3A_211 : memref<1x128x64xf32, #tpu.memory_space<vmem>> -> memref<128x64xf32, #tpu.memory_space<vmem>>
    %dma_wait3A_213 = arith.constant 0 : i32
    %dma_wait3A_214 = tpu.memref_slice %arg9[%dma_wait3A_208, %dma_wait3A_213] : memref<79x128xi32, #tpu.memory_space<vmem>> -> memref<1x128xi32, #tpu.memory_space<vmem>>
    %dma_wait3A_215 = tpu.memref_squeeze %dma_wait3A_214 : memref<1x128xi32, #tpu.memory_space<vmem>> -> memref<128xi32, #tpu.memory_space<vmem>>
    %dma_wait3A_216 = arith.constant 0 : i32
    %dma_wait3A_217 = arith.constant 0 : i32
    %dma_wait3A_218 = tpu.memref_slice %arg12[%dma_wait3A_216, %dma_wait3A_217] : memref<10240x64xf32, #tpu.memory_space<vmem_shared>> -> memref<10240x64xf32, #tpu.memory_space<vmem_shared>>
    tpu.wait_indirect_dma semaphore(%arg20 : memref<!tpu.dma_semaphore, #tpu.memory_space<semaphore_mem>>) src(%dma_wait3A_212 : memref<128x64xf32, #tpu.memory_space<vmem>>) dst(%dma_wait3A_218 : memref<10240x64xf32, #tpu.memory_space<vmem_shared>>)
    %dma_wait3A_219 = arith.constant 2 : i32
    %dma_wait3A_220 = arith.constant 74 : i32
    %dma_wait3A_221 = arith.constant 0 : i32
    %dma_wait3A_222 = arith.constant 0 : i32
    %dma_wait3A_223 = tpu.memref_slice %arg10[%dma_wait3A_219, %dma_wait3A_221, %dma_wait3A_222] : memref<6x128x64xf32, #tpu.memory_space<vmem>> -> memref<1x128x64xf32, #tpu.memory_space<vmem>>
    %dma_wait3A_224 = tpu.memref_squeeze %dma_wait3A_223 : memref<1x128x64xf32, #tpu.memory_space<vmem>> -> memref<128x64xf32, #tpu.memory_space<vmem>>
    %dma_wait3A_225 = arith.constant 0 : i32
    %dma_wait3A_226 = tpu.memref_slice %arg9[%dma_wait3A_220, %dma_wait3A_225] : memref<79x128xi32, #tpu.memory_space<vmem>> -> memref<1x128xi32, #tpu.memory_space<vmem>>
    %dma_wait3A_227 = tpu.memref_squeeze %dma_wait3A_226 : memref<1x128xi32, #tpu.memory_space<vmem>> -> memref<128xi32, #tpu.memory_space<vmem>>
    %dma_wait3A_228 = arith.constant 0 : i32
    %dma_wait3A_229 = arith.constant 0 : i32
    %dma_wait3A_230 = tpu.memref_slice %arg12[%dma_wait3A_228, %dma_wait3A_229] : memref<10240x64xf32, #tpu.memory_space<vmem_shared>> -> memref<10240x64xf32, #tpu.memory_space<vmem_shared>>
    tpu.wait_indirect_dma semaphore(%arg21 : memref<!tpu.dma_semaphore, #tpu.memory_space<semaphore_mem>>) src(%dma_wait3A_224 : memref<128x64xf32, #tpu.memory_space<vmem>>) dst(%dma_wait3A_230 : memref<10240x64xf32, #tpu.memory_space<vmem_shared>>)
    %dma_wait3A_231 = arith.constant 3 : i32
    %dma_wait3A_232 = arith.constant 75 : i32
    %dma_wait3A_233 = arith.constant 0 : i32
    %dma_wait3A_234 = arith.constant 0 : i32
    %dma_wait3A_235 = tpu.memref_slice %arg10[%dma_wait3A_231, %dma_wait3A_233, %dma_wait3A_234] : memref<6x128x64xf32, #tpu.memory_space<vmem>> -> memref<1x128x64xf32, #tpu.memory_space<vmem>>
    %dma_wait3A_236 = tpu.memref_squeeze %dma_wait3A_235 : memref<1x128x64xf32, #tpu.memory_space<vmem>> -> memref<128x64xf32, #tpu.memory_space<vmem>>
    %dma_wait3A_237 = arith.constant 0 : i32
    %dma_wait3A_238 = tpu.memref_slice %arg9[%dma_wait3A_232, %dma_wait3A_237] : memref<79x128xi32, #tpu.memory_space<vmem>> -> memref<1x128xi32, #tpu.memory_space<vmem>>
    %dma_wait3A_239 = tpu.memref_squeeze %dma_wait3A_238 : memref<1x128xi32, #tpu.memory_space<vmem>> -> memref<128xi32, #tpu.memory_space<vmem>>
    %dma_wait3A_240 = arith.constant 0 : i32
    %dma_wait3A_241 = arith.constant 0 : i32
    %dma_wait3A_242 = tpu.memref_slice %arg12[%dma_wait3A_240, %dma_wait3A_241] : memref<10240x64xf32, #tpu.memory_space<vmem_shared>> -> memref<10240x64xf32, #tpu.memory_space<vmem_shared>>
    tpu.wait_indirect_dma semaphore(%arg22 : memref<!tpu.dma_semaphore, #tpu.memory_space<semaphore_mem>>) src(%dma_wait3A_236 : memref<128x64xf32, #tpu.memory_space<vmem>>) dst(%dma_wait3A_242 : memref<10240x64xf32, #tpu.memory_space<vmem_shared>>)
    %dma_wait3A_243 = arith.constant 4 : i32
    %dma_wait3A_244 = arith.constant 76 : i32
    %dma_wait3A_245 = arith.constant 0 : i32
    %dma_wait3A_246 = arith.constant 0 : i32
    %dma_wait3A_247 = tpu.memref_slice %arg10[%dma_wait3A_243, %dma_wait3A_245, %dma_wait3A_246] : memref<6x128x64xf32, #tpu.memory_space<vmem>> -> memref<1x128x64xf32, #tpu.memory_space<vmem>>
    %dma_wait3A_248 = tpu.memref_squeeze %dma_wait3A_247 : memref<1x128x64xf32, #tpu.memory_space<vmem>> -> memref<128x64xf32, #tpu.memory_space<vmem>>
    %dma_wait3A_249 = arith.constant 0 : i32
    %dma_wait3A_250 = tpu.memref_slice %arg9[%dma_wait3A_244, %dma_wait3A_249] : memref<79x128xi32, #tpu.memory_space<vmem>> -> memref<1x128xi32, #tpu.memory_space<vmem>>
    %dma_wait3A_251 = tpu.memref_squeeze %dma_wait3A_250 : memref<1x128xi32, #tpu.memory_space<vmem>> -> memref<128xi32, #tpu.memory_space<vmem>>
    %dma_wait3A_252 = arith.constant 0 : i32
    %dma_wait3A_253 = arith.constant 0 : i32
    %dma_wait3A_254 = tpu.memref_slice %arg12[%dma_wait3A_252, %dma_wait3A_253] : memref<10240x64xf32, #tpu.memory_space<vmem_shared>> -> memref<10240x64xf32, #tpu.memory_space<vmem_shared>>
    tpu.wait_indirect_dma semaphore(%arg23 : memref<!tpu.dma_semaphore, #tpu.memory_space<semaphore_mem>>) src(%dma_wait3A_248 : memref<128x64xf32, #tpu.memory_space<vmem>>) dst(%dma_wait3A_254 : memref<10240x64xf32, #tpu.memory_space<vmem_shared>>)
    %dma_wait3A_255 = arith.constant 5 : i32
    %dma_wait3A_256 = arith.constant 77 : i32
    %dma_wait3A_257 = arith.constant 0 : i32
    %dma_wait3A_258 = arith.constant 0 : i32
    %dma_wait3A_259 = tpu.memref_slice %arg10[%dma_wait3A_255, %dma_wait3A_257, %dma_wait3A_258] : memref<6x128x64xf32, #tpu.memory_space<vmem>> -> memref<1x128x64xf32, #tpu.memory_space<vmem>>
    %dma_wait3A_260 = tpu.memref_squeeze %dma_wait3A_259 : memref<1x128x64xf32, #tpu.memory_space<vmem>> -> memref<128x64xf32, #tpu.memory_space<vmem>>
    %dma_wait3A_261 = arith.constant 0 : i32
    %dma_wait3A_262 = tpu.memref_slice %arg9[%dma_wait3A_256, %dma_wait3A_261] : memref<79x128xi32, #tpu.memory_space<vmem>> -> memref<1x128xi32, #tpu.memory_space<vmem>>
    %dma_wait3A_263 = tpu.memref_squeeze %dma_wait3A_262 : memref<1x128xi32, #tpu.memory_space<vmem>> -> memref<128xi32, #tpu.memory_space<vmem>>
    %dma_wait3A_264 = arith.constant 0 : i32
    %dma_wait3A_265 = arith.constant 0 : i32
    %dma_wait3A_266 = tpu.memref_slice %arg12[%dma_wait3A_264, %dma_wait3A_265] : memref<10240x64xf32, #tpu.memory_space<vmem_shared>> -> memref<10240x64xf32, #tpu.memory_space<vmem_shared>>
    tpu.wait_indirect_dma semaphore(%arg24 : memref<!tpu.dma_semaphore, #tpu.memory_space<semaphore_mem>>) src(%dma_wait3A_260 : memref<128x64xf32, #tpu.memory_space<vmem>>) dst(%dma_wait3A_266 : memref<10240x64xf32, #tpu.memory_space<vmem_shared>>)
    %dma_wait3A_267 = arith.constant 0 : i32
    %dma_wait3A_268 = arith.constant 78 : i32
    %dma_wait3A_269 = arith.constant 0 : i32
    %dma_wait3A_270 = arith.constant 0 : i32
    %dma_wait3A_271 = tpu.memref_slice %arg10[%dma_wait3A_267, %dma_wait3A_269, %dma_wait3A_270] : memref<6x128x64xf32, #tpu.memory_space<vmem>> -> memref<1x128x64xf32, #tpu.memory_space<vmem>>
    %dma_wait3A_272 = tpu.memref_squeeze %dma_wait3A_271 : memref<1x128x64xf32, #tpu.memory_space<vmem>> -> memref<128x64xf32, #tpu.memory_space<vmem>>
    %dma_wait3A_273 = arith.constant 0 : i32
    %dma_wait3A_274 = tpu.memref_slice %arg9[%dma_wait3A_268, %dma_wait3A_273] : memref<79x128xi32, #tpu.memory_space<vmem>> -> memref<1x128xi32, #tpu.memory_space<vmem>>
    %dma_wait3A_275 = tpu.memref_squeeze %dma_wait3A_274 : memref<1x128xi32, #tpu.memory_space<vmem>> -> memref<128xi32, #tpu.memory_space<vmem>>
    %dma_wait3A_276 = arith.constant 0 : i32
    %dma_wait3A_277 = arith.constant 0 : i32
    %dma_wait3A_278 = tpu.memref_slice %arg12[%dma_wait3A_276, %dma_wait3A_277] : memref<10240x64xf32, #tpu.memory_space<vmem_shared>> -> memref<10240x64xf32, #tpu.memory_space<vmem_shared>>
    tpu.wait_indirect_dma semaphore(%arg19 : memref<!tpu.dma_semaphore, #tpu.memory_space<semaphore_mem>>) src(%dma_wait3A_272 : memref<128x64xf32, #tpu.memory_space<vmem>>) dst(%dma_wait3A_278 : memref<10240x64xf32, #tpu.memory_space<vmem_shared>>)
    %barrier3A_279 = arith.constant 0 : index
    tpu.barrier barrier_id(%barrier3A_279)
    %mul3A_280 = arith.constant 640 : i32
    %mul3A_281 = arith.muli %arg1, %mul3A_280 : i32
    %mul3A_282 = arith.constant 640 : i32
    %mul3A_283 = arith.muli %arg1, %mul3A_282 : i32
    "tpu.region"() ({
      %run_scoped3A = tpu.sem_alloc : memref<!tpu.dma_semaphore, #tpu.memory_space<semaphore_mem>>
      %dma_start3A_284 = arith.constant 0 : i32
      %dma_start3A_285 = arith.constant 0 : i32
      %dma_start3A_286 = tpu.memref_slice %arg6[%arg0, %dma_start3A_284, %dma_start3A_285] : memref<2x10240x128xf32, #tpu.memory_space<hbm>> -> memref<1x10240x128xf32, #tpu.memory_space<hbm>>
      %dma_start3A_287 = tpu.memref_squeeze %dma_start3A_286 : memref<1x10240x128xf32, #tpu.memory_space<hbm>> -> memref<10240x128xf32, #tpu.memory_space<hbm>>
      %dma_start3A_288 = arith.constant 64 : i32
      %dma_start3A_289 = tpu.memref_slice %dma_start3A_287[%mul3A_283, %dma_start3A_288] : memref<10240x128xf32, #tpu.memory_space<hbm>> -> memref<640x64xf32, #tpu.memory_space<hbm>>
      %dma_start3A_290 = arith.constant 0 : i32
      %dma_start3A_291 = tpu.memref_slice %arg12[%mul3A_281, %dma_start3A_290] : memref<10240x64xf32, #tpu.memory_space<vmem_shared>> -> memref<640x64xf32, #tpu.memory_space<vmem_shared>>
      tpu.enqueue_dma source(%dma_start3A_291 : memref<640x64xf32, #tpu.memory_space<vmem_shared>>) target(%dma_start3A_289 : memref<640x64xf32, #tpu.memory_space<hbm>>) target_semaphore(%run_scoped3A : memref<!tpu.dma_semaphore, #tpu.memory_space<semaphore_mem>>)
      %dma_wait3A_292 = arith.constant 0 : i32
      %dma_wait3A_293 = arith.constant 0 : i32
      %dma_wait3A_294 = tpu.memref_slice %arg6[%arg0, %dma_wait3A_292, %dma_wait3A_293] : memref<2x10240x128xf32, #tpu.memory_space<hbm>> -> memref<1x10240x128xf32, #tpu.memory_space<hbm>>
      %dma_wait3A_295 = tpu.memref_squeeze %dma_wait3A_294 : memref<1x10240x128xf32, #tpu.memory_space<hbm>> -> memref<10240x128xf32, #tpu.memory_space<hbm>>
      %dma_wait3A_296 = arith.constant 64 : i32
      %dma_wait3A_297 = tpu.memref_slice %dma_wait3A_295[%mul3A_283, %dma_wait3A_296] : memref<10240x128xf32, #tpu.memory_space<hbm>> -> memref<640x64xf32, #tpu.memory_space<hbm>>
      %dma_wait3A_298 = arith.constant 0 : i32
      %dma_wait3A_299 = tpu.memref_slice %arg12[%mul3A_281, %dma_wait3A_298] : memref<10240x64xf32, #tpu.memory_space<vmem_shared>> -> memref<640x64xf32, #tpu.memory_space<vmem_shared>>
      tpu.wait_dma2 semaphore(%run_scoped3A : memref<!tpu.dma_semaphore, #tpu.memory_space<semaphore_mem>>) src(%dma_wait3A_299 : memref<640x64xf32, #tpu.memory_space<vmem_shared>>) dst(%dma_wait3A_297 : memref<640x64xf32, #tpu.memory_space<hbm>>)
      tpu.yield
    }) : () -> ()
    return
  }
}

#map = affine_map<(d0, d1) -> (0, 0)>
#map1 = affine_map<(d0, d1) -> (0, 0, 0)>
module attributes {stable_mosaic.version = 14 : i64} {
  func.func @agg_k(%arg0: i32, %arg1: i32, %arg2: memref<20480x64xf32, #tpu.memory_space<hbm>>, %arg3: memref<32x79x128xi32, #tpu.memory_space<hbm>>, %arg4: memref<32x79x128xi32, #tpu.memory_space<hbm>>, %arg5: memref<32x79x128xi32, #tpu.memory_space<hbm>>, %arg6: memref<2x10240x128xf32, #tpu.memory_space<hbm>>, %arg7: memref<79x128xi32, #tpu.memory_space<vmem>>, %arg8: memref<79x128xi32, #tpu.memory_space<vmem>>, %arg9: memref<79x128xi32, #tpu.memory_space<vmem>>, %arg10: memref<6x128x64xf32, #tpu.memory_space<vmem>>, %arg11: memref<128x64xf32, #tpu.memory_space<vmem>>, %arg12: memref<10240x64xf32, #tpu.memory_space<vmem_shared>>, %arg13: memref<!tpu.dma_semaphore, #tpu.memory_space<semaphore_mem>>, %arg14: memref<!tpu.dma_semaphore, #tpu.memory_space<semaphore_mem>>, %arg15: memref<!tpu.dma_semaphore, #tpu.memory_space<semaphore_mem>>, %arg16: memref<!tpu.dma_semaphore, #tpu.memory_space<semaphore_mem>>, %arg17: memref<!tpu.dma_semaphore, #tpu.memory_space<semaphore_mem>>, %arg18: memref<!tpu.dma_semaphore, #tpu.memory_space<semaphore_mem>>, %arg19: memref<!tpu.dma_semaphore, #tpu.memory_space<semaphore_mem>>, %arg20: memref<!tpu.dma_semaphore, #tpu.memory_space<semaphore_mem>>, %arg21: memref<!tpu.dma_semaphore, #tpu.memory_space<semaphore_mem>>, %arg22: memref<!tpu.dma_semaphore, #tpu.memory_space<semaphore_mem>>, %arg23: memref<!tpu.dma_semaphore, #tpu.memory_space<semaphore_mem>>, %arg24: memref<!tpu.dma_semaphore, #tpu.memory_space<semaphore_mem>>) attributes {dimension_semantics = [#tpu.dimension_semantics<core_parallel>, #tpu.dimension_semantics<subcore_parallel>], iteration_bounds = array<i64: 2, 16>, scalar_prefetch = 0 : i64, scratch_operands = 18 : i64, tpu.core_type = #tpu.core_type<sc_vector_subcore>, window_params = [{transform_indices = #map}, {transform_indices = #map1}, {transform_indices = #map1}, {transform_indices = #map1}, {transform_indices = #map1}]} {
    %mul3A = arith.constant 2 : i32
    %mul3A_0 = arith.muli %arg1, %mul3A : i32
    %add3A = arith.addi %mul3A_0, %arg0 : i32
    "tpu.region"() ({
      %run_scoped3A = tpu.sem_alloc : memref<!tpu.dma_semaphore, #tpu.memory_space<semaphore_mem>>
      %dma_start3A_284 = arith.constant 0 : i32
      %dma_start3A_285 = arith.constant 0 : i32
      %dma_start3A_286 = tpu.memref_slice %arg3[%add3A, %dma_start3A_284, %dma_start3A_285] : memref<32x79x128xi32, #tpu.memory_space<hbm>> -> memref<1x79x128xi32, #tpu.memory_space<hbm>>
      %dma_start3A_287 = tpu.memref_squeeze %dma_start3A_286 : memref<1x79x128xi32, #tpu.memory_space<hbm>> -> memref<79x128xi32, #tpu.memory_space<hbm>>
      %dma_start3A_288 = arith.constant 0 : i32
      %dma_start3A_289 = arith.constant 0 : i32
      %dma_start3A_290 = tpu.memref_slice %arg3[%add3A, %dma_start3A_288, %dma_start3A_289] : memref<32x79x128xi32, #tpu.memory_space<hbm>> -> memref<1x79x128xi32, #tpu.memory_space<hbm>>
      %dma_start3A_291 = tpu.memref_squeeze %dma_start3A_290 : memref<1x79x128xi32, #tpu.memory_space<hbm>> -> memref<79x128xi32, #tpu.memory_space<hbm>>
      tpu.enqueue_dma source(%dma_start3A_291 : memref<79x128xi32, #tpu.memory_space<hbm>>) target(%arg7 : memref<79x128xi32, #tpu.memory_space<vmem>>) target_semaphore(%run_scoped3A : memref<!tpu.dma_semaphore, #tpu.memory_space<semaphore_mem>>)
      %dma_wait3A_292 = arith.constant 0 : i32
      %dma_wait3A_293 = arith.constant 0 : i32
      %dma_wait3A_294 = tpu.memref_slice %arg3[%add3A, %dma_wait3A_292, %dma_wait3A_293] : memref<32x79x128xi32, #tpu.memory_space<hbm>> -> memref<1x79x128xi32, #tpu.memory_space<hbm>>
      %dma_wait3A_295 = tpu.memref_squeeze %dma_wait3A_294 : memref<1x79x128xi32, #tpu.memory_space<hbm>> -> memref<79x128xi32, #tpu.memory_space<hbm>>
      %dma_wait3A_296 = arith.constant 0 : i32
      %dma_wait3A_297 = arith.constant 0 : i32
      %dma_wait3A_298 = tpu.memref_slice %arg3[%add3A, %dma_wait3A_296, %dma_wait3A_297] : memref<32x79x128xi32, #tpu.memory_space<hbm>> -> memref<1x79x128xi32, #tpu.memory_space<hbm>>
      %dma_wait3A_299 = tpu.memref_squeeze %dma_wait3A_298 : memref<1x79x128xi32, #tpu.memory_space<hbm>> -> memref<79x128xi32, #tpu.memory_space<hbm>>
      tpu.wait_dma2 semaphore(%run_scoped3A : memref<!tpu.dma_semaphore, #tpu.memory_space<semaphore_mem>>) src(%dma_wait3A_299 : memref<79x128xi32, #tpu.memory_space<hbm>>) dst(%arg7 : memref<79x128xi32, #tpu.memory_space<vmem>>)
      tpu.yield
    }) : () -> ()
    "tpu.region"() ({
      %run_scoped3A = tpu.sem_alloc : memref<!tpu.dma_semaphore, #tpu.memory_space<semaphore_mem>>
      %dma_start3A_284 = arith.constant 0 : i32
      %dma_start3A_285 = arith.constant 0 : i32
      %dma_start3A_286 = tpu.memref_slice %arg4[%add3A, %dma_start3A_284, %dma_start3A_285] : memref<32x79x128xi32, #tpu.memory_space<hbm>> -> memref<1x79x128xi32, #tpu.memory_space<hbm>>
      %dma_start3A_287 = tpu.memref_squeeze %dma_start3A_286 : memref<1x79x128xi32, #tpu.memory_space<hbm>> -> memref<79x128xi32, #tpu.memory_space<hbm>>
      %dma_start3A_288 = arith.constant 0 : i32
      %dma_start3A_289 = arith.constant 0 : i32
      %dma_start3A_290 = tpu.memref_slice %arg4[%add3A, %dma_start3A_288, %dma_start3A_289] : memref<32x79x128xi32, #tpu.memory_space<hbm>> -> memref<1x79x128xi32, #tpu.memory_space<hbm>>
      %dma_start3A_291 = tpu.memref_squeeze %dma_start3A_290 : memref<1x79x128xi32, #tpu.memory_space<hbm>> -> memref<79x128xi32, #tpu.memory_space<hbm>>
      tpu.enqueue_dma source(%dma_start3A_291 : memref<79x128xi32, #tpu.memory_space<hbm>>) target(%arg8 : memref<79x128xi32, #tpu.memory_space<vmem>>) target_semaphore(%run_scoped3A : memref<!tpu.dma_semaphore, #tpu.memory_space<semaphore_mem>>)
      %dma_wait3A_292 = arith.constant 0 : i32
      %dma_wait3A_293 = arith.constant 0 : i32
      %dma_wait3A_294 = tpu.memref_slice %arg4[%add3A, %dma_wait3A_292, %dma_wait3A_293] : memref<32x79x128xi32, #tpu.memory_space<hbm>> -> memref<1x79x128xi32, #tpu.memory_space<hbm>>
      %dma_wait3A_295 = tpu.memref_squeeze %dma_wait3A_294 : memref<1x79x128xi32, #tpu.memory_space<hbm>> -> memref<79x128xi32, #tpu.memory_space<hbm>>
      %dma_wait3A_296 = arith.constant 0 : i32
      %dma_wait3A_297 = arith.constant 0 : i32
      %dma_wait3A_298 = tpu.memref_slice %arg4[%add3A, %dma_wait3A_296, %dma_wait3A_297] : memref<32x79x128xi32, #tpu.memory_space<hbm>> -> memref<1x79x128xi32, #tpu.memory_space<hbm>>
      %dma_wait3A_299 = tpu.memref_squeeze %dma_wait3A_298 : memref<1x79x128xi32, #tpu.memory_space<hbm>> -> memref<79x128xi32, #tpu.memory_space<hbm>>
      tpu.wait_dma2 semaphore(%run_scoped3A : memref<!tpu.dma_semaphore, #tpu.memory_space<semaphore_mem>>) src(%dma_wait3A_299 : memref<79x128xi32, #tpu.memory_space<hbm>>) dst(%arg8 : memref<79x128xi32, #tpu.memory_space<vmem>>)
      tpu.yield
    }) : () -> ()
    "tpu.region"() ({
      %run_scoped3A = tpu.sem_alloc : memref<!tpu.dma_semaphore, #tpu.memory_space<semaphore_mem>>
      %dma_start3A_284 = arith.constant 0 : i32
      %dma_start3A_285 = arith.constant 0 : i32
      %dma_start3A_286 = tpu.memref_slice %arg5[%add3A, %dma_start3A_284, %dma_start3A_285] : memref<32x79x128xi32, #tpu.memory_space<hbm>> -> memref<1x79x128xi32, #tpu.memory_space<hbm>>
      %dma_start3A_287 = tpu.memref_squeeze %dma_start3A_286 : memref<1x79x128xi32, #tpu.memory_space<hbm>> -> memref<79x128xi32, #tpu.memory_space<hbm>>
      %dma_start3A_288 = arith.constant 0 : i32
      %dma_start3A_289 = arith.constant 0 : i32
      %dma_start3A_290 = tpu.memref_slice %arg5[%add3A, %dma_start3A_288, %dma_start3A_289] : memref<32x79x128xi32, #tpu.memory_space<hbm>> -> memref<1x79x128xi32, #tpu.memory_space<hbm>>
      %dma_start3A_291 = tpu.memref_squeeze %dma_start3A_290 : memref<1x79x128xi32, #tpu.memory_space<hbm>> -> memref<79x128xi32, #tpu.memory_space<hbm>>
      tpu.enqueue_dma source(%dma_start3A_291 : memref<79x128xi32, #tpu.memory_space<hbm>>) target(%arg9 : memref<79x128xi32, #tpu.memory_space<vmem>>) target_semaphore(%run_scoped3A : memref<!tpu.dma_semaphore, #tpu.memory_space<semaphore_mem>>)
      %dma_wait3A_292 = arith.constant 0 : i32
      %dma_wait3A_293 = arith.constant 0 : i32
      %dma_wait3A_294 = tpu.memref_slice %arg5[%add3A, %dma_wait3A_292, %dma_wait3A_293] : memref<32x79x128xi32, #tpu.memory_space<hbm>> -> memref<1x79x128xi32, #tpu.memory_space<hbm>>
      %dma_wait3A_295 = tpu.memref_squeeze %dma_wait3A_294 : memref<1x79x128xi32, #tpu.memory_space<hbm>> -> memref<79x128xi32, #tpu.memory_space<hbm>>
      %dma_wait3A_296 = arith.constant 0 : i32
      %dma_wait3A_297 = arith.constant 0 : i32
      %dma_wait3A_298 = tpu.memref_slice %arg5[%add3A, %dma_wait3A_296, %dma_wait3A_297] : memref<32x79x128xi32, #tpu.memory_space<hbm>> -> memref<1x79x128xi32, #tpu.memory_space<hbm>>
      %dma_wait3A_299 = tpu.memref_squeeze %dma_wait3A_298 : memref<1x79x128xi32, #tpu.memory_space<hbm>> -> memref<79x128xi32, #tpu.memory_space<hbm>>
      tpu.wait_dma2 semaphore(%run_scoped3A : memref<!tpu.dma_semaphore, #tpu.memory_space<semaphore_mem>>) src(%dma_wait3A_299 : memref<79x128xi32, #tpu.memory_space<hbm>>) dst(%arg9 : memref<79x128xi32, #tpu.memory_space<vmem>>)
      tpu.yield
    }) : () -> ()
    %broadcast_in_dim3A = arith.constant 0.000000e+00 : f32
    %broadcast_in_dim3A_1 = vector.broadcast %broadcast_in_dim3A : f32 to vector<16xf32>
    %scan3A = arith.constant 0 : i32
    %scan3A_2 = arith.constant 0 : i32
    %scan3A_3 = arith.constant 128 : i32
    %scan3A_4 = arith.addi %scan3A_2, %scan3A_3 : i32
    %scan3A_5 = arith.constant 1 : i32
    scf.for %scan3A_284 = %scan3A_2 to %scan3A_4 step %scan3A_5  : i32 {
      %swap3A = arith.index_cast %scan3A_284 : i32 to index
      %swap3A_285 = arith.constant 0 : index
      %swap3A_286 = tpu.vector_load %arg11[%swap3A, %swap3A_285] {strides = array<i32>} : memref<128x64xf32, #tpu.memory_space<vmem>>, vector<1x16xf32>,
      %swap3A_287 = vector.shape_cast %swap3A_286 : vector<1x16xf32> to vector<16xf32>
      %swap3A_288 = vector.shape_cast %broadcast_in_dim3A_1 : vector<16xf32> to vector<1x16xf32>
      tpu.vector_store %arg11[%swap3A, %swap3A_285], %swap3A_288 {strides = array<i32>} : memref<128x64xf32, #tpu.memory_space<vmem>>, vector<1x16xf32>,
      %swap3A_289 = arith.index_cast %scan3A_284 : i32 to index
      %swap3A_290 = arith.constant 16 : index
      %swap3A_291 = tpu.vector_load %arg11[%swap3A_289, %swap3A_290] {strides = array<i32>} : memref<128x64xf32, #tpu.memory_space<vmem>>, vector<1x16xf32>,
      %swap3A_292 = vector.shape_cast %swap3A_291 : vector<1x16xf32> to vector<16xf32>
      %swap3A_293 = vector.shape_cast %broadcast_in_dim3A_1 : vector<16xf32> to vector<1x16xf32>
      tpu.vector_store %arg11[%swap3A_289, %swap3A_290], %swap3A_293 {strides = array<i32>} : memref<128x64xf32, #tpu.memory_space<vmem>>, vector<1x16xf32>,
      %swap3A_294 = arith.index_cast %scan3A_284 : i32 to index
      %swap3A_295 = arith.constant 32 : index
      %swap3A_296 = tpu.vector_load %arg11[%swap3A_294, %swap3A_295] {strides = array<i32>} : memref<128x64xf32, #tpu.memory_space<vmem>>, vector<1x16xf32>,
      %swap3A_297 = vector.shape_cast %swap3A_296 : vector<1x16xf32> to vector<16xf32>
      %swap3A_298 = vector.shape_cast %broadcast_in_dim3A_1 : vector<16xf32> to vector<1x16xf32>
      tpu.vector_store %arg11[%swap3A_294, %swap3A_295], %swap3A_298 {strides = array<i32>} : memref<128x64xf32, #tpu.memory_space<vmem>>, vector<1x16xf32>,
      %swap3A_299 = arith.index_cast %scan3A_284 : i32 to index
      %swap3A_300 = arith.constant 48 : index
      %swap3A_301 = tpu.vector_load %arg11[%swap3A_299, %swap3A_300] {strides = array<i32>} : memref<128x64xf32, #tpu.memory_space<vmem>>, vector<1x16xf32>,
      %swap3A_302 = vector.shape_cast %swap3A_301 : vector<1x16xf32> to vector<16xf32>
      %swap3A_303 = vector.shape_cast %broadcast_in_dim3A_1 : vector<16xf32> to vector<1x16xf32>
      tpu.vector_store %arg11[%swap3A_299, %swap3A_300], %swap3A_303 {strides = array<i32>} : memref<128x64xf32, #tpu.memory_space<vmem>>, vector<1x16xf32>,
    }
    %scan3A_6 = arith.constant 128 : i32
    %dma_start3A = arith.constant 0 : i32
    %dma_start3A_7 = arith.constant 0 : i32
    %dma_start3A_8 = arith.constant 0 : i32
    %dma_start3A_9 = arith.constant 0 : i32
    %dma_start3A_10 = tpu.memref_slice %arg10[%dma_start3A_7, %dma_start3A_8, %dma_start3A_9] : memref<6x128x64xf32, #tpu.memory_space<vmem>> -> memref<1x128x64xf32, #tpu.memory_space<vmem>>
    %dma_start3A_11 = tpu.memref_squeeze %dma_start3A_10 : memref<1x128x64xf32, #tpu.memory_space<vmem>> -> memref<128x64xf32, #tpu.memory_space<vmem>>
    %dma_start3A_12 = arith.constant 0 : i32
    %dma_start3A_13 = tpu.memref_slice %arg7[%dma_start3A, %dma_start3A_12] : memref<79x128xi32, #tpu.memory_space<vmem>> -> memref<1x128xi32, #tpu.memory_space<vmem>>
    %dma_start3A_14 = tpu.memref_squeeze %dma_start3A_13 : memref<1x128xi32, #tpu.memory_space<vmem>> -> memref<128xi32, #tpu.memory_space<vmem>>
    %dma_start3A_15 = arith.constant 0 : i32
    %dma_start3A_16 = arith.constant 0 : i32
    %dma_start3A_17 = tpu.memref_slice %arg2[%dma_start3A_15, %dma_start3A_16] : memref<20480x64xf32, #tpu.memory_space<hbm>> -> memref<20480x64xf32, #tpu.memory_space<hbm>>
    tpu.enqueue_indirect_dma source(%dma_start3A_17 : memref<20480x64xf32, #tpu.memory_space<hbm>>) target(%dma_start3A_11 : memref<128x64xf32, #tpu.memory_space<vmem>>) offsets(%dma_start3A_14 : memref<128xi32, #tpu.memory_space<vmem>>) semaphore(%arg13 : memref<!tpu.dma_semaphore, #tpu.memory_space<semaphore_mem>>)
    %dma_start3A_18 = arith.constant 1 : i32
    %dma_start3A_19 = arith.constant 1 : i32
    %dma_start3A_20 = arith.constant 0 : i32
    %dma_start3A_21 = arith.constant 0 : i32
    %dma_start3A_22 = tpu.memref_slice %arg10[%dma_start3A_19, %dma_start3A_20, %dma_start3A_21] : memref<6x128x64xf32, #tpu.memory_space<vmem>> -> memref<1x128x64xf32, #tpu.memory_space<vmem>>
    %dma_start3A_23 = tpu.memref_squeeze %dma_start3A_22 : memref<1x128x64xf32, #tpu.memory_space<vmem>> -> memref<128x64xf32, #tpu.memory_space<vmem>>
    %dma_start3A_24 = arith.constant 0 : i32
    %dma_start3A_25 = tpu.memref_slice %arg7[%dma_start3A_18, %dma_start3A_24] : memref<79x128xi32, #tpu.memory_space<vmem>> -> memref<1x128xi32, #tpu.memory_space<vmem>>
    %dma_start3A_26 = tpu.memref_squeeze %dma_start3A_25 : memref<1x128xi32, #tpu.memory_space<vmem>> -> memref<128xi32, #tpu.memory_space<vmem>>
    %dma_start3A_27 = arith.constant 0 : i32
    %dma_start3A_28 = arith.constant 0 : i32
    %dma_start3A_29 = tpu.memref_slice %arg2[%dma_start3A_27, %dma_start3A_28] : memref<20480x64xf32, #tpu.memory_space<hbm>> -> memref<20480x64xf32, #tpu.memory_space<hbm>>
    tpu.enqueue_indirect_dma source(%dma_start3A_29 : memref<20480x64xf32, #tpu.memory_space<hbm>>) target(%dma_start3A_23 : memref<128x64xf32, #tpu.memory_space<vmem>>) offsets(%dma_start3A_26 : memref<128xi32, #tpu.memory_space<vmem>>) semaphore(%arg14 : memref<!tpu.dma_semaphore, #tpu.memory_space<semaphore_mem>>)
    %dma_start3A_30 = arith.constant 2 : i32
    %dma_start3A_31 = arith.constant 2 : i32
    %dma_start3A_32 = arith.constant 0 : i32
    %dma_start3A_33 = arith.constant 0 : i32
    %dma_start3A_34 = tpu.memref_slice %arg10[%dma_start3A_31, %dma_start3A_32, %dma_start3A_33] : memref<6x128x64xf32, #tpu.memory_space<vmem>> -> memref<1x128x64xf32, #tpu.memory_space<vmem>>
    %dma_start3A_35 = tpu.memref_squeeze %dma_start3A_34 : memref<1x128x64xf32, #tpu.memory_space<vmem>> -> memref<128x64xf32, #tpu.memory_space<vmem>>
    %dma_start3A_36 = arith.constant 0 : i32
    %dma_start3A_37 = tpu.memref_slice %arg7[%dma_start3A_30, %dma_start3A_36] : memref<79x128xi32, #tpu.memory_space<vmem>> -> memref<1x128xi32, #tpu.memory_space<vmem>>
    %dma_start3A_38 = tpu.memref_squeeze %dma_start3A_37 : memref<1x128xi32, #tpu.memory_space<vmem>> -> memref<128xi32, #tpu.memory_space<vmem>>
    %dma_start3A_39 = arith.constant 0 : i32
    %dma_start3A_40 = arith.constant 0 : i32
    %dma_start3A_41 = tpu.memref_slice %arg2[%dma_start3A_39, %dma_start3A_40] : memref<20480x64xf32, #tpu.memory_space<hbm>> -> memref<20480x64xf32, #tpu.memory_space<hbm>>
    tpu.enqueue_indirect_dma source(%dma_start3A_41 : memref<20480x64xf32, #tpu.memory_space<hbm>>) target(%dma_start3A_35 : memref<128x64xf32, #tpu.memory_space<vmem>>) offsets(%dma_start3A_38 : memref<128xi32, #tpu.memory_space<vmem>>) semaphore(%arg15 : memref<!tpu.dma_semaphore, #tpu.memory_space<semaphore_mem>>)
    %mul3A_42 = arith.constant 640 : i32
    %mul3A_43 = arith.muli %arg1, %mul3A_42 : i32
    %add3A_44 = arith.constant 0 : i32
    %add3A_45 = arith.addi %mul3A_43, %add3A_44 : i32
    "tpu.region"() ({
      %run_scoped3A = tpu.sem_alloc : memref<!tpu.dma_semaphore, #tpu.memory_space<semaphore_mem>>
      %dma_start3A_284 = arith.constant 0 : i32
      %dma_start3A_285 = tpu.memref_slice %arg12[%add3A_45, %dma_start3A_284] : memref<10240x64xf32, #tpu.memory_space<vmem_shared>> -> memref<128x64xf32, #tpu.memory_space<vmem_shared>>
      %dma_start3A_286 = arith.constant 0 : i32
      %dma_start3A_287 = tpu.memref_slice %arg12[%add3A_45, %dma_start3A_286] : memref<10240x64xf32, #tpu.memory_space<vmem_shared>> -> memref<128x64xf32, #tpu.memory_space<vmem_shared>>
      tpu.enqueue_dma source(%arg11 : memref<128x64xf32, #tpu.memory_space<vmem>>) target(%dma_start3A_287 : memref<128x64xf32, #tpu.memory_space<vmem_shared>>) target_semaphore(%run_scoped3A : memref<!tpu.dma_semaphore, #tpu.memory_space<semaphore_mem>>)
      %dma_wait3A_288 = arith.constant 0 : i32
      %dma_wait3A_289 = tpu.memref_slice %arg12[%add3A_45, %dma_wait3A_288] : memref<10240x64xf32, #tpu.memory_space<vmem_shared>> -> memref<128x64xf32, #tpu.memory_space<vmem_shared>>
      %dma_wait3A_290 = arith.constant 0 : i32
      %dma_wait3A_291 = tpu.memref_slice %arg12[%add3A_45, %dma_wait3A_290] : memref<10240x64xf32, #tpu.memory_space<vmem_shared>> -> memref<128x64xf32, #tpu.memory_space<vmem_shared>>
      tpu.wait_dma2 semaphore(%run_scoped3A : memref<!tpu.dma_semaphore, #tpu.memory_space<semaphore_mem>>) src(%arg11 : memref<128x64xf32, #tpu.memory_space<vmem>>) dst(%dma_wait3A_291 : memref<128x64xf32, #tpu.memory_space<vmem_shared>>)
      tpu.yield
    }) : () -> ()
    %mul3A_46 = arith.constant 640 : i32
    %mul3A_47 = arith.muli %arg1, %mul3A_46 : i32
    %add3A_48 = arith.constant 128 : i32
    %add3A_49 = arith.addi %mul3A_47, %add3A_48 : i32
    "tpu.region"() ({
      %run_scoped3A = tpu.sem_alloc : memref<!tpu.dma_semaphore, #tpu.memory_space<semaphore_mem>>
      %dma_start3A_284 = arith.constant 0 : i32
      %dma_start3A_285 = tpu.memref_slice %arg12[%add3A_49, %dma_start3A_284] : memref<10240x64xf32, #tpu.memory_space<vmem_shared>> -> memref<128x64xf32, #tpu.memory_space<vmem_shared>>
      %dma_start3A_286 = arith.constant 0 : i32
      %dma_start3A_287 = tpu.memref_slice %arg12[%add3A_49, %dma_start3A_286] : memref<10240x64xf32, #tpu.memory_space<vmem_shared>> -> memref<128x64xf32, #tpu.memory_space<vmem_shared>>
      tpu.enqueue_dma source(%arg11 : memref<128x64xf32, #tpu.memory_space<vmem>>) target(%dma_start3A_287 : memref<128x64xf32, #tpu.memory_space<vmem_shared>>) target_semaphore(%run_scoped3A : memref<!tpu.dma_semaphore, #tpu.memory_space<semaphore_mem>>)
      %dma_wait3A_288 = arith.constant 0 : i32
      %dma_wait3A_289 = tpu.memref_slice %arg12[%add3A_49, %dma_wait3A_288] : memref<10240x64xf32, #tpu.memory_space<vmem_shared>> -> memref<128x64xf32, #tpu.memory_space<vmem_shared>>
      %dma_wait3A_290 = arith.constant 0 : i32
      %dma_wait3A_291 = tpu.memref_slice %arg12[%add3A_49, %dma_wait3A_290] : memref<10240x64xf32, #tpu.memory_space<vmem_shared>> -> memref<128x64xf32, #tpu.memory_space<vmem_shared>>
      tpu.wait_dma2 semaphore(%run_scoped3A : memref<!tpu.dma_semaphore, #tpu.memory_space<semaphore_mem>>) src(%arg11 : memref<128x64xf32, #tpu.memory_space<vmem>>) dst(%dma_wait3A_291 : memref<128x64xf32, #tpu.memory_space<vmem_shared>>)
      tpu.yield
    }) : () -> ()
    %mul3A_50 = arith.constant 640 : i32
    %mul3A_51 = arith.muli %arg1, %mul3A_50 : i32
    %add3A_52 = arith.constant 256 : i32
    %add3A_53 = arith.addi %mul3A_51, %add3A_52 : i32
    "tpu.region"() ({
      %run_scoped3A = tpu.sem_alloc : memref<!tpu.dma_semaphore, #tpu.memory_space<semaphore_mem>>
      %dma_start3A_284 = arith.constant 0 : i32
      %dma_start3A_285 = tpu.memref_slice %arg12[%add3A_53, %dma_start3A_284] : memref<10240x64xf32, #tpu.memory_space<vmem_shared>> -> memref<128x64xf32, #tpu.memory_space<vmem_shared>>
      %dma_start3A_286 = arith.constant 0 : i32
      %dma_start3A_287 = tpu.memref_slice %arg12[%add3A_53, %dma_start3A_286] : memref<10240x64xf32, #tpu.memory_space<vmem_shared>> -> memref<128x64xf32, #tpu.memory_space<vmem_shared>>
      tpu.enqueue_dma source(%arg11 : memref<128x64xf32, #tpu.memory_space<vmem>>) target(%dma_start3A_287 : memref<128x64xf32, #tpu.memory_space<vmem_shared>>) target_semaphore(%run_scoped3A : memref<!tpu.dma_semaphore, #tpu.memory_space<semaphore_mem>>)
      %dma_wait3A_288 = arith.constant 0 : i32
      %dma_wait3A_289 = tpu.memref_slice %arg12[%add3A_53, %dma_wait3A_288] : memref<10240x64xf32, #tpu.memory_space<vmem_shared>> -> memref<128x64xf32, #tpu.memory_space<vmem_shared>>
      %dma_wait3A_290 = arith.constant 0 : i32
      %dma_wait3A_291 = tpu.memref_slice %arg12[%add3A_53, %dma_wait3A_290] : memref<10240x64xf32, #tpu.memory_space<vmem_shared>> -> memref<128x64xf32, #tpu.memory_space<vmem_shared>>
      tpu.wait_dma2 semaphore(%run_scoped3A : memref<!tpu.dma_semaphore, #tpu.memory_space<semaphore_mem>>) src(%arg11 : memref<128x64xf32, #tpu.memory_space<vmem>>) dst(%dma_wait3A_291 : memref<128x64xf32, #tpu.memory_space<vmem_shared>>)
      tpu.yield
    }) : () -> ()
    %mul3A_54 = arith.constant 640 : i32
    %mul3A_55 = arith.muli %arg1, %mul3A_54 : i32
    %add3A_56 = arith.constant 384 : i32
    %add3A_57 = arith.addi %mul3A_55, %add3A_56 : i32
    "tpu.region"() ({
      %run_scoped3A = tpu.sem_alloc : memref<!tpu.dma_semaphore, #tpu.memory_space<semaphore_mem>>
      %dma_start3A_284 = arith.constant 0 : i32
      %dma_start3A_285 = tpu.memref_slice %arg12[%add3A_57, %dma_start3A_284] : memref<10240x64xf32, #tpu.memory_space<vmem_shared>> -> memref<128x64xf32, #tpu.memory_space<vmem_shared>>
      %dma_start3A_286 = arith.constant 0 : i32
      %dma_start3A_287 = tpu.memref_slice %arg12[%add3A_57, %dma_start3A_286] : memref<10240x64xf32, #tpu.memory_space<vmem_shared>> -> memref<128x64xf32, #tpu.memory_space<vmem_shared>>
      tpu.enqueue_dma source(%arg11 : memref<128x64xf32, #tpu.memory_space<vmem>>) target(%dma_start3A_287 : memref<128x64xf32, #tpu.memory_space<vmem_shared>>) target_semaphore(%run_scoped3A : memref<!tpu.dma_semaphore, #tpu.memory_space<semaphore_mem>>)
      %dma_wait3A_288 = arith.constant 0 : i32
      %dma_wait3A_289 = tpu.memref_slice %arg12[%add3A_57, %dma_wait3A_288] : memref<10240x64xf32, #tpu.memory_space<vmem_shared>> -> memref<128x64xf32, #tpu.memory_space<vmem_shared>>
      %dma_wait3A_290 = arith.constant 0 : i32
      %dma_wait3A_291 = tpu.memref_slice %arg12[%add3A_57, %dma_wait3A_290] : memref<10240x64xf32, #tpu.memory_space<vmem_shared>> -> memref<128x64xf32, #tpu.memory_space<vmem_shared>>
      tpu.wait_dma2 semaphore(%run_scoped3A : memref<!tpu.dma_semaphore, #tpu.memory_space<semaphore_mem>>) src(%arg11 : memref<128x64xf32, #tpu.memory_space<vmem>>) dst(%dma_wait3A_291 : memref<128x64xf32, #tpu.memory_space<vmem_shared>>)
      tpu.yield
    }) : () -> ()
    %mul3A_58 = arith.constant 640 : i32
    %mul3A_59 = arith.muli %arg1, %mul3A_58 : i32
    %add3A_60 = arith.constant 512 : i32
    %add3A_61 = arith.addi %mul3A_59, %add3A_60 : i32
    "tpu.region"() ({
      %run_scoped3A = tpu.sem_alloc : memref<!tpu.dma_semaphore, #tpu.memory_space<semaphore_mem>>
      %dma_start3A_284 = arith.constant 0 : i32
      %dma_start3A_285 = tpu.memref_slice %arg12[%add3A_61, %dma_start3A_284] : memref<10240x64xf32, #tpu.memory_space<vmem_shared>> -> memref<128x64xf32, #tpu.memory_space<vmem_shared>>
      %dma_start3A_286 = arith.constant 0 : i32
      %dma_start3A_287 = tpu.memref_slice %arg12[%add3A_61, %dma_start3A_286] : memref<10240x64xf32, #tpu.memory_space<vmem_shared>> -> memref<128x64xf32, #tpu.memory_space<vmem_shared>>
      tpu.enqueue_dma source(%arg11 : memref<128x64xf32, #tpu.memory_space<vmem>>) target(%dma_start3A_287 : memref<128x64xf32, #tpu.memory_space<vmem_shared>>) target_semaphore(%run_scoped3A : memref<!tpu.dma_semaphore, #tpu.memory_space<semaphore_mem>>)
      %dma_wait3A_288 = arith.constant 0 : i32
      %dma_wait3A_289 = tpu.memref_slice %arg12[%add3A_61, %dma_wait3A_288] : memref<10240x64xf32, #tpu.memory_space<vmem_shared>> -> memref<128x64xf32, #tpu.memory_space<vmem_shared>>
      %dma_wait3A_290 = arith.constant 0 : i32
      %dma_wait3A_291 = tpu.memref_slice %arg12[%add3A_61, %dma_wait3A_290] : memref<10240x64xf32, #tpu.memory_space<vmem_shared>> -> memref<128x64xf32, #tpu.memory_space<vmem_shared>>
      tpu.wait_dma2 semaphore(%run_scoped3A : memref<!tpu.dma_semaphore, #tpu.memory_space<semaphore_mem>>) src(%arg11 : memref<128x64xf32, #tpu.memory_space<vmem>>) dst(%dma_wait3A_291 : memref<128x64xf32, #tpu.memory_space<vmem_shared>>)
      tpu.yield
    }) : () -> ()
    %barrier3A = arith.constant 0 : index
    tpu.barrier barrier_id(%barrier3A)
    %scan3A_62 = arith.constant 0 : i32
    %scan3A_63 = arith.constant 0 : i32
    %scan3A_64 = arith.constant 14 : i32
    %scan3A_65 = arith.addi %scan3A_63, %scan3A_64 : i32
    %scan3A_66 = arith.constant 1 : i32
    scf.for %scan3A_284 = %scan3A_63 to %scan3A_65 step %scan3A_66  : i32 {
      %mul3A_285 = arith.constant 6 : i32
      %mul3A_286 = arith.muli %scan3A_284, %mul3A_285 : i32
      %add3A_287 = arith.constant 0 : i32
      %add3A_288 = arith.addi %mul3A_286, %add3A_287 : i32
      %lt3A = arith.constant 79 : i32
      %lt3A_289 = arith.cmpi slt, %add3A_288, %lt3A : i32
      %convert_element_type3A = arith.extui %lt3A_289 : i1 to i32
      %cond3A = arith.constant 0 : i32
      %cond3A_290 = arith.cmpi ne, %convert_element_type3A, %cond3A : i32
      scf.if %cond3A_290 {
        %dma_wait3A_336 = arith.constant 0 : i32
        %dma_wait3A_337 = arith.constant 0 : i32
        %dma_wait3A_338 = arith.constant 0 : i32
        %dma_wait3A_339 = tpu.memref_slice %arg10[%dma_wait3A_336, %dma_wait3A_337, %dma_wait3A_338] : memref<6x128x64xf32, #tpu.memory_space<vmem>> -> memref<1x128x64xf32, #tpu.memory_space<vmem>>
        %dma_wait3A_340 = tpu.memref_squeeze %dma_wait3A_339 : memref<1x128x64xf32, #tpu.memory_space<vmem>> -> memref<128x64xf32, #tpu.memory_space<vmem>>
        %dma_wait3A_341 = arith.constant 0 : i32
        %dma_wait3A_342 = tpu.memref_slice %arg7[%add3A_288, %dma_wait3A_341] : memref<79x128xi32, #tpu.memory_space<vmem>> -> memref<1x128xi32, #tpu.memory_space<vmem>>
        %dma_wait3A_343 = tpu.memref_squeeze %dma_wait3A_342 : memref<1x128xi32, #tpu.memory_space<vmem>> -> memref<128xi32, #tpu.memory_space<vmem>>
        %dma_wait3A_344 = arith.constant 0 : i32
        %dma_wait3A_345 = arith.constant 0 : i32
        %dma_wait3A_346 = tpu.memref_slice %arg2[%dma_wait3A_344, %dma_wait3A_345] : memref<20480x64xf32, #tpu.memory_space<hbm>> -> memref<20480x64xf32, #tpu.memory_space<hbm>>
        tpu.wait_indirect_dma semaphore(%arg13 : memref<!tpu.dma_semaphore, #tpu.memory_space<semaphore_mem>>) src(%dma_wait3A_346 : memref<20480x64xf32, #tpu.memory_space<hbm>>) dst(%dma_wait3A_340 : memref<128x64xf32, #tpu.memory_space<vmem>>)
        %dma_start3A_347 = arith.constant 0 : i32
        %dma_start3A_348 = arith.constant 0 : i32
        %dma_start3A_349 = arith.constant 0 : i32
        %dma_start3A_350 = tpu.memref_slice %arg10[%dma_start3A_347, %dma_start3A_348, %dma_start3A_349] : memref<6x128x64xf32, #tpu.memory_space<vmem>> -> memref<1x128x64xf32, #tpu.memory_space<vmem>>
        %dma_start3A_351 = tpu.memref_squeeze %dma_start3A_350 : memref<1x128x64xf32, #tpu.memory_space<vmem>> -> memref<128x64xf32, #tpu.memory_space<vmem>>
        %dma_start3A_352 = arith.constant 0 : i32
        %dma_start3A_353 = tpu.memref_slice %arg9[%add3A_288, %dma_start3A_352] : memref<79x128xi32, #tpu.memory_space<vmem>> -> memref<1x128xi32, #tpu.memory_space<vmem>>
        %dma_start3A_354 = tpu.memref_squeeze %dma_start3A_353 : memref<1x128xi32, #tpu.memory_space<vmem>> -> memref<128xi32, #tpu.memory_space<vmem>>
        %dma_start3A_355 = arith.constant 0 : i32
        %dma_start3A_356 = arith.constant 0 : i32
        %dma_start3A_357 = tpu.memref_slice %arg12[%dma_start3A_355, %dma_start3A_356] : memref<10240x64xf32, #tpu.memory_space<vmem_shared>> -> memref<10240x64xf32, #tpu.memory_space<vmem_shared>>
        tpu.enqueue_indirect_dma source(%dma_start3A_351 : memref<128x64xf32, #tpu.memory_space<vmem>>) target(%dma_start3A_357 : memref<10240x64xf32, #tpu.memory_space<vmem_shared>>) offsets(%dma_start3A_354 : memref<128xi32, #tpu.memory_space<vmem>>) semaphore(%arg19 : memref<!tpu.dma_semaphore, #tpu.memory_space<semaphore_mem>>) {add = true}
        %add3A_358 = arith.constant 3 : i32
        %add3A_359 = arith.addi %add3A_288, %add3A_358 : i32
        %lt3A_360 = arith.constant 79 : i32
        %lt3A_361 = arith.cmpi slt, %add3A_359, %lt3A_360 : i32
        %convert_element_type3A_362 = arith.extui %lt3A_361 : i1 to i32
        %cond3A_363 = arith.constant 0 : i32
        %cond3A_364 = arith.cmpi ne, %convert_element_type3A_362, %cond3A_363 : i32
        scf.if %cond3A_364 {
          %ge3A = arith.constant 6 : i32
          %ge3A_365 = arith.cmpi sge, %add3A_359, %ge3A : i32
          %convert_element_type3A_366 = arith.extui %ge3A_365 : i1 to i32
          %cond3A_367 = arith.constant 0 : i32
          %cond3A_368 = arith.cmpi ne, %convert_element_type3A_366, %cond3A_367 : i32
          scf.if %cond3A_368 {
            %dma_wait3A_380 = arith.constant 3 : i32
            %dma_wait3A_381 = arith.constant 0 : i32
            %dma_wait3A_382 = arith.constant 0 : i32
            %dma_wait3A_383 = tpu.memref_slice %arg10[%dma_wait3A_380, %dma_wait3A_381, %dma_wait3A_382] : memref<6x128x64xf32, #tpu.memory_space<vmem>> -> memref<1x128x64xf32, #tpu.memory_space<vmem>>
            %dma_wait3A_384 = tpu.memref_squeeze %dma_wait3A_383 : memref<1x128x64xf32, #tpu.memory_space<vmem>> -> memref<128x64xf32, #tpu.memory_space<vmem>>
            %dma_wait3A_385 = arith.constant 0 : i32
            %dma_wait3A_386 = tpu.memref_slice %arg9[%add3A_359, %dma_wait3A_385] : memref<79x128xi32, #tpu.memory_space<vmem>> -> memref<1x128xi32, #tpu.memory_space<vmem>>
            %dma_wait3A_387 = tpu.memref_squeeze %dma_wait3A_386 : memref<1x128xi32, #tpu.memory_space<vmem>> -> memref<128xi32, #tpu.memory_space<vmem>>
            %dma_wait3A_388 = arith.constant 0 : i32
            %dma_wait3A_389 = arith.constant 0 : i32
            %dma_wait3A_390 = tpu.memref_slice %arg12[%dma_wait3A_388, %dma_wait3A_389] : memref<10240x64xf32, #tpu.memory_space<vmem_shared>> -> memref<10240x64xf32, #tpu.memory_space<vmem_shared>>
            tpu.wait_indirect_dma semaphore(%arg22 : memref<!tpu.dma_semaphore, #tpu.memory_space<semaphore_mem>>) src(%dma_wait3A_384 : memref<128x64xf32, #tpu.memory_space<vmem>>) dst(%dma_wait3A_390 : memref<10240x64xf32, #tpu.memory_space<vmem_shared>>)
          } else {
          }
          %dma_start3A_369 = arith.constant 3 : i32
          %dma_start3A_370 = arith.constant 0 : i32
          %dma_start3A_371 = arith.constant 0 : i32
          %dma_start3A_372 = tpu.memref_slice %arg10[%dma_start3A_369, %dma_start3A_370, %dma_start3A_371] : memref<6x128x64xf32, #tpu.memory_space<vmem>> -> memref<1x128x64xf32, #tpu.memory_space<vmem>>
          %dma_start3A_373 = tpu.memref_squeeze %dma_start3A_372 : memref<1x128x64xf32, #tpu.memory_space<vmem>> -> memref<128x64xf32, #tpu.memory_space<vmem>>
          %dma_start3A_374 = arith.constant 0 : i32
          %dma_start3A_375 = tpu.memref_slice %arg7[%add3A_359, %dma_start3A_374] : memref<79x128xi32, #tpu.memory_space<vmem>> -> memref<1x128xi32, #tpu.memory_space<vmem>>
          %dma_start3A_376 = tpu.memref_squeeze %dma_start3A_375 : memref<1x128xi32, #tpu.memory_space<vmem>> -> memref<128xi32, #tpu.memory_space<vmem>>
          %dma_start3A_377 = arith.constant 0 : i32
          %dma_start3A_378 = arith.constant 0 : i32
          %dma_start3A_379 = tpu.memref_slice %arg2[%dma_start3A_377, %dma_start3A_378] : memref<20480x64xf32, #tpu.memory_space<hbm>> -> memref<20480x64xf32, #tpu.memory_space<hbm>>
          tpu.enqueue_indirect_dma source(%dma_start3A_379 : memref<20480x64xf32, #tpu.memory_space<hbm>>) target(%dma_start3A_373 : memref<128x64xf32, #tpu.memory_space<vmem>>) offsets(%dma_start3A_376 : memref<128xi32, #tpu.memory_space<vmem>>) semaphore(%arg16 : memref<!tpu.dma_semaphore, #tpu.memory_space<semaphore_mem>>)
        } else {
        }
      } else {
      }
      %mul3A_291 = arith.constant 6 : i32
      %mul3A_292 = arith.muli %scan3A_284, %mul3A_291 : i32
      %add3A_293 = arith.constant 1 : i32
      %add3A_294 = arith.addi %mul3A_292, %add3A_293 : i32
      %lt3A_295 = arith.constant 79 : i32
      %lt3A_296 = arith.cmpi slt, %add3A_294, %lt3A_295 : i32
      %convert_element_type3A_297 = arith.extui %lt3A_296 : i1 to i32
      %cond3A_298 = arith.constant 0 : i32
      %cond3A_299 = arith.cmpi ne, %convert_element_type3A_297, %cond3A_298 : i32
      scf.if %cond3A_299 {
        %dma_wait3A_336 = arith.constant 1 : i32
        %dma_wait3A_337 = arith.constant 0 : i32
        %dma_wait3A_338 = arith.constant 0 : i32
        %dma_wait3A_339 = tpu.memref_slice %arg10[%dma_wait3A_336, %dma_wait3A_337, %dma_wait3A_338] : memref<6x128x64xf32, #tpu.memory_space<vmem>> -> memref<1x128x64xf32, #tpu.memory_space<vmem>>
        %dma_wait3A_340 = tpu.memref_squeeze %dma_wait3A_339 : memref<1x128x64xf32, #tpu.memory_space<vmem>> -> memref<128x64xf32, #tpu.memory_space<vmem>>
        %dma_wait3A_341 = arith.constant 0 : i32
        %dma_wait3A_342 = tpu.memref_slice %arg7[%add3A_294, %dma_wait3A_341] : memref<79x128xi32, #tpu.memory_space<vmem>> -> memref<1x128xi32, #tpu.memory_space<vmem>>
        %dma_wait3A_343 = tpu.memref_squeeze %dma_wait3A_342 : memref<1x128xi32, #tpu.memory_space<vmem>> -> memref<128xi32, #tpu.memory_space<vmem>>
        %dma_wait3A_344 = arith.constant 0 : i32
        %dma_wait3A_345 = arith.constant 0 : i32
        %dma_wait3A_346 = tpu.memref_slice %arg2[%dma_wait3A_344, %dma_wait3A_345] : memref<20480x64xf32, #tpu.memory_space<hbm>> -> memref<20480x64xf32, #tpu.memory_space<hbm>>
        tpu.wait_indirect_dma semaphore(%arg14 : memref<!tpu.dma_semaphore, #tpu.memory_space<semaphore_mem>>) src(%dma_wait3A_346 : memref<20480x64xf32, #tpu.memory_space<hbm>>) dst(%dma_wait3A_340 : memref<128x64xf32, #tpu.memory_space<vmem>>)
        %dma_start3A_347 = arith.constant 1 : i32
        %dma_start3A_348 = arith.constant 0 : i32
        %dma_start3A_349 = arith.constant 0 : i32
        %dma_start3A_350 = tpu.memref_slice %arg10[%dma_start3A_347, %dma_start3A_348, %dma_start3A_349] : memref<6x128x64xf32, #tpu.memory_space<vmem>> -> memref<1x128x64xf32, #tpu.memory_space<vmem>>
        %dma_start3A_351 = tpu.memref_squeeze %dma_start3A_350 : memref<1x128x64xf32, #tpu.memory_space<vmem>> -> memref<128x64xf32, #tpu.memory_space<vmem>>
        %dma_start3A_352 = arith.constant 0 : i32
        %dma_start3A_353 = tpu.memref_slice %arg9[%add3A_294, %dma_start3A_352] : memref<79x128xi32, #tpu.memory_space<vmem>> -> memref<1x128xi32, #tpu.memory_space<vmem>>
        %dma_start3A_354 = tpu.memref_squeeze %dma_start3A_353 : memref<1x128xi32, #tpu.memory_space<vmem>> -> memref<128xi32, #tpu.memory_space<vmem>>
        %dma_start3A_355 = arith.constant 0 : i32
        %dma_start3A_356 = arith.constant 0 : i32
        %dma_start3A_357 = tpu.memref_slice %arg12[%dma_start3A_355, %dma_start3A_356] : memref<10240x64xf32, #tpu.memory_space<vmem_shared>> -> memref<10240x64xf32, #tpu.memory_space<vmem_shared>>
        tpu.enqueue_indirect_dma source(%dma_start3A_351 : memref<128x64xf32, #tpu.memory_space<vmem>>) target(%dma_start3A_357 : memref<10240x64xf32, #tpu.memory_space<vmem_shared>>) offsets(%dma_start3A_354 : memref<128xi32, #tpu.memory_space<vmem>>) semaphore(%arg20 : memref<!tpu.dma_semaphore, #tpu.memory_space<semaphore_mem>>) {add = true}
        %add3A_358 = arith.constant 3 : i32
        %add3A_359 = arith.addi %add3A_294, %add3A_358 : i32
        %lt3A_360 = arith.constant 79 : i32
        %lt3A_361 = arith.cmpi slt, %add3A_359, %lt3A_360 : i32
        %convert_element_type3A_362 = arith.extui %lt3A_361 : i1 to i32
        %cond3A_363 = arith.constant 0 : i32
        %cond3A_364 = arith.cmpi ne, %convert_element_type3A_362, %cond3A_363 : i32
        scf.if %cond3A_364 {
          %ge3A = arith.constant 6 : i32
          %ge3A_365 = arith.cmpi sge, %add3A_359, %ge3A : i32
          %convert_element_type3A_366 = arith.extui %ge3A_365 : i1 to i32
          %cond3A_367 = arith.constant 0 : i32
          %cond3A_368 = arith.cmpi ne, %convert_element_type3A_366, %cond3A_367 : i32
          scf.if %cond3A_368 {
            %dma_wait3A_380 = arith.constant 4 : i32
            %dma_wait3A_381 = arith.constant 0 : i32
            %dma_wait3A_382 = arith.constant 0 : i32
            %dma_wait3A_383 = tpu.memref_slice %arg10[%dma_wait3A_380, %dma_wait3A_381, %dma_wait3A_382] : memref<6x128x64xf32, #tpu.memory_space<vmem>> -> memref<1x128x64xf32, #tpu.memory_space<vmem>>
            %dma_wait3A_384 = tpu.memref_squeeze %dma_wait3A_383 : memref<1x128x64xf32, #tpu.memory_space<vmem>> -> memref<128x64xf32, #tpu.memory_space<vmem>>
            %dma_wait3A_385 = arith.constant 0 : i32
            %dma_wait3A_386 = tpu.memref_slice %arg9[%add3A_359, %dma_wait3A_385] : memref<79x128xi32, #tpu.memory_space<vmem>> -> memref<1x128xi32, #tpu.memory_space<vmem>>
            %dma_wait3A_387 = tpu.memref_squeeze %dma_wait3A_386 : memref<1x128xi32, #tpu.memory_space<vmem>> -> memref<128xi32, #tpu.memory_space<vmem>>
            %dma_wait3A_388 = arith.constant 0 : i32
            %dma_wait3A_389 = arith.constant 0 : i32
            %dma_wait3A_390 = tpu.memref_slice %arg12[%dma_wait3A_388, %dma_wait3A_389] : memref<10240x64xf32, #tpu.memory_space<vmem_shared>> -> memref<10240x64xf32, #tpu.memory_space<vmem_shared>>
            tpu.wait_indirect_dma semaphore(%arg23 : memref<!tpu.dma_semaphore, #tpu.memory_space<semaphore_mem>>) src(%dma_wait3A_384 : memref<128x64xf32, #tpu.memory_space<vmem>>) dst(%dma_wait3A_390 : memref<10240x64xf32, #tpu.memory_space<vmem_shared>>)
          } else {
          }
          %dma_start3A_369 = arith.constant 4 : i32
          %dma_start3A_370 = arith.constant 0 : i32
          %dma_start3A_371 = arith.constant 0 : i32
          %dma_start3A_372 = tpu.memref_slice %arg10[%dma_start3A_369, %dma_start3A_370, %dma_start3A_371] : memref<6x128x64xf32, #tpu.memory_space<vmem>> -> memref<1x128x64xf32, #tpu.memory_space<vmem>>
          %dma_start3A_373 = tpu.memref_squeeze %dma_start3A_372 : memref<1x128x64xf32, #tpu.memory_space<vmem>> -> memref<128x64xf32, #tpu.memory_space<vmem>>
          %dma_start3A_374 = arith.constant 0 : i32
          %dma_start3A_375 = tpu.memref_slice %arg7[%add3A_359, %dma_start3A_374] : memref<79x128xi32, #tpu.memory_space<vmem>> -> memref<1x128xi32, #tpu.memory_space<vmem>>
          %dma_start3A_376 = tpu.memref_squeeze %dma_start3A_375 : memref<1x128xi32, #tpu.memory_space<vmem>> -> memref<128xi32, #tpu.memory_space<vmem>>
          %dma_start3A_377 = arith.constant 0 : i32
          %dma_start3A_378 = arith.constant 0 : i32
          %dma_start3A_379 = tpu.memref_slice %arg2[%dma_start3A_377, %dma_start3A_378] : memref<20480x64xf32, #tpu.memory_space<hbm>> -> memref<20480x64xf32, #tpu.memory_space<hbm>>
          tpu.enqueue_indirect_dma source(%dma_start3A_379 : memref<20480x64xf32, #tpu.memory_space<hbm>>) target(%dma_start3A_373 : memref<128x64xf32, #tpu.memory_space<vmem>>) offsets(%dma_start3A_376 : memref<128xi32, #tpu.memory_space<vmem>>) semaphore(%arg17 : memref<!tpu.dma_semaphore, #tpu.memory_space<semaphore_mem>>)
        } else {
        }
      } else {
      }
      %mul3A_300 = arith.constant 6 : i32
      %mul3A_301 = arith.muli %scan3A_284, %mul3A_300 : i32
      %add3A_302 = arith.constant 2 : i32
      %add3A_303 = arith.addi %mul3A_301, %add3A_302 : i32
      %lt3A_304 = arith.constant 79 : i32
      %lt3A_305 = arith.cmpi slt, %add3A_303, %lt3A_304 : i32
      %convert_element_type3A_306 = arith.extui %lt3A_305 : i1 to i32
      %cond3A_307 = arith.constant 0 : i32
      %cond3A_308 = arith.cmpi ne, %convert_element_type3A_306, %cond3A_307 : i32
      scf.if %cond3A_308 {
        %dma_wait3A_336 = arith.constant 2 : i32
        %dma_wait3A_337 = arith.constant 0 : i32
        %dma_wait3A_338 = arith.constant 0 : i32
        %dma_wait3A_339 = tpu.memref_slice %arg10[%dma_wait3A_336, %dma_wait3A_337, %dma_wait3A_338] : memref<6x128x64xf32, #tpu.memory_space<vmem>> -> memref<1x128x64xf32, #tpu.memory_space<vmem>>
        %dma_wait3A_340 = tpu.memref_squeeze %dma_wait3A_339 : memref<1x128x64xf32, #tpu.memory_space<vmem>> -> memref<128x64xf32, #tpu.memory_space<vmem>>
        %dma_wait3A_341 = arith.constant 0 : i32
        %dma_wait3A_342 = tpu.memref_slice %arg7[%add3A_303, %dma_wait3A_341] : memref<79x128xi32, #tpu.memory_space<vmem>> -> memref<1x128xi32, #tpu.memory_space<vmem>>
        %dma_wait3A_343 = tpu.memref_squeeze %dma_wait3A_342 : memref<1x128xi32, #tpu.memory_space<vmem>> -> memref<128xi32, #tpu.memory_space<vmem>>
        %dma_wait3A_344 = arith.constant 0 : i32
        %dma_wait3A_345 = arith.constant 0 : i32
        %dma_wait3A_346 = tpu.memref_slice %arg2[%dma_wait3A_344, %dma_wait3A_345] : memref<20480x64xf32, #tpu.memory_space<hbm>> -> memref<20480x64xf32, #tpu.memory_space<hbm>>
        tpu.wait_indirect_dma semaphore(%arg15 : memref<!tpu.dma_semaphore, #tpu.memory_space<semaphore_mem>>) src(%dma_wait3A_346 : memref<20480x64xf32, #tpu.memory_space<hbm>>) dst(%dma_wait3A_340 : memref<128x64xf32, #tpu.memory_space<vmem>>)
        %dma_start3A_347 = arith.constant 2 : i32
        %dma_start3A_348 = arith.constant 0 : i32
        %dma_start3A_349 = arith.constant 0 : i32
        %dma_start3A_350 = tpu.memref_slice %arg10[%dma_start3A_347, %dma_start3A_348, %dma_start3A_349] : memref<6x128x64xf32, #tpu.memory_space<vmem>> -> memref<1x128x64xf32, #tpu.memory_space<vmem>>
        %dma_start3A_351 = tpu.memref_squeeze %dma_start3A_350 : memref<1x128x64xf32, #tpu.memory_space<vmem>> -> memref<128x64xf32, #tpu.memory_space<vmem>>
        %dma_start3A_352 = arith.constant 0 : i32
        %dma_start3A_353 = tpu.memref_slice %arg9[%add3A_303, %dma_start3A_352] : memref<79x128xi32, #tpu.memory_space<vmem>> -> memref<1x128xi32, #tpu.memory_space<vmem>>
        %dma_start3A_354 = tpu.memref_squeeze %dma_start3A_353 : memref<1x128xi32, #tpu.memory_space<vmem>> -> memref<128xi32, #tpu.memory_space<vmem>>
        %dma_start3A_355 = arith.constant 0 : i32
        %dma_start3A_356 = arith.constant 0 : i32
        %dma_start3A_357 = tpu.memref_slice %arg12[%dma_start3A_355, %dma_start3A_356] : memref<10240x64xf32, #tpu.memory_space<vmem_shared>> -> memref<10240x64xf32, #tpu.memory_space<vmem_shared>>
        tpu.enqueue_indirect_dma source(%dma_start3A_351 : memref<128x64xf32, #tpu.memory_space<vmem>>) target(%dma_start3A_357 : memref<10240x64xf32, #tpu.memory_space<vmem_shared>>) offsets(%dma_start3A_354 : memref<128xi32, #tpu.memory_space<vmem>>) semaphore(%arg21 : memref<!tpu.dma_semaphore, #tpu.memory_space<semaphore_mem>>) {add = true}
        %add3A_358 = arith.constant 3 : i32
        %add3A_359 = arith.addi %add3A_303, %add3A_358 : i32
        %lt3A_360 = arith.constant 79 : i32
        %lt3A_361 = arith.cmpi slt, %add3A_359, %lt3A_360 : i32
        %convert_element_type3A_362 = arith.extui %lt3A_361 : i1 to i32
        %cond3A_363 = arith.constant 0 : i32
        %cond3A_364 = arith.cmpi ne, %convert_element_type3A_362, %cond3A_363 : i32
        scf.if %cond3A_364 {
          %ge3A = arith.constant 6 : i32
          %ge3A_365 = arith.cmpi sge, %add3A_359, %ge3A : i32
          %convert_element_type3A_366 = arith.extui %ge3A_365 : i1 to i32
          %cond3A_367 = arith.constant 0 : i32
          %cond3A_368 = arith.cmpi ne, %convert_element_type3A_366, %cond3A_367 : i32
          scf.if %cond3A_368 {
            %dma_wait3A_380 = arith.constant 5 : i32
            %dma_wait3A_381 = arith.constant 0 : i32
            %dma_wait3A_382 = arith.constant 0 : i32
            %dma_wait3A_383 = tpu.memref_slice %arg10[%dma_wait3A_380, %dma_wait3A_381, %dma_wait3A_382] : memref<6x128x64xf32, #tpu.memory_space<vmem>> -> memref<1x128x64xf32, #tpu.memory_space<vmem>>
            %dma_wait3A_384 = tpu.memref_squeeze %dma_wait3A_383 : memref<1x128x64xf32, #tpu.memory_space<vmem>> -> memref<128x64xf32, #tpu.memory_space<vmem>>
            %dma_wait3A_385 = arith.constant 0 : i32
            %dma_wait3A_386 = tpu.memref_slice %arg9[%add3A_359, %dma_wait3A_385] : memref<79x128xi32, #tpu.memory_space<vmem>> -> memref<1x128xi32, #tpu.memory_space<vmem>>
            %dma_wait3A_387 = tpu.memref_squeeze %dma_wait3A_386 : memref<1x128xi32, #tpu.memory_space<vmem>> -> memref<128xi32, #tpu.memory_space<vmem>>
            %dma_wait3A_388 = arith.constant 0 : i32
            %dma_wait3A_389 = arith.constant 0 : i32
            %dma_wait3A_390 = tpu.memref_slice %arg12[%dma_wait3A_388, %dma_wait3A_389] : memref<10240x64xf32, #tpu.memory_space<vmem_shared>> -> memref<10240x64xf32, #tpu.memory_space<vmem_shared>>
            tpu.wait_indirect_dma semaphore(%arg24 : memref<!tpu.dma_semaphore, #tpu.memory_space<semaphore_mem>>) src(%dma_wait3A_384 : memref<128x64xf32, #tpu.memory_space<vmem>>) dst(%dma_wait3A_390 : memref<10240x64xf32, #tpu.memory_space<vmem_shared>>)
          } else {
          }
          %dma_start3A_369 = arith.constant 5 : i32
          %dma_start3A_370 = arith.constant 0 : i32
          %dma_start3A_371 = arith.constant 0 : i32
          %dma_start3A_372 = tpu.memref_slice %arg10[%dma_start3A_369, %dma_start3A_370, %dma_start3A_371] : memref<6x128x64xf32, #tpu.memory_space<vmem>> -> memref<1x128x64xf32, #tpu.memory_space<vmem>>
          %dma_start3A_373 = tpu.memref_squeeze %dma_start3A_372 : memref<1x128x64xf32, #tpu.memory_space<vmem>> -> memref<128x64xf32, #tpu.memory_space<vmem>>
          %dma_start3A_374 = arith.constant 0 : i32
          %dma_start3A_375 = tpu.memref_slice %arg7[%add3A_359, %dma_start3A_374] : memref<79x128xi32, #tpu.memory_space<vmem>> -> memref<1x128xi32, #tpu.memory_space<vmem>>
          %dma_start3A_376 = tpu.memref_squeeze %dma_start3A_375 : memref<1x128xi32, #tpu.memory_space<vmem>> -> memref<128xi32, #tpu.memory_space<vmem>>
          %dma_start3A_377 = arith.constant 0 : i32
          %dma_start3A_378 = arith.constant 0 : i32
          %dma_start3A_379 = tpu.memref_slice %arg2[%dma_start3A_377, %dma_start3A_378] : memref<20480x64xf32, #tpu.memory_space<hbm>> -> memref<20480x64xf32, #tpu.memory_space<hbm>>
          tpu.enqueue_indirect_dma source(%dma_start3A_379 : memref<20480x64xf32, #tpu.memory_space<hbm>>) target(%dma_start3A_373 : memref<128x64xf32, #tpu.memory_space<vmem>>) offsets(%dma_start3A_376 : memref<128xi32, #tpu.memory_space<vmem>>) semaphore(%arg18 : memref<!tpu.dma_semaphore, #tpu.memory_space<semaphore_mem>>)
        } else {
        }
      } else {
      }
      %mul3A_309 = arith.constant 6 : i32
      %mul3A_310 = arith.muli %scan3A_284, %mul3A_309 : i32
      %add3A_311 = arith.constant 3 : i32
      %add3A_312 = arith.addi %mul3A_310, %add3A_311 : i32
      %lt3A_313 = arith.constant 79 : i32
      %lt3A_314 = arith.cmpi slt, %add3A_312, %lt3A_313 : i32
      %convert_element_type3A_315 = arith.extui %lt3A_314 : i1 to i32
      %cond3A_316 = arith.constant 0 : i32
      %cond3A_317 = arith.cmpi ne, %convert_element_type3A_315, %cond3A_316 : i32
      scf.if %cond3A_317 {
        %dma_wait3A_336 = arith.constant 3 : i32
        %dma_wait3A_337 = arith.constant 0 : i32
        %dma_wait3A_338 = arith.constant 0 : i32
        %dma_wait3A_339 = tpu.memref_slice %arg10[%dma_wait3A_336, %dma_wait3A_337, %dma_wait3A_338] : memref<6x128x64xf32, #tpu.memory_space<vmem>> -> memref<1x128x64xf32, #tpu.memory_space<vmem>>
        %dma_wait3A_340 = tpu.memref_squeeze %dma_wait3A_339 : memref<1x128x64xf32, #tpu.memory_space<vmem>> -> memref<128x64xf32, #tpu.memory_space<vmem>>
        %dma_wait3A_341 = arith.constant 0 : i32
        %dma_wait3A_342 = tpu.memref_slice %arg7[%add3A_312, %dma_wait3A_341] : memref<79x128xi32, #tpu.memory_space<vmem>> -> memref<1x128xi32, #tpu.memory_space<vmem>>
        %dma_wait3A_343 = tpu.memref_squeeze %dma_wait3A_342 : memref<1x128xi32, #tpu.memory_space<vmem>> -> memref<128xi32, #tpu.memory_space<vmem>>
        %dma_wait3A_344 = arith.constant 0 : i32
        %dma_wait3A_345 = arith.constant 0 : i32
        %dma_wait3A_346 = tpu.memref_slice %arg2[%dma_wait3A_344, %dma_wait3A_345] : memref<20480x64xf32, #tpu.memory_space<hbm>> -> memref<20480x64xf32, #tpu.memory_space<hbm>>
        tpu.wait_indirect_dma semaphore(%arg16 : memref<!tpu.dma_semaphore, #tpu.memory_space<semaphore_mem>>) src(%dma_wait3A_346 : memref<20480x64xf32, #tpu.memory_space<hbm>>) dst(%dma_wait3A_340 : memref<128x64xf32, #tpu.memory_space<vmem>>)
        %dma_start3A_347 = arith.constant 3 : i32
        %dma_start3A_348 = arith.constant 0 : i32
        %dma_start3A_349 = arith.constant 0 : i32
        %dma_start3A_350 = tpu.memref_slice %arg10[%dma_start3A_347, %dma_start3A_348, %dma_start3A_349] : memref<6x128x64xf32, #tpu.memory_space<vmem>> -> memref<1x128x64xf32, #tpu.memory_space<vmem>>
        %dma_start3A_351 = tpu.memref_squeeze %dma_start3A_350 : memref<1x128x64xf32, #tpu.memory_space<vmem>> -> memref<128x64xf32, #tpu.memory_space<vmem>>
        %dma_start3A_352 = arith.constant 0 : i32
        %dma_start3A_353 = tpu.memref_slice %arg9[%add3A_312, %dma_start3A_352] : memref<79x128xi32, #tpu.memory_space<vmem>> -> memref<1x128xi32, #tpu.memory_space<vmem>>
        %dma_start3A_354 = tpu.memref_squeeze %dma_start3A_353 : memref<1x128xi32, #tpu.memory_space<vmem>> -> memref<128xi32, #tpu.memory_space<vmem>>
        %dma_start3A_355 = arith.constant 0 : i32
        %dma_start3A_356 = arith.constant 0 : i32
        %dma_start3A_357 = tpu.memref_slice %arg12[%dma_start3A_355, %dma_start3A_356] : memref<10240x64xf32, #tpu.memory_space<vmem_shared>> -> memref<10240x64xf32, #tpu.memory_space<vmem_shared>>
        tpu.enqueue_indirect_dma source(%dma_start3A_351 : memref<128x64xf32, #tpu.memory_space<vmem>>) target(%dma_start3A_357 : memref<10240x64xf32, #tpu.memory_space<vmem_shared>>) offsets(%dma_start3A_354 : memref<128xi32, #tpu.memory_space<vmem>>) semaphore(%arg22 : memref<!tpu.dma_semaphore, #tpu.memory_space<semaphore_mem>>) {add = true}
        %add3A_358 = arith.constant 3 : i32
        %add3A_359 = arith.addi %add3A_312, %add3A_358 : i32
        %lt3A_360 = arith.constant 79 : i32
        %lt3A_361 = arith.cmpi slt, %add3A_359, %lt3A_360 : i32
        %convert_element_type3A_362 = arith.extui %lt3A_361 : i1 to i32
        %cond3A_363 = arith.constant 0 : i32
        %cond3A_364 = arith.cmpi ne, %convert_element_type3A_362, %cond3A_363 : i32
        scf.if %cond3A_364 {
          %ge3A = arith.constant 6 : i32
          %ge3A_365 = arith.cmpi sge, %add3A_359, %ge3A : i32
          %convert_element_type3A_366 = arith.extui %ge3A_365 : i1 to i32
          %cond3A_367 = arith.constant 0 : i32
          %cond3A_368 = arith.cmpi ne, %convert_element_type3A_366, %cond3A_367 : i32
          scf.if %cond3A_368 {
            %dma_wait3A_380 = arith.constant 0 : i32
            %dma_wait3A_381 = arith.constant 0 : i32
            %dma_wait3A_382 = arith.constant 0 : i32
            %dma_wait3A_383 = tpu.memref_slice %arg10[%dma_wait3A_380, %dma_wait3A_381, %dma_wait3A_382] : memref<6x128x64xf32, #tpu.memory_space<vmem>> -> memref<1x128x64xf32, #tpu.memory_space<vmem>>
            %dma_wait3A_384 = tpu.memref_squeeze %dma_wait3A_383 : memref<1x128x64xf32, #tpu.memory_space<vmem>> -> memref<128x64xf32, #tpu.memory_space<vmem>>
            %dma_wait3A_385 = arith.constant 0 : i32
            %dma_wait3A_386 = tpu.memref_slice %arg9[%add3A_359, %dma_wait3A_385] : memref<79x128xi32, #tpu.memory_space<vmem>> -> memref<1x128xi32, #tpu.memory_space<vmem>>
            %dma_wait3A_387 = tpu.memref_squeeze %dma_wait3A_386 : memref<1x128xi32, #tpu.memory_space<vmem>> -> memref<128xi32, #tpu.memory_space<vmem>>
            %dma_wait3A_388 = arith.constant 0 : i32
            %dma_wait3A_389 = arith.constant 0 : i32
            %dma_wait3A_390 = tpu.memref_slice %arg12[%dma_wait3A_388, %dma_wait3A_389] : memref<10240x64xf32, #tpu.memory_space<vmem_shared>> -> memref<10240x64xf32, #tpu.memory_space<vmem_shared>>
            tpu.wait_indirect_dma semaphore(%arg19 : memref<!tpu.dma_semaphore, #tpu.memory_space<semaphore_mem>>) src(%dma_wait3A_384 : memref<128x64xf32, #tpu.memory_space<vmem>>) dst(%dma_wait3A_390 : memref<10240x64xf32, #tpu.memory_space<vmem_shared>>)
          } else {
          }
          %dma_start3A_369 = arith.constant 0 : i32
          %dma_start3A_370 = arith.constant 0 : i32
          %dma_start3A_371 = arith.constant 0 : i32
          %dma_start3A_372 = tpu.memref_slice %arg10[%dma_start3A_369, %dma_start3A_370, %dma_start3A_371] : memref<6x128x64xf32, #tpu.memory_space<vmem>> -> memref<1x128x64xf32, #tpu.memory_space<vmem>>
          %dma_start3A_373 = tpu.memref_squeeze %dma_start3A_372 : memref<1x128x64xf32, #tpu.memory_space<vmem>> -> memref<128x64xf32, #tpu.memory_space<vmem>>
          %dma_start3A_374 = arith.constant 0 : i32
          %dma_start3A_375 = tpu.memref_slice %arg7[%add3A_359, %dma_start3A_374] : memref<79x128xi32, #tpu.memory_space<vmem>> -> memref<1x128xi32, #tpu.memory_space<vmem>>
          %dma_start3A_376 = tpu.memref_squeeze %dma_start3A_375 : memref<1x128xi32, #tpu.memory_space<vmem>> -> memref<128xi32, #tpu.memory_space<vmem>>
          %dma_start3A_377 = arith.constant 0 : i32
          %dma_start3A_378 = arith.constant 0 : i32
          %dma_start3A_379 = tpu.memref_slice %arg2[%dma_start3A_377, %dma_start3A_378] : memref<20480x64xf32, #tpu.memory_space<hbm>> -> memref<20480x64xf32, #tpu.memory_space<hbm>>
          tpu.enqueue_indirect_dma source(%dma_start3A_379 : memref<20480x64xf32, #tpu.memory_space<hbm>>) target(%dma_start3A_373 : memref<128x64xf32, #tpu.memory_space<vmem>>) offsets(%dma_start3A_376 : memref<128xi32, #tpu.memory_space<vmem>>) semaphore(%arg13 : memref<!tpu.dma_semaphore, #tpu.memory_space<semaphore_mem>>)
        } else {
        }
      } else {
      }
      %mul3A_318 = arith.constant 6 : i32
      %mul3A_319 = arith.muli %scan3A_284, %mul3A_318 : i32
      %add3A_320 = arith.constant 4 : i32
      %add3A_321 = arith.addi %mul3A_319, %add3A_320 : i32
      %lt3A_322 = arith.constant 79 : i32
      %lt3A_323 = arith.cmpi slt, %add3A_321, %lt3A_322 : i32
      %convert_element_type3A_324 = arith.extui %lt3A_323 : i1 to i32
      %cond3A_325 = arith.constant 0 : i32
      %cond3A_326 = arith.cmpi ne, %convert_element_type3A_324, %cond3A_325 : i32
      scf.if %cond3A_326 {
        %dma_wait3A_336 = arith.constant 4 : i32
        %dma_wait3A_337 = arith.constant 0 : i32
        %dma_wait3A_338 = arith.constant 0 : i32
        %dma_wait3A_339 = tpu.memref_slice %arg10[%dma_wait3A_336, %dma_wait3A_337, %dma_wait3A_338] : memref<6x128x64xf32, #tpu.memory_space<vmem>> -> memref<1x128x64xf32, #tpu.memory_space<vmem>>
        %dma_wait3A_340 = tpu.memref_squeeze %dma_wait3A_339 : memref<1x128x64xf32, #tpu.memory_space<vmem>> -> memref<128x64xf32, #tpu.memory_space<vmem>>
        %dma_wait3A_341 = arith.constant 0 : i32
        %dma_wait3A_342 = tpu.memref_slice %arg7[%add3A_321, %dma_wait3A_341] : memref<79x128xi32, #tpu.memory_space<vmem>> -> memref<1x128xi32, #tpu.memory_space<vmem>>
        %dma_wait3A_343 = tpu.memref_squeeze %dma_wait3A_342 : memref<1x128xi32, #tpu.memory_space<vmem>> -> memref<128xi32, #tpu.memory_space<vmem>>
        %dma_wait3A_344 = arith.constant 0 : i32
        %dma_wait3A_345 = arith.constant 0 : i32
        %dma_wait3A_346 = tpu.memref_slice %arg2[%dma_wait3A_344, %dma_wait3A_345] : memref<20480x64xf32, #tpu.memory_space<hbm>> -> memref<20480x64xf32, #tpu.memory_space<hbm>>
        tpu.wait_indirect_dma semaphore(%arg17 : memref<!tpu.dma_semaphore, #tpu.memory_space<semaphore_mem>>) src(%dma_wait3A_346 : memref<20480x64xf32, #tpu.memory_space<hbm>>) dst(%dma_wait3A_340 : memref<128x64xf32, #tpu.memory_space<vmem>>)
        %dma_start3A_347 = arith.constant 4 : i32
        %dma_start3A_348 = arith.constant 0 : i32
        %dma_start3A_349 = arith.constant 0 : i32
        %dma_start3A_350 = tpu.memref_slice %arg10[%dma_start3A_347, %dma_start3A_348, %dma_start3A_349] : memref<6x128x64xf32, #tpu.memory_space<vmem>> -> memref<1x128x64xf32, #tpu.memory_space<vmem>>
        %dma_start3A_351 = tpu.memref_squeeze %dma_start3A_350 : memref<1x128x64xf32, #tpu.memory_space<vmem>> -> memref<128x64xf32, #tpu.memory_space<vmem>>
        %dma_start3A_352 = arith.constant 0 : i32
        %dma_start3A_353 = tpu.memref_slice %arg9[%add3A_321, %dma_start3A_352] : memref<79x128xi32, #tpu.memory_space<vmem>> -> memref<1x128xi32, #tpu.memory_space<vmem>>
        %dma_start3A_354 = tpu.memref_squeeze %dma_start3A_353 : memref<1x128xi32, #tpu.memory_space<vmem>> -> memref<128xi32, #tpu.memory_space<vmem>>
        %dma_start3A_355 = arith.constant 0 : i32
        %dma_start3A_356 = arith.constant 0 : i32
        %dma_start3A_357 = tpu.memref_slice %arg12[%dma_start3A_355, %dma_start3A_356] : memref<10240x64xf32, #tpu.memory_space<vmem_shared>> -> memref<10240x64xf32, #tpu.memory_space<vmem_shared>>
        tpu.enqueue_indirect_dma source(%dma_start3A_351 : memref<128x64xf32, #tpu.memory_space<vmem>>) target(%dma_start3A_357 : memref<10240x64xf32, #tpu.memory_space<vmem_shared>>) offsets(%dma_start3A_354 : memref<128xi32, #tpu.memory_space<vmem>>) semaphore(%arg23 : memref<!tpu.dma_semaphore, #tpu.memory_space<semaphore_mem>>) {add = true}
        %add3A_358 = arith.constant 3 : i32
        %add3A_359 = arith.addi %add3A_321, %add3A_358 : i32
        %lt3A_360 = arith.constant 79 : i32
        %lt3A_361 = arith.cmpi slt, %add3A_359, %lt3A_360 : i32
        %convert_element_type3A_362 = arith.extui %lt3A_361 : i1 to i32
        %cond3A_363 = arith.constant 0 : i32
        %cond3A_364 = arith.cmpi ne, %convert_element_type3A_362, %cond3A_363 : i32
        scf.if %cond3A_364 {
          %ge3A = arith.constant 6 : i32
          %ge3A_365 = arith.cmpi sge, %add3A_359, %ge3A : i32
          %convert_element_type3A_366 = arith.extui %ge3A_365 : i1 to i32
          %cond3A_367 = arith.constant 0 : i32
          %cond3A_368 = arith.cmpi ne, %convert_element_type3A_366, %cond3A_367 : i32
          scf.if %cond3A_368 {
            %dma_wait3A_380 = arith.constant 1 : i32
            %dma_wait3A_381 = arith.constant 0 : i32
            %dma_wait3A_382 = arith.constant 0 : i32
            %dma_wait3A_383 = tpu.memref_slice %arg10[%dma_wait3A_380, %dma_wait3A_381, %dma_wait3A_382] : memref<6x128x64xf32, #tpu.memory_space<vmem>> -> memref<1x128x64xf32, #tpu.memory_space<vmem>>
            %dma_wait3A_384 = tpu.memref_squeeze %dma_wait3A_383 : memref<1x128x64xf32, #tpu.memory_space<vmem>> -> memref<128x64xf32, #tpu.memory_space<vmem>>
            %dma_wait3A_385 = arith.constant 0 : i32
            %dma_wait3A_386 = tpu.memref_slice %arg9[%add3A_359, %dma_wait3A_385] : memref<79x128xi32, #tpu.memory_space<vmem>> -> memref<1x128xi32, #tpu.memory_space<vmem>>
            %dma_wait3A_387 = tpu.memref_squeeze %dma_wait3A_386 : memref<1x128xi32, #tpu.memory_space<vmem>> -> memref<128xi32, #tpu.memory_space<vmem>>
            %dma_wait3A_388 = arith.constant 0 : i32
            %dma_wait3A_389 = arith.constant 0 : i32
            %dma_wait3A_390 = tpu.memref_slice %arg12[%dma_wait3A_388, %dma_wait3A_389] : memref<10240x64xf32, #tpu.memory_space<vmem_shared>> -> memref<10240x64xf32, #tpu.memory_space<vmem_shared>>
            tpu.wait_indirect_dma semaphore(%arg20 : memref<!tpu.dma_semaphore, #tpu.memory_space<semaphore_mem>>) src(%dma_wait3A_384 : memref<128x64xf32, #tpu.memory_space<vmem>>) dst(%dma_wait3A_390 : memref<10240x64xf32, #tpu.memory_space<vmem_shared>>)
          } else {
          }
          %dma_start3A_369 = arith.constant 1 : i32
          %dma_start3A_370 = arith.constant 0 : i32
          %dma_start3A_371 = arith.constant 0 : i32
          %dma_start3A_372 = tpu.memref_slice %arg10[%dma_start3A_369, %dma_start3A_370, %dma_start3A_371] : memref<6x128x64xf32, #tpu.memory_space<vmem>> -> memref<1x128x64xf32, #tpu.memory_space<vmem>>
          %dma_start3A_373 = tpu.memref_squeeze %dma_start3A_372 : memref<1x128x64xf32, #tpu.memory_space<vmem>> -> memref<128x64xf32, #tpu.memory_space<vmem>>
          %dma_start3A_374 = arith.constant 0 : i32
          %dma_start3A_375 = tpu.memref_slice %arg7[%add3A_359, %dma_start3A_374] : memref<79x128xi32, #tpu.memory_space<vmem>> -> memref<1x128xi32, #tpu.memory_space<vmem>>
          %dma_start3A_376 = tpu.memref_squeeze %dma_start3A_375 : memref<1x128xi32, #tpu.memory_space<vmem>> -> memref<128xi32, #tpu.memory_space<vmem>>
          %dma_start3A_377 = arith.constant 0 : i32
          %dma_start3A_378 = arith.constant 0 : i32
          %dma_start3A_379 = tpu.memref_slice %arg2[%dma_start3A_377, %dma_start3A_378] : memref<20480x64xf32, #tpu.memory_space<hbm>> -> memref<20480x64xf32, #tpu.memory_space<hbm>>
          tpu.enqueue_indirect_dma source(%dma_start3A_379 : memref<20480x64xf32, #tpu.memory_space<hbm>>) target(%dma_start3A_373 : memref<128x64xf32, #tpu.memory_space<vmem>>) offsets(%dma_start3A_376 : memref<128xi32, #tpu.memory_space<vmem>>) semaphore(%arg14 : memref<!tpu.dma_semaphore, #tpu.memory_space<semaphore_mem>>)
        } else {
        }
      } else {
      }
      %mul3A_327 = arith.constant 6 : i32
      %mul3A_328 = arith.muli %scan3A_284, %mul3A_327 : i32
      %add3A_329 = arith.constant 5 : i32
      %add3A_330 = arith.addi %mul3A_328, %add3A_329 : i32
      %lt3A_331 = arith.constant 79 : i32
      %lt3A_332 = arith.cmpi slt, %add3A_330, %lt3A_331 : i32
      %convert_element_type3A_333 = arith.extui %lt3A_332 : i1 to i32
      %cond3A_334 = arith.constant 0 : i32
      %cond3A_335 = arith.cmpi ne, %convert_element_type3A_333, %cond3A_334 : i32
      scf.if %cond3A_335 {
        %dma_wait3A_336 = arith.constant 5 : i32
        %dma_wait3A_337 = arith.constant 0 : i32
        %dma_wait3A_338 = arith.constant 0 : i32
        %dma_wait3A_339 = tpu.memref_slice %arg10[%dma_wait3A_336, %dma_wait3A_337, %dma_wait3A_338] : memref<6x128x64xf32, #tpu.memory_space<vmem>> -> memref<1x128x64xf32, #tpu.memory_space<vmem>>
        %dma_wait3A_340 = tpu.memref_squeeze %dma_wait3A_339 : memref<1x128x64xf32, #tpu.memory_space<vmem>> -> memref<128x64xf32, #tpu.memory_space<vmem>>
        %dma_wait3A_341 = arith.constant 0 : i32
        %dma_wait3A_342 = tpu.memref_slice %arg7[%add3A_330, %dma_wait3A_341] : memref<79x128xi32, #tpu.memory_space<vmem>> -> memref<1x128xi32, #tpu.memory_space<vmem>>
        %dma_wait3A_343 = tpu.memref_squeeze %dma_wait3A_342 : memref<1x128xi32, #tpu.memory_space<vmem>> -> memref<128xi32, #tpu.memory_space<vmem>>
        %dma_wait3A_344 = arith.constant 0 : i32
        %dma_wait3A_345 = arith.constant 0 : i32
        %dma_wait3A_346 = tpu.memref_slice %arg2[%dma_wait3A_344, %dma_wait3A_345] : memref<20480x64xf32, #tpu.memory_space<hbm>> -> memref<20480x64xf32, #tpu.memory_space<hbm>>
        tpu.wait_indirect_dma semaphore(%arg18 : memref<!tpu.dma_semaphore, #tpu.memory_space<semaphore_mem>>) src(%dma_wait3A_346 : memref<20480x64xf32, #tpu.memory_space<hbm>>) dst(%dma_wait3A_340 : memref<128x64xf32, #tpu.memory_space<vmem>>)
        %dma_start3A_347 = arith.constant 5 : i32
        %dma_start3A_348 = arith.constant 0 : i32
        %dma_start3A_349 = arith.constant 0 : i32
        %dma_start3A_350 = tpu.memref_slice %arg10[%dma_start3A_347, %dma_start3A_348, %dma_start3A_349] : memref<6x128x64xf32, #tpu.memory_space<vmem>> -> memref<1x128x64xf32, #tpu.memory_space<vmem>>
        %dma_start3A_351 = tpu.memref_squeeze %dma_start3A_350 : memref<1x128x64xf32, #tpu.memory_space<vmem>> -> memref<128x64xf32, #tpu.memory_space<vmem>>
        %dma_start3A_352 = arith.constant 0 : i32
        %dma_start3A_353 = tpu.memref_slice %arg9[%add3A_330, %dma_start3A_352] : memref<79x128xi32, #tpu.memory_space<vmem>> -> memref<1x128xi32, #tpu.memory_space<vmem>>
        %dma_start3A_354 = tpu.memref_squeeze %dma_start3A_353 : memref<1x128xi32, #tpu.memory_space<vmem>> -> memref<128xi32, #tpu.memory_space<vmem>>
        %dma_start3A_355 = arith.constant 0 : i32
        %dma_start3A_356 = arith.constant 0 : i32
        %dma_start3A_357 = tpu.memref_slice %arg12[%dma_start3A_355, %dma_start3A_356] : memref<10240x64xf32, #tpu.memory_space<vmem_shared>> -> memref<10240x64xf32, #tpu.memory_space<vmem_shared>>
        tpu.enqueue_indirect_dma source(%dma_start3A_351 : memref<128x64xf32, #tpu.memory_space<vmem>>) target(%dma_start3A_357 : memref<10240x64xf32, #tpu.memory_space<vmem_shared>>) offsets(%dma_start3A_354 : memref<128xi32, #tpu.memory_space<vmem>>) semaphore(%arg24 : memref<!tpu.dma_semaphore, #tpu.memory_space<semaphore_mem>>) {add = true}
        %add3A_358 = arith.constant 3 : i32
        %add3A_359 = arith.addi %add3A_330, %add3A_358 : i32
        %lt3A_360 = arith.constant 79 : i32
        %lt3A_361 = arith.cmpi slt, %add3A_359, %lt3A_360 : i32
        %convert_element_type3A_362 = arith.extui %lt3A_361 : i1 to i32
        %cond3A_363 = arith.constant 0 : i32
        %cond3A_364 = arith.cmpi ne, %convert_element_type3A_362, %cond3A_363 : i32
        scf.if %cond3A_364 {
          %ge3A = arith.constant 6 : i32
          %ge3A_365 = arith.cmpi sge, %add3A_359, %ge3A : i32
          %convert_element_type3A_366 = arith.extui %ge3A_365 : i1 to i32
          %cond3A_367 = arith.constant 0 : i32
          %cond3A_368 = arith.cmpi ne, %convert_element_type3A_366, %cond3A_367 : i32
          scf.if %cond3A_368 {
            %dma_wait3A_380 = arith.constant 2 : i32
            %dma_wait3A_381 = arith.constant 0 : i32
            %dma_wait3A_382 = arith.constant 0 : i32
            %dma_wait3A_383 = tpu.memref_slice %arg10[%dma_wait3A_380, %dma_wait3A_381, %dma_wait3A_382] : memref<6x128x64xf32, #tpu.memory_space<vmem>> -> memref<1x128x64xf32, #tpu.memory_space<vmem>>
            %dma_wait3A_384 = tpu.memref_squeeze %dma_wait3A_383 : memref<1x128x64xf32, #tpu.memory_space<vmem>> -> memref<128x64xf32, #tpu.memory_space<vmem>>
            %dma_wait3A_385 = arith.constant 0 : i32
            %dma_wait3A_386 = tpu.memref_slice %arg9[%add3A_359, %dma_wait3A_385] : memref<79x128xi32, #tpu.memory_space<vmem>> -> memref<1x128xi32, #tpu.memory_space<vmem>>
            %dma_wait3A_387 = tpu.memref_squeeze %dma_wait3A_386 : memref<1x128xi32, #tpu.memory_space<vmem>> -> memref<128xi32, #tpu.memory_space<vmem>>
            %dma_wait3A_388 = arith.constant 0 : i32
            %dma_wait3A_389 = arith.constant 0 : i32
            %dma_wait3A_390 = tpu.memref_slice %arg12[%dma_wait3A_388, %dma_wait3A_389] : memref<10240x64xf32, #tpu.memory_space<vmem_shared>> -> memref<10240x64xf32, #tpu.memory_space<vmem_shared>>
            tpu.wait_indirect_dma semaphore(%arg21 : memref<!tpu.dma_semaphore, #tpu.memory_space<semaphore_mem>>) src(%dma_wait3A_384 : memref<128x64xf32, #tpu.memory_space<vmem>>) dst(%dma_wait3A_390 : memref<10240x64xf32, #tpu.memory_space<vmem_shared>>)
          } else {
          }
          %dma_start3A_369 = arith.constant 2 : i32
          %dma_start3A_370 = arith.constant 0 : i32
          %dma_start3A_371 = arith.constant 0 : i32
          %dma_start3A_372 = tpu.memref_slice %arg10[%dma_start3A_369, %dma_start3A_370, %dma_start3A_371] : memref<6x128x64xf32, #tpu.memory_space<vmem>> -> memref<1x128x64xf32, #tpu.memory_space<vmem>>
          %dma_start3A_373 = tpu.memref_squeeze %dma_start3A_372 : memref<1x128x64xf32, #tpu.memory_space<vmem>> -> memref<128x64xf32, #tpu.memory_space<vmem>>
          %dma_start3A_374 = arith.constant 0 : i32
          %dma_start3A_375 = tpu.memref_slice %arg7[%add3A_359, %dma_start3A_374] : memref<79x128xi32, #tpu.memory_space<vmem>> -> memref<1x128xi32, #tpu.memory_space<vmem>>
          %dma_start3A_376 = tpu.memref_squeeze %dma_start3A_375 : memref<1x128xi32, #tpu.memory_space<vmem>> -> memref<128xi32, #tpu.memory_space<vmem>>
          %dma_start3A_377 = arith.constant 0 : i32
          %dma_start3A_378 = arith.constant 0 : i32
          %dma_start3A_379 = tpu.memref_slice %arg2[%dma_start3A_377, %dma_start3A_378] : memref<20480x64xf32, #tpu.memory_space<hbm>> -> memref<20480x64xf32, #tpu.memory_space<hbm>>
          tpu.enqueue_indirect_dma source(%dma_start3A_379 : memref<20480x64xf32, #tpu.memory_space<hbm>>) target(%dma_start3A_373 : memref<128x64xf32, #tpu.memory_space<vmem>>) offsets(%dma_start3A_376 : memref<128xi32, #tpu.memory_space<vmem>>) semaphore(%arg15 : memref<!tpu.dma_semaphore, #tpu.memory_space<semaphore_mem>>)
        } else {
        }
      } else {
      }
    }
    %scan3A_67 = arith.constant 14 : i32
    %dma_wait3A = arith.constant 1 : i32
    %dma_wait3A_68 = arith.constant 73 : i32
    %dma_wait3A_69 = arith.constant 0 : i32
    %dma_wait3A_70 = arith.constant 0 : i32
    %dma_wait3A_71 = tpu.memref_slice %arg10[%dma_wait3A, %dma_wait3A_69, %dma_wait3A_70] : memref<6x128x64xf32, #tpu.memory_space<vmem>> -> memref<1x128x64xf32, #tpu.memory_space<vmem>>
    %dma_wait3A_72 = tpu.memref_squeeze %dma_wait3A_71 : memref<1x128x64xf32, #tpu.memory_space<vmem>> -> memref<128x64xf32, #tpu.memory_space<vmem>>
    %dma_wait3A_73 = arith.constant 0 : i32
    %dma_wait3A_74 = tpu.memref_slice %arg9[%dma_wait3A_68, %dma_wait3A_73] : memref<79x128xi32, #tpu.memory_space<vmem>> -> memref<1x128xi32, #tpu.memory_space<vmem>>
    %dma_wait3A_75 = tpu.memref_squeeze %dma_wait3A_74 : memref<1x128xi32, #tpu.memory_space<vmem>> -> memref<128xi32, #tpu.memory_space<vmem>>
    %dma_wait3A_76 = arith.constant 0 : i32
    %dma_wait3A_77 = arith.constant 0 : i32
    %dma_wait3A_78 = tpu.memref_slice %arg12[%dma_wait3A_76, %dma_wait3A_77] : memref<10240x64xf32, #tpu.memory_space<vmem_shared>> -> memref<10240x64xf32, #tpu.memory_space<vmem_shared>>
    tpu.wait_indirect_dma semaphore(%arg20 : memref<!tpu.dma_semaphore, #tpu.memory_space<semaphore_mem>>) src(%dma_wait3A_72 : memref<128x64xf32, #tpu.memory_space<vmem>>) dst(%dma_wait3A_78 : memref<10240x64xf32, #tpu.memory_space<vmem_shared>>)
    %dma_wait3A_79 = arith.constant 2 : i32
    %dma_wait3A_80 = arith.constant 74 : i32
    %dma_wait3A_81 = arith.constant 0 : i32
    %dma_wait3A_82 = arith.constant 0 : i32
    %dma_wait3A_83 = tpu.memref_slice %arg10[%dma_wait3A_79, %dma_wait3A_81, %dma_wait3A_82] : memref<6x128x64xf32, #tpu.memory_space<vmem>> -> memref<1x128x64xf32, #tpu.memory_space<vmem>>
    %dma_wait3A_84 = tpu.memref_squeeze %dma_wait3A_83 : memref<1x128x64xf32, #tpu.memory_space<vmem>> -> memref<128x64xf32, #tpu.memory_space<vmem>>
    %dma_wait3A_85 = arith.constant 0 : i32
    %dma_wait3A_86 = tpu.memref_slice %arg9[%dma_wait3A_80, %dma_wait3A_85] : memref<79x128xi32, #tpu.memory_space<vmem>> -> memref<1x128xi32, #tpu.memory_space<vmem>>
    %dma_wait3A_87 = tpu.memref_squeeze %dma_wait3A_86 : memref<1x128xi32, #tpu.memory_space<vmem>> -> memref<128xi32, #tpu.memory_space<vmem>>
    %dma_wait3A_88 = arith.constant 0 : i32
    %dma_wait3A_89 = arith.constant 0 : i32
    %dma_wait3A_90 = tpu.memref_slice %arg12[%dma_wait3A_88, %dma_wait3A_89] : memref<10240x64xf32, #tpu.memory_space<vmem_shared>> -> memref<10240x64xf32, #tpu.memory_space<vmem_shared>>
    tpu.wait_indirect_dma semaphore(%arg21 : memref<!tpu.dma_semaphore, #tpu.memory_space<semaphore_mem>>) src(%dma_wait3A_84 : memref<128x64xf32, #tpu.memory_space<vmem>>) dst(%dma_wait3A_90 : memref<10240x64xf32, #tpu.memory_space<vmem_shared>>)
    %dma_wait3A_91 = arith.constant 3 : i32
    %dma_wait3A_92 = arith.constant 75 : i32
    %dma_wait3A_93 = arith.constant 0 : i32
    %dma_wait3A_94 = arith.constant 0 : i32
    %dma_wait3A_95 = tpu.memref_slice %arg10[%dma_wait3A_91, %dma_wait3A_93, %dma_wait3A_94] : memref<6x128x64xf32, #tpu.memory_space<vmem>> -> memref<1x128x64xf32, #tpu.memory_space<vmem>>
    %dma_wait3A_96 = tpu.memref_squeeze %dma_wait3A_95 : memref<1x128x64xf32, #tpu.memory_space<vmem>> -> memref<128x64xf32, #tpu.memory_space<vmem>>
    %dma_wait3A_97 = arith.constant 0 : i32
    %dma_wait3A_98 = tpu.memref_slice %arg9[%dma_wait3A_92, %dma_wait3A_97] : memref<79x128xi32, #tpu.memory_space<vmem>> -> memref<1x128xi32, #tpu.memory_space<vmem>>
    %dma_wait3A_99 = tpu.memref_squeeze %dma_wait3A_98 : memref<1x128xi32, #tpu.memory_space<vmem>> -> memref<128xi32, #tpu.memory_space<vmem>>
    %dma_wait3A_100 = arith.constant 0 : i32
    %dma_wait3A_101 = arith.constant 0 : i32
    %dma_wait3A_102 = tpu.memref_slice %arg12[%dma_wait3A_100, %dma_wait3A_101] : memref<10240x64xf32, #tpu.memory_space<vmem_shared>> -> memref<10240x64xf32, #tpu.memory_space<vmem_shared>>
    tpu.wait_indirect_dma semaphore(%arg22 : memref<!tpu.dma_semaphore, #tpu.memory_space<semaphore_mem>>) src(%dma_wait3A_96 : memref<128x64xf32, #tpu.memory_space<vmem>>) dst(%dma_wait3A_102 : memref<10240x64xf32, #tpu.memory_space<vmem_shared>>)
    %dma_wait3A_103 = arith.constant 4 : i32
    %dma_wait3A_104 = arith.constant 76 : i32
    %dma_wait3A_105 = arith.constant 0 : i32
    %dma_wait3A_106 = arith.constant 0 : i32
    %dma_wait3A_107 = tpu.memref_slice %arg10[%dma_wait3A_103, %dma_wait3A_105, %dma_wait3A_106] : memref<6x128x64xf32, #tpu.memory_space<vmem>> -> memref<1x128x64xf32, #tpu.memory_space<vmem>>
    %dma_wait3A_108 = tpu.memref_squeeze %dma_wait3A_107 : memref<1x128x64xf32, #tpu.memory_space<vmem>> -> memref<128x64xf32, #tpu.memory_space<vmem>>
    %dma_wait3A_109 = arith.constant 0 : i32
    %dma_wait3A_110 = tpu.memref_slice %arg9[%dma_wait3A_104, %dma_wait3A_109] : memref<79x128xi32, #tpu.memory_space<vmem>> -> memref<1x128xi32, #tpu.memory_space<vmem>>
    %dma_wait3A_111 = tpu.memref_squeeze %dma_wait3A_110 : memref<1x128xi32, #tpu.memory_space<vmem>> -> memref<128xi32, #tpu.memory_space<vmem>>
    %dma_wait3A_112 = arith.constant 0 : i32
    %dma_wait3A_113 = arith.constant 0 : i32
    %dma_wait3A_114 = tpu.memref_slice %arg12[%dma_wait3A_112, %dma_wait3A_113] : memref<10240x64xf32, #tpu.memory_space<vmem_shared>> -> memref<10240x64xf32, #tpu.memory_space<vmem_shared>>
    tpu.wait_indirect_dma semaphore(%arg23 : memref<!tpu.dma_semaphore, #tpu.memory_space<semaphore_mem>>) src(%dma_wait3A_108 : memref<128x64xf32, #tpu.memory_space<vmem>>) dst(%dma_wait3A_114 : memref<10240x64xf32, #tpu.memory_space<vmem_shared>>)
    %dma_wait3A_115 = arith.constant 5 : i32
    %dma_wait3A_116 = arith.constant 77 : i32
    %dma_wait3A_117 = arith.constant 0 : i32
    %dma_wait3A_118 = arith.constant 0 : i32
    %dma_wait3A_119 = tpu.memref_slice %arg10[%dma_wait3A_115, %dma_wait3A_117, %dma_wait3A_118] : memref<6x128x64xf32, #tpu.memory_space<vmem>> -> memref<1x128x64xf32, #tpu.memory_space<vmem>>
    %dma_wait3A_120 = tpu.memref_squeeze %dma_wait3A_119 : memref<1x128x64xf32, #tpu.memory_space<vmem>> -> memref<128x64xf32, #tpu.memory_space<vmem>>
    %dma_wait3A_121 = arith.constant 0 : i32
    %dma_wait3A_122 = tpu.memref_slice %arg9[%dma_wait3A_116, %dma_wait3A_121] : memref<79x128xi32, #tpu.memory_space<vmem>> -> memref<1x128xi32, #tpu.memory_space<vmem>>
    %dma_wait3A_123 = tpu.memref_squeeze %dma_wait3A_122 : memref<1x128xi32, #tpu.memory_space<vmem>> -> memref<128xi32, #tpu.memory_space<vmem>>
    %dma_wait3A_124 = arith.constant 0 : i32
    %dma_wait3A_125 = arith.constant 0 : i32
    %dma_wait3A_126 = tpu.memref_slice %arg12[%dma_wait3A_124, %dma_wait3A_125] : memref<10240x64xf32, #tpu.memory_space<vmem_shared>> -> memref<10240x64xf32, #tpu.memory_space<vmem_shared>>
    tpu.wait_indirect_dma semaphore(%arg24 : memref<!tpu.dma_semaphore, #tpu.memory_space<semaphore_mem>>) src(%dma_wait3A_120 : memref<128x64xf32, #tpu.memory_space<vmem>>) dst(%dma_wait3A_126 : memref<10240x64xf32, #tpu.memory_space<vmem_shared>>)
    %dma_wait3A_127 = arith.constant 0 : i32
    %dma_wait3A_128 = arith.constant 78 : i32
    %dma_wait3A_129 = arith.constant 0 : i32
    %dma_wait3A_130 = arith.constant 0 : i32
    %dma_wait3A_131 = tpu.memref_slice %arg10[%dma_wait3A_127, %dma_wait3A_129, %dma_wait3A_130] : memref<6x128x64xf32, #tpu.memory_space<vmem>> -> memref<1x128x64xf32, #tpu.memory_space<vmem>>
    %dma_wait3A_132 = tpu.memref_squeeze %dma_wait3A_131 : memref<1x128x64xf32, #tpu.memory_space<vmem>> -> memref<128x64xf32, #tpu.memory_space<vmem>>
    %dma_wait3A_133 = arith.constant 0 : i32
    %dma_wait3A_134 = tpu.memref_slice %arg9[%dma_wait3A_128, %dma_wait3A_133] : memref<79x128xi32, #tpu.memory_space<vmem>> -> memref<1x128xi32, #tpu.memory_space<vmem>>
    %dma_wait3A_135 = tpu.memref_squeeze %dma_wait3A_134 : memref<1x128xi32, #tpu.memory_space<vmem>> -> memref<128xi32, #tpu.memory_space<vmem>>
    %dma_wait3A_136 = arith.constant 0 : i32
    %dma_wait3A_137 = arith.constant 0 : i32
    %dma_wait3A_138 = tpu.memref_slice %arg12[%dma_wait3A_136, %dma_wait3A_137] : memref<10240x64xf32, #tpu.memory_space<vmem_shared>> -> memref<10240x64xf32, #tpu.memory_space<vmem_shared>>
    tpu.wait_indirect_dma semaphore(%arg19 : memref<!tpu.dma_semaphore, #tpu.memory_space<semaphore_mem>>) src(%dma_wait3A_132 : memref<128x64xf32, #tpu.memory_space<vmem>>) dst(%dma_wait3A_138 : memref<10240x64xf32, #tpu.memory_space<vmem_shared>>)
    %dma_start3A_139 = arith.constant 0 : i32
    %dma_start3A_140 = arith.constant 0 : i32
    %dma_start3A_141 = arith.constant 0 : i32
    %dma_start3A_142 = arith.constant 0 : i32
    %dma_start3A_143 = tpu.memref_slice %arg10[%dma_start3A_140, %dma_start3A_141, %dma_start3A_142] : memref<6x128x64xf32, #tpu.memory_space<vmem>> -> memref<1x128x64xf32, #tpu.memory_space<vmem>>
    %dma_start3A_144 = tpu.memref_squeeze %dma_start3A_143 : memref<1x128x64xf32, #tpu.memory_space<vmem>> -> memref<128x64xf32, #tpu.memory_space<vmem>>
    %dma_start3A_145 = arith.constant 0 : i32
    %dma_start3A_146 = tpu.memref_slice %arg8[%dma_start3A_139, %dma_start3A_145] : memref<79x128xi32, #tpu.memory_space<vmem>> -> memref<1x128xi32, #tpu.memory_space<vmem>>
    %dma_start3A_147 = tpu.memref_squeeze %dma_start3A_146 : memref<1x128xi32, #tpu.memory_space<vmem>> -> memref<128xi32, #tpu.memory_space<vmem>>
    %dma_start3A_148 = arith.constant 0 : i32
    %dma_start3A_149 = arith.constant 0 : i32
    %dma_start3A_150 = tpu.memref_slice %arg2[%dma_start3A_148, %dma_start3A_149] : memref<20480x64xf32, #tpu.memory_space<hbm>> -> memref<20480x64xf32, #tpu.memory_space<hbm>>
    tpu.enqueue_indirect_dma source(%dma_start3A_150 : memref<20480x64xf32, #tpu.memory_space<hbm>>) target(%dma_start3A_144 : memref<128x64xf32, #tpu.memory_space<vmem>>) offsets(%dma_start3A_147 : memref<128xi32, #tpu.memory_space<vmem>>) semaphore(%arg13 : memref<!tpu.dma_semaphore, #tpu.memory_space<semaphore_mem>>)
    %dma_start3A_151 = arith.constant 1 : i32
    %dma_start3A_152 = arith.constant 1 : i32
    %dma_start3A_153 = arith.constant 0 : i32
    %dma_start3A_154 = arith.constant 0 : i32
    %dma_start3A_155 = tpu.memref_slice %arg10[%dma_start3A_152, %dma_start3A_153, %dma_start3A_154] : memref<6x128x64xf32, #tpu.memory_space<vmem>> -> memref<1x128x64xf32, #tpu.memory_space<vmem>>
    %dma_start3A_156 = tpu.memref_squeeze %dma_start3A_155 : memref<1x128x64xf32, #tpu.memory_space<vmem>> -> memref<128x64xf32, #tpu.memory_space<vmem>>
    %dma_start3A_157 = arith.constant 0 : i32
    %dma_start3A_158 = tpu.memref_slice %arg8[%dma_start3A_151, %dma_start3A_157] : memref<79x128xi32, #tpu.memory_space<vmem>> -> memref<1x128xi32, #tpu.memory_space<vmem>>
    %dma_start3A_159 = tpu.memref_squeeze %dma_start3A_158 : memref<1x128xi32, #tpu.memory_space<vmem>> -> memref<128xi32, #tpu.memory_space<vmem>>
    %dma_start3A_160 = arith.constant 0 : i32
    %dma_start3A_161 = arith.constant 0 : i32
    %dma_start3A_162 = tpu.memref_slice %arg2[%dma_start3A_160, %dma_start3A_161] : memref<20480x64xf32, #tpu.memory_space<hbm>> -> memref<20480x64xf32, #tpu.memory_space<hbm>>
    tpu.enqueue_indirect_dma source(%dma_start3A_162 : memref<20480x64xf32, #tpu.memory_space<hbm>>) target(%dma_start3A_156 : memref<128x64xf32, #tpu.memory_space<vmem>>) offsets(%dma_start3A_159 : memref<128xi32, #tpu.memory_space<vmem>>) semaphore(%arg14 : memref<!tpu.dma_semaphore, #tpu.memory_space<semaphore_mem>>)
    %dma_start3A_163 = arith.constant 2 : i32
    %dma_start3A_164 = arith.constant 2 : i32
    %dma_start3A_165 = arith.constant 0 : i32
    %dma_start3A_166 = arith.constant 0 : i32
    %dma_start3A_167 = tpu.memref_slice %arg10[%dma_start3A_164, %dma_start3A_165, %dma_start3A_166] : memref<6x128x64xf32, #tpu.memory_space<vmem>> -> memref<1x128x64xf32, #tpu.memory_space<vmem>>
    %dma_start3A_168 = tpu.memref_squeeze %dma_start3A_167 : memref<1x128x64xf32, #tpu.memory_space<vmem>> -> memref<128x64xf32, #tpu.memory_space<vmem>>
    %dma_start3A_169 = arith.constant 0 : i32
    %dma_start3A_170 = tpu.memref_slice %arg8[%dma_start3A_163, %dma_start3A_169] : memref<79x128xi32, #tpu.memory_space<vmem>> -> memref<1x128xi32, #tpu.memory_space<vmem>>
    %dma_start3A_171 = tpu.memref_squeeze %dma_start3A_170 : memref<1x128xi32, #tpu.memory_space<vmem>> -> memref<128xi32, #tpu.memory_space<vmem>>
    %dma_start3A_172 = arith.constant 0 : i32
    %dma_start3A_173 = arith.constant 0 : i32
    %dma_start3A_174 = tpu.memref_slice %arg2[%dma_start3A_172, %dma_start3A_173] : memref<20480x64xf32, #tpu.memory_space<hbm>> -> memref<20480x64xf32, #tpu.memory_space<hbm>>
    tpu.enqueue_indirect_dma source(%dma_start3A_174 : memref<20480x64xf32, #tpu.memory_space<hbm>>) target(%dma_start3A_168 : memref<128x64xf32, #tpu.memory_space<vmem>>) offsets(%dma_start3A_171 : memref<128xi32, #tpu.memory_space<vmem>>) semaphore(%arg15 : memref<!tpu.dma_semaphore, #tpu.memory_space<semaphore_mem>>)
    %barrier3A_175 = arith.constant 0 : index
    tpu.barrier barrier_id(%barrier3A_175)
    %mul3A_176 = arith.constant 640 : i32
    %mul3A_177 = arith.muli %arg1, %mul3A_176 : i32
    %mul3A_178 = arith.constant 640 : i32
    %mul3A_179 = arith.muli %arg1, %mul3A_178 : i32
    "tpu.region"() ({
      %run_scoped3A = tpu.sem_alloc : memref<!tpu.dma_semaphore, #tpu.memory_space<semaphore_mem>>
      %dma_start3A_284 = arith.constant 0 : i32
      %dma_start3A_285 = arith.constant 0 : i32
      %dma_start3A_286 = tpu.memref_slice %arg6[%arg0, %dma_start3A_284, %dma_start3A_285] : memref<2x10240x128xf32, #tpu.memory_space<hbm>> -> memref<1x10240x128xf32, #tpu.memory_space<hbm>>
      %dma_start3A_287 = tpu.memref_squeeze %dma_start3A_286 : memref<1x10240x128xf32, #tpu.memory_space<hbm>> -> memref<10240x128xf32, #tpu.memory_space<hbm>>
      %dma_start3A_288 = arith.constant 0 : i32
      %dma_start3A_289 = tpu.memref_slice %dma_start3A_287[%mul3A_179, %dma_start3A_288] : memref<10240x128xf32, #tpu.memory_space<hbm>> -> memref<640x64xf32, #tpu.memory_space<hbm>>
      %dma_start3A_290 = arith.constant 0 : i32
      %dma_start3A_291 = tpu.memref_slice %arg12[%mul3A_177, %dma_start3A_290] : memref<10240x64xf32, #tpu.memory_space<vmem_shared>> -> memref<640x64xf32, #tpu.memory_space<vmem_shared>>
      tpu.enqueue_dma source(%dma_start3A_291 : memref<640x64xf32, #tpu.memory_space<vmem_shared>>) target(%dma_start3A_289 : memref<640x64xf32, #tpu.memory_space<hbm>>) target_semaphore(%run_scoped3A : memref<!tpu.dma_semaphore, #tpu.memory_space<semaphore_mem>>)
      %dma_wait3A_292 = arith.constant 0 : i32
      %dma_wait3A_293 = arith.constant 0 : i32
      %dma_wait3A_294 = tpu.memref_slice %arg6[%arg0, %dma_wait3A_292, %dma_wait3A_293] : memref<2x10240x128xf32, #tpu.memory_space<hbm>> -> memref<1x10240x128xf32, #tpu.memory_space<hbm>>
      %dma_wait3A_295 = tpu.memref_squeeze %dma_wait3A_294 : memref<1x10240x128xf32, #tpu.memory_space<hbm>> -> memref<10240x128xf32, #tpu.memory_space<hbm>>
      %dma_wait3A_296 = arith.constant 0 : i32
      %dma_wait3A_297 = tpu.memref_slice %dma_wait3A_295[%mul3A_179, %dma_wait3A_296] : memref<10240x128xf32, #tpu.memory_space<hbm>> -> memref<640x64xf32, #tpu.memory_space<hbm>>
      %dma_wait3A_298 = arith.constant 0 : i32
      %dma_wait3A_299 = tpu.memref_slice %arg12[%mul3A_177, %dma_wait3A_298] : memref<10240x64xf32, #tpu.memory_space<vmem_shared>> -> memref<640x64xf32, #tpu.memory_space<vmem_shared>>
      tpu.wait_dma2 semaphore(%run_scoped3A : memref<!tpu.dma_semaphore, #tpu.memory_space<semaphore_mem>>) src(%dma_wait3A_299 : memref<640x64xf32, #tpu.memory_space<vmem_shared>>) dst(%dma_wait3A_297 : memref<640x64xf32, #tpu.memory_space<hbm>>)
      tpu.yield
    }) : () -> ()
    %mul3A_180 = arith.constant 640 : i32
    %mul3A_181 = arith.muli %arg1, %mul3A_180 : i32
    %add3A_182 = arith.constant 0 : i32
    %add3A_183 = arith.addi %mul3A_181, %add3A_182 : i32
    "tpu.region"() ({
      %run_scoped3A = tpu.sem_alloc : memref<!tpu.dma_semaphore, #tpu.memory_space<semaphore_mem>>
      %dma_start3A_284 = arith.constant 0 : i32
      %dma_start3A_285 = tpu.memref_slice %arg12[%add3A_183, %dma_start3A_284] : memref<10240x64xf32, #tpu.memory_space<vmem_shared>> -> memref<128x64xf32, #tpu.memory_space<vmem_shared>>
      %dma_start3A_286 = arith.constant 0 : i32
      %dma_start3A_287 = tpu.memref_slice %arg12[%add3A_183, %dma_start3A_286] : memref<10240x64xf32, #tpu.memory_space<vmem_shared>> -> memref<128x64xf32, #tpu.memory_space<vmem_shared>>
      tpu.enqueue_dma source(%arg11 : memref<128x64xf32, #tpu.memory_space<vmem>>) target(%dma_start3A_287 : memref<128x64xf32, #tpu.memory_space<vmem_shared>>) target_semaphore(%run_scoped3A : memref<!tpu.dma_semaphore, #tpu.memory_space<semaphore_mem>>)
      %dma_wait3A_288 = arith.constant 0 : i32
      %dma_wait3A_289 = tpu.memref_slice %arg12[%add3A_183, %dma_wait3A_288] : memref<10240x64xf32, #tpu.memory_space<vmem_shared>> -> memref<128x64xf32, #tpu.memory_space<vmem_shared>>
      %dma_wait3A_290 = arith.constant 0 : i32
      %dma_wait3A_291 = tpu.memref_slice %arg12[%add3A_183, %dma_wait3A_290] : memref<10240x64xf32, #tpu.memory_space<vmem_shared>> -> memref<128x64xf32, #tpu.memory_space<vmem_shared>>
      tpu.wait_dma2 semaphore(%run_scoped3A : memref<!tpu.dma_semaphore, #tpu.memory_space<semaphore_mem>>) src(%arg11 : memref<128x64xf32, #tpu.memory_space<vmem>>) dst(%dma_wait3A_291 : memref<128x64xf32, #tpu.memory_space<vmem_shared>>)
      tpu.yield
    }) : () -> ()
    %mul3A_184 = arith.constant 640 : i32
    %mul3A_185 = arith.muli %arg1, %mul3A_184 : i32
    %add3A_186 = arith.constant 128 : i32
    %add3A_187 = arith.addi %mul3A_185, %add3A_186 : i32
    "tpu.region"() ({
      %run_scoped3A = tpu.sem_alloc : memref<!tpu.dma_semaphore, #tpu.memory_space<semaphore_mem>>
      %dma_start3A_284 = arith.constant 0 : i32
      %dma_start3A_285 = tpu.memref_slice %arg12[%add3A_187, %dma_start3A_284] : memref<10240x64xf32, #tpu.memory_space<vmem_shared>> -> memref<128x64xf32, #tpu.memory_space<vmem_shared>>
      %dma_start3A_286 = arith.constant 0 : i32
      %dma_start3A_287 = tpu.memref_slice %arg12[%add3A_187, %dma_start3A_286] : memref<10240x64xf32, #tpu.memory_space<vmem_shared>> -> memref<128x64xf32, #tpu.memory_space<vmem_shared>>
      tpu.enqueue_dma source(%arg11 : memref<128x64xf32, #tpu.memory_space<vmem>>) target(%dma_start3A_287 : memref<128x64xf32, #tpu.memory_space<vmem_shared>>) target_semaphore(%run_scoped3A : memref<!tpu.dma_semaphore, #tpu.memory_space<semaphore_mem>>)
      %dma_wait3A_288 = arith.constant 0 : i32
      %dma_wait3A_289 = tpu.memref_slice %arg12[%add3A_187, %dma_wait3A_288] : memref<10240x64xf32, #tpu.memory_space<vmem_shared>> -> memref<128x64xf32, #tpu.memory_space<vmem_shared>>
      %dma_wait3A_290 = arith.constant 0 : i32
      %dma_wait3A_291 = tpu.memref_slice %arg12[%add3A_187, %dma_wait3A_290] : memref<10240x64xf32, #tpu.memory_space<vmem_shared>> -> memref<128x64xf32, #tpu.memory_space<vmem_shared>>
      tpu.wait_dma2 semaphore(%run_scoped3A : memref<!tpu.dma_semaphore, #tpu.memory_space<semaphore_mem>>) src(%arg11 : memref<128x64xf32, #tpu.memory_space<vmem>>) dst(%dma_wait3A_291 : memref<128x64xf32, #tpu.memory_space<vmem_shared>>)
      tpu.yield
    }) : () -> ()
    %mul3A_188 = arith.constant 640 : i32
    %mul3A_189 = arith.muli %arg1, %mul3A_188 : i32
    %add3A_190 = arith.constant 256 : i32
    %add3A_191 = arith.addi %mul3A_189, %add3A_190 : i32
    "tpu.region"() ({
      %run_scoped3A = tpu.sem_alloc : memref<!tpu.dma_semaphore, #tpu.memory_space<semaphore_mem>>
      %dma_start3A_284 = arith.constant 0 : i32
      %dma_start3A_285 = tpu.memref_slice %arg12[%add3A_191, %dma_start3A_284] : memref<10240x64xf32, #tpu.memory_space<vmem_shared>> -> memref<128x64xf32, #tpu.memory_space<vmem_shared>>
      %dma_start3A_286 = arith.constant 0 : i32
      %dma_start3A_287 = tpu.memref_slice %arg12[%add3A_191, %dma_start3A_286] : memref<10240x64xf32, #tpu.memory_space<vmem_shared>> -> memref<128x64xf32, #tpu.memory_space<vmem_shared>>
      tpu.enqueue_dma source(%arg11 : memref<128x64xf32, #tpu.memory_space<vmem>>) target(%dma_start3A_287 : memref<128x64xf32, #tpu.memory_space<vmem_shared>>) target_semaphore(%run_scoped3A : memref<!tpu.dma_semaphore, #tpu.memory_space<semaphore_mem>>)
      %dma_wait3A_288 = arith.constant 0 : i32
      %dma_wait3A_289 = tpu.memref_slice %arg12[%add3A_191, %dma_wait3A_288] : memref<10240x64xf32, #tpu.memory_space<vmem_shared>> -> memref<128x64xf32, #tpu.memory_space<vmem_shared>>
      %dma_wait3A_290 = arith.constant 0 : i32
      %dma_wait3A_291 = tpu.memref_slice %arg12[%add3A_191, %dma_wait3A_290] : memref<10240x64xf32, #tpu.memory_space<vmem_shared>> -> memref<128x64xf32, #tpu.memory_space<vmem_shared>>
      tpu.wait_dma2 semaphore(%run_scoped3A : memref<!tpu.dma_semaphore, #tpu.memory_space<semaphore_mem>>) src(%arg11 : memref<128x64xf32, #tpu.memory_space<vmem>>) dst(%dma_wait3A_291 : memref<128x64xf32, #tpu.memory_space<vmem_shared>>)
      tpu.yield
    }) : () -> ()
    %mul3A_192 = arith.constant 640 : i32
    %mul3A_193 = arith.muli %arg1, %mul3A_192 : i32
    %add3A_194 = arith.constant 384 : i32
    %add3A_195 = arith.addi %mul3A_193, %add3A_194 : i32
    "tpu.region"() ({
      %run_scoped3A = tpu.sem_alloc : memref<!tpu.dma_semaphore, #tpu.memory_space<semaphore_mem>>
      %dma_start3A_284 = arith.constant 0 : i32
      %dma_start3A_285 = tpu.memref_slice %arg12[%add3A_195, %dma_start3A_284] : memref<10240x64xf32, #tpu.memory_space<vmem_shared>> -> memref<128x64xf32, #tpu.memory_space<vmem_shared>>
      %dma_start3A_286 = arith.constant 0 : i32
      %dma_start3A_287 = tpu.memref_slice %arg12[%add3A_195, %dma_start3A_286] : memref<10240x64xf32, #tpu.memory_space<vmem_shared>> -> memref<128x64xf32, #tpu.memory_space<vmem_shared>>
      tpu.enqueue_dma source(%arg11 : memref<128x64xf32, #tpu.memory_space<vmem>>) target(%dma_start3A_287 : memref<128x64xf32, #tpu.memory_space<vmem_shared>>) target_semaphore(%run_scoped3A : memref<!tpu.dma_semaphore, #tpu.memory_space<semaphore_mem>>)
      %dma_wait3A_288 = arith.constant 0 : i32
      %dma_wait3A_289 = tpu.memref_slice %arg12[%add3A_195, %dma_wait3A_288] : memref<10240x64xf32, #tpu.memory_space<vmem_shared>> -> memref<128x64xf32, #tpu.memory_space<vmem_shared>>
      %dma_wait3A_290 = arith.constant 0 : i32
      %dma_wait3A_291 = tpu.memref_slice %arg12[%add3A_195, %dma_wait3A_290] : memref<10240x64xf32, #tpu.memory_space<vmem_shared>> -> memref<128x64xf32, #tpu.memory_space<vmem_shared>>
      tpu.wait_dma2 semaphore(%run_scoped3A : memref<!tpu.dma_semaphore, #tpu.memory_space<semaphore_mem>>) src(%arg11 : memref<128x64xf32, #tpu.memory_space<vmem>>) dst(%dma_wait3A_291 : memref<128x64xf32, #tpu.memory_space<vmem_shared>>)
      tpu.yield
    }) : () -> ()
    %mul3A_196 = arith.constant 640 : i32
    %mul3A_197 = arith.muli %arg1, %mul3A_196 : i32
    %add3A_198 = arith.constant 512 : i32
    %add3A_199 = arith.addi %mul3A_197, %add3A_198 : i32
    "tpu.region"() ({
      %run_scoped3A = tpu.sem_alloc : memref<!tpu.dma_semaphore, #tpu.memory_space<semaphore_mem>>
      %dma_start3A_284 = arith.constant 0 : i32
      %dma_start3A_285 = tpu.memref_slice %arg12[%add3A_199, %dma_start3A_284] : memref<10240x64xf32, #tpu.memory_space<vmem_shared>> -> memref<128x64xf32, #tpu.memory_space<vmem_shared>>
      %dma_start3A_286 = arith.constant 0 : i32
      %dma_start3A_287 = tpu.memref_slice %arg12[%add3A_199, %dma_start3A_286] : memref<10240x64xf32, #tpu.memory_space<vmem_shared>> -> memref<128x64xf32, #tpu.memory_space<vmem_shared>>
      tpu.enqueue_dma source(%arg11 : memref<128x64xf32, #tpu.memory_space<vmem>>) target(%dma_start3A_287 : memref<128x64xf32, #tpu.memory_space<vmem_shared>>) target_semaphore(%run_scoped3A : memref<!tpu.dma_semaphore, #tpu.memory_space<semaphore_mem>>)
      %dma_wait3A_288 = arith.constant 0 : i32
      %dma_wait3A_289 = tpu.memref_slice %arg12[%add3A_199, %dma_wait3A_288] : memref<10240x64xf32, #tpu.memory_space<vmem_shared>> -> memref<128x64xf32, #tpu.memory_space<vmem_shared>>
      %dma_wait3A_290 = arith.constant 0 : i32
      %dma_wait3A_291 = tpu.memref_slice %arg12[%add3A_199, %dma_wait3A_290] : memref<10240x64xf32, #tpu.memory_space<vmem_shared>> -> memref<128x64xf32, #tpu.memory_space<vmem_shared>>
      tpu.wait_dma2 semaphore(%run_scoped3A : memref<!tpu.dma_semaphore, #tpu.memory_space<semaphore_mem>>) src(%arg11 : memref<128x64xf32, #tpu.memory_space<vmem>>) dst(%dma_wait3A_291 : memref<128x64xf32, #tpu.memory_space<vmem_shared>>)
      tpu.yield
    }) : () -> ()
    %barrier3A_200 = arith.constant 0 : index
    tpu.barrier barrier_id(%barrier3A_200)
    %scan3A_201 = arith.constant 0 : i32
    %scan3A_202 = arith.constant 0 : i32
    %scan3A_203 = arith.constant 14 : i32
    %scan3A_204 = arith.addi %scan3A_202, %scan3A_203 : i32
    %scan3A_205 = arith.constant 1 : i32
    scf.for %scan3A_284 = %scan3A_202 to %scan3A_204 step %scan3A_205  : i32 {
      %mul3A_285 = arith.constant 6 : i32
      %mul3A_286 = arith.muli %scan3A_284, %mul3A_285 : i32
      %add3A_287 = arith.constant 0 : i32
      %add3A_288 = arith.addi %mul3A_286, %add3A_287 : i32
      %lt3A = arith.constant 79 : i32
      %lt3A_289 = arith.cmpi slt, %add3A_288, %lt3A : i32
      %convert_element_type3A = arith.extui %lt3A_289 : i1 to i32
      %cond3A = arith.constant 0 : i32
      %cond3A_290 = arith.cmpi ne, %convert_element_type3A, %cond3A : i32
      scf.if %cond3A_290 {
        %dma_wait3A_336 = arith.constant 0 : i32
        %dma_wait3A_337 = arith.constant 0 : i32
        %dma_wait3A_338 = arith.constant 0 : i32
        %dma_wait3A_339 = tpu.memref_slice %arg10[%dma_wait3A_336, %dma_wait3A_337, %dma_wait3A_338] : memref<6x128x64xf32, #tpu.memory_space<vmem>> -> memref<1x128x64xf32, #tpu.memory_space<vmem>>
        %dma_wait3A_340 = tpu.memref_squeeze %dma_wait3A_339 : memref<1x128x64xf32, #tpu.memory_space<vmem>> -> memref<128x64xf32, #tpu.memory_space<vmem>>
        %dma_wait3A_341 = arith.constant 0 : i32
        %dma_wait3A_342 = tpu.memref_slice %arg8[%add3A_288, %dma_wait3A_341] : memref<79x128xi32, #tpu.memory_space<vmem>> -> memref<1x128xi32, #tpu.memory_space<vmem>>
        %dma_wait3A_343 = tpu.memref_squeeze %dma_wait3A_342 : memref<1x128xi32, #tpu.memory_space<vmem>> -> memref<128xi32, #tpu.memory_space<vmem>>
        %dma_wait3A_344 = arith.constant 0 : i32
        %dma_wait3A_345 = arith.constant 0 : i32
        %dma_wait3A_346 = tpu.memref_slice %arg2[%dma_wait3A_344, %dma_wait3A_345] : memref<20480x64xf32, #tpu.memory_space<hbm>> -> memref<20480x64xf32, #tpu.memory_space<hbm>>
        tpu.wait_indirect_dma semaphore(%arg13 : memref<!tpu.dma_semaphore, #tpu.memory_space<semaphore_mem>>) src(%dma_wait3A_346 : memref<20480x64xf32, #tpu.memory_space<hbm>>) dst(%dma_wait3A_340 : memref<128x64xf32, #tpu.memory_space<vmem>>)
        %dma_start3A_347 = arith.constant 0 : i32
        %dma_start3A_348 = arith.constant 0 : i32
        %dma_start3A_349 = arith.constant 0 : i32
        %dma_start3A_350 = tpu.memref_slice %arg10[%dma_start3A_347, %dma_start3A_348, %dma_start3A_349] : memref<6x128x64xf32, #tpu.memory_space<vmem>> -> memref<1x128x64xf32, #tpu.memory_space<vmem>>
        %dma_start3A_351 = tpu.memref_squeeze %dma_start3A_350 : memref<1x128x64xf32, #tpu.memory_space<vmem>> -> memref<128x64xf32, #tpu.memory_space<vmem>>
        %dma_start3A_352 = arith.constant 0 : i32
        %dma_start3A_353 = tpu.memref_slice %arg9[%add3A_288, %dma_start3A_352] : memref<79x128xi32, #tpu.memory_space<vmem>> -> memref<1x128xi32, #tpu.memory_space<vmem>>
        %dma_start3A_354 = tpu.memref_squeeze %dma_start3A_353 : memref<1x128xi32, #tpu.memory_space<vmem>> -> memref<128xi32, #tpu.memory_space<vmem>>
        %dma_start3A_355 = arith.constant 0 : i32
        %dma_start3A_356 = arith.constant 0 : i32
        %dma_start3A_357 = tpu.memref_slice %arg12[%dma_start3A_355, %dma_start3A_356] : memref<10240x64xf32, #tpu.memory_space<vmem_shared>> -> memref<10240x64xf32, #tpu.memory_space<vmem_shared>>
        tpu.enqueue_indirect_dma source(%dma_start3A_351 : memref<128x64xf32, #tpu.memory_space<vmem>>) target(%dma_start3A_357 : memref<10240x64xf32, #tpu.memory_space<vmem_shared>>) offsets(%dma_start3A_354 : memref<128xi32, #tpu.memory_space<vmem>>) semaphore(%arg19 : memref<!tpu.dma_semaphore, #tpu.memory_space<semaphore_mem>>) {add = true}
        %add3A_358 = arith.constant 3 : i32
        %add3A_359 = arith.addi %add3A_288, %add3A_358 : i32
        %lt3A_360 = arith.constant 79 : i32
        %lt3A_361 = arith.cmpi slt, %add3A_359, %lt3A_360 : i32
        %convert_element_type3A_362 = arith.extui %lt3A_361 : i1 to i32
        %cond3A_363 = arith.constant 0 : i32
        %cond3A_364 = arith.cmpi ne, %convert_element_type3A_362, %cond3A_363 : i32
        scf.if %cond3A_364 {
          %ge3A = arith.constant 6 : i32
          %ge3A_365 = arith.cmpi sge, %add3A_359, %ge3A : i32
          %convert_element_type3A_366 = arith.extui %ge3A_365 : i1 to i32
          %cond3A_367 = arith.constant 0 : i32
          %cond3A_368 = arith.cmpi ne, %convert_element_type3A_366, %cond3A_367 : i32
          scf.if %cond3A_368 {
            %dma_wait3A_380 = arith.constant 3 : i32
            %dma_wait3A_381 = arith.constant 0 : i32
            %dma_wait3A_382 = arith.constant 0 : i32
            %dma_wait3A_383 = tpu.memref_slice %arg10[%dma_wait3A_380, %dma_wait3A_381, %dma_wait3A_382] : memref<6x128x64xf32, #tpu.memory_space<vmem>> -> memref<1x128x64xf32, #tpu.memory_space<vmem>>
            %dma_wait3A_384 = tpu.memref_squeeze %dma_wait3A_383 : memref<1x128x64xf32, #tpu.memory_space<vmem>> -> memref<128x64xf32, #tpu.memory_space<vmem>>
            %dma_wait3A_385 = arith.constant 0 : i32
            %dma_wait3A_386 = tpu.memref_slice %arg9[%add3A_359, %dma_wait3A_385] : memref<79x128xi32, #tpu.memory_space<vmem>> -> memref<1x128xi32, #tpu.memory_space<vmem>>
            %dma_wait3A_387 = tpu.memref_squeeze %dma_wait3A_386 : memref<1x128xi32, #tpu.memory_space<vmem>> -> memref<128xi32, #tpu.memory_space<vmem>>
            %dma_wait3A_388 = arith.constant 0 : i32
            %dma_wait3A_389 = arith.constant 0 : i32
            %dma_wait3A_390 = tpu.memref_slice %arg12[%dma_wait3A_388, %dma_wait3A_389] : memref<10240x64xf32, #tpu.memory_space<vmem_shared>> -> memref<10240x64xf32, #tpu.memory_space<vmem_shared>>
            tpu.wait_indirect_dma semaphore(%arg22 : memref<!tpu.dma_semaphore, #tpu.memory_space<semaphore_mem>>) src(%dma_wait3A_384 : memref<128x64xf32, #tpu.memory_space<vmem>>) dst(%dma_wait3A_390 : memref<10240x64xf32, #tpu.memory_space<vmem_shared>>)
          } else {
          }
          %dma_start3A_369 = arith.constant 3 : i32
          %dma_start3A_370 = arith.constant 0 : i32
          %dma_start3A_371 = arith.constant 0 : i32
          %dma_start3A_372 = tpu.memref_slice %arg10[%dma_start3A_369, %dma_start3A_370, %dma_start3A_371] : memref<6x128x64xf32, #tpu.memory_space<vmem>> -> memref<1x128x64xf32, #tpu.memory_space<vmem>>
          %dma_start3A_373 = tpu.memref_squeeze %dma_start3A_372 : memref<1x128x64xf32, #tpu.memory_space<vmem>> -> memref<128x64xf32, #tpu.memory_space<vmem>>
          %dma_start3A_374 = arith.constant 0 : i32
          %dma_start3A_375 = tpu.memref_slice %arg8[%add3A_359, %dma_start3A_374] : memref<79x128xi32, #tpu.memory_space<vmem>> -> memref<1x128xi32, #tpu.memory_space<vmem>>
          %dma_start3A_376 = tpu.memref_squeeze %dma_start3A_375 : memref<1x128xi32, #tpu.memory_space<vmem>> -> memref<128xi32, #tpu.memory_space<vmem>>
          %dma_start3A_377 = arith.constant 0 : i32
          %dma_start3A_378 = arith.constant 0 : i32
          %dma_start3A_379 = tpu.memref_slice %arg2[%dma_start3A_377, %dma_start3A_378] : memref<20480x64xf32, #tpu.memory_space<hbm>> -> memref<20480x64xf32, #tpu.memory_space<hbm>>
          tpu.enqueue_indirect_dma source(%dma_start3A_379 : memref<20480x64xf32, #tpu.memory_space<hbm>>) target(%dma_start3A_373 : memref<128x64xf32, #tpu.memory_space<vmem>>) offsets(%dma_start3A_376 : memref<128xi32, #tpu.memory_space<vmem>>) semaphore(%arg16 : memref<!tpu.dma_semaphore, #tpu.memory_space<semaphore_mem>>)
        } else {
        }
      } else {
      }
      %mul3A_291 = arith.constant 6 : i32
      %mul3A_292 = arith.muli %scan3A_284, %mul3A_291 : i32
      %add3A_293 = arith.constant 1 : i32
      %add3A_294 = arith.addi %mul3A_292, %add3A_293 : i32
      %lt3A_295 = arith.constant 79 : i32
      %lt3A_296 = arith.cmpi slt, %add3A_294, %lt3A_295 : i32
      %convert_element_type3A_297 = arith.extui %lt3A_296 : i1 to i32
      %cond3A_298 = arith.constant 0 : i32
      %cond3A_299 = arith.cmpi ne, %convert_element_type3A_297, %cond3A_298 : i32
      scf.if %cond3A_299 {
        %dma_wait3A_336 = arith.constant 1 : i32
        %dma_wait3A_337 = arith.constant 0 : i32
        %dma_wait3A_338 = arith.constant 0 : i32
        %dma_wait3A_339 = tpu.memref_slice %arg10[%dma_wait3A_336, %dma_wait3A_337, %dma_wait3A_338] : memref<6x128x64xf32, #tpu.memory_space<vmem>> -> memref<1x128x64xf32, #tpu.memory_space<vmem>>
        %dma_wait3A_340 = tpu.memref_squeeze %dma_wait3A_339 : memref<1x128x64xf32, #tpu.memory_space<vmem>> -> memref<128x64xf32, #tpu.memory_space<vmem>>
        %dma_wait3A_341 = arith.constant 0 : i32
        %dma_wait3A_342 = tpu.memref_slice %arg8[%add3A_294, %dma_wait3A_341] : memref<79x128xi32, #tpu.memory_space<vmem>> -> memref<1x128xi32, #tpu.memory_space<vmem>>
        %dma_wait3A_343 = tpu.memref_squeeze %dma_wait3A_342 : memref<1x128xi32, #tpu.memory_space<vmem>> -> memref<128xi32, #tpu.memory_space<vmem>>
        %dma_wait3A_344 = arith.constant 0 : i32
        %dma_wait3A_345 = arith.constant 0 : i32
        %dma_wait3A_346 = tpu.memref_slice %arg2[%dma_wait3A_344, %dma_wait3A_345] : memref<20480x64xf32, #tpu.memory_space<hbm>> -> memref<20480x64xf32, #tpu.memory_space<hbm>>
        tpu.wait_indirect_dma semaphore(%arg14 : memref<!tpu.dma_semaphore, #tpu.memory_space<semaphore_mem>>) src(%dma_wait3A_346 : memref<20480x64xf32, #tpu.memory_space<hbm>>) dst(%dma_wait3A_340 : memref<128x64xf32, #tpu.memory_space<vmem>>)
        %dma_start3A_347 = arith.constant 1 : i32
        %dma_start3A_348 = arith.constant 0 : i32
        %dma_start3A_349 = arith.constant 0 : i32
        %dma_start3A_350 = tpu.memref_slice %arg10[%dma_start3A_347, %dma_start3A_348, %dma_start3A_349] : memref<6x128x64xf32, #tpu.memory_space<vmem>> -> memref<1x128x64xf32, #tpu.memory_space<vmem>>
        %dma_start3A_351 = tpu.memref_squeeze %dma_start3A_350 : memref<1x128x64xf32, #tpu.memory_space<vmem>> -> memref<128x64xf32, #tpu.memory_space<vmem>>
        %dma_start3A_352 = arith.constant 0 : i32
        %dma_start3A_353 = tpu.memref_slice %arg9[%add3A_294, %dma_start3A_352] : memref<79x128xi32, #tpu.memory_space<vmem>> -> memref<1x128xi32, #tpu.memory_space<vmem>>
        %dma_start3A_354 = tpu.memref_squeeze %dma_start3A_353 : memref<1x128xi32, #tpu.memory_space<vmem>> -> memref<128xi32, #tpu.memory_space<vmem>>
        %dma_start3A_355 = arith.constant 0 : i32
        %dma_start3A_356 = arith.constant 0 : i32
        %dma_start3A_357 = tpu.memref_slice %arg12[%dma_start3A_355, %dma_start3A_356] : memref<10240x64xf32, #tpu.memory_space<vmem_shared>> -> memref<10240x64xf32, #tpu.memory_space<vmem_shared>>
        tpu.enqueue_indirect_dma source(%dma_start3A_351 : memref<128x64xf32, #tpu.memory_space<vmem>>) target(%dma_start3A_357 : memref<10240x64xf32, #tpu.memory_space<vmem_shared>>) offsets(%dma_start3A_354 : memref<128xi32, #tpu.memory_space<vmem>>) semaphore(%arg20 : memref<!tpu.dma_semaphore, #tpu.memory_space<semaphore_mem>>) {add = true}
        %add3A_358 = arith.constant 3 : i32
        %add3A_359 = arith.addi %add3A_294, %add3A_358 : i32
        %lt3A_360 = arith.constant 79 : i32
        %lt3A_361 = arith.cmpi slt, %add3A_359, %lt3A_360 : i32
        %convert_element_type3A_362 = arith.extui %lt3A_361 : i1 to i32
        %cond3A_363 = arith.constant 0 : i32
        %cond3A_364 = arith.cmpi ne, %convert_element_type3A_362, %cond3A_363 : i32
        scf.if %cond3A_364 {
          %ge3A = arith.constant 6 : i32
          %ge3A_365 = arith.cmpi sge, %add3A_359, %ge3A : i32
          %convert_element_type3A_366 = arith.extui %ge3A_365 : i1 to i32
          %cond3A_367 = arith.constant 0 : i32
          %cond3A_368 = arith.cmpi ne, %convert_element_type3A_366, %cond3A_367 : i32
          scf.if %cond3A_368 {
            %dma_wait3A_380 = arith.constant 4 : i32
            %dma_wait3A_381 = arith.constant 0 : i32
            %dma_wait3A_382 = arith.constant 0 : i32
            %dma_wait3A_383 = tpu.memref_slice %arg10[%dma_wait3A_380, %dma_wait3A_381, %dma_wait3A_382] : memref<6x128x64xf32, #tpu.memory_space<vmem>> -> memref<1x128x64xf32, #tpu.memory_space<vmem>>
            %dma_wait3A_384 = tpu.memref_squeeze %dma_wait3A_383 : memref<1x128x64xf32, #tpu.memory_space<vmem>> -> memref<128x64xf32, #tpu.memory_space<vmem>>
            %dma_wait3A_385 = arith.constant 0 : i32
            %dma_wait3A_386 = tpu.memref_slice %arg9[%add3A_359, %dma_wait3A_385] : memref<79x128xi32, #tpu.memory_space<vmem>> -> memref<1x128xi32, #tpu.memory_space<vmem>>
            %dma_wait3A_387 = tpu.memref_squeeze %dma_wait3A_386 : memref<1x128xi32, #tpu.memory_space<vmem>> -> memref<128xi32, #tpu.memory_space<vmem>>
            %dma_wait3A_388 = arith.constant 0 : i32
            %dma_wait3A_389 = arith.constant 0 : i32
            %dma_wait3A_390 = tpu.memref_slice %arg12[%dma_wait3A_388, %dma_wait3A_389] : memref<10240x64xf32, #tpu.memory_space<vmem_shared>> -> memref<10240x64xf32, #tpu.memory_space<vmem_shared>>
            tpu.wait_indirect_dma semaphore(%arg23 : memref<!tpu.dma_semaphore, #tpu.memory_space<semaphore_mem>>) src(%dma_wait3A_384 : memref<128x64xf32, #tpu.memory_space<vmem>>) dst(%dma_wait3A_390 : memref<10240x64xf32, #tpu.memory_space<vmem_shared>>)
          } else {
          }
          %dma_start3A_369 = arith.constant 4 : i32
          %dma_start3A_370 = arith.constant 0 : i32
          %dma_start3A_371 = arith.constant 0 : i32
          %dma_start3A_372 = tpu.memref_slice %arg10[%dma_start3A_369, %dma_start3A_370, %dma_start3A_371] : memref<6x128x64xf32, #tpu.memory_space<vmem>> -> memref<1x128x64xf32, #tpu.memory_space<vmem>>
          %dma_start3A_373 = tpu.memref_squeeze %dma_start3A_372 : memref<1x128x64xf32, #tpu.memory_space<vmem>> -> memref<128x64xf32, #tpu.memory_space<vmem>>
          %dma_start3A_374 = arith.constant 0 : i32
          %dma_start3A_375 = tpu.memref_slice %arg8[%add3A_359, %dma_start3A_374] : memref<79x128xi32, #tpu.memory_space<vmem>> -> memref<1x128xi32, #tpu.memory_space<vmem>>
          %dma_start3A_376 = tpu.memref_squeeze %dma_start3A_375 : memref<1x128xi32, #tpu.memory_space<vmem>> -> memref<128xi32, #tpu.memory_space<vmem>>
          %dma_start3A_377 = arith.constant 0 : i32
          %dma_start3A_378 = arith.constant 0 : i32
          %dma_start3A_379 = tpu.memref_slice %arg2[%dma_start3A_377, %dma_start3A_378] : memref<20480x64xf32, #tpu.memory_space<hbm>> -> memref<20480x64xf32, #tpu.memory_space<hbm>>
          tpu.enqueue_indirect_dma source(%dma_start3A_379 : memref<20480x64xf32, #tpu.memory_space<hbm>>) target(%dma_start3A_373 : memref<128x64xf32, #tpu.memory_space<vmem>>) offsets(%dma_start3A_376 : memref<128xi32, #tpu.memory_space<vmem>>) semaphore(%arg17 : memref<!tpu.dma_semaphore, #tpu.memory_space<semaphore_mem>>)
        } else {
        }
      } else {
      }
      %mul3A_300 = arith.constant 6 : i32
      %mul3A_301 = arith.muli %scan3A_284, %mul3A_300 : i32
      %add3A_302 = arith.constant 2 : i32
      %add3A_303 = arith.addi %mul3A_301, %add3A_302 : i32
      %lt3A_304 = arith.constant 79 : i32
      %lt3A_305 = arith.cmpi slt, %add3A_303, %lt3A_304 : i32
      %convert_element_type3A_306 = arith.extui %lt3A_305 : i1 to i32
      %cond3A_307 = arith.constant 0 : i32
      %cond3A_308 = arith.cmpi ne, %convert_element_type3A_306, %cond3A_307 : i32
      scf.if %cond3A_308 {
        %dma_wait3A_336 = arith.constant 2 : i32
        %dma_wait3A_337 = arith.constant 0 : i32
        %dma_wait3A_338 = arith.constant 0 : i32
        %dma_wait3A_339 = tpu.memref_slice %arg10[%dma_wait3A_336, %dma_wait3A_337, %dma_wait3A_338] : memref<6x128x64xf32, #tpu.memory_space<vmem>> -> memref<1x128x64xf32, #tpu.memory_space<vmem>>
        %dma_wait3A_340 = tpu.memref_squeeze %dma_wait3A_339 : memref<1x128x64xf32, #tpu.memory_space<vmem>> -> memref<128x64xf32, #tpu.memory_space<vmem>>
        %dma_wait3A_341 = arith.constant 0 : i32
        %dma_wait3A_342 = tpu.memref_slice %arg8[%add3A_303, %dma_wait3A_341] : memref<79x128xi32, #tpu.memory_space<vmem>> -> memref<1x128xi32, #tpu.memory_space<vmem>>
        %dma_wait3A_343 = tpu.memref_squeeze %dma_wait3A_342 : memref<1x128xi32, #tpu.memory_space<vmem>> -> memref<128xi32, #tpu.memory_space<vmem>>
        %dma_wait3A_344 = arith.constant 0 : i32
        %dma_wait3A_345 = arith.constant 0 : i32
        %dma_wait3A_346 = tpu.memref_slice %arg2[%dma_wait3A_344, %dma_wait3A_345] : memref<20480x64xf32, #tpu.memory_space<hbm>> -> memref<20480x64xf32, #tpu.memory_space<hbm>>
        tpu.wait_indirect_dma semaphore(%arg15 : memref<!tpu.dma_semaphore, #tpu.memory_space<semaphore_mem>>) src(%dma_wait3A_346 : memref<20480x64xf32, #tpu.memory_space<hbm>>) dst(%dma_wait3A_340 : memref<128x64xf32, #tpu.memory_space<vmem>>)
        %dma_start3A_347 = arith.constant 2 : i32
        %dma_start3A_348 = arith.constant 0 : i32
        %dma_start3A_349 = arith.constant 0 : i32
        %dma_start3A_350 = tpu.memref_slice %arg10[%dma_start3A_347, %dma_start3A_348, %dma_start3A_349] : memref<6x128x64xf32, #tpu.memory_space<vmem>> -> memref<1x128x64xf32, #tpu.memory_space<vmem>>
        %dma_start3A_351 = tpu.memref_squeeze %dma_start3A_350 : memref<1x128x64xf32, #tpu.memory_space<vmem>> -> memref<128x64xf32, #tpu.memory_space<vmem>>
        %dma_start3A_352 = arith.constant 0 : i32
        %dma_start3A_353 = tpu.memref_slice %arg9[%add3A_303, %dma_start3A_352] : memref<79x128xi32, #tpu.memory_space<vmem>> -> memref<1x128xi32, #tpu.memory_space<vmem>>
        %dma_start3A_354 = tpu.memref_squeeze %dma_start3A_353 : memref<1x128xi32, #tpu.memory_space<vmem>> -> memref<128xi32, #tpu.memory_space<vmem>>
        %dma_start3A_355 = arith.constant 0 : i32
        %dma_start3A_356 = arith.constant 0 : i32
        %dma_start3A_357 = tpu.memref_slice %arg12[%dma_start3A_355, %dma_start3A_356] : memref<10240x64xf32, #tpu.memory_space<vmem_shared>> -> memref<10240x64xf32, #tpu.memory_space<vmem_shared>>
        tpu.enqueue_indirect_dma source(%dma_start3A_351 : memref<128x64xf32, #tpu.memory_space<vmem>>) target(%dma_start3A_357 : memref<10240x64xf32, #tpu.memory_space<vmem_shared>>) offsets(%dma_start3A_354 : memref<128xi32, #tpu.memory_space<vmem>>) semaphore(%arg21 : memref<!tpu.dma_semaphore, #tpu.memory_space<semaphore_mem>>) {add = true}
        %add3A_358 = arith.constant 3 : i32
        %add3A_359 = arith.addi %add3A_303, %add3A_358 : i32
        %lt3A_360 = arith.constant 79 : i32
        %lt3A_361 = arith.cmpi slt, %add3A_359, %lt3A_360 : i32
        %convert_element_type3A_362 = arith.extui %lt3A_361 : i1 to i32
        %cond3A_363 = arith.constant 0 : i32
        %cond3A_364 = arith.cmpi ne, %convert_element_type3A_362, %cond3A_363 : i32
        scf.if %cond3A_364 {
          %ge3A = arith.constant 6 : i32
          %ge3A_365 = arith.cmpi sge, %add3A_359, %ge3A : i32
          %convert_element_type3A_366 = arith.extui %ge3A_365 : i1 to i32
          %cond3A_367 = arith.constant 0 : i32
          %cond3A_368 = arith.cmpi ne, %convert_element_type3A_366, %cond3A_367 : i32
          scf.if %cond3A_368 {
            %dma_wait3A_380 = arith.constant 5 : i32
            %dma_wait3A_381 = arith.constant 0 : i32
            %dma_wait3A_382 = arith.constant 0 : i32
            %dma_wait3A_383 = tpu.memref_slice %arg10[%dma_wait3A_380, %dma_wait3A_381, %dma_wait3A_382] : memref<6x128x64xf32, #tpu.memory_space<vmem>> -> memref<1x128x64xf32, #tpu.memory_space<vmem>>
            %dma_wait3A_384 = tpu.memref_squeeze %dma_wait3A_383 : memref<1x128x64xf32, #tpu.memory_space<vmem>> -> memref<128x64xf32, #tpu.memory_space<vmem>>
            %dma_wait3A_385 = arith.constant 0 : i32
            %dma_wait3A_386 = tpu.memref_slice %arg9[%add3A_359, %dma_wait3A_385] : memref<79x128xi32, #tpu.memory_space<vmem>> -> memref<1x128xi32, #tpu.memory_space<vmem>>
            %dma_wait3A_387 = tpu.memref_squeeze %dma_wait3A_386 : memref<1x128xi32, #tpu.memory_space<vmem>> -> memref<128xi32, #tpu.memory_space<vmem>>
            %dma_wait3A_388 = arith.constant 0 : i32
            %dma_wait3A_389 = arith.constant 0 : i32
            %dma_wait3A_390 = tpu.memref_slice %arg12[%dma_wait3A_388, %dma_wait3A_389] : memref<10240x64xf32, #tpu.memory_space<vmem_shared>> -> memref<10240x64xf32, #tpu.memory_space<vmem_shared>>
            tpu.wait_indirect_dma semaphore(%arg24 : memref<!tpu.dma_semaphore, #tpu.memory_space<semaphore_mem>>) src(%dma_wait3A_384 : memref<128x64xf32, #tpu.memory_space<vmem>>) dst(%dma_wait3A_390 : memref<10240x64xf32, #tpu.memory_space<vmem_shared>>)
          } else {
          }
          %dma_start3A_369 = arith.constant 5 : i32
          %dma_start3A_370 = arith.constant 0 : i32
          %dma_start3A_371 = arith.constant 0 : i32
          %dma_start3A_372 = tpu.memref_slice %arg10[%dma_start3A_369, %dma_start3A_370, %dma_start3A_371] : memref<6x128x64xf32, #tpu.memory_space<vmem>> -> memref<1x128x64xf32, #tpu.memory_space<vmem>>
          %dma_start3A_373 = tpu.memref_squeeze %dma_start3A_372 : memref<1x128x64xf32, #tpu.memory_space<vmem>> -> memref<128x64xf32, #tpu.memory_space<vmem>>
          %dma_start3A_374 = arith.constant 0 : i32
          %dma_start3A_375 = tpu.memref_slice %arg8[%add3A_359, %dma_start3A_374] : memref<79x128xi32, #tpu.memory_space<vmem>> -> memref<1x128xi32, #tpu.memory_space<vmem>>
          %dma_start3A_376 = tpu.memref_squeeze %dma_start3A_375 : memref<1x128xi32, #tpu.memory_space<vmem>> -> memref<128xi32, #tpu.memory_space<vmem>>
          %dma_start3A_377 = arith.constant 0 : i32
          %dma_start3A_378 = arith.constant 0 : i32
          %dma_start3A_379 = tpu.memref_slice %arg2[%dma_start3A_377, %dma_start3A_378] : memref<20480x64xf32, #tpu.memory_space<hbm>> -> memref<20480x64xf32, #tpu.memory_space<hbm>>
          tpu.enqueue_indirect_dma source(%dma_start3A_379 : memref<20480x64xf32, #tpu.memory_space<hbm>>) target(%dma_start3A_373 : memref<128x64xf32, #tpu.memory_space<vmem>>) offsets(%dma_start3A_376 : memref<128xi32, #tpu.memory_space<vmem>>) semaphore(%arg18 : memref<!tpu.dma_semaphore, #tpu.memory_space<semaphore_mem>>)
        } else {
        }
      } else {
      }
      %mul3A_309 = arith.constant 6 : i32
      %mul3A_310 = arith.muli %scan3A_284, %mul3A_309 : i32
      %add3A_311 = arith.constant 3 : i32
      %add3A_312 = arith.addi %mul3A_310, %add3A_311 : i32
      %lt3A_313 = arith.constant 79 : i32
      %lt3A_314 = arith.cmpi slt, %add3A_312, %lt3A_313 : i32
      %convert_element_type3A_315 = arith.extui %lt3A_314 : i1 to i32
      %cond3A_316 = arith.constant 0 : i32
      %cond3A_317 = arith.cmpi ne, %convert_element_type3A_315, %cond3A_316 : i32
      scf.if %cond3A_317 {
        %dma_wait3A_336 = arith.constant 3 : i32
        %dma_wait3A_337 = arith.constant 0 : i32
        %dma_wait3A_338 = arith.constant 0 : i32
        %dma_wait3A_339 = tpu.memref_slice %arg10[%dma_wait3A_336, %dma_wait3A_337, %dma_wait3A_338] : memref<6x128x64xf32, #tpu.memory_space<vmem>> -> memref<1x128x64xf32, #tpu.memory_space<vmem>>
        %dma_wait3A_340 = tpu.memref_squeeze %dma_wait3A_339 : memref<1x128x64xf32, #tpu.memory_space<vmem>> -> memref<128x64xf32, #tpu.memory_space<vmem>>
        %dma_wait3A_341 = arith.constant 0 : i32
        %dma_wait3A_342 = tpu.memref_slice %arg8[%add3A_312, %dma_wait3A_341] : memref<79x128xi32, #tpu.memory_space<vmem>> -> memref<1x128xi32, #tpu.memory_space<vmem>>
        %dma_wait3A_343 = tpu.memref_squeeze %dma_wait3A_342 : memref<1x128xi32, #tpu.memory_space<vmem>> -> memref<128xi32, #tpu.memory_space<vmem>>
        %dma_wait3A_344 = arith.constant 0 : i32
        %dma_wait3A_345 = arith.constant 0 : i32
        %dma_wait3A_346 = tpu.memref_slice %arg2[%dma_wait3A_344, %dma_wait3A_345] : memref<20480x64xf32, #tpu.memory_space<hbm>> -> memref<20480x64xf32, #tpu.memory_space<hbm>>
        tpu.wait_indirect_dma semaphore(%arg16 : memref<!tpu.dma_semaphore, #tpu.memory_space<semaphore_mem>>) src(%dma_wait3A_346 : memref<20480x64xf32, #tpu.memory_space<hbm>>) dst(%dma_wait3A_340 : memref<128x64xf32, #tpu.memory_space<vmem>>)
        %dma_start3A_347 = arith.constant 3 : i32
        %dma_start3A_348 = arith.constant 0 : i32
        %dma_start3A_349 = arith.constant 0 : i32
        %dma_start3A_350 = tpu.memref_slice %arg10[%dma_start3A_347, %dma_start3A_348, %dma_start3A_349] : memref<6x128x64xf32, #tpu.memory_space<vmem>> -> memref<1x128x64xf32, #tpu.memory_space<vmem>>
        %dma_start3A_351 = tpu.memref_squeeze %dma_start3A_350 : memref<1x128x64xf32, #tpu.memory_space<vmem>> -> memref<128x64xf32, #tpu.memory_space<vmem>>
        %dma_start3A_352 = arith.constant 0 : i32
        %dma_start3A_353 = tpu.memref_slice %arg9[%add3A_312, %dma_start3A_352] : memref<79x128xi32, #tpu.memory_space<vmem>> -> memref<1x128xi32, #tpu.memory_space<vmem>>
        %dma_start3A_354 = tpu.memref_squeeze %dma_start3A_353 : memref<1x128xi32, #tpu.memory_space<vmem>> -> memref<128xi32, #tpu.memory_space<vmem>>
        %dma_start3A_355 = arith.constant 0 : i32
        %dma_start3A_356 = arith.constant 0 : i32
        %dma_start3A_357 = tpu.memref_slice %arg12[%dma_start3A_355, %dma_start3A_356] : memref<10240x64xf32, #tpu.memory_space<vmem_shared>> -> memref<10240x64xf32, #tpu.memory_space<vmem_shared>>
        tpu.enqueue_indirect_dma source(%dma_start3A_351 : memref<128x64xf32, #tpu.memory_space<vmem>>) target(%dma_start3A_357 : memref<10240x64xf32, #tpu.memory_space<vmem_shared>>) offsets(%dma_start3A_354 : memref<128xi32, #tpu.memory_space<vmem>>) semaphore(%arg22 : memref<!tpu.dma_semaphore, #tpu.memory_space<semaphore_mem>>) {add = true}
        %add3A_358 = arith.constant 3 : i32
        %add3A_359 = arith.addi %add3A_312, %add3A_358 : i32
        %lt3A_360 = arith.constant 79 : i32
        %lt3A_361 = arith.cmpi slt, %add3A_359, %lt3A_360 : i32
        %convert_element_type3A_362 = arith.extui %lt3A_361 : i1 to i32
        %cond3A_363 = arith.constant 0 : i32
        %cond3A_364 = arith.cmpi ne, %convert_element_type3A_362, %cond3A_363 : i32
        scf.if %cond3A_364 {
          %ge3A = arith.constant 6 : i32
          %ge3A_365 = arith.cmpi sge, %add3A_359, %ge3A : i32
          %convert_element_type3A_366 = arith.extui %ge3A_365 : i1 to i32
          %cond3A_367 = arith.constant 0 : i32
          %cond3A_368 = arith.cmpi ne, %convert_element_type3A_366, %cond3A_367 : i32
          scf.if %cond3A_368 {
            %dma_wait3A_380 = arith.constant 0 : i32
            %dma_wait3A_381 = arith.constant 0 : i32
            %dma_wait3A_382 = arith.constant 0 : i32
            %dma_wait3A_383 = tpu.memref_slice %arg10[%dma_wait3A_380, %dma_wait3A_381, %dma_wait3A_382] : memref<6x128x64xf32, #tpu.memory_space<vmem>> -> memref<1x128x64xf32, #tpu.memory_space<vmem>>
            %dma_wait3A_384 = tpu.memref_squeeze %dma_wait3A_383 : memref<1x128x64xf32, #tpu.memory_space<vmem>> -> memref<128x64xf32, #tpu.memory_space<vmem>>
            %dma_wait3A_385 = arith.constant 0 : i32
            %dma_wait3A_386 = tpu.memref_slice %arg9[%add3A_359, %dma_wait3A_385] : memref<79x128xi32, #tpu.memory_space<vmem>> -> memref<1x128xi32, #tpu.memory_space<vmem>>
            %dma_wait3A_387 = tpu.memref_squeeze %dma_wait3A_386 : memref<1x128xi32, #tpu.memory_space<vmem>> -> memref<128xi32, #tpu.memory_space<vmem>>
            %dma_wait3A_388 = arith.constant 0 : i32
            %dma_wait3A_389 = arith.constant 0 : i32
            %dma_wait3A_390 = tpu.memref_slice %arg12[%dma_wait3A_388, %dma_wait3A_389] : memref<10240x64xf32, #tpu.memory_space<vmem_shared>> -> memref<10240x64xf32, #tpu.memory_space<vmem_shared>>
            tpu.wait_indirect_dma semaphore(%arg19 : memref<!tpu.dma_semaphore, #tpu.memory_space<semaphore_mem>>) src(%dma_wait3A_384 : memref<128x64xf32, #tpu.memory_space<vmem>>) dst(%dma_wait3A_390 : memref<10240x64xf32, #tpu.memory_space<vmem_shared>>)
          } else {
          }
          %dma_start3A_369 = arith.constant 0 : i32
          %dma_start3A_370 = arith.constant 0 : i32
          %dma_start3A_371 = arith.constant 0 : i32
          %dma_start3A_372 = tpu.memref_slice %arg10[%dma_start3A_369, %dma_start3A_370, %dma_start3A_371] : memref<6x128x64xf32, #tpu.memory_space<vmem>> -> memref<1x128x64xf32, #tpu.memory_space<vmem>>
          %dma_start3A_373 = tpu.memref_squeeze %dma_start3A_372 : memref<1x128x64xf32, #tpu.memory_space<vmem>> -> memref<128x64xf32, #tpu.memory_space<vmem>>
          %dma_start3A_374 = arith.constant 0 : i32
          %dma_start3A_375 = tpu.memref_slice %arg8[%add3A_359, %dma_start3A_374] : memref<79x128xi32, #tpu.memory_space<vmem>> -> memref<1x128xi32, #tpu.memory_space<vmem>>
          %dma_start3A_376 = tpu.memref_squeeze %dma_start3A_375 : memref<1x128xi32, #tpu.memory_space<vmem>> -> memref<128xi32, #tpu.memory_space<vmem>>
          %dma_start3A_377 = arith.constant 0 : i32
          %dma_start3A_378 = arith.constant 0 : i32
          %dma_start3A_379 = tpu.memref_slice %arg2[%dma_start3A_377, %dma_start3A_378] : memref<20480x64xf32, #tpu.memory_space<hbm>> -> memref<20480x64xf32, #tpu.memory_space<hbm>>
          tpu.enqueue_indirect_dma source(%dma_start3A_379 : memref<20480x64xf32, #tpu.memory_space<hbm>>) target(%dma_start3A_373 : memref<128x64xf32, #tpu.memory_space<vmem>>) offsets(%dma_start3A_376 : memref<128xi32, #tpu.memory_space<vmem>>) semaphore(%arg13 : memref<!tpu.dma_semaphore, #tpu.memory_space<semaphore_mem>>)
        } else {
        }
      } else {
      }
      %mul3A_318 = arith.constant 6 : i32
      %mul3A_319 = arith.muli %scan3A_284, %mul3A_318 : i32
      %add3A_320 = arith.constant 4 : i32
      %add3A_321 = arith.addi %mul3A_319, %add3A_320 : i32
      %lt3A_322 = arith.constant 79 : i32
      %lt3A_323 = arith.cmpi slt, %add3A_321, %lt3A_322 : i32
      %convert_element_type3A_324 = arith.extui %lt3A_323 : i1 to i32
      %cond3A_325 = arith.constant 0 : i32
      %cond3A_326 = arith.cmpi ne, %convert_element_type3A_324, %cond3A_325 : i32
      scf.if %cond3A_326 {
        %dma_wait3A_336 = arith.constant 4 : i32
        %dma_wait3A_337 = arith.constant 0 : i32
        %dma_wait3A_338 = arith.constant 0 : i32
        %dma_wait3A_339 = tpu.memref_slice %arg10[%dma_wait3A_336, %dma_wait3A_337, %dma_wait3A_338] : memref<6x128x64xf32, #tpu.memory_space<vmem>> -> memref<1x128x64xf32, #tpu.memory_space<vmem>>
        %dma_wait3A_340 = tpu.memref_squeeze %dma_wait3A_339 : memref<1x128x64xf32, #tpu.memory_space<vmem>> -> memref<128x64xf32, #tpu.memory_space<vmem>>
        %dma_wait3A_341 = arith.constant 0 : i32
        %dma_wait3A_342 = tpu.memref_slice %arg8[%add3A_321, %dma_wait3A_341] : memref<79x128xi32, #tpu.memory_space<vmem>> -> memref<1x128xi32, #tpu.memory_space<vmem>>
        %dma_wait3A_343 = tpu.memref_squeeze %dma_wait3A_342 : memref<1x128xi32, #tpu.memory_space<vmem>> -> memref<128xi32, #tpu.memory_space<vmem>>
        %dma_wait3A_344 = arith.constant 0 : i32
        %dma_wait3A_345 = arith.constant 0 : i32
        %dma_wait3A_346 = tpu.memref_slice %arg2[%dma_wait3A_344, %dma_wait3A_345] : memref<20480x64xf32, #tpu.memory_space<hbm>> -> memref<20480x64xf32, #tpu.memory_space<hbm>>
        tpu.wait_indirect_dma semaphore(%arg17 : memref<!tpu.dma_semaphore, #tpu.memory_space<semaphore_mem>>) src(%dma_wait3A_346 : memref<20480x64xf32, #tpu.memory_space<hbm>>) dst(%dma_wait3A_340 : memref<128x64xf32, #tpu.memory_space<vmem>>)
        %dma_start3A_347 = arith.constant 4 : i32
        %dma_start3A_348 = arith.constant 0 : i32
        %dma_start3A_349 = arith.constant 0 : i32
        %dma_start3A_350 = tpu.memref_slice %arg10[%dma_start3A_347, %dma_start3A_348, %dma_start3A_349] : memref<6x128x64xf32, #tpu.memory_space<vmem>> -> memref<1x128x64xf32, #tpu.memory_space<vmem>>
        %dma_start3A_351 = tpu.memref_squeeze %dma_start3A_350 : memref<1x128x64xf32, #tpu.memory_space<vmem>> -> memref<128x64xf32, #tpu.memory_space<vmem>>
        %dma_start3A_352 = arith.constant 0 : i32
        %dma_start3A_353 = tpu.memref_slice %arg9[%add3A_321, %dma_start3A_352] : memref<79x128xi32, #tpu.memory_space<vmem>> -> memref<1x128xi32, #tpu.memory_space<vmem>>
        %dma_start3A_354 = tpu.memref_squeeze %dma_start3A_353 : memref<1x128xi32, #tpu.memory_space<vmem>> -> memref<128xi32, #tpu.memory_space<vmem>>
        %dma_start3A_355 = arith.constant 0 : i32
        %dma_start3A_356 = arith.constant 0 : i32
        %dma_start3A_357 = tpu.memref_slice %arg12[%dma_start3A_355, %dma_start3A_356] : memref<10240x64xf32, #tpu.memory_space<vmem_shared>> -> memref<10240x64xf32, #tpu.memory_space<vmem_shared>>
        tpu.enqueue_indirect_dma source(%dma_start3A_351 : memref<128x64xf32, #tpu.memory_space<vmem>>) target(%dma_start3A_357 : memref<10240x64xf32, #tpu.memory_space<vmem_shared>>) offsets(%dma_start3A_354 : memref<128xi32, #tpu.memory_space<vmem>>) semaphore(%arg23 : memref<!tpu.dma_semaphore, #tpu.memory_space<semaphore_mem>>) {add = true}
        %add3A_358 = arith.constant 3 : i32
        %add3A_359 = arith.addi %add3A_321, %add3A_358 : i32
        %lt3A_360 = arith.constant 79 : i32
        %lt3A_361 = arith.cmpi slt, %add3A_359, %lt3A_360 : i32
        %convert_element_type3A_362 = arith.extui %lt3A_361 : i1 to i32
        %cond3A_363 = arith.constant 0 : i32
        %cond3A_364 = arith.cmpi ne, %convert_element_type3A_362, %cond3A_363 : i32
        scf.if %cond3A_364 {
          %ge3A = arith.constant 6 : i32
          %ge3A_365 = arith.cmpi sge, %add3A_359, %ge3A : i32
          %convert_element_type3A_366 = arith.extui %ge3A_365 : i1 to i32
          %cond3A_367 = arith.constant 0 : i32
          %cond3A_368 = arith.cmpi ne, %convert_element_type3A_366, %cond3A_367 : i32
          scf.if %cond3A_368 {
            %dma_wait3A_380 = arith.constant 1 : i32
            %dma_wait3A_381 = arith.constant 0 : i32
            %dma_wait3A_382 = arith.constant 0 : i32
            %dma_wait3A_383 = tpu.memref_slice %arg10[%dma_wait3A_380, %dma_wait3A_381, %dma_wait3A_382] : memref<6x128x64xf32, #tpu.memory_space<vmem>> -> memref<1x128x64xf32, #tpu.memory_space<vmem>>
            %dma_wait3A_384 = tpu.memref_squeeze %dma_wait3A_383 : memref<1x128x64xf32, #tpu.memory_space<vmem>> -> memref<128x64xf32, #tpu.memory_space<vmem>>
            %dma_wait3A_385 = arith.constant 0 : i32
            %dma_wait3A_386 = tpu.memref_slice %arg9[%add3A_359, %dma_wait3A_385] : memref<79x128xi32, #tpu.memory_space<vmem>> -> memref<1x128xi32, #tpu.memory_space<vmem>>
            %dma_wait3A_387 = tpu.memref_squeeze %dma_wait3A_386 : memref<1x128xi32, #tpu.memory_space<vmem>> -> memref<128xi32, #tpu.memory_space<vmem>>
            %dma_wait3A_388 = arith.constant 0 : i32
            %dma_wait3A_389 = arith.constant 0 : i32
            %dma_wait3A_390 = tpu.memref_slice %arg12[%dma_wait3A_388, %dma_wait3A_389] : memref<10240x64xf32, #tpu.memory_space<vmem_shared>> -> memref<10240x64xf32, #tpu.memory_space<vmem_shared>>
            tpu.wait_indirect_dma semaphore(%arg20 : memref<!tpu.dma_semaphore, #tpu.memory_space<semaphore_mem>>) src(%dma_wait3A_384 : memref<128x64xf32, #tpu.memory_space<vmem>>) dst(%dma_wait3A_390 : memref<10240x64xf32, #tpu.memory_space<vmem_shared>>)
          } else {
          }
          %dma_start3A_369 = arith.constant 1 : i32
          %dma_start3A_370 = arith.constant 0 : i32
          %dma_start3A_371 = arith.constant 0 : i32
          %dma_start3A_372 = tpu.memref_slice %arg10[%dma_start3A_369, %dma_start3A_370, %dma_start3A_371] : memref<6x128x64xf32, #tpu.memory_space<vmem>> -> memref<1x128x64xf32, #tpu.memory_space<vmem>>
          %dma_start3A_373 = tpu.memref_squeeze %dma_start3A_372 : memref<1x128x64xf32, #tpu.memory_space<vmem>> -> memref<128x64xf32, #tpu.memory_space<vmem>>
          %dma_start3A_374 = arith.constant 0 : i32
          %dma_start3A_375 = tpu.memref_slice %arg8[%add3A_359, %dma_start3A_374] : memref<79x128xi32, #tpu.memory_space<vmem>> -> memref<1x128xi32, #tpu.memory_space<vmem>>
          %dma_start3A_376 = tpu.memref_squeeze %dma_start3A_375 : memref<1x128xi32, #tpu.memory_space<vmem>> -> memref<128xi32, #tpu.memory_space<vmem>>
          %dma_start3A_377 = arith.constant 0 : i32
          %dma_start3A_378 = arith.constant 0 : i32
          %dma_start3A_379 = tpu.memref_slice %arg2[%dma_start3A_377, %dma_start3A_378] : memref<20480x64xf32, #tpu.memory_space<hbm>> -> memref<20480x64xf32, #tpu.memory_space<hbm>>
          tpu.enqueue_indirect_dma source(%dma_start3A_379 : memref<20480x64xf32, #tpu.memory_space<hbm>>) target(%dma_start3A_373 : memref<128x64xf32, #tpu.memory_space<vmem>>) offsets(%dma_start3A_376 : memref<128xi32, #tpu.memory_space<vmem>>) semaphore(%arg14 : memref<!tpu.dma_semaphore, #tpu.memory_space<semaphore_mem>>)
        } else {
        }
      } else {
      }
      %mul3A_327 = arith.constant 6 : i32
      %mul3A_328 = arith.muli %scan3A_284, %mul3A_327 : i32
      %add3A_329 = arith.constant 5 : i32
      %add3A_330 = arith.addi %mul3A_328, %add3A_329 : i32
      %lt3A_331 = arith.constant 79 : i32
      %lt3A_332 = arith.cmpi slt, %add3A_330, %lt3A_331 : i32
      %convert_element_type3A_333 = arith.extui %lt3A_332 : i1 to i32
      %cond3A_334 = arith.constant 0 : i32
      %cond3A_335 = arith.cmpi ne, %convert_element_type3A_333, %cond3A_334 : i32
      scf.if %cond3A_335 {
        %dma_wait3A_336 = arith.constant 5 : i32
        %dma_wait3A_337 = arith.constant 0 : i32
        %dma_wait3A_338 = arith.constant 0 : i32
        %dma_wait3A_339 = tpu.memref_slice %arg10[%dma_wait3A_336, %dma_wait3A_337, %dma_wait3A_338] : memref<6x128x64xf32, #tpu.memory_space<vmem>> -> memref<1x128x64xf32, #tpu.memory_space<vmem>>
        %dma_wait3A_340 = tpu.memref_squeeze %dma_wait3A_339 : memref<1x128x64xf32, #tpu.memory_space<vmem>> -> memref<128x64xf32, #tpu.memory_space<vmem>>
        %dma_wait3A_341 = arith.constant 0 : i32
        %dma_wait3A_342 = tpu.memref_slice %arg8[%add3A_330, %dma_wait3A_341] : memref<79x128xi32, #tpu.memory_space<vmem>> -> memref<1x128xi32, #tpu.memory_space<vmem>>
        %dma_wait3A_343 = tpu.memref_squeeze %dma_wait3A_342 : memref<1x128xi32, #tpu.memory_space<vmem>> -> memref<128xi32, #tpu.memory_space<vmem>>
        %dma_wait3A_344 = arith.constant 0 : i32
        %dma_wait3A_345 = arith.constant 0 : i32
        %dma_wait3A_346 = tpu.memref_slice %arg2[%dma_wait3A_344, %dma_wait3A_345] : memref<20480x64xf32, #tpu.memory_space<hbm>> -> memref<20480x64xf32, #tpu.memory_space<hbm>>
        tpu.wait_indirect_dma semaphore(%arg18 : memref<!tpu.dma_semaphore, #tpu.memory_space<semaphore_mem>>) src(%dma_wait3A_346 : memref<20480x64xf32, #tpu.memory_space<hbm>>) dst(%dma_wait3A_340 : memref<128x64xf32, #tpu.memory_space<vmem>>)
        %dma_start3A_347 = arith.constant 5 : i32
        %dma_start3A_348 = arith.constant 0 : i32
        %dma_start3A_349 = arith.constant 0 : i32
        %dma_start3A_350 = tpu.memref_slice %arg10[%dma_start3A_347, %dma_start3A_348, %dma_start3A_349] : memref<6x128x64xf32, #tpu.memory_space<vmem>> -> memref<1x128x64xf32, #tpu.memory_space<vmem>>
        %dma_start3A_351 = tpu.memref_squeeze %dma_start3A_350 : memref<1x128x64xf32, #tpu.memory_space<vmem>> -> memref<128x64xf32, #tpu.memory_space<vmem>>
        %dma_start3A_352 = arith.constant 0 : i32
        %dma_start3A_353 = tpu.memref_slice %arg9[%add3A_330, %dma_start3A_352] : memref<79x128xi32, #tpu.memory_space<vmem>> -> memref<1x128xi32, #tpu.memory_space<vmem>>
        %dma_start3A_354 = tpu.memref_squeeze %dma_start3A_353 : memref<1x128xi32, #tpu.memory_space<vmem>> -> memref<128xi32, #tpu.memory_space<vmem>>
        %dma_start3A_355 = arith.constant 0 : i32
        %dma_start3A_356 = arith.constant 0 : i32
        %dma_start3A_357 = tpu.memref_slice %arg12[%dma_start3A_355, %dma_start3A_356] : memref<10240x64xf32, #tpu.memory_space<vmem_shared>> -> memref<10240x64xf32, #tpu.memory_space<vmem_shared>>
        tpu.enqueue_indirect_dma source(%dma_start3A_351 : memref<128x64xf32, #tpu.memory_space<vmem>>) target(%dma_start3A_357 : memref<10240x64xf32, #tpu.memory_space<vmem_shared>>) offsets(%dma_start3A_354 : memref<128xi32, #tpu.memory_space<vmem>>) semaphore(%arg24 : memref<!tpu.dma_semaphore, #tpu.memory_space<semaphore_mem>>) {add = true}
        %add3A_358 = arith.constant 3 : i32
        %add3A_359 = arith.addi %add3A_330, %add3A_358 : i32
        %lt3A_360 = arith.constant 79 : i32
        %lt3A_361 = arith.cmpi slt, %add3A_359, %lt3A_360 : i32
        %convert_element_type3A_362 = arith.extui %lt3A_361 : i1 to i32
        %cond3A_363 = arith.constant 0 : i32
        %cond3A_364 = arith.cmpi ne, %convert_element_type3A_362, %cond3A_363 : i32
        scf.if %cond3A_364 {
          %ge3A = arith.constant 6 : i32
          %ge3A_365 = arith.cmpi sge, %add3A_359, %ge3A : i32
          %convert_element_type3A_366 = arith.extui %ge3A_365 : i1 to i32
          %cond3A_367 = arith.constant 0 : i32
          %cond3A_368 = arith.cmpi ne, %convert_element_type3A_366, %cond3A_367 : i32
          scf.if %cond3A_368 {
            %dma_wait3A_380 = arith.constant 2 : i32
            %dma_wait3A_381 = arith.constant 0 : i32
            %dma_wait3A_382 = arith.constant 0 : i32
            %dma_wait3A_383 = tpu.memref_slice %arg10[%dma_wait3A_380, %dma_wait3A_381, %dma_wait3A_382] : memref<6x128x64xf32, #tpu.memory_space<vmem>> -> memref<1x128x64xf32, #tpu.memory_space<vmem>>
            %dma_wait3A_384 = tpu.memref_squeeze %dma_wait3A_383 : memref<1x128x64xf32, #tpu.memory_space<vmem>> -> memref<128x64xf32, #tpu.memory_space<vmem>>
            %dma_wait3A_385 = arith.constant 0 : i32
            %dma_wait3A_386 = tpu.memref_slice %arg9[%add3A_359, %dma_wait3A_385] : memref<79x128xi32, #tpu.memory_space<vmem>> -> memref<1x128xi32, #tpu.memory_space<vmem>>
            %dma_wait3A_387 = tpu.memref_squeeze %dma_wait3A_386 : memref<1x128xi32, #tpu.memory_space<vmem>> -> memref<128xi32, #tpu.memory_space<vmem>>
            %dma_wait3A_388 = arith.constant 0 : i32
            %dma_wait3A_389 = arith.constant 0 : i32
            %dma_wait3A_390 = tpu.memref_slice %arg12[%dma_wait3A_388, %dma_wait3A_389] : memref<10240x64xf32, #tpu.memory_space<vmem_shared>> -> memref<10240x64xf32, #tpu.memory_space<vmem_shared>>
            tpu.wait_indirect_dma semaphore(%arg21 : memref<!tpu.dma_semaphore, #tpu.memory_space<semaphore_mem>>) src(%dma_wait3A_384 : memref<128x64xf32, #tpu.memory_space<vmem>>) dst(%dma_wait3A_390 : memref<10240x64xf32, #tpu.memory_space<vmem_shared>>)
          } else {
          }
          %dma_start3A_369 = arith.constant 2 : i32
          %dma_start3A_370 = arith.constant 0 : i32
          %dma_start3A_371 = arith.constant 0 : i32
          %dma_start3A_372 = tpu.memref_slice %arg10[%dma_start3A_369, %dma_start3A_370, %dma_start3A_371] : memref<6x128x64xf32, #tpu.memory_space<vmem>> -> memref<1x128x64xf32, #tpu.memory_space<vmem>>
          %dma_start3A_373 = tpu.memref_squeeze %dma_start3A_372 : memref<1x128x64xf32, #tpu.memory_space<vmem>> -> memref<128x64xf32, #tpu.memory_space<vmem>>
          %dma_start3A_374 = arith.constant 0 : i32
          %dma_start3A_375 = tpu.memref_slice %arg8[%add3A_359, %dma_start3A_374] : memref<79x128xi32, #tpu.memory_space<vmem>> -> memref<1x128xi32, #tpu.memory_space<vmem>>
          %dma_start3A_376 = tpu.memref_squeeze %dma_start3A_375 : memref<1x128xi32, #tpu.memory_space<vmem>> -> memref<128xi32, #tpu.memory_space<vmem>>
          %dma_start3A_377 = arith.constant 0 : i32
          %dma_start3A_378 = arith.constant 0 : i32
          %dma_start3A_379 = tpu.memref_slice %arg2[%dma_start3A_377, %dma_start3A_378] : memref<20480x64xf32, #tpu.memory_space<hbm>> -> memref<20480x64xf32, #tpu.memory_space<hbm>>
          tpu.enqueue_indirect_dma source(%dma_start3A_379 : memref<20480x64xf32, #tpu.memory_space<hbm>>) target(%dma_start3A_373 : memref<128x64xf32, #tpu.memory_space<vmem>>) offsets(%dma_start3A_376 : memref<128xi32, #tpu.memory_space<vmem>>) semaphore(%arg15 : memref<!tpu.dma_semaphore, #tpu.memory_space<semaphore_mem>>)
        } else {
        }
      } else {
      }
    }
    %scan3A_206 = arith.constant 14 : i32
    %dma_wait3A_207 = arith.constant 1 : i32
    %dma_wait3A_208 = arith.constant 73 : i32
    %dma_wait3A_209 = arith.constant 0 : i32
    %dma_wait3A_210 = arith.constant 0 : i32
    %dma_wait3A_211 = tpu.memref_slice %arg10[%dma_wait3A_207, %dma_wait3A_209, %dma_wait3A_210] : memref<6x128x64xf32, #tpu.memory_space<vmem>> -> memref<1x128x64xf32, #tpu.memory_space<vmem>>
    %dma_wait3A_212 = tpu.memref_squeeze %dma_wait3A_211 : memref<1x128x64xf32, #tpu.memory_space<vmem>> -> memref<128x64xf32, #tpu.memory_space<vmem>>
    %dma_wait3A_213 = arith.constant 0 : i32
    %dma_wait3A_214 = tpu.memref_slice %arg9[%dma_wait3A_208, %dma_wait3A_213] : memref<79x128xi32, #tpu.memory_space<vmem>> -> memref<1x128xi32, #tpu.memory_space<vmem>>
    %dma_wait3A_215 = tpu.memref_squeeze %dma_wait3A_214 : memref<1x128xi32, #tpu.memory_space<vmem>> -> memref<128xi32, #tpu.memory_space<vmem>>
    %dma_wait3A_216 = arith.constant 0 : i32
    %dma_wait3A_217 = arith.constant 0 : i32
    %dma_wait3A_218 = tpu.memref_slice %arg12[%dma_wait3A_216, %dma_wait3A_217] : memref<10240x64xf32, #tpu.memory_space<vmem_shared>> -> memref<10240x64xf32, #tpu.memory_space<vmem_shared>>
    tpu.wait_indirect_dma semaphore(%arg20 : memref<!tpu.dma_semaphore, #tpu.memory_space<semaphore_mem>>) src(%dma_wait3A_212 : memref<128x64xf32, #tpu.memory_space<vmem>>) dst(%dma_wait3A_218 : memref<10240x64xf32, #tpu.memory_space<vmem_shared>>)
    %dma_wait3A_219 = arith.constant 2 : i32
    %dma_wait3A_220 = arith.constant 74 : i32
    %dma_wait3A_221 = arith.constant 0 : i32
    %dma_wait3A_222 = arith.constant 0 : i32
    %dma_wait3A_223 = tpu.memref_slice %arg10[%dma_wait3A_219, %dma_wait3A_221, %dma_wait3A_222] : memref<6x128x64xf32, #tpu.memory_space<vmem>> -> memref<1x128x64xf32, #tpu.memory_space<vmem>>
    %dma_wait3A_224 = tpu.memref_squeeze %dma_wait3A_223 : memref<1x128x64xf32, #tpu.memory_space<vmem>> -> memref<128x64xf32, #tpu.memory_space<vmem>>
    %dma_wait3A_225 = arith.constant 0 : i32
    %dma_wait3A_226 = tpu.memref_slice %arg9[%dma_wait3A_220, %dma_wait3A_225] : memref<79x128xi32, #tpu.memory_space<vmem>> -> memref<1x128xi32, #tpu.memory_space<vmem>>
    %dma_wait3A_227 = tpu.memref_squeeze %dma_wait3A_226 : memref<1x128xi32, #tpu.memory_space<vmem>> -> memref<128xi32, #tpu.memory_space<vmem>>
    %dma_wait3A_228 = arith.constant 0 : i32
    %dma_wait3A_229 = arith.constant 0 : i32
    %dma_wait3A_230 = tpu.memref_slice %arg12[%dma_wait3A_228, %dma_wait3A_229] : memref<10240x64xf32, #tpu.memory_space<vmem_shared>> -> memref<10240x64xf32, #tpu.memory_space<vmem_shared>>
    tpu.wait_indirect_dma semaphore(%arg21 : memref<!tpu.dma_semaphore, #tpu.memory_space<semaphore_mem>>) src(%dma_wait3A_224 : memref<128x64xf32, #tpu.memory_space<vmem>>) dst(%dma_wait3A_230 : memref<10240x64xf32, #tpu.memory_space<vmem_shared>>)
    %dma_wait3A_231 = arith.constant 3 : i32
    %dma_wait3A_232 = arith.constant 75 : i32
    %dma_wait3A_233 = arith.constant 0 : i32
    %dma_wait3A_234 = arith.constant 0 : i32
    %dma_wait3A_235 = tpu.memref_slice %arg10[%dma_wait3A_231, %dma_wait3A_233, %dma_wait3A_234] : memref<6x128x64xf32, #tpu.memory_space<vmem>> -> memref<1x128x64xf32, #tpu.memory_space<vmem>>
    %dma_wait3A_236 = tpu.memref_squeeze %dma_wait3A_235 : memref<1x128x64xf32, #tpu.memory_space<vmem>> -> memref<128x64xf32, #tpu.memory_space<vmem>>
    %dma_wait3A_237 = arith.constant 0 : i32
    %dma_wait3A_238 = tpu.memref_slice %arg9[%dma_wait3A_232, %dma_wait3A_237] : memref<79x128xi32, #tpu.memory_space<vmem>> -> memref<1x128xi32, #tpu.memory_space<vmem>>
    %dma_wait3A_239 = tpu.memref_squeeze %dma_wait3A_238 : memref<1x128xi32, #tpu.memory_space<vmem>> -> memref<128xi32, #tpu.memory_space<vmem>>
    %dma_wait3A_240 = arith.constant 0 : i32
    %dma_wait3A_241 = arith.constant 0 : i32
    %dma_wait3A_242 = tpu.memref_slice %arg12[%dma_wait3A_240, %dma_wait3A_241] : memref<10240x64xf32, #tpu.memory_space<vmem_shared>> -> memref<10240x64xf32, #tpu.memory_space<vmem_shared>>
    tpu.wait_indirect_dma semaphore(%arg22 : memref<!tpu.dma_semaphore, #tpu.memory_space<semaphore_mem>>) src(%dma_wait3A_236 : memref<128x64xf32, #tpu.memory_space<vmem>>) dst(%dma_wait3A_242 : memref<10240x64xf32, #tpu.memory_space<vmem_shared>>)
    %dma_wait3A_243 = arith.constant 4 : i32
    %dma_wait3A_244 = arith.constant 76 : i32
    %dma_wait3A_245 = arith.constant 0 : i32
    %dma_wait3A_246 = arith.constant 0 : i32
    %dma_wait3A_247 = tpu.memref_slice %arg10[%dma_wait3A_243, %dma_wait3A_245, %dma_wait3A_246] : memref<6x128x64xf32, #tpu.memory_space<vmem>> -> memref<1x128x64xf32, #tpu.memory_space<vmem>>
    %dma_wait3A_248 = tpu.memref_squeeze %dma_wait3A_247 : memref<1x128x64xf32, #tpu.memory_space<vmem>> -> memref<128x64xf32, #tpu.memory_space<vmem>>
    %dma_wait3A_249 = arith.constant 0 : i32
    %dma_wait3A_250 = tpu.memref_slice %arg9[%dma_wait3A_244, %dma_wait3A_249] : memref<79x128xi32, #tpu.memory_space<vmem>> -> memref<1x128xi32, #tpu.memory_space<vmem>>
    %dma_wait3A_251 = tpu.memref_squeeze %dma_wait3A_250 : memref<1x128xi32, #tpu.memory_space<vmem>> -> memref<128xi32, #tpu.memory_space<vmem>>
    %dma_wait3A_252 = arith.constant 0 : i32
    %dma_wait3A_253 = arith.constant 0 : i32
    %dma_wait3A_254 = tpu.memref_slice %arg12[%dma_wait3A_252, %dma_wait3A_253] : memref<10240x64xf32, #tpu.memory_space<vmem_shared>> -> memref<10240x64xf32, #tpu.memory_space<vmem_shared>>
    tpu.wait_indirect_dma semaphore(%arg23 : memref<!tpu.dma_semaphore, #tpu.memory_space<semaphore_mem>>) src(%dma_wait3A_248 : memref<128x64xf32, #tpu.memory_space<vmem>>) dst(%dma_wait3A_254 : memref<10240x64xf32, #tpu.memory_space<vmem_shared>>)
    %dma_wait3A_255 = arith.constant 5 : i32
    %dma_wait3A_256 = arith.constant 77 : i32
    %dma_wait3A_257 = arith.constant 0 : i32
    %dma_wait3A_258 = arith.constant 0 : i32
    %dma_wait3A_259 = tpu.memref_slice %arg10[%dma_wait3A_255, %dma_wait3A_257, %dma_wait3A_258] : memref<6x128x64xf32, #tpu.memory_space<vmem>> -> memref<1x128x64xf32, #tpu.memory_space<vmem>>
    %dma_wait3A_260 = tpu.memref_squeeze %dma_wait3A_259 : memref<1x128x64xf32, #tpu.memory_space<vmem>> -> memref<128x64xf32, #tpu.memory_space<vmem>>
    %dma_wait3A_261 = arith.constant 0 : i32
    %dma_wait3A_262 = tpu.memref_slice %arg9[%dma_wait3A_256, %dma_wait3A_261] : memref<79x128xi32, #tpu.memory_space<vmem>> -> memref<1x128xi32, #tpu.memory_space<vmem>>
    %dma_wait3A_263 = tpu.memref_squeeze %dma_wait3A_262 : memref<1x128xi32, #tpu.memory_space<vmem>> -> memref<128xi32, #tpu.memory_space<vmem>>
    %dma_wait3A_264 = arith.constant 0 : i32
    %dma_wait3A_265 = arith.constant 0 : i32
    %dma_wait3A_266 = tpu.memref_slice %arg12[%dma_wait3A_264, %dma_wait3A_265] : memref<10240x64xf32, #tpu.memory_space<vmem_shared>> -> memref<10240x64xf32, #tpu.memory_space<vmem_shared>>
    tpu.wait_indirect_dma semaphore(%arg24 : memref<!tpu.dma_semaphore, #tpu.memory_space<semaphore_mem>>) src(%dma_wait3A_260 : memref<128x64xf32, #tpu.memory_space<vmem>>) dst(%dma_wait3A_266 : memref<10240x64xf32, #tpu.memory_space<vmem_shared>>)
    %dma_wait3A_267 = arith.constant 0 : i32
    %dma_wait3A_268 = arith.constant 78 : i32
    %dma_wait3A_269 = arith.constant 0 : i32
    %dma_wait3A_270 = arith.constant 0 : i32
    %dma_wait3A_271 = tpu.memref_slice %arg10[%dma_wait3A_267, %dma_wait3A_269, %dma_wait3A_270] : memref<6x128x64xf32, #tpu.memory_space<vmem>> -> memref<1x128x64xf32, #tpu.memory_space<vmem>>
    %dma_wait3A_272 = tpu.memref_squeeze %dma_wait3A_271 : memref<1x128x64xf32, #tpu.memory_space<vmem>> -> memref<128x64xf32, #tpu.memory_space<vmem>>
    %dma_wait3A_273 = arith.constant 0 : i32
    %dma_wait3A_274 = tpu.memref_slice %arg9[%dma_wait3A_268, %dma_wait3A_273] : memref<79x128xi32, #tpu.memory_space<vmem>> -> memref<1x128xi32, #tpu.memory_space<vmem>>
    %dma_wait3A_275 = tpu.memref_squeeze %dma_wait3A_274 : memref<1x128xi32, #tpu.memory_space<vmem>> -> memref<128xi32, #tpu.memory_space<vmem>>
    %dma_wait3A_276 = arith.constant 0 : i32
    %dma_wait3A_277 = arith.constant 0 : i32
    %dma_wait3A_278 = tpu.memref_slice %arg12[%dma_wait3A_276, %dma_wait3A_277] : memref<10240x64xf32, #tpu.memory_space<vmem_shared>> -> memref<10240x64xf32, #tpu.memory_space<vmem_shared>>
    tpu.wait_indirect_dma semaphore(%arg19 : memref<!tpu.dma_semaphore, #tpu.memory_space<semaphore_mem>>) src(%dma_wait3A_272 : memref<128x64xf32, #tpu.memory_space<vmem>>) dst(%dma_wait3A_278 : memref<10240x64xf32, #tpu.memory_space<vmem_shared>>)
    %barrier3A_279 = arith.constant 0 : index
    tpu.barrier barrier_id(%barrier3A_279)
    %mul3A_280 = arith.constant 640 : i32
    %mul3A_281 = arith.muli %arg1, %mul3A_280 : i32
    %mul3A_282 = arith.constant 640 : i32
    %mul3A_283 = arith.muli %arg1, %mul3A_282 : i32
    "tpu.region"() ({
      %run_scoped3A = tpu.sem_alloc : memref<!tpu.dma_semaphore, #tpu.memory_space<semaphore_mem>>
      %dma_start3A_284 = arith.constant 0 : i32
      %dma_start3A_285 = arith.constant 0 : i32
      %dma_start3A_286 = tpu.memref_slice %arg6[%arg0, %dma_start3A_284, %dma_start3A_285] : memref<2x10240x128xf32, #tpu.memory_space<hbm>> -> memref<1x10240x128xf32, #tpu.memory_space<hbm>>
      %dma_start3A_287 = tpu.memref_squeeze %dma_start3A_286 : memref<1x10240x128xf32, #tpu.memory_space<hbm>> -> memref<10240x128xf32, #tpu.memory_space<hbm>>
      %dma_start3A_288 = arith.constant 64 : i32
      %dma_start3A_289 = tpu.memref_slice %dma_start3A_287[%mul3A_283, %dma_start3A_288] : memref<10240x128xf32, #tpu.memory_space<hbm>> -> memref<640x64xf32, #tpu.memory_space<hbm>>
      %dma_start3A_290 = arith.constant 0 : i32
      %dma_start3A_291 = tpu.memref_slice %arg12[%mul3A_281, %dma_start3A_290] : memref<10240x64xf32, #tpu.memory_space<vmem_shared>> -> memref<640x64xf32, #tpu.memory_space<vmem_shared>>
      tpu.enqueue_dma source(%dma_start3A_291 : memref<640x64xf32, #tpu.memory_space<vmem_shared>>) target(%dma_start3A_289 : memref<640x64xf32, #tpu.memory_space<hbm>>) target_semaphore(%run_scoped3A : memref<!tpu.dma_semaphore, #tpu.memory_space<semaphore_mem>>)
      %dma_wait3A_292 = arith.constant 0 : i32
      %dma_wait3A_293 = arith.constant 0 : i32
      %dma_wait3A_294 = tpu.memref_slice %arg6[%arg0, %dma_wait3A_292, %dma_wait3A_293] : memref<2x10240x128xf32, #tpu.memory_space<hbm>> -> memref<1x10240x128xf32, #tpu.memory_space<hbm>>
      %dma_wait3A_295 = tpu.memref_squeeze %dma_wait3A_294 : memref<1x10240x128xf32, #tpu.memory_space<hbm>> -> memref<10240x128xf32, #tpu.memory_space<hbm>>
      %dma_wait3A_296 = arith.constant 64 : i32
      %dma_wait3A_297 = tpu.memref_slice %dma_wait3A_295[%mul3A_283, %dma_wait3A_296] : memref<10240x128xf32, #tpu.memory_space<hbm>> -> memref<640x64xf32, #tpu.memory_space<hbm>>
      %dma_wait3A_298 = arith.constant 0 : i32
      %dma_wait3A_299 = tpu.memref_slice %arg12[%mul3A_281, %dma_wait3A_298] : memref<10240x64xf32, #tpu.memory_space<vmem_shared>> -> memref<640x64xf32, #tpu.memory_space<vmem_shared>>
      tpu.wait_dma2 semaphore(%run_scoped3A : memref<!tpu.dma_semaphore, #tpu.memory_space<semaphore_mem>>) src(%dma_wait3A_299 : memref<640x64xf32, #tpu.memory_space<vmem_shared>>) dst(%dma_wait3A_297 : memref<640x64xf32, #tpu.memory_space<hbm>>)
      tpu.yield
    }) : () -> ()
    return
  }
}

#map = affine_map<(d0, d1) -> (0, 0, 0)>
module attributes {stable_mosaic.version = 14 : i64} {
  func.func @deg_k(%arg0: i32, %arg1: i32, %arg2: memref<32x79x128xi32, #tpu.memory_space<hbm>>, %arg3: memref<2x10240x128xf32, #tpu.memory_space<hbm>>, %arg4: memref<79x128xi32, #tpu.memory_space<vmem>>, %arg5: memref<128x16xf32, #tpu.memory_space<vmem>>, %arg6: memref<128x16xf32, #tpu.memory_space<vmem>>, %arg7: memref<10240x16xf32, #tpu.memory_space<vmem_shared>>, %arg8: memref<!tpu.dma_semaphore, #tpu.memory_space<semaphore_mem>>) attributes {dimension_semantics = [#tpu.dimension_semantics<core_parallel>, #tpu.dimension_semantics<subcore_parallel>], iteration_bounds = array<i64: 2, 16>, scalar_prefetch = 0 : i64, scratch_operands = 5 : i64, tpu.core_type = #tpu.core_type<sc_vector_subcore>, window_params = [{transform_indices = #map}, {transform_indices = #map}]} {
    %mul3A = arith.constant 2 : i32
    %mul3A_0 = arith.muli %arg1, %mul3A : i32
    %add3A = arith.addi %mul3A_0, %arg0 : i32
    "tpu.region"() ({
      %run_scoped3A = tpu.sem_alloc : memref<!tpu.dma_semaphore, #tpu.memory_space<semaphore_mem>>
      %dma_start3A = arith.constant 0 : i32
      %dma_start3A_46 = arith.constant 0 : i32
      %dma_start3A_47 = tpu.memref_slice %arg2[%add3A, %dma_start3A, %dma_start3A_46] : memref<32x79x128xi32, #tpu.memory_space<hbm>> -> memref<1x79x128xi32, #tpu.memory_space<hbm>>
      %dma_start3A_48 = tpu.memref_squeeze %dma_start3A_47 : memref<1x79x128xi32, #tpu.memory_space<hbm>> -> memref<79x128xi32, #tpu.memory_space<hbm>>
      %dma_start3A_49 = arith.constant 0 : i32
      %dma_start3A_50 = arith.constant 0 : i32
      %dma_start3A_51 = tpu.memref_slice %arg2[%add3A, %dma_start3A_49, %dma_start3A_50] : memref<32x79x128xi32, #tpu.memory_space<hbm>> -> memref<1x79x128xi32, #tpu.memory_space<hbm>>
      %dma_start3A_52 = tpu.memref_squeeze %dma_start3A_51 : memref<1x79x128xi32, #tpu.memory_space<hbm>> -> memref<79x128xi32, #tpu.memory_space<hbm>>
      tpu.enqueue_dma source(%dma_start3A_52 : memref<79x128xi32, #tpu.memory_space<hbm>>) target(%arg4 : memref<79x128xi32, #tpu.memory_space<vmem>>) target_semaphore(%run_scoped3A : memref<!tpu.dma_semaphore, #tpu.memory_space<semaphore_mem>>)
      %dma_wait3A = arith.constant 0 : i32
      %dma_wait3A_53 = arith.constant 0 : i32
      %dma_wait3A_54 = tpu.memref_slice %arg2[%add3A, %dma_wait3A, %dma_wait3A_53] : memref<32x79x128xi32, #tpu.memory_space<hbm>> -> memref<1x79x128xi32, #tpu.memory_space<hbm>>
      %dma_wait3A_55 = tpu.memref_squeeze %dma_wait3A_54 : memref<1x79x128xi32, #tpu.memory_space<hbm>> -> memref<79x128xi32, #tpu.memory_space<hbm>>
      %dma_wait3A_56 = arith.constant 0 : i32
      %dma_wait3A_57 = arith.constant 0 : i32
      %dma_wait3A_58 = tpu.memref_slice %arg2[%add3A, %dma_wait3A_56, %dma_wait3A_57] : memref<32x79x128xi32, #tpu.memory_space<hbm>> -> memref<1x79x128xi32, #tpu.memory_space<hbm>>
      %dma_wait3A_59 = tpu.memref_squeeze %dma_wait3A_58 : memref<1x79x128xi32, #tpu.memory_space<hbm>> -> memref<79x128xi32, #tpu.memory_space<hbm>>
      tpu.wait_dma2 semaphore(%run_scoped3A : memref<!tpu.dma_semaphore, #tpu.memory_space<semaphore_mem>>) src(%dma_wait3A_59 : memref<79x128xi32, #tpu.memory_space<hbm>>) dst(%arg4 : memref<79x128xi32, #tpu.memory_space<vmem>>)
      tpu.yield
    }) : () -> ()
    %broadcast_in_dim3A = arith.constant 1.000000e+00 : f32
    %broadcast_in_dim3A_1 = vector.broadcast %broadcast_in_dim3A : f32 to vector<16xf32>
    %broadcast_in_dim3A_2 = arith.constant 0.000000e+00 : f32
    %broadcast_in_dim3A_3 = vector.broadcast %broadcast_in_dim3A_2 : f32 to vector<16xf32>
    %scan3A = arith.constant 0 : i32
    %scan3A_4 = arith.constant 0 : i32
    %scan3A_5 = arith.constant 128 : i32
    %scan3A_6 = arith.addi %scan3A_4, %scan3A_5 : i32
    %scan3A_7 = arith.constant 1 : i32
    scf.for %scan3A_46 = %scan3A_4 to %scan3A_6 step %scan3A_7  : i32 {
      %swap3A = arith.index_cast %scan3A_46 : i32 to index
      %swap3A_47 = arith.constant 0 : index
      %swap3A_48 = tpu.vector_load %arg5[%swap3A, %swap3A_47] {strides = array<i32>} : memref<128x16xf32, #tpu.memory_space<vmem>>, vector<1x16xf32>,
      %swap3A_49 = vector.shape_cast %swap3A_48 : vector<1x16xf32> to vector<16xf32>
      %swap3A_50 = vector.shape_cast %broadcast_in_dim3A_1 : vector<16xf32> to vector<1x16xf32>
      tpu.vector_store %arg5[%swap3A, %swap3A_47], %swap3A_50 {strides = array<i32>} : memref<128x16xf32, #tpu.memory_space<vmem>>, vector<1x16xf32>,
      %swap3A_51 = arith.index_cast %scan3A_46 : i32 to index
      %swap3A_52 = arith.constant 0 : index
      %swap3A_53 = tpu.vector_load %arg6[%swap3A_51, %swap3A_52] {strides = array<i32>} : memref<128x16xf32, #tpu.memory_space<vmem>>, vector<1x16xf32>,
      %swap3A_54 = vector.shape_cast %swap3A_53 : vector<1x16xf32> to vector<16xf32>
      %swap3A_55 = vector.shape_cast %broadcast_in_dim3A_3 : vector<16xf32> to vector<1x16xf32>
      tpu.vector_store %arg6[%swap3A_51, %swap3A_52], %swap3A_55 {strides = array<i32>} : memref<128x16xf32, #tpu.memory_space<vmem>>, vector<1x16xf32>,
    }
    %scan3A_8 = arith.constant 128 : i32
    %mul3A_9 = arith.constant 640 : i32
    %mul3A_10 = arith.muli %arg1, %mul3A_9 : i32
    %add3A_11 = arith.constant 0 : i32
    %add3A_12 = arith.addi %mul3A_10, %add3A_11 : i32
    "tpu.region"() ({
      %run_scoped3A = tpu.sem_alloc : memref<!tpu.dma_semaphore, #tpu.memory_space<semaphore_mem>>
      %dma_start3A = arith.constant 0 : i32
      %dma_start3A_46 = tpu.memref_slice %arg7[%add3A_12, %dma_start3A] : memref<10240x16xf32, #tpu.memory_space<vmem_shared>> -> memref<128x16xf32, #tpu.memory_space<vmem_shared>>
      %dma_start3A_47 = arith.constant 0 : i32
      %dma_start3A_48 = tpu.memref_slice %arg7[%add3A_12, %dma_start3A_47] : memref<10240x16xf32, #tpu.memory_space<vmem_shared>> -> memref<128x16xf32, #tpu.memory_space<vmem_shared>>
      tpu.enqueue_dma source(%arg6 : memref<128x16xf32, #tpu.memory_space<vmem>>) target(%dma_start3A_48 : memref<128x16xf32, #tpu.memory_space<vmem_shared>>) target_semaphore(%run_scoped3A : memref<!tpu.dma_semaphore, #tpu.memory_space<semaphore_mem>>)
      %dma_wait3A = arith.constant 0 : i32
      %dma_wait3A_49 = tpu.memref_slice %arg7[%add3A_12, %dma_wait3A] : memref<10240x16xf32, #tpu.memory_space<vmem_shared>> -> memref<128x16xf32, #tpu.memory_space<vmem_shared>>
      %dma_wait3A_50 = arith.constant 0 : i32
      %dma_wait3A_51 = tpu.memref_slice %arg7[%add3A_12, %dma_wait3A_50] : memref<10240x16xf32, #tpu.memory_space<vmem_shared>> -> memref<128x16xf32, #tpu.memory_space<vmem_shared>>
      tpu.wait_dma2 semaphore(%run_scoped3A : memref<!tpu.dma_semaphore, #tpu.memory_space<semaphore_mem>>) src(%arg6 : memref<128x16xf32, #tpu.memory_space<vmem>>) dst(%dma_wait3A_51 : memref<128x16xf32, #tpu.memory_space<vmem_shared>>)
      tpu.yield
    }) : () -> ()
    %mul3A_13 = arith.constant 640 : i32
    %mul3A_14 = arith.muli %arg1, %mul3A_13 : i32
    %add3A_15 = arith.constant 128 : i32
    %add3A_16 = arith.addi %mul3A_14, %add3A_15 : i32
    "tpu.region"() ({
      %run_scoped3A = tpu.sem_alloc : memref<!tpu.dma_semaphore, #tpu.memory_space<semaphore_mem>>
      %dma_start3A = arith.constant 0 : i32
      %dma_start3A_46 = tpu.memref_slice %arg7[%add3A_16, %dma_start3A] : memref<10240x16xf32, #tpu.memory_space<vmem_shared>> -> memref<128x16xf32, #tpu.memory_space<vmem_shared>>
      %dma_start3A_47 = arith.constant 0 : i32
      %dma_start3A_48 = tpu.memref_slice %arg7[%add3A_16, %dma_start3A_47] : memref<10240x16xf32, #tpu.memory_space<vmem_shared>> -> memref<128x16xf32, #tpu.memory_space<vmem_shared>>
      tpu.enqueue_dma source(%arg6 : memref<128x16xf32, #tpu.memory_space<vmem>>) target(%dma_start3A_48 : memref<128x16xf32, #tpu.memory_space<vmem_shared>>) target_semaphore(%run_scoped3A : memref<!tpu.dma_semaphore, #tpu.memory_space<semaphore_mem>>)
      %dma_wait3A = arith.constant 0 : i32
      %dma_wait3A_49 = tpu.memref_slice %arg7[%add3A_16, %dma_wait3A] : memref<10240x16xf32, #tpu.memory_space<vmem_shared>> -> memref<128x16xf32, #tpu.memory_space<vmem_shared>>
      %dma_wait3A_50 = arith.constant 0 : i32
      %dma_wait3A_51 = tpu.memref_slice %arg7[%add3A_16, %dma_wait3A_50] : memref<10240x16xf32, #tpu.memory_space<vmem_shared>> -> memref<128x16xf32, #tpu.memory_space<vmem_shared>>
      tpu.wait_dma2 semaphore(%run_scoped3A : memref<!tpu.dma_semaphore, #tpu.memory_space<semaphore_mem>>) src(%arg6 : memref<128x16xf32, #tpu.memory_space<vmem>>) dst(%dma_wait3A_51 : memref<128x16xf32, #tpu.memory_space<vmem_shared>>)
      tpu.yield
    }) : () -> ()
    %mul3A_17 = arith.constant 640 : i32
    %mul3A_18 = arith.muli %arg1, %mul3A_17 : i32
    %add3A_19 = arith.constant 256 : i32
    %add3A_20 = arith.addi %mul3A_18, %add3A_19 : i32
    "tpu.region"() ({
      %run_scoped3A = tpu.sem_alloc : memref<!tpu.dma_semaphore, #tpu.memory_space<semaphore_mem>>
      %dma_start3A = arith.constant 0 : i32
      %dma_start3A_46 = tpu.memref_slice %arg7[%add3A_20, %dma_start3A] : memref<10240x16xf32, #tpu.memory_space<vmem_shared>> -> memref<128x16xf32, #tpu.memory_space<vmem_shared>>
      %dma_start3A_47 = arith.constant 0 : i32
      %dma_start3A_48 = tpu.memref_slice %arg7[%add3A_20, %dma_start3A_47] : memref<10240x16xf32, #tpu.memory_space<vmem_shared>> -> memref<128x16xf32, #tpu.memory_space<vmem_shared>>
      tpu.enqueue_dma source(%arg6 : memref<128x16xf32, #tpu.memory_space<vmem>>) target(%dma_start3A_48 : memref<128x16xf32, #tpu.memory_space<vmem_shared>>) target_semaphore(%run_scoped3A : memref<!tpu.dma_semaphore, #tpu.memory_space<semaphore_mem>>)
      %dma_wait3A = arith.constant 0 : i32
      %dma_wait3A_49 = tpu.memref_slice %arg7[%add3A_20, %dma_wait3A] : memref<10240x16xf32, #tpu.memory_space<vmem_shared>> -> memref<128x16xf32, #tpu.memory_space<vmem_shared>>
      %dma_wait3A_50 = arith.constant 0 : i32
      %dma_wait3A_51 = tpu.memref_slice %arg7[%add3A_20, %dma_wait3A_50] : memref<10240x16xf32, #tpu.memory_space<vmem_shared>> -> memref<128x16xf32, #tpu.memory_space<vmem_shared>>
      tpu.wait_dma2 semaphore(%run_scoped3A : memref<!tpu.dma_semaphore, #tpu.memory_space<semaphore_mem>>) src(%arg6 : memref<128x16xf32, #tpu.memory_space<vmem>>) dst(%dma_wait3A_51 : memref<128x16xf32, #tpu.memory_space<vmem_shared>>)
      tpu.yield
    }) : () -> ()
    %mul3A_21 = arith.constant 640 : i32
    %mul3A_22 = arith.muli %arg1, %mul3A_21 : i32
    %add3A_23 = arith.constant 384 : i32
    %add3A_24 = arith.addi %mul3A_22, %add3A_23 : i32
    "tpu.region"() ({
      %run_scoped3A = tpu.sem_alloc : memref<!tpu.dma_semaphore, #tpu.memory_space<semaphore_mem>>
      %dma_start3A = arith.constant 0 : i32
      %dma_start3A_46 = tpu.memref_slice %arg7[%add3A_24, %dma_start3A] : memref<10240x16xf32, #tpu.memory_space<vmem_shared>> -> memref<128x16xf32, #tpu.memory_space<vmem_shared>>
      %dma_start3A_47 = arith.constant 0 : i32
      %dma_start3A_48 = tpu.memref_slice %arg7[%add3A_24, %dma_start3A_47] : memref<10240x16xf32, #tpu.memory_space<vmem_shared>> -> memref<128x16xf32, #tpu.memory_space<vmem_shared>>
      tpu.enqueue_dma source(%arg6 : memref<128x16xf32, #tpu.memory_space<vmem>>) target(%dma_start3A_48 : memref<128x16xf32, #tpu.memory_space<vmem_shared>>) target_semaphore(%run_scoped3A : memref<!tpu.dma_semaphore, #tpu.memory_space<semaphore_mem>>)
      %dma_wait3A = arith.constant 0 : i32
      %dma_wait3A_49 = tpu.memref_slice %arg7[%add3A_24, %dma_wait3A] : memref<10240x16xf32, #tpu.memory_space<vmem_shared>> -> memref<128x16xf32, #tpu.memory_space<vmem_shared>>
      %dma_wait3A_50 = arith.constant 0 : i32
      %dma_wait3A_51 = tpu.memref_slice %arg7[%add3A_24, %dma_wait3A_50] : memref<10240x16xf32, #tpu.memory_space<vmem_shared>> -> memref<128x16xf32, #tpu.memory_space<vmem_shared>>
      tpu.wait_dma2 semaphore(%run_scoped3A : memref<!tpu.dma_semaphore, #tpu.memory_space<semaphore_mem>>) src(%arg6 : memref<128x16xf32, #tpu.memory_space<vmem>>) dst(%dma_wait3A_51 : memref<128x16xf32, #tpu.memory_space<vmem_shared>>)
      tpu.yield
    }) : () -> ()
    %mul3A_25 = arith.constant 640 : i32
    %mul3A_26 = arith.muli %arg1, %mul3A_25 : i32
    %add3A_27 = arith.constant 512 : i32
    %add3A_28 = arith.addi %mul3A_26, %add3A_27 : i32
    "tpu.region"() ({
      %run_scoped3A = tpu.sem_alloc : memref<!tpu.dma_semaphore, #tpu.memory_space<semaphore_mem>>
      %dma_start3A = arith.constant 0 : i32
      %dma_start3A_46 = tpu.memref_slice %arg7[%add3A_28, %dma_start3A] : memref<10240x16xf32, #tpu.memory_space<vmem_shared>> -> memref<128x16xf32, #tpu.memory_space<vmem_shared>>
      %dma_start3A_47 = arith.constant 0 : i32
      %dma_start3A_48 = tpu.memref_slice %arg7[%add3A_28, %dma_start3A_47] : memref<10240x16xf32, #tpu.memory_space<vmem_shared>> -> memref<128x16xf32, #tpu.memory_space<vmem_shared>>
      tpu.enqueue_dma source(%arg6 : memref<128x16xf32, #tpu.memory_space<vmem>>) target(%dma_start3A_48 : memref<128x16xf32, #tpu.memory_space<vmem_shared>>) target_semaphore(%run_scoped3A : memref<!tpu.dma_semaphore, #tpu.memory_space<semaphore_mem>>)
      %dma_wait3A = arith.constant 0 : i32
      %dma_wait3A_49 = tpu.memref_slice %arg7[%add3A_28, %dma_wait3A] : memref<10240x16xf32, #tpu.memory_space<vmem_shared>> -> memref<128x16xf32, #tpu.memory_space<vmem_shared>>
      %dma_wait3A_50 = arith.constant 0 : i32
      %dma_wait3A_51 = tpu.memref_slice %arg7[%add3A_28, %dma_wait3A_50] : memref<10240x16xf32, #tpu.memory_space<vmem_shared>> -> memref<128x16xf32, #tpu.memory_space<vmem_shared>>
      tpu.wait_dma2 semaphore(%run_scoped3A : memref<!tpu.dma_semaphore, #tpu.memory_space<semaphore_mem>>) src(%arg6 : memref<128x16xf32, #tpu.memory_space<vmem>>) dst(%dma_wait3A_51 : memref<128x16xf32, #tpu.memory_space<vmem_shared>>)
      tpu.yield
    }) : () -> ()
    %barrier3A = arith.constant 0 : index
    tpu.barrier barrier_id(%barrier3A)
    %scan3A_29 = arith.constant 0 : i32
    %scan3A_30 = arith.constant 0 : i32
    %scan3A_31 = arith.constant 79 : i32
    %scan3A_32 = arith.addi %scan3A_30, %scan3A_31 : i32
    %scan3A_33 = arith.constant 1 : i32
    scf.for %scan3A_46 = %scan3A_30 to %scan3A_32 step %scan3A_33  : i32 {
      %dma_start3A = arith.constant 0 : i32
      %dma_start3A_47 = tpu.memref_slice %arg4[%scan3A_46, %dma_start3A] : memref<79x128xi32, #tpu.memory_space<vmem>> -> memref<1x128xi32, #tpu.memory_space<vmem>>
      %dma_start3A_48 = tpu.memref_squeeze %dma_start3A_47 : memref<1x128xi32, #tpu.memory_space<vmem>> -> memref<128xi32, #tpu.memory_space<vmem>>
      %dma_start3A_49 = arith.constant 0 : i32
      %dma_start3A_50 = arith.constant 0 : i32
      %dma_start3A_51 = tpu.memref_slice %arg7[%dma_start3A_49, %dma_start3A_50] : memref<10240x16xf32, #tpu.memory_space<vmem_shared>> -> memref<10240x16xf32, #tpu.memory_space<vmem_shared>>
      tpu.enqueue_indirect_dma source(%arg5 : memref<128x16xf32, #tpu.memory_space<vmem>>) target(%dma_start3A_51 : memref<10240x16xf32, #tpu.memory_space<vmem_shared>>) offsets(%dma_start3A_48 : memref<128xi32, #tpu.memory_space<vmem>>) semaphore(%arg8 : memref<!tpu.dma_semaphore, #tpu.memory_space<semaphore_mem>>) {add = true}
    }
    %scan3A_34 = arith.constant 79 : i32
    %scan3A_35 = arith.constant 0 : i32
    %scan3A_36 = arith.constant 0 : i32
    %scan3A_37 = arith.constant 79 : i32
    %scan3A_38 = arith.addi %scan3A_36, %scan3A_37 : i32
    %scan3A_39 = arith.constant 1 : i32
    scf.for %scan3A_46 = %scan3A_36 to %scan3A_38 step %scan3A_39  : i32 {
      %dma_wait3A = arith.constant 0 : i32
      %dma_wait3A_47 = tpu.memref_slice %arg4[%scan3A_46, %dma_wait3A] : memref<79x128xi32, #tpu.memory_space<vmem>> -> memref<1x128xi32, #tpu.memory_space<vmem>>
      %dma_wait3A_48 = tpu.memref_squeeze %dma_wait3A_47 : memref<1x128xi32, #tpu.memory_space<vmem>> -> memref<128xi32, #tpu.memory_space<vmem>>
      %dma_wait3A_49 = arith.constant 0 : i32
      %dma_wait3A_50 = arith.constant 0 : i32
      %dma_wait3A_51 = tpu.memref_slice %arg7[%dma_wait3A_49, %dma_wait3A_50] : memref<10240x16xf32, #tpu.memory_space<vmem_shared>> -> memref<10240x16xf32, #tpu.memory_space<vmem_shared>>
      tpu.wait_indirect_dma semaphore(%arg8 : memref<!tpu.dma_semaphore, #tpu.memory_space<semaphore_mem>>) src(%arg5 : memref<128x16xf32, #tpu.memory_space<vmem>>) dst(%dma_wait3A_51 : memref<10240x16xf32, #tpu.memory_space<vmem_shared>>)
    }
    %scan3A_40 = arith.constant 79 : i32
    %barrier3A_41 = arith.constant 0 : index
    tpu.barrier barrier_id(%barrier3A_41)
    %mul3A_42 = arith.constant 640 : i32
    %mul3A_43 = arith.muli %arg1, %mul3A_42 : i32
    %mul3A_44 = arith.constant 640 : i32
    %mul3A_45 = arith.muli %arg1, %mul3A_44 : i32
    "tpu.region"() ({
      %run_scoped3A = tpu.sem_alloc : memref<!tpu.dma_semaphore, #tpu.memory_space<semaphore_mem>>
      %dma_start3A = arith.constant 0 : i32
      %dma_start3A_46 = arith.constant 0 : i32
      %dma_start3A_47 = tpu.memref_slice %arg3[%arg0, %dma_start3A, %dma_start3A_46] : memref<2x10240x128xf32, #tpu.memory_space<hbm>> -> memref<1x10240x128xf32, #tpu.memory_space<hbm>>
      %dma_start3A_48 = tpu.memref_squeeze %dma_start3A_47 : memref<1x10240x128xf32, #tpu.memory_space<hbm>> -> memref<10240x128xf32, #tpu.memory_space<hbm>>
      %dma_start3A_49 = arith.constant 0 : i32
      %dma_start3A_50 = tpu.memref_slice %dma_start3A_48[%mul3A_45, %dma_start3A_49] : memref<10240x128xf32, #tpu.memory_space<hbm>> -> memref<640x16xf32, #tpu.memory_space<hbm>>
      %dma_start3A_51 = arith.constant 0 : i32
      %dma_start3A_52 = tpu.memref_slice %arg7[%mul3A_43, %dma_start3A_51] : memref<10240x16xf32, #tpu.memory_space<vmem_shared>> -> memref<640x16xf32, #tpu.memory_space<vmem_shared>>
      tpu.enqueue_dma source(%dma_start3A_52 : memref<640x16xf32, #tpu.memory_space<vmem_shared>>) target(%dma_start3A_50 : memref<640x16xf32, #tpu.memory_space<hbm>>) target_semaphore(%run_scoped3A : memref<!tpu.dma_semaphore, #tpu.memory_space<semaphore_mem>>)
      %dma_wait3A = arith.constant 0 : i32
      %dma_wait3A_53 = arith.constant 0 : i32
      %dma_wait3A_54 = tpu.memref_slice %arg3[%arg0, %dma_wait3A, %dma_wait3A_53] : memref<2x10240x128xf32, #tpu.memory_space<hbm>> -> memref<1x10240x128xf32, #tpu.memory_space<hbm>>
      %dma_wait3A_55 = tpu.memref_squeeze %dma_wait3A_54 : memref<1x10240x128xf32, #tpu.memory_space<hbm>> -> memref<10240x128xf32, #tpu.memory_space<hbm>>
      %dma_wait3A_56 = arith.constant 0 : i32
      %dma_wait3A_57 = tpu.memref_slice %dma_wait3A_55[%mul3A_45, %dma_wait3A_56] : memref<10240x128xf32, #tpu.memory_space<hbm>> -> memref<640x16xf32, #tpu.memory_space<hbm>>
      %dma_wait3A_58 = arith.constant 0 : i32
      %dma_wait3A_59 = tpu.memref_slice %arg7[%mul3A_43, %dma_wait3A_58] : memref<10240x16xf32, #tpu.memory_space<vmem_shared>> -> memref<640x16xf32, #tpu.memory_space<vmem_shared>>
      tpu.wait_dma2 semaphore(%run_scoped3A : memref<!tpu.dma_semaphore, #tpu.memory_space<semaphore_mem>>) src(%dma_wait3A_59 : memref<640x16xf32, #tpu.memory_space<vmem_shared>>) dst(%dma_wait3A_57 : memref<640x16xf32, #tpu.memory_space<hbm>>)
      tpu.yield
    }) : () -> ()
    return
  }
}

module attributes {stable_mosaic.version = 14 : i64} {
  func.func @body(%arg0: i32, %arg1: memref<2x1280x128xf32, #tpu.memory_space<vmem>>, %arg2: memref<1280x128xf32, #tpu.memory_space<vmem>>, %arg3: memref<2x1280x128xf32, #tpu.memory_space<vmem>>, %arg4: memref<1x128xf32, #tpu.memory_space<vmem>>, %arg5: memref<128x128xf32, #tpu.memory_space<vmem>>, %arg6: memref<1280x128xf32, #tpu.memory_space<vmem>>) attributes {dimension_semantics = [#tpu.dimension_semantics<arbitrary>], iteration_bounds = array<i64: 8>, scalar_prefetch = 0 : i64, scratch_operands = 0 : i64, tpu.core_type = #tpu.core_type<tc>, window_params = [{transform_indices = @transform_0, window_bounds = array<i64: 2, 1280, 128>}, {transform_indices = @transform_1, window_bounds = array<i64: 1280, 128>}, {transform_indices = @transform_2, window_bounds = array<i64: 2, 1280, 128>}, {pipeline_mode = #tpu.pipeline_mode<synchronous>, transform_indices = @transform_3, window_bounds = array<i64: 1, 128>}, {pipeline_mode = #tpu.pipeline_mode<synchronous>, transform_indices = @transform_4, window_bounds = array<i64: 128, 128>}, {transform_indices = @transform_5, window_bounds = array<i64: 1280, 128>}]} {
    %get3A = arith.constant 0 : index
    %get3A_0 = arith.constant 0 : index
    %get3A_1 = arith.constant 0 : index
    %get3A_2 = vector.load %arg3[%get3A, %get3A_0, %get3A_1] : memref<2x1280x128xf32, #tpu.memory_space<vmem>>, vector<1x1280x1xf32>
    %get3A_3 = vector.shape_cast %get3A_2 : vector<1x1280x1xf32> to vector<1280x1xf32>
    %get3A_4 = arith.constant 1 : index
    %get3A_5 = arith.constant 0 : index
    %get3A_6 = arith.constant 0 : index
    %get3A_7 = vector.load %arg3[%get3A_4, %get3A_5, %get3A_6] : memref<2x1280x128xf32, #tpu.memory_space<vmem>>, vector<1x1280x1xf32>
    %get3A_8 = vector.shape_cast %get3A_7 : vector<1x1280x1xf32> to vector<1280x1xf32>
    %add3A = arith.addf %get3A_3, %get3A_8 : vector<1280x1xf32>
    %add3A_9 = arith.constant 1.000000e+00 : f32
    %add3A_10 = vector.broadcast %add3A_9 : f32 to vector<1280x1xf32>
    %add3A_11 = arith.addf %add3A, %add3A_10 : vector<1280x1xf32>
    %rsqrt3A = math.rsqrt %add3A_11 : vector<1280x1xf32>
    %get3A_12 = arith.constant 0 : index
    %get3A_13 = arith.constant 0 : index
    %get3A_14 = arith.constant 0 : index
    %get3A_15 = vector.load %arg1[%get3A_12, %get3A_13, %get3A_14] : memref<2x1280x128xf32, #tpu.memory_space<vmem>>, vector<1x1280x128xf32>
    %get3A_16 = vector.shape_cast %get3A_15 : vector<1x1280x128xf32> to vector<1280x128xf32>
    %get3A_17 = arith.constant 1 : index
    %get3A_18 = arith.constant 0 : index
    %get3A_19 = arith.constant 0 : index
    %get3A_20 = vector.load %arg1[%get3A_17, %get3A_18, %get3A_19] : memref<2x1280x128xf32, #tpu.memory_space<vmem>>, vector<1x1280x128xf32>
    %get3A_21 = vector.shape_cast %get3A_20 : vector<1x1280x128xf32> to vector<1280x128xf32>
    %add3A_22 = arith.addf %get3A_16, %get3A_21 : vector<1280x128xf32>
    %get3A_23 = arith.constant 0 : index
    %get3A_24 = arith.constant 0 : index
    %get3A_25 = vector.load %arg2[%get3A_23, %get3A_24] : memref<1280x128xf32, #tpu.memory_space<vmem>>, vector<1280x128xf32>
    %add3A_26 = arith.addf %add3A_22, %get3A_25 : vector<1280x128xf32>
    %mul3A = vector.broadcast %rsqrt3A : vector<1280x1xf32> to vector<1280x128xf32>
    %mul3A_27 = arith.mulf %add3A_26, %mul3A : vector<1280x128xf32>
    %get3A_28 = arith.constant 0 : index
    %get3A_29 = arith.constant 0 : index
    %get3A_30 = vector.load %arg4[%get3A_28, %get3A_29] : memref<1x128xf32, #tpu.memory_space<vmem>>, vector<1x128xf32>
    %add3A_31 = vector.broadcast %get3A_30 : vector<1x128xf32> to vector<1280x128xf32>
    %add3A_32 = arith.addf %mul3A_27, %add3A_31 : vector<1280x128xf32>
    %max3A = arith.constant 0.000000e+00 : f32
    %max3A_33 = vector.broadcast %max3A : f32 to vector<1280x128xf32>
    %max3A_34 = arith.maximumf %add3A_32, %max3A_33 : vector<1280x128xf32>
    %get3A_35 = arith.constant 0 : index
    %get3A_36 = arith.constant 0 : index
    %get3A_37 = vector.load %arg5[%get3A_35, %get3A_36] : memref<128x128xf32, #tpu.memory_space<vmem>>, vector<128x128xf32>
    %dot_general3A = arith.constant dense<0.000000e+00> : vector<1280x128xf32>
    %dot_general3A_38 = tpu.matmul %max3A_34, %get3A_37, %dot_general3A {dimension_numbers = #tpu.dot_dimension_numbers<[1], [0], [0], [1], [0, 0, 1, 1], [], []>, precision = #tpu.contract_precision<fp32>, transpose_lhs_hint = false} : vector<1280x128xf32>, vector<128x128xf32>, vector<1280x128xf32> -> vector<1280x128xf32>
    %mul3A_39 = vector.broadcast %rsqrt3A : vector<1280x1xf32> to vector<1280x128xf32>
    %mul3A_40 = arith.mulf %dot_general3A_38, %mul3A_39 : vector<1280x128xf32>
    %swap3A = arith.constant 0 : index
    %swap3A_41 = arith.constant 0 : index
    %swap3A_42 = vector.load %arg6[%swap3A, %swap3A_41] : memref<1280x128xf32, #tpu.memory_space<vmem>>, vector<1280x128xf32>
    tpu.vector_store %arg6[%swap3A, %swap3A_41], %mul3A_40 {strides = array<i32>} : memref<1280x128xf32, #tpu.memory_space<vmem>>, vector<1280x128xf32>,
    return
  }
  func.func @transform_0(%arg0: i32) -> (i32, i32, i32) {
    %c0_i32 = arith.constant 0 : i32
    %c0_i32_0 = arith.constant 0 : i32
    %c0_i32_1 = arith.constant 0 : i32
    return %c0_i32, %arg0, %c0_i32_0 : i32, i32, i32
  }
  func.func @transform_1(%arg0: i32) -> (i32, i32) {
    %c0_i32 = arith.constant 0 : i32
    %c0_i32_0 = arith.constant 0 : i32
    return %arg0, %c0_i32 : i32, i32
  }
  func.func @transform_2(%arg0: i32) -> (i32, i32, i32) {
    %c0_i32 = arith.constant 0 : i32
    %c0_i32_0 = arith.constant 0 : i32
    %c0_i32_1 = arith.constant 0 : i32
    return %c0_i32, %arg0, %c0_i32_0 : i32, i32, i32
  }
  func.func @transform_3(%arg0: i32) -> (i32, i32) {
    %c0_i32 = arith.constant 0 : i32
    %c0_i32_0 = arith.constant 0 : i32
    %c0_i32_1 = arith.constant 0 : i32
    return %c0_i32, %c0_i32_0 : i32, i32
  }
  func.func @transform_4(%arg0: i32) -> (i32, i32) {
    %c0_i32 = arith.constant 0 : i32
    %c0_i32_0 = arith.constant 0 : i32
    %c0_i32_1 = arith.constant 0 : i32
    return %c0_i32, %c0_i32_0 : i32, i32
  }
  func.func @transform_5(%arg0: i32) -> (i32, i32) {
    %c0_i32 = arith.constant 0 : i32
    %c0_i32_0 = arith.constant 0 : i32
    return %arg0, %c0_i32 : i32, i32
  }
}

module attributes {stable_mosaic.version = 14 : i64} {
  func.func @body(%arg0: i32, %arg1: memref<1280x128xf32, #tpu.memory_space<vmem>>, %arg2: memref<128x128xf32, #tpu.memory_space<vmem>>, %arg3: memref<2x1280x128xf32, #tpu.memory_space<vmem>>, %arg4: memref<1280x128xf32, #tpu.memory_space<vmem>>) attributes {dimension_semantics = [#tpu.dimension_semantics<arbitrary>], iteration_bounds = array<i64: 8>, scalar_prefetch = 0 : i64, scratch_operands = 0 : i64, tpu.core_type = #tpu.core_type<tc>, window_params = [{transform_indices = @transform_0, window_bounds = array<i64: 1280, 128>}, {pipeline_mode = #tpu.pipeline_mode<synchronous>, transform_indices = @transform_1, window_bounds = array<i64: 128, 128>}, {transform_indices = @transform_2, window_bounds = array<i64: 2, 1280, 128>}, {transform_indices = @transform_3, window_bounds = array<i64: 1280, 128>}]} {
    %get3A = arith.constant 0 : index
    %get3A_0 = arith.constant 0 : index
    %get3A_1 = arith.constant 0 : index
    %get3A_2 = vector.load %arg3[%get3A, %get3A_0, %get3A_1] : memref<2x1280x128xf32, #tpu.memory_space<vmem>>, vector<1x1280x1xf32>
    %get3A_3 = vector.shape_cast %get3A_2 : vector<1x1280x1xf32> to vector<1280x1xf32>
    %get3A_4 = arith.constant 1 : index
    %get3A_5 = arith.constant 0 : index
    %get3A_6 = arith.constant 0 : index
    %get3A_7 = vector.load %arg3[%get3A_4, %get3A_5, %get3A_6] : memref<2x1280x128xf32, #tpu.memory_space<vmem>>, vector<1x1280x1xf32>
    %get3A_8 = vector.shape_cast %get3A_7 : vector<1x1280x1xf32> to vector<1280x1xf32>
    %add3A = arith.addf %get3A_3, %get3A_8 : vector<1280x1xf32>
    %add3A_9 = arith.constant 1.000000e+00 : f32
    %add3A_10 = vector.broadcast %add3A_9 : f32 to vector<1280x1xf32>
    %add3A_11 = arith.addf %add3A, %add3A_10 : vector<1280x1xf32>
    %rsqrt3A = math.rsqrt %add3A_11 : vector<1280x1xf32>
    %get3A_12 = arith.constant 0 : index
    %get3A_13 = arith.constant 0 : index
    %get3A_14 = vector.load %arg1[%get3A_12, %get3A_13] : memref<1280x128xf32, #tpu.memory_space<vmem>>, vector<1280x128xf32>
    %get3A_15 = arith.constant 0 : index
    %get3A_16 = arith.constant 0 : index
    %get3A_17 = vector.load %arg2[%get3A_15, %get3A_16] : memref<128x128xf32, #tpu.memory_space<vmem>>, vector<128x128xf32>
    %dot_general3A = arith.constant dense<0.000000e+00> : vector<1280x128xf32>
    %dot_general3A_18 = tpu.matmul %get3A_14, %get3A_17, %dot_general3A {dimension_numbers = #tpu.dot_dimension_numbers<[1], [0], [0], [1], [0, 0, 1, 1], [], []>, precision = #tpu.contract_precision<fp32>, transpose_lhs_hint = false} : vector<1280x128xf32>, vector<128x128xf32>, vector<1280x128xf32> -> vector<1280x128xf32>
    %mul3A = vector.broadcast %rsqrt3A : vector<1280x1xf32> to vector<1280x128xf32>
    %mul3A_19 = arith.mulf %dot_general3A_18, %mul3A : vector<1280x128xf32>
    %swap3A = arith.constant 0 : index
    %swap3A_20 = arith.constant 0 : index
    %swap3A_21 = vector.load %arg4[%swap3A, %swap3A_20] : memref<1280x128xf32, #tpu.memory_space<vmem>>, vector<1280x128xf32>
    tpu.vector_store %arg4[%swap3A, %swap3A_20], %mul3A_19 {strides = array<i32>} : memref<1280x128xf32, #tpu.memory_space<vmem>>, vector<1280x128xf32>,
    return
  }
  func.func @transform_0(%arg0: i32) -> (i32, i32) {
    %c0_i32 = arith.constant 0 : i32
    %c0_i32_0 = arith.constant 0 : i32
    return %arg0, %c0_i32 : i32, i32
  }
  func.func @transform_1(%arg0: i32) -> (i32, i32) {
    %c0_i32 = arith.constant 0 : i32
    %c0_i32_0 = arith.constant 0 : i32
    %c0_i32_1 = arith.constant 0 : i32
    return %c0_i32, %c0_i32_0 : i32, i32
  }
  func.func @transform_2(%arg0: i32) -> (i32, i32, i32) {
    %c0_i32 = arith.constant 0 : i32
    %c0_i32_0 = arith.constant 0 : i32
    %c0_i32_1 = arith.constant 0 : i32
    return %c0_i32, %arg0, %c0_i32_0 : i32, i32, i32
  }
  func.func @transform_3(%arg0: i32) -> (i32, i32) {
    %c0_i32 = arith.constant 0 : i32
    %c0_i32_0 = arith.constant 0 : i32
    return %arg0, %c0_i32 : i32, i32
  }
}

module attributes {stable_mosaic.version = 14 : i64} {
  func.func @body(%arg0: i32, %arg1: memref<2x1280x128xf32, #tpu.memory_space<vmem>>, %arg2: memref<1280x128xf32, #tpu.memory_space<vmem>>, %arg3: memref<2x1280x128xf32, #tpu.memory_space<vmem>>, %arg4: memref<1x128xf32, #tpu.memory_space<vmem>>, %arg5: memref<1280x128xf32, #tpu.memory_space<vmem>>) attributes {dimension_semantics = [#tpu.dimension_semantics<arbitrary>], iteration_bounds = array<i64: 8>, scalar_prefetch = 0 : i64, scratch_operands = 0 : i64, tpu.core_type = #tpu.core_type<tc>, window_params = [{transform_indices = @transform_0, window_bounds = array<i64: 2, 1280, 128>}, {transform_indices = @transform_1, window_bounds = array<i64: 1280, 128>}, {transform_indices = @transform_2, window_bounds = array<i64: 2, 1280, 128>}, {pipeline_mode = #tpu.pipeline_mode<synchronous>, transform_indices = @transform_3, window_bounds = array<i64: 1, 128>}, {transform_indices = @transform_4, window_bounds = array<i64: 1280, 128>}]} {
    %get3A = arith.constant 0 : index
    %get3A_0 = arith.constant 0 : index
    %get3A_1 = arith.constant 0 : index
    %get3A_2 = vector.load %arg3[%get3A, %get3A_0, %get3A_1] : memref<2x1280x128xf32, #tpu.memory_space<vmem>>, vector<1x1280x1xf32>
    %get3A_3 = vector.shape_cast %get3A_2 : vector<1x1280x1xf32> to vector<1280x1xf32>
    %get3A_4 = arith.constant 1 : index
    %get3A_5 = arith.constant 0 : index
    %get3A_6 = arith.constant 0 : index
    %get3A_7 = vector.load %arg3[%get3A_4, %get3A_5, %get3A_6] : memref<2x1280x128xf32, #tpu.memory_space<vmem>>, vector<1x1280x1xf32>
    %get3A_8 = vector.shape_cast %get3A_7 : vector<1x1280x1xf32> to vector<1280x1xf32>
    %add3A = arith.addf %get3A_3, %get3A_8 : vector<1280x1xf32>
    %add3A_9 = arith.constant 1.000000e+00 : f32
    %add3A_10 = vector.broadcast %add3A_9 : f32 to vector<1280x1xf32>
    %add3A_11 = arith.addf %add3A, %add3A_10 : vector<1280x1xf32>
    %rsqrt3A = math.rsqrt %add3A_11 : vector<1280x1xf32>
    %get3A_12 = arith.constant 0 : index
    %get3A_13 = arith.constant 0 : index
    %get3A_14 = arith.constant 0 : index
    %get3A_15 = vector.load %arg1[%get3A_12, %get3A_13, %get3A_14] : memref<2x1280x128xf32, #tpu.memory_space<vmem>>, vector<1x1280x128xf32>
    %get3A_16 = vector.shape_cast %get3A_15 : vector<1x1280x128xf32> to vector<1280x128xf32>
    %get3A_17 = arith.constant 1 : index
    %get3A_18 = arith.constant 0 : index
    %get3A_19 = arith.constant 0 : index
    %get3A_20 = vector.load %arg1[%get3A_17, %get3A_18, %get3A_19] : memref<2x1280x128xf32, #tpu.memory_space<vmem>>, vector<1x1280x128xf32>
    %get3A_21 = vector.shape_cast %get3A_20 : vector<1x1280x128xf32> to vector<1280x128xf32>
    %add3A_22 = arith.addf %get3A_16, %get3A_21 : vector<1280x128xf32>
    %get3A_23 = arith.constant 0 : index
    %get3A_24 = arith.constant 0 : index
    %get3A_25 = vector.load %arg2[%get3A_23, %get3A_24] : memref<1280x128xf32, #tpu.memory_space<vmem>>, vector<1280x128xf32>
    %add3A_26 = arith.addf %add3A_22, %get3A_25 : vector<1280x128xf32>
    %mul3A = vector.broadcast %rsqrt3A : vector<1280x1xf32> to vector<1280x128xf32>
    %mul3A_27 = arith.mulf %add3A_26, %mul3A : vector<1280x128xf32>
    %get3A_28 = arith.constant 0 : index
    %get3A_29 = arith.constant 0 : index
    %get3A_30 = vector.load %arg4[%get3A_28, %get3A_29] : memref<1x128xf32, #tpu.memory_space<vmem>>, vector<1x128xf32>
    %add3A_31 = vector.broadcast %get3A_30 : vector<1x128xf32> to vector<1280x128xf32>
    %add3A_32 = arith.addf %mul3A_27, %add3A_31 : vector<1280x128xf32>
    %swap3A = arith.constant 0 : index
    %swap3A_33 = arith.constant 0 : index
    %swap3A_34 = vector.load %arg5[%swap3A, %swap3A_33] : memref<1280x128xf32, #tpu.memory_space<vmem>>, vector<1280x128xf32>
    tpu.vector_store %arg5[%swap3A, %swap3A_33], %add3A_32 {strides = array<i32>} : memref<1280x128xf32, #tpu.memory_space<vmem>>, vector<1280x128xf32>,
    return
  }
  func.func @transform_0(%arg0: i32) -> (i32, i32, i32) {
    %c0_i32 = arith.constant 0 : i32
    %c0_i32_0 = arith.constant 0 : i32
    %c0_i32_1 = arith.constant 0 : i32
    return %c0_i32, %arg0, %c0_i32_0 : i32, i32, i32
  }
  func.func @transform_1(%arg0: i32) -> (i32, i32) {
    %c0_i32 = arith.constant 0 : i32
    %c0_i32_0 = arith.constant 0 : i32
    return %arg0, %c0_i32 : i32, i32
  }
  func.func @transform_2(%arg0: i32) -> (i32, i32, i32) {
    %c0_i32 = arith.constant 0 : i32
    %c0_i32_0 = arith.constant 0 : i32
    %c0_i32_1 = arith.constant 0 : i32
    return %c0_i32, %arg0, %c0_i32_0 : i32, i32, i32
  }
  func.func @transform_3(%arg0: i32) -> (i32, i32) {
    %c0_i32 = arith.constant 0 : i32
    %c0_i32_0 = arith.constant 0 : i32
    %c0_i32_1 = arith.constant 0 : i32
    return %c0_i32, %c0_i32_0 : i32, i32
  }
  func.func @transform_4(%arg0: i32) -> (i32, i32) {
    %c0_i32 = arith.constant 0 : i32
    %c0_i32_0 = arith.constant 0 : i32
    return %arg0, %c0_i32 : i32, i32
  }
}

</mosaic_0001>

<sc_bundles>
// kernel: kernel.11.cloned.1.call-start
scs
__scs_entry_jumppad:
0x0: {  	(pc) =	sbr.rel $0x88, $3  }
0x1: {  	(tag) =	ssettag $0x0;
	lr =	simm.s32 $0x1  }
0x2: {  	[smem:$0x3F9B] =	sst lr;
	_ =	strace $0xD0000000  }
0x3: {  	_ = 	snop  }
0x4: {  	_ = 	snop  }
0x5: {  	_ = 	snop  }
0x6: {  	_ = 	snop  }
0x7: {  	_ = 	snop  }
__scs_overlays_trampoline_lowered:
0x8: {  	[smem:$0x3FAA] =	sst s0  }
0x9: {  	[smem:$0x3FAB] =	sst s1  }
0xa: {  	[smem:$0x3FAC] =	sst s2  }
0xb: {  	[smem:$0x3FAD] =	sst s3  }
0xc: {  	[smem:$0x3FAE] =	sst s4  }
0xd: {  	[smem:$0x3FAF] =	sst s5  }
0xe: {  	[smem:$0x3FB0] =	sst s6  }
0xf: {  	[smem:$0x3FB1] =	sst s7  }
0x10: {  	[smem:$0x3FB2] =	sst s8  }
0x11: {  	[smem:$0x3FB3] =	sst s9;
	s0 =	simm.s32 @!p0 $0x0  }
0x12: {  	s1 =	sld [smem:$0x3F99];
	s0 =	simm.s32 @p0 $0x1  }
0x13: {  	[smem:$0x3FB4] =	sst s0;
	s0 =	simm.s32 @!p1 $0x0  }
0x14: {  	s2 =	sld [smem:$0x3F98];
	s0 =	simm.s32 @p1 $0x1  }
0x15: {  	[smem:$0x3FB5] =	sst s0;
	s0 =	simm.s32 @!p2 $0x0  }
0x16: {  	s3 =	sld [smem:$0x3FDB];
	s0 =	simm.s32 @p2 $0x1  }
0x17: {  	s4 =	simm.s32 $0x1BF5;
	[smem:$0x3FB7] =	sst s0  }
0x18: {  	s0 =	sld [smem:$0x3F9A];
	_ =	swait.ge [sflag:s4], $0x0  }
0x19: {  	s7 =	sld [smem:$0x3F9B]  }
0x1a: {  	s8 =	sadd.s32 $0xFFFFE003, lr  }
0x1b: {  	s9 =	sadd.s32 $0xFFFFFEF7, lr;
	s5 =	simm.s32 $0xFFFFFFFF;
	p2 =	slt.u32 s8, $0xFFFFF086  }
0x1c: {  	p1 =	slt.u32 s9, $0xF7A;
	s5 =	simm.s32 @!p2 $0x0  }
0x1d: {  	s5 =	simm.s32 @p1 $0x1;
	p0 =	seq.s32 s7, s2  }
0x1e: {  	s7 =	smul.u32 @!p0 $0xF7A, s2;
	p2 =	seq.s32 @!p0 s5, $0x0  }
0x1f: {  	s9 =	smul.u32 $0xF7A, s1;
	s8 =	simm.s32 @!p0 $0x1BF5;
	p2 =	por !p2, p0  }
0x20: {  	[sflag:s8] =	ssyncset.s32 @!p0 $0xFFFFF086;
	s6 =	sadd.s32 @!p0 s3, s7;
	s7 =	simm.s32 @!p0 $0x108  }
0x21: {  	s3 =	sadd.s32 s3, s9;
	s6 =	sadd.s32 @!p0 $0x88, s6;
	s7 =	simm.s32 @p2 $0x1082  }
0x22: {  	[simem:s7], [sflag:s8] =	dma.local @!p0 [hbm:s6], $0xF7A  }
0x23: {  	s9 =	sor.u32 $0xD0000000, s2;
	s6 =	simm.s32 $0x108;
	_ =	swait.ge @!p0 [sflag:s8], $0x0  }
0x24: {  	s3 =	sadd.s32 $0x88, s3;
	s6 =	simm.s32 @!p1 $0x1082;
	[sflag:s4] =	ssyncset.s32 $0xFFFFF086  }
0x25: {  	[simem:s6], [sflag:s4] =	dma.local [hbm:s3], $0xF7A  }
0x26: {  	[smem:$0x3F9B] =	sst s1;
	(tag) =	ssettag s2;
	_ =	strace s9  }
0x27: {  	s1 =	sld [smem:$0x3FAB]  }
0x28: {  	s2 =	sld [smem:$0x3FAC]  }
0x29: {  	s4 =	sld [smem:$0x3FAE]  }
0x2a: {  	p0 =	seq.s32 s5, $0x0;
	s5 =	sld [smem:$0x3FAF]  }
0x2b: {  	s6 =	sld [smem:$0x3FB0]  }
0x2c: {  	s7 =	sld [smem:$0x3FB1]  }
0x2d: {  	s3 =	simm.s32 $0x108;
	s8 =	sld [smem:$0x3FB2]  }
0x2e: {  	s3 =	simm.s32 @!p0 $0x1082;
	s9 =	sld [smem:$0x3FB3]  }
0x2f: {  	lr =	sadd.s32 s0, s3;
	s0 =	sld [smem:$0x3FAA]  }
0x30: {  	s3 =	sld [smem:$0x3FAD]  }
0x31: {  	[smem:$0x3FB6] =	sst s10  }
0x32: {  	s10 =	sld [smem:$0x3FB4];
	_ =	sdelay $0x3  }
0x33: {  	p0 =	seq.s32 s10, $0x1;
	s10 =	sld [smem:$0x3FB6];
	_ =	sdelay $0x3  }
0x34: {  	[smem:$0x3FB6] =	sst s10  }
0x35: {  	s10 =	sld [smem:$0x3FB5];
	_ =	sdelay $0x3  }
0x36: {  	p1 =	seq.s32 s10, $0x1;
	s10 =	sld [smem:$0x3FB6];
	_ =	sdelay $0x3  }
0x37: {  	[smem:$0x3FB6] =	sst s10  }
0x38: {  	s10 =	sld [smem:$0x3FB7]  }
0x39: {  	_ = 	snop;
	(pc) =	sbr.ind lr, $3  }
0x3a: {  	_ = 	snop  }
0x3b: {  	_ = 	snop  }
0x3c: {  	p2 =	seq.s32 s10, $0x1;
	s10 =	sld [smem:$0x3FB6]  }
0x3d: {  	_ =	shalt  }
0x3e: {  	_ =	shalt  }
0x3f: {  	_ =	shalt  }
0x40: {  	_ =	shalt  }
0x41: {  	_ =	shalt  }
0x42: {  	_ =	shalt  }
0x43: {  	_ =	shalt  }
0x44: {  	_ =	shalt  }
0x45: {  	_ =	shalt  }
0x46: {  	_ =	shalt  }
0x47: {  	_ =	shalt  }
0x48: {  	_ =	shalt  }
0x49: {  	_ =	shalt  }
0x4a: {  	_ =	shalt  }
0x4b: {  	_ =	shalt  }
0x4c: {  	_ =	shalt  }
0x4d: {  	_ =	shalt  }
0x4e: {  	_ =	shalt  }
0x4f: {  	_ =	shalt  }
0x50: {  	_ =	shalt  }
0x51: {  	_ =	shalt  }
0x52: {  	_ =	shalt  }
0x53: {  	_ =	shalt  }
0x54: {  	_ =	shalt  }
0x55: {  	_ =	shalt  }
0x56: {  	_ =	shalt  }
0x57: {  	_ =	shalt  }
0x58: {  	_ =	shalt  }
0x59: {  	_ =	shalt  }
0x5a: {  	_ =	shalt  }
0x5b: {  	_ =	shalt  }
0x5c: {  	_ =	shalt  }
0x5d: {  	_ =	shalt  }
0x5e: {  	_ =	shalt  }
0x5f: {  	_ =	shalt  }
0x60: {  	_ =	shalt  }
0x61: {  	_ =	shalt  }
0x62: {  	_ =	shalt  }
0x63: {  	_ =	shalt  }
0x64: {  	_ =	shalt  }
0x65: {  	_ =	shalt  }
0x66: {  	_ =	shalt  }
0x67: {  	_ =	shalt  }
0x68: {  	_ =	shalt  }
0x69: {  	_ =	shalt  }
0x6a: {  	_ =	shalt  }
0x6b: {  	_ =	shalt  }
0x6c: {  	_ =	shalt  }
0x6d: {  	_ =	shalt  }
0x6e: {  	_ =	shalt  }
0x6f: {  	_ =	shalt  }
0x70: {  	_ =	shalt  }
0x71: {  	_ =	shalt  }
0x72: {  	_ =	shalt  }
0x73: {  	_ =	shalt  }
0x74: {  	_ =	shalt  }
0x75: {  	_ =	shalt  }
0x76: {  	_ =	shalt  }
0x77: {  	_ =	shalt  }
0x78: {  	_ =	shalt  }
0x79: {  	_ =	shalt  }
0x7a: {  	_ =	shalt  }
0x7b: {  	_ =	shalt  }
0x7c: {  	_ =	shalt  }
0x7d: {  	_ =	shalt  }
0x7e: {  	_ =	shalt  }
0x7f: {  	_ =	shalt  }
0x80: {  	_ =	shalt  }
0x81: {  	_ =	shalt  }
0x82: {  	_ =	shalt  }
0x83: {  	_ =	shalt  }
0x84: {  	_ =	shalt  }
0x85: {  	_ =	shalt  }
0x86: {  	_ =	shalt  }
0x87: {  	_ =	shalt  }
.Lfunc_end0:
.L_simem_size_0:
called_computation.1_lowered:
.L_overlay_start_0:
0x88: {  	s2 =	sld [smem:$0x3FD9]  }
0x89: {  	s3 =	sld [smem:$0x3FFE];
	_ =	sdelay $0x1  }
0x8a: {  	s1 =	srdreg.scid  }
0x8b: {  	s0 =	sand.u32 $0x1, s1  }
0x8c: {  	s17 =	sshll.u32 s0, $0xA;
	s2 =	sadd.s32 s3, s2  }
0x8d: {  	s2 =	sadd.s32 s2, s17  }
0x8e: {  	[smem:$0x3FC2] =	sst s2  }
0x8f: {  	_ = 	snop  }
0x90: {  	s2 =	sld [smem:$0x3FD0];
	(tm) =	ssettm $0x1  }
0x91: {  	s18 =	sld [smem:$0x3FFB];
	_ =	sdelay $0x3  }
0x92: {  	_ =	strace s18  }
0x93: {  	s3 =	sld [smem:$0x3FFC];
	_ =	sdelay $0x3  }
0x94: {  	_ =	strace s3  }
0x95: {  	s3 =	sld [smem:$0x3FFD];
	_ =	sdelay $0x3  }
0x96: {  	_ =	strace s3  }
0x97: {  	_ =	strace $0x8FFFFFFF  }
0x98: {  	s19 =	sld [smem:$0x3FDB];
	_ =	sdelay $0x1  }
0x99: {  	s4 =	simm.s32 $_scs_section_size  }
0x9a: {  	s5 =	simm.s32 $_size__tile_overlayer_lowered;
	s6 =	simm.s32 $_tile_overlayer_lowered  }
0x9b: {  	s22 =	simm.s32 $0x1BFF;
	s21 =	sshll.u32 s6, $0x1;
	s3 =	sadd.s32 s4, s19  }
0x9c: {  	s7 =	simm.s32 $0x0;
	s20 =	sshll.u32 s5, $0x1;
	s5 =	sadd.s32 s21, s3  }
0x9d: {  	[timem:s7], [sflag:s22] =	dma.local [hbm:s5], s20  }
0x9e: {  	_ =	swait.ge [sflag:s22], s20  }
0x9f: {  	s4 =	ssub.s32 $0x0, s20;
	[sflag:s22] =	ssyncset.done $0x0  }
0xa0: {  	[sflag:s22] =	ssyncadd.s32 s4;
	_ =	sdelay $0x1  }
0xa1: {  	s23 =	simm.s32 $0x1B8B  }
0xa2: {  	_ =	swait.ge [sflag:s23], $0x1  }
0xa3: {  	[sflag:s23] =	ssyncset.done $0x0  }
0xa4: {  	s25 =	simm.s32 $0x1B8E;
	s24 =	sld [smem:$0x3FFE];
	[sflag:s23] =	ssyncadd.s32 $0xFFFFFFFF  }
0xa5: {  	s26 =	simm.s32 $execute0_lowered;
	[smem:$0x3FD2] =	sst s25  }
0xa6: {  	s5 =	sshll.u32 s26, $0x1;
	_ =	strace $0x80000049;
	[dreg:$0x1] =	wrdreg $0xFFFFFFFF  }
0xa7: {  	s28 =	simm.s32 $_size_execute0_lowered;
	s3 =	sadd.s32 s3, s5;
	[dreg:$0x0] =	wrdreg $0x0  }
0xa8: {  	s5 =	sshll.u32 s28, $0x1;
	[dreg:$0x2] =	wrdreg s3  }
0xa9: {  	[dreg:$0x3] =	wrdreg s5  }
0xaa: {  	[dreg:$0x4] =	wrdreg $0xC0  }
0xab: {  	_ =	task [dreg:s7], $0x5FFFF  }
0xac: {  	[dreg:$0x1] =	wrdreg $0xFFFFFFFF  }
0xad: {  	[dreg:$0x0] =	wrdreg $0x60  }
0xae: {  	[dreg:$0x2] =	wrdreg s24  }
0xaf: {  	[dreg:$0x3] =	wrdreg s2  }
0xb0: {  	[dreg:$0x4] =	wrdreg $0x156800  }
0xb1: {  	[dreg:$0x5] =	wrdreg $0x9  }
0xb2: {  	_ =	task.clear_ibuf [dreg:s7], $0x6FFFF;
	_ =	strace $0x90000049  }
0xb3: {  	s29 =	simm.s32 $0x9;
	_ =	strace $0x8000004B  }
0xb4: {  	_ =	swait.ge [sflag:s29], $0x1  }
0xb5: {  	[sflag:s29] =	ssyncadd.s32 $0xFFFFFFFF  }
0xb6: {  	_ =	strace $0x9000004B  }
0xb7: {  	_ =	sfence  }
0xb8: {  	s30 =	sld [smem:$0x0];
	_ =	sdelay $0x2  }
0xb9: {  	s31 =	sshll.u32 s1, $0xD;
	s1 =	sshrl.u32 s1, $0x2  }
0xba: {  	s3 =	sand.u32 $0x4000, s31;
	s1 =	sadd.s32 s1, s30  }
0xbb: {  	s0 =	sor.u32 s3, s0;
	s1 =	sshll.u32 s1, $0x11  }
0xbc: {  	s0 =	sor.u32 s1, s0  }
0xbd: {  	s0 =	sadd.s32 $0x8F2B, s0  }
0xbe: {  	[sflag:s0] =	ssyncadd.remote.s32 $0x1  }
0xbf: {  	_ =	sfence.sel $0xFFFF  }
0xc0: {  	[dreg:$0x0] =	wrdreg $0xFFFFFFFF;
	(pc) =	sbr.abs _section_cstart, $3  }
0xc1: {  	[dreg:$0x1] =	wrdreg $0xFFFFFFFF  }
0xc2: {  	_ =	task.clear_ibuf [dreg:s7], $0x2FFFF;
	_ =	strace $0x9FFFFFFF  }
0xc3: {  	(tm) =	ssettm $0x7FFFFFFF  }
tec
execute0_lowered:
.L_overlay_start_1:
0x0: {  	(tag) =	ssettag $0x1  }
0x1: {  	s0 =	rddreg [dreg:$0x0]  }
0x2: {  	s1 =	rddreg [dreg:$0x1]  }
0x3: {  	s3 =	srdreg.scid;
	s10 =	stileid.u32  }
0x4: {  	s2 =	rddreg [dreg:$0x2];
	s5 =	simm.s32 $0x0;
	s16 =	simm.s32 $0xD  }
0x5: {  	s28 =	simm.s32 $0xD680;
	s29 =	simm.s32 $0x2;
	s30 =	simm.s32 $0x4F80  }
0x6: {  	s31 =	simm.s32 $0xF680;
	s15 =	simm.s32 $0xB;
	s14 =	simm.s32 $0x0  }
0x7: {  	s3 =	sand.u32 $0x1, s3;
	s4 =	sshll.u32 s10, $0x1;
	s8 =	smul.u32 $0x28000, s10  }
0x8: {  	[smem:$0x7FF] =	sst s5;
	s22 =	smul.u32 $0x2800, s10;
	s5 =	simm.s32 $0x5  }
0x9: {  	s4 =	sor.u32 s3, s4;
	_ =	strace $0x8000004A;
	s6 =	smul.u32 $0x28000, s3  }
0xa: {  	s3 =	ssub.s32 $0x2, s3;
	s17 =	smul.u32 $0x4F0, s4;
	s4 =	sadd.s32 $0x70C00, s0  }
0xb: {  	s7 =	sshrl.u32 s3, $0x1;
	s20 =	sshrl.u32 s8, $0x2;
	[dreg:$0x8] =	wrdreg s22  }
0xc: {  	s26 =	sor.u32 $0x8, s22;
	s22 =	simm.s32 $0x4;
	s21 =	sadd.s32 s20, s2  }
0xd: {  	s9 =	sadd.s32 s17, s0;
	s1 =	sadd.s32 s1, s17;
	[dreg:$0x7] =	wrdreg s21  }
0xe: {  	s0 =	sadd.s32 s6, s0;
	s6 =	sadd.s32 $0x2000, s21;
	[dreg:$0x6] =	wrdreg s1  }
0xf: {  	s3 =	ssub.s32 s3, s7;
	s23 =	sadd.s32 $0x4000, s21;
	[dreg:$0x9] =	wrdreg s6  }
0x10: {  	s20 =	simm.s32 $0x7680;
	s24 =	sadd.s32 $0x6000, s21;
	[dreg:$0xa] =	wrdreg s23  }
0x11: {  	s3 =	smax.u32 s3, $0x1;
	s17 =	simm.s32 $0xA;
	[dreg:$0xb] =	wrdreg s24  }
0x12: {  	s18 =	sadd.s32 $0xD000, s9;
	s19 =	sadd.s32 $0x66E00, s9;
	[dreg:$0xe] =	wrdreg s3  }
0x13: {  	s1 =	sadd.s32 $0x8000, s21;
	s25 =	sadd.s32 $0x98C00, s0;
	[dreg:$0x4] =	wrdreg s18  }
.Ltmp0:
0x14: {  	s21 =	simm.s32 $0x9680;
	[dreg:$0x5] =	wrdreg s19;
	(pc) =	sbr.rel .LBB2_1-.Ltmp0, $4  }
0x15: {  	s23 =	simm.s32 $0xB680;
	s24 =	simm.s32 $0x13680;
	[dreg:$0xc] =	wrdreg s1  }
0x16: {  	s6 =	simm.s32 $0x8;
	s19 =	simm.s32 $0x80;
	[dreg:$0xd] =	wrdreg s25  }
0x17: {  	s0 =	sadd.s32 s25, s26;
	s26 =	simm.s32 $0x1;
	s1 =	simm.s32 $0x3  }
0x18: {  	v0 =	vimm.f32 $0.0e+00;
	s18 =	simm.s32 $0x11680;
	[dreg:$0xf] =	wrdreg s0;
	s0 =	simm.s32 $0x7  }
.LBB2_17:
0x19: {  	_ =	swait.ge [sflag:s6], $0x2000  }
0x1a: {  	[sflag:s6] =	ssyncset.done $0x0  }
0x1b: {  	s7 =	simm.s32 $0x9;
	[sflag:s6] =	ssyncadd.s32 $0xFFFFE000  }
0x1c: {  	_ =	swait.ge [sflag:s7], $0x2000  }
0x1d: {  	[sflag:s7] =	ssyncset.done $0x0  }
0x1e: {  	[sflag:s7] =	ssyncadd.s32 $0xFFFFE000  }
0x1f: {  	_ =	swait.ge [sflag:s17], $0x2000  }
0x20: {  	[sflag:s17] =	ssyncset.done $0x0  }
0x21: {  	[sflag:s17] =	ssyncadd.s32 $0xFFFFE000  }
0x22: {  	_ =	swait.ge [sflag:s15], $0x2000  }
0x23: {  	[sflag:s15] =	ssyncset.done $0x0  }
0x24: {  	s12 =	simm.s32 $0xC;
	[sflag:s15] =	ssyncadd.s32 $0xFFFFE000  }
0x25: {  	_ =	swait.ge [sflag:s12], $0x2000  }
0x26: {  	[sflag:s12] =	ssyncset.done $0x0  }
0x27: {  	[sflag:s12] =	ssyncadd.s32 $0xFFFFE000  }
0x28: {  	_ =	swait.ge [sflag:s0], $0x2000  }
0x29: {  	[sflag:s0] =	ssyncset.done $0x0  }
0x2a: {  	[sflag:s0] =	ssyncadd.s32 $0xFFFFE000  }
0x2b: {  	[bflag:$0x0] =	sbarrier.arrive $0xFFFF  }
0x2c: {  	s8 =	simm.s32 $0x10;
	s13 =	rddreg [dreg:$0xf]  }
0x2d: {  	[hbm:s13@s8], [sflag:s25] =	dma.strided [spmem:s3@s6], $0x1400, s26, $0x8   }
0x2e: {  	_ =	swait.ge [sflag:s16], $0x1400  }
0x2f: {  	s14 =	sadd.s32 $0x1, s14;
	s25 =	rddreg [dreg:$0xe]  }
0x30: {  	p0 =	sne.s32 s14, s25  }
.Ltmp1:
0x31: {  	_ = 	snop;
	(pc) =	sbr.rel @!p0 .LBB2_18-.Ltmp1, $3  }
0x32: {  	_ =	sdelay $0x1  }
0x33: {  	[sflag:s16] =	ssyncset.done $0x0  }
0x34: {  	[sflag:s16] =	ssyncadd.s32 $0xFFFFEC00  }
.LBB2_1:
0x35: {  	s3 =	simm.s32 $0x0;
	s7 =	rddreg [dreg:$0x4]  }
0x36: {  	[tilespmem:s3], [sflag:$0xD] =	stream.linear.gather [hbm4b:s7+s3], $0x2780, $0x38;
	[tilespmem:$0x1F680] =	vst v63  }
0x37: {  	_ =	swait.ge [sflag:s16], $0x2780  }
0x38: {  	[sflag:s16] =	ssyncset.done $0x0  }
0x39: {  	s8 =	simm.s32 $0x2780;
	s12 =	rddreg [dreg:$0x5];
	[sflag:s16] =	ssyncadd.s32 $0xFFFFD880  }
0x3a: {  	[tilespmem:s8], [sflag:$0xD] =	stream.linear.gather [hbm4b:s12+s3], $0x2780, $0x38;
	[tilespmem:$0x1F680] =	vst v63  }
0x3b: {  	_ =	swait.ge [sflag:s16], $0x2780  }
0x3c: {  	[sflag:s16] =	ssyncset.done $0x0  }
0x3d: {  	s25 =	simm.s32 $0x4F00;
	s13 =	rddreg [dreg:$0x6];
	[sflag:s16] =	ssyncadd.s32 $0xFFFFD880  }
0x3e: {  	[tilespmem:s25], [sflag:$0xD] =	stream.linear.gather [hbm4b:s13+s3], $0x2780, $0x38;
	[tilespmem:$0x1F680] =	vst v63  }
0x3f: {  	_ =	swait.ge [sflag:s16], $0x2780  }
0x40: {  	[sflag:s16] =	ssyncset.done $0x0  }
0x41: {  	s10 =	simm.s32 $0x100;
	s3 =	simm.s32 $0x0;
	[sflag:s16] =	ssyncadd.s32 $0xFFFFD880  }
.LBB2_2:
0x42: {  	p0 =	sne.s32 s10, $0x7F00;
	[tilespmem:s3+$0x136B0] =	vst v0;
	s11 =	smov.u32 s10;
	s10 =	sadd.s32 $0x100, s10  }
.Ltmp2:
0x43: {  	[tilespmem:s3+$0x136A0] =	vst v0;
	(pc) =	sbr.rel @p0 .LBB2_2-.Ltmp2, $3  }
0x44: {  	[tilespmem:s3+$0x13680] =	vst v0  }
0x45: {  	[tilespmem:s3+$0x13690] =	vst v0;
	_ =	sdelay $0x1  }
0x46: {  	s3 =	sshra.s32 s11, $0x2  }
0x47: {  	[tilespmem:s3+$0x136B0] =	vst v0  }
0x48: {  	[tilespmem:s3+$0x136A0] =	vst v0  }
0x49: {  	[tilespmem:s3+$0x13680] =	vst v0  }
0x4a: {  	[tilespmem:s3+$0x13690] =	vst v0;
	s3 =	simm.s32 $0x0  }
0x4b: {  	[tilespmem:s20], [sflag:$0x1] =	stream.indirect.gather [hbm4b:s4+s19], $0x40, s3, s19, $0xb8;
	[tilespmem:$0x1F680] =	vst v63  }
0x4c: {  	_ = 	snop  }
0x4d: {  	[tilespmem:s21], [sflag:$0x2] =	stream.indirect.gather [hbm4b:s4+s19], $0x40, s19, s19, $0xb8;
	[tilespmem:$0x1F680] =	vst v63  }
0x4e: {  	s7 =	simm.s32 $0x100  }
0x4f: {  	[tilespmem:s23], [sflag:$0x3] =	stream.indirect.gather [hbm4b:s4+s19], $0x40, s7, s19, $0xb8;
	[tilespmem:$0x1F680] =	vst v63  }
0x50: {  	s10 =	rddreg [dreg:$0x7]  }
0x51: {  	[spmem:s10] =	stream.linear.scatter [tilespmem:s24], [sflag:$0xD], $0x2000, $0x38;
	[tilespmem:$0x1F680] =	vst v63  }
0x52: {  	_ =	swait.ge [sflag:s16], $0x2000  }
0x53: {  	[sflag:s16] =	ssyncset.done $0x0  }
0x54: {  	s11 =	rddreg [dreg:$0x9];
	[sflag:s16] =	ssyncadd.s32 $0xFFFFE000  }
0x55: {  	[spmem:s11] =	stream.linear.scatter [tilespmem:s24], [sflag:$0xD], $0x2000, $0x38;
	[tilespmem:$0x1F680] =	vst v63  }
0x56: {  	_ =	swait.ge [sflag:s16], $0x2000  }
0x57: {  	[sflag:s16] =	ssyncset.done $0x0  }
0x58: {  	s12 =	rddreg [dreg:$0xa];
	[sflag:s16] =	ssyncadd.s32 $0xFFFFE000  }
0x59: {  	[spmem:s12] =	stream.linear.scatter [tilespmem:s24], [sflag:$0xD], $0x2000, $0x38;
	[tilespmem:$0x1F680] =	vst v63  }
0x5a: {  	_ =	swait.ge [sflag:s16], $0x2000  }
0x5b: {  	[sflag:s16] =	ssyncset.done $0x0  }
0x5c: {  	s13 =	rddreg [dreg:$0xb];
	[sflag:s16] =	ssyncadd.s32 $0xFFFFE000  }
0x5d: {  	[spmem:s13] =	stream.linear.scatter [tilespmem:s24], [sflag:$0xD], $0x2000, $0x38;
	[tilespmem:$0x1F680] =	vst v63  }
0x5e: {  	_ =	swait.ge [sflag:s16], $0x2000  }
0x5f: {  	[sflag:s16] =	ssyncset.done $0x0  }
0x60: {  	s25 =	rddreg [dreg:$0xc];
	[sflag:s16] =	ssyncadd.s32 $0xFFFFE000  }
0x61: {  	[spmem:s25] =	stream.linear.scatter [tilespmem:s24], [sflag:$0xD], $0x2000, $0x38;
	[tilespmem:$0x1F680] =	vst v63  }
.Ltmp3:
0x62: {  	_ =	swait.ge [sflag:s16], $0x2000;
	(pc) =	sbr.rel .LBB2_4-.Ltmp3, $4  }
0x63: {  	[sflag:s16] =	ssyncset.done $0x0  }
0x64: {  	[sflag:s16] =	ssyncadd.s32 $0xFFFFE000  }
0x65: {  	[bflag:$0x0] =	sbarrier.arrive $0xFFFF  }
0x66: {  	s10 =	simm.s32 $0x1;
	s11 =	simm.s32 $0x0  }
.LBB2_19:
0x67: {  	s13 =	sadd.s32 $0x180, s12  }
0x68: {  	[tilespmem:s28], [sflag:$0x4] =	stream.indirect.gather [hbm4b:s4+s19], $0x40, s13, s19, $0xb8;
	[tilespmem:$0x1F680] =	vst v63  }
0x69: {  	_ =	swait.ge [sflag:s29], $0x2000  }
0x6a: {  	[sflag:s29] =	ssyncset.done $0x0  }
0x6b: {  	[sflag:s29] =	ssyncadd.s32 $0xFFFFE000  }
0x6c: {  	[spmem:s2] =	stream.indirect.scatter.add.f32 [tilespmem:s21], [sflag:$0x8], $0x40, s30, s19, $0xb8;
	[tilespmem:$0x1F680] =	vst v63  }
.LBB2_8:
0x6d: {  	s13 =	sadd.s32 $0x200, s12  }
0x6e: {  	[tilespmem:s31], [sflag:$0x5] =	stream.indirect.gather [hbm4b:s4+s19], $0x40, s13, s19, $0xb8;
	[tilespmem:$0x1F680] =	vst v63  }
0x6f: {  	_ =	swait.ge [sflag:s1], $0x2000  }
0x70: {  	p0 =	seq.s32 s3, $0x0;
	[sflag:s1] =	ssyncset.done $0x0  }
0x71: {  	s25 =	sadd.s32 $0x5000, s12;
	s13 =	simm.s32 @!p0 $0xC;
	[sflag:s1] =	ssyncadd.s32 $0xFFFFE000  }
0x72: {  	[spmem:s2] =	stream.indirect.scatter.add.f32 [tilespmem:s23], [sflag:$0x9], $0x40, s25, s19, $0xb8;
	[tilespmem:$0x1F680] =	vst v63  }
0x73: {  	_ =	swait.ge @!p0 [sflag:s13], $0x2000  }
0x74: {  	[sflag:s13] =	ssyncset.done @!p0 $0x0  }
0x75: {  	s7 =	sadd.s32 $0x280, s12;
	[sflag:s13] =	ssyncadd.s32 @!p0 $0xFFFFE000  }
0x76: {  	[tilespmem:s18], [sflag:$0x6] =	stream.indirect.gather [hbm4b:s4+s19], $0x40, s7, s19, $0xb8;
	[tilespmem:$0x1F680] =	vst v63  }
0x77: {  	_ =	swait.ge [sflag:s22], $0x2000  }
0x78: {  	[sflag:s22] =	ssyncset.done $0x0  }
0x79: {  	s8 =	sadd.s32 $0x5080, s12;
	[sflag:s22] =	ssyncadd.s32 $0xFFFFE000  }
0x7a: {  	[spmem:s2] =	stream.indirect.scatter.add.f32 [tilespmem:s28], [sflag:$0xA], $0x40, s8, s19, $0xb8;
	[tilespmem:$0x1F680] =	vst v63  }
0x7b: {  	_ =	swait.ge [sflag:s0], $0x2000  }
0x7c: {  	[sflag:s0] =	ssyncset.done $0x0  }
0x7d: {  	s9 =	sadd.s32 $0x300, s12;
	[sflag:s0] =	ssyncadd.s32 $0xFFFFE000  }
0x7e: {  	[tilespmem:s20], [sflag:$0x1] =	stream.indirect.gather [hbm4b:s4+s19], $0x40, s9, s19, $0xb8;
	[tilespmem:$0x1F680] =	vst v63  }
0x7f: {  	_ =	swait.ge [sflag:s5], $0x2000  }
0x80: {  	p0 =	sgt.u32 s11, $0xB;
	[sflag:s5] =	ssyncset.done $0x0  }
0x81: {  	s25 =	sadd.s32 $0x5100, s12;
	s12 =	simm.s32 @p0 $0x6;
	[sflag:s5] =	ssyncadd.s32 $0xFFFFE000  }
0x82: {  	[spmem:s2] =	stream.indirect.scatter.add.f32 [tilespmem:s31], [sflag:$0xB], $0x40, s25, s19, $0xb8;
	[tilespmem:$0x1F680] =	vst v63  }
0x83: {  	_ =	swait.ge @p0 [sflag:s12], $0x2000  }
0x84: {  	[sflag:s12] =	ssyncset.done @p0 $0x0  }
0x85: {  	[sflag:s12] =	ssyncadd.s32 @p0 $0xFFFFE000;
	s12 =	sshra.s32 @p0 s3, $0x2  }
0x86: {  	s13 =	simm.s32 @p0 $0x80;
	s25 =	simm.s32 @p0 $0x11680;
	s12 =	sadd.s32 @p0 $0x5180, s12  }
0x87: {  	[spmem:s2] =	stream.indirect.scatter.add.f32 @p0 [tilespmem:s25], [sflag:$0xC], $0x40, s12, s13, $0xb8;
	[tilespmem:$0x1F680] =	vst v63  }
0x88: {  	s12 =	simm.s32 @!p0 $0x8  }
0x89: {  	_ =	swait.ge @!p0 [sflag:s12], $0x2000  }
0x8a: {  	[sflag:s12] =	ssyncset.done @!p0 $0x0  }
0x8b: {  	[sflag:s12] =	ssyncadd.s32 @!p0 $0xFFFFE000;
	s12 =	sshra.s32 @!p0 s3, $0x2  }
0x8c: {  	s8 =	simm.s32 @!p0 $0x9680;
	s25 =	simm.s32 @!p0 $0x80;
	s13 =	sadd.s32 @!p0 $0x380, s12  }
0x8d: {  	[tilespmem:s8], [sflag:$0x2] =	stream.indirect.gather @!p0 [hbm4b:s4+s25], $0x40, s13, s25, $0xb8;
	[tilespmem:$0x1F680] =	vst v63  }
0x8e: {  	s8 =	simm.s32 @!p0 $0x6  }
0x8f: {  	_ =	swait.ge @!p0 [sflag:s8], $0x2000  }
0x90: {  	[sflag:s8] =	ssyncset.done @!p0 $0x0  }
0x91: {  	s13 =	simm.s32 @!p0 $0x11680;
	[sflag:s8] =	ssyncadd.s32 @!p0 $0xFFFFE000;
	s8 =	sadd.s32 @!p0 $0x5180, s12  }
0x92: {  	[spmem:s2] =	stream.indirect.scatter.add.f32 @!p0 [tilespmem:s13], [sflag:$0xC], $0x40, s8, s25, $0xb8;
	[tilespmem:$0x1F680] =	vst v63  }
0x93: {  	s8 =	simm.s32 @!p0 $0x9  }
0x94: {  	_ =	swait.ge @!p0 [sflag:s8], $0x2000  }
0x95: {  	[sflag:s8] =	ssyncset.done @!p0 $0x0  }
0x96: {  	[sflag:s8] =	ssyncadd.s32 @!p0 $0xFFFFE000;
	s8 =	sadd.s32 @!p0 $0x400, s12;
	s12 =	simm.s32 @!p0 $0xB680  }
0x97: {  	[tilespmem:s12], [sflag:$0x3] =	stream.indirect.gather @!p0 [hbm4b:s4+s25], $0x40, s8, s25, $0xb8;
	[tilespmem:$0x1F680] =	vst v63  }
.LBB2_9:
0x98: {  	s3 =	sadd.s32 $0xC00, s3  }
0x99: {  	p0 =	sne.s32 s3, $0xA800  }
.Ltmp4:
0x9a: {  	_ = 	snop;
	(pc) =	sbr.rel @!p0 .LBB2_10-.Ltmp4, $2  }
0x9b: {  	_ =	sdelay $0x2  }
0x9c: {  	s11 =	sadd.s32 $0x1, s11;
	s10 =	sadd.s32 $0x6, s10  }
.LBB2_4:
0x9d: {  	p0 =	seq.s32 s11, $0x0  }
.Ltmp5:
0x9e: {  	_ = 	snop;
	(pc) =	sbr.rel @p0 .LBB2_19-.Ltmp5, $4  }
0x9f: {  	_ =	swait.ge [sflag:s26], $0x2000  }
0xa0: {  	s12 =	sshra.s32 s3, $0x2;
	[sflag:s26] =	ssyncset.done $0x0  }
0xa1: {  	s13 =	sadd.s32 $0x4F00, s12;
	[sflag:s26] =	ssyncadd.s32 $0xFFFFE000  }
0xa2: {  	[spmem:s2] =	stream.indirect.scatter.add.f32 [tilespmem:s20], [sflag:$0x7], $0x40, s13, s19, $0xb8;
	[tilespmem:$0x1F680] =	vst v63  }
0xa3: {  	p0 =	seq.s32 s11, $0xD  }
.Ltmp6:
0xa4: {  	_ = 	snop;
	(pc) =	sbr.rel @p0 .LBB2_10-.Ltmp6, $1  }
0xa5: {  	_ =	sdelay $0x3  }
0xa6: {  	p0 =	sgt.u32 s10, $0x4E  }
.Ltmp7:
0xa7: {  	_ = 	snop;
	(pc) =	sbr.rel @p0 .LBB2_9-.Ltmp7, $4  }
0xa8: {  	_ =	swait.ge [sflag:s17], $0x2000  }
0xa9: {  	[sflag:s17] =	ssyncset.done $0x0  }
0xaa: {  	s13 =	sadd.s32 $0x180, s12;
	[sflag:s17] =	ssyncadd.s32 $0xFFFFE000  }
0xab: {  	[tilespmem:s28], [sflag:$0x4] =	stream.indirect.gather [hbm4b:s4+s19], $0x40, s13, s19, $0xb8;
	[tilespmem:$0x1F680] =	vst v63  }
0xac: {  	_ =	swait.ge [sflag:s29], $0x2000  }
0xad: {  	[sflag:s29] =	ssyncset.done $0x0  }
.Ltmp8:
0xae: {  	s13 =	sadd.s32 $0x4F80, s12;
	[sflag:s29] =	ssyncadd.s32 $0xFFFFE000;
	(pc) =	sbr.rel .LBB2_8-.Ltmp8, $4  }
0xaf: {  	[spmem:s2] =	stream.indirect.scatter.add.f32 [tilespmem:s21], [sflag:$0x8], $0x40, s13, s19, $0xb8;
	[tilespmem:$0x1F680] =	vst v63  }
0xb0: {  	_ =	swait.ge [sflag:s15], $0x2000  }
0xb1: {  	[sflag:s15] =	ssyncset.done $0x0  }
0xb2: {  	[sflag:s15] =	ssyncadd.s32 $0xFFFFE000  }
.LBB2_10:
0xb3: {  	_ =	swait.ge [sflag:s6], $0x2000  }
0xb4: {  	[sflag:s6] =	ssyncset.done $0x0  }
0xb5: {  	s3 =	simm.s32 $0x9;
	[sflag:s6] =	ssyncadd.s32 $0xFFFFE000  }
0xb6: {  	_ =	swait.ge [sflag:s3], $0x2000  }
0xb7: {  	[sflag:s3] =	ssyncset.done $0x0  }
0xb8: {  	[sflag:s3] =	ssyncadd.s32 $0xFFFFE000  }
0xb9: {  	_ =	swait.ge [sflag:s17], $0x2000  }
0xba: {  	[sflag:s17] =	ssyncset.done $0x0  }
0xbb: {  	[sflag:s17] =	ssyncadd.s32 $0xFFFFE000  }
0xbc: {  	_ =	swait.ge [sflag:s15], $0x2000  }
0xbd: {  	[sflag:s15] =	ssyncset.done $0x0  }
0xbe: {  	s7 =	simm.s32 $0xC;
	[sflag:s15] =	ssyncadd.s32 $0xFFFFE000  }
0xbf: {  	_ =	swait.ge [sflag:s7], $0x2000  }
0xc0: {  	[sflag:s7] =	ssyncset.done $0x0  }
0xc1: {  	[sflag:s7] =	ssyncadd.s32 $0xFFFFE000  }
0xc2: {  	_ =	swait.ge [sflag:s0], $0x2000  }
0xc3: {  	[sflag:s0] =	ssyncset.done $0x0  }
0xc4: {  	s8 =	simm.s32 $0x2780;
	[sflag:s0] =	ssyncadd.s32 $0xFFFFE000  }
0xc5: {  	[tilespmem:s20], [sflag:$0x1] =	stream.indirect.gather [hbm4b:s4+s19], $0x40, s8, s19, $0xb8;
	[tilespmem:$0x1F680] =	vst v63  }
0xc6: {  	s9 =	simm.s32 $0x2800  }
0xc7: {  	[tilespmem:s21], [sflag:$0x2] =	stream.indirect.gather [hbm4b:s4+s19], $0x40, s9, s19, $0xb8;
	[tilespmem:$0x1F680] =	vst v63  }
0xc8: {  	s10 =	simm.s32 $0x2880  }
0xc9: {  	[tilespmem:s23], [sflag:$0x3] =	stream.indirect.gather [hbm4b:s4+s19], $0x40, s10, s19, $0xb8;
	[tilespmem:$0x1F680] =	vst v63  }
0xca: {  	[bflag:$0x0] =	sbarrier.arrive $0xFFFF  }
0xcb: {  	s12 =	stileid.u32;
	s11 =	rddreg [dreg:$0x8]  }
0xcc: {  	s3 =	sshll.u32 s12, $0x6;
	s7 =	rddreg [dreg:$0xd]  }
0xcd: {  	s25 =	sor.u32 $0x1C0D, s3;
	s9 =	simm.s32 $0x10;
	s13 =	rddreg [dreg:$0x7]  }
0xce: {  	s10 =	simm.s32 $0x1;
	s8 =	sadd.s32 s11, s7;
	s3 =	sshrl.u32 s13, $0x3  }
0xcf: {  	[hbm:s8@s9], [sflag:s25] =	dma.strided [spmem:s3@s6], $0x1400, s10, $0x8   }
0xd0: {  	_ =	swait.ge [sflag:s16], $0x1400  }
0xd1: {  	[sflag:s16] =	ssyncset.done $0x0  }
0xd2: {  	[sflag:s16] =	ssyncadd.s32 $0xFFFFEC00  }
0xd3: {  	[spmem:s13] =	stream.linear.scatter [tilespmem:s24], [sflag:$0xD], $0x2000, $0x38;
	[tilespmem:$0x1F680] =	vst v63  }
0xd4: {  	_ =	swait.ge [sflag:s16], $0x2000  }
0xd5: {  	[sflag:s16] =	ssyncset.done $0x0  }
0xd6: {  	s9 =	rddreg [dreg:$0x9];
	[sflag:s16] =	ssyncadd.s32 $0xFFFFE000  }
0xd7: {  	[spmem:s9] =	stream.linear.scatter [tilespmem:s24], [sflag:$0xD], $0x2000, $0x38;
	[tilespmem:$0x1F680] =	vst v63  }
0xd8: {  	_ =	swait.ge [sflag:s16], $0x2000  }
0xd9: {  	[sflag:s16] =	ssyncset.done $0x0  }
0xda: {  	s11 =	rddreg [dreg:$0xa];
	[sflag:s16] =	ssyncadd.s32 $0xFFFFE000  }
0xdb: {  	[spmem:s11] =	stream.linear.scatter [tilespmem:s24], [sflag:$0xD], $0x2000, $0x38;
	[tilespmem:$0x1F680] =	vst v63  }
0xdc: {  	_ =	swait.ge [sflag:s16], $0x2000  }
0xdd: {  	[sflag:s16] =	ssyncset.done $0x0  }
0xde: {  	s12 =	rddreg [dreg:$0xb];
	[sflag:s16] =	ssyncadd.s32 $0xFFFFE000  }
0xdf: {  	[spmem:s12] =	stream.linear.scatter [tilespmem:s24], [sflag:$0xD], $0x2000, $0x38;
	[tilespmem:$0x1F680] =	vst v63  }
0xe0: {  	_ =	swait.ge [sflag:s16], $0x2000  }
0xe1: {  	[sflag:s16] =	ssyncset.done $0x0  }
0xe2: {  	s13 =	rddreg [dreg:$0xc];
	[sflag:s16] =	ssyncadd.s32 $0xFFFFE000  }
0xe3: {  	[spmem:s13] =	stream.linear.scatter [tilespmem:s24], [sflag:$0xD], $0x2000, $0x38;
	[tilespmem:$0x1F680] =	vst v63  }
.Ltmp9:
0xe4: {  	_ =	swait.ge [sflag:s16], $0x2000;
	(pc) =	sbr.rel .LBB2_11-.Ltmp9, $4  }
0xe5: {  	[sflag:s16] =	ssyncset.done $0x0  }
0xe6: {  	[sflag:s16] =	ssyncadd.s32 $0xFFFFE000  }
0xe7: {  	[bflag:$0x0] =	sbarrier.arrive $0xFFFF  }
0xe8: {  	s11 =	simm.s32 $0x0;
	s12 =	simm.s32 $0x0  }
.LBB2_20:
0xe9: {  	s8 =	sadd.s32 $0x2900, s13  }
0xea: {  	[tilespmem:s28], [sflag:$0x4] =	stream.indirect.gather [hbm4b:s4+s19], $0x40, s8, s19, $0xb8;
	[tilespmem:$0x1F680] =	vst v63  }
0xeb: {  	_ =	swait.ge [sflag:s29], $0x2000  }
0xec: {  	[sflag:s29] =	ssyncset.done $0x0  }
0xed: {  	[sflag:s29] =	ssyncadd.s32 $0xFFFFE000  }
0xee: {  	[spmem:s2] =	stream.indirect.scatter.add.f32 [tilespmem:s21], [sflag:$0x8], $0x40, s30, s19, $0xb8;
	[tilespmem:$0x1F680] =	vst v63  }
.LBB2_15:
0xef: {  	s8 =	sadd.s32 $0x2980, s13  }
0xf0: {  	[tilespmem:s31], [sflag:$0x5] =	stream.indirect.gather [hbm4b:s4+s19], $0x40, s8, s19, $0xb8;
	[tilespmem:$0x1F680] =	vst v63  }
0xf1: {  	_ =	swait.ge [sflag:s1], $0x2000  }
0xf2: {  	p0 =	seq.s32 s11, $0x0;
	[sflag:s1] =	ssyncset.done $0x0  }
0xf3: {  	s7 =	sadd.s32 $0x5000, s13;
	s8 =	simm.s32 @!p0 $0xC;
	[sflag:s1] =	ssyncadd.s32 $0xFFFFE000  }
0xf4: {  	[spmem:s2] =	stream.indirect.scatter.add.f32 [tilespmem:s23], [sflag:$0x9], $0x40, s7, s19, $0xb8;
	[tilespmem:$0x1F680] =	vst v63  }
0xf5: {  	_ =	swait.ge @!p0 [sflag:s8], $0x2000  }
0xf6: {  	[sflag:s8] =	ssyncset.done @!p0 $0x0  }
0xf7: {  	s9 =	sadd.s32 $0x2A00, s13;
	[sflag:s8] =	ssyncadd.s32 @!p0 $0xFFFFE000  }
0xf8: {  	[tilespmem:s18], [sflag:$0x6] =	stream.indirect.gather [hbm4b:s4+s19], $0x40, s9, s19, $0xb8;
	[tilespmem:$0x1F680] =	vst v63  }
0xf9: {  	_ =	swait.ge [sflag:s22], $0x2000  }
0xfa: {  	[sflag:s22] =	ssyncset.done $0x0  }
0xfb: {  	s7 =	sadd.s32 $0x5080, s13;
	[sflag:s22] =	ssyncadd.s32 $0xFFFFE000  }
0xfc: {  	[spmem:s2] =	stream.indirect.scatter.add.f32 [tilespmem:s28], [sflag:$0xA], $0x40, s7, s19, $0xb8;
	[tilespmem:$0x1F680] =	vst v63  }
0xfd: {  	_ =	swait.ge [sflag:s0], $0x2000  }
0xfe: {  	[sflag:s0] =	ssyncset.done $0x0  }
0xff: {  	s9 =	sadd.s32 $0x2A80, s13;
	[sflag:s0] =	ssyncadd.s32 $0xFFFFE000  }
0x100: {  	[tilespmem:s20], [sflag:$0x1] =	stream.indirect.gather [hbm4b:s4+s19], $0x40, s9, s19, $0xb8;
	[tilespmem:$0x1F680] =	vst v63  }
0x101: {  	_ =	swait.ge [sflag:s5], $0x2000  }
0x102: {  	p0 =	sgt.u32 s12, $0xB;
	[sflag:s5] =	ssyncset.done $0x0  }
0x103: {  	s13 =	sadd.s32 $0x5100, s13;
	s8 =	simm.s32 @p0 $0x6;
	[sflag:s5] =	ssyncadd.s32 $0xFFFFE000  }
0x104: {  	[spmem:s2] =	stream.indirect.scatter.add.f32 [tilespmem:s31], [sflag:$0xB], $0x40, s13, s19, $0xb8;
	[tilespmem:$0x1F680] =	vst v63  }
0x105: {  	_ =	swait.ge @p0 [sflag:s8], $0x2000  }
0x106: {  	[sflag:s8] =	ssyncset.done @p0 $0x0  }
0x107: {  	[sflag:s8] =	ssyncadd.s32 @p0 $0xFFFFE000;
	s8 =	sshra.s32 @p0 s11, $0x2  }
0x108: {  	s7 =	simm.s32 @p0 $0x11680;
	s13 =	simm.s32 @p0 $0x80;
	s8 =	sadd.s32 @p0 $0x5180, s8  }
0x109: {  	[spmem:s2] =	stream.indirect.scatter.add.f32 @p0 [tilespmem:s7], [sflag:$0xC], $0x40, s8, s13, $0xb8;
	[tilespmem:$0x1F680] =	vst v63  }
0x10a: {  	s7 =	simm.s32 @!p0 $0x8  }
0x10b: {  	_ =	swait.ge @!p0 [sflag:s7], $0x2000  }
0x10c: {  	[sflag:s7] =	ssyncset.done @!p0 $0x0  }
0x10d: {  	[sflag:s7] =	ssyncadd.s32 @!p0 $0xFFFFE000;
	s7 =	sshra.s32 @!p0 s11, $0x2  }
0x10e: {  	s9 =	simm.s32 @!p0 $0x9680;
	s13 =	simm.s32 @!p0 $0x80;
	s8 =	sadd.s32 @!p0 $0x2B00, s7  }
0x10f: {  	[tilespmem:s9], [sflag:$0x2] =	stream.indirect.gather @!p0 [hbm4b:s4+s13], $0x40, s8, s13, $0xb8;
	[tilespmem:$0x1F680] =	vst v63  }
0x110: {  	s8 =	simm.s32 @!p0 $0x6  }
0x111: {  	_ =	swait.ge @!p0 [sflag:s8], $0x2000  }
0x112: {  	[sflag:s8] =	ssyncset.done @!p0 $0x0  }
0x113: {  	s9 =	simm.s32 @!p0 $0x11680;
	[sflag:s8] =	ssyncadd.s32 @!p0 $0xFFFFE000;
	s8 =	sadd.s32 @!p0 $0x5180, s7  }
0x114: {  	[spmem:s2] =	stream.indirect.scatter.add.f32 @!p0 [tilespmem:s9], [sflag:$0xC], $0x40, s8, s13, $0xb8;
	[tilespmem:$0x1F680] =	vst v63  }
0x115: {  	s8 =	simm.s32 @!p0 $0x9  }
0x116: {  	_ =	swait.ge @!p0 [sflag:s8], $0x2000  }
0x117: {  	[sflag:s8] =	ssyncset.done @!p0 $0x0  }
0x118: {  	s7 =	sadd.s32 @!p0 $0x2B80, s7;
	[sflag:s8] =	ssyncadd.s32 @!p0 $0xFFFFE000;
	s8 =	simm.s32 @!p0 $0xB680  }
0x119: {  	[tilespmem:s8], [sflag:$0x3] =	stream.indirect.gather @!p0 [hbm4b:s4+s13], $0x40, s7, s13, $0xb8;
	[tilespmem:$0x1F680] =	vst v63  }
.LBB2_16:
0x11a: {  	s11 =	sadd.s32 $0xC00, s11  }
0x11b: {  	p0 =	sne.s32 s11, $0xA800  }
.Ltmp10:
0x11c: {  	_ = 	snop;
	(pc) =	sbr.rel @!p0 .LBB2_17-.Ltmp10, $2  }
0x11d: {  	_ =	sdelay $0x2  }
0x11e: {  	s12 =	sadd.s32 $0x1, s12;
	s10 =	sadd.s32 $0x6, s10  }
.LBB2_11:
0x11f: {  	p0 =	seq.s32 s12, $0x0  }
.Ltmp11:
0x120: {  	_ = 	snop;
	(pc) =	sbr.rel @p0 .LBB2_20-.Ltmp11, $4  }
0x121: {  	_ =	swait.ge [sflag:s26], $0x2000  }
0x122: {  	s13 =	sshra.s32 s11, $0x2;
	[sflag:s26] =	ssyncset.done $0x0  }
0x123: {  	s8 =	sadd.s32 $0x4F00, s13;
	[sflag:s26] =	ssyncadd.s32 $0xFFFFE000  }
0x124: {  	[spmem:s2] =	stream.indirect.scatter.add.f32 [tilespmem:s20], [sflag:$0x7], $0x40, s8, s19, $0xb8;
	[tilespmem:$0x1F680] =	vst v63  }
0x125: {  	p0 =	seq.s32 s12, $0xD  }
.Ltmp12:
0x126: {  	_ = 	snop;
	(pc) =	sbr.rel @p0 .LBB2_17-.Ltmp12, $1  }
0x127: {  	_ =	sdelay $0x3  }
0x128: {  	p0 =	sgt.u32 s10, $0x4E  }
.Ltmp13:
0x129: {  	_ = 	snop;
	(pc) =	sbr.rel @p0 .LBB2_16-.Ltmp13, $4  }
0x12a: {  	_ =	swait.ge [sflag:s17], $0x2000  }
0x12b: {  	[sflag:s17] =	ssyncset.done $0x0  }
0x12c: {  	s8 =	sadd.s32 $0x2900, s13;
	[sflag:s17] =	ssyncadd.s32 $0xFFFFE000  }
0x12d: {  	[tilespmem:s28], [sflag:$0x4] =	stream.indirect.gather [hbm4b:s4+s19], $0x40, s8, s19, $0xb8;
	[tilespmem:$0x1F680] =	vst v63  }
0x12e: {  	_ =	swait.ge [sflag:s29], $0x2000  }
0x12f: {  	[sflag:s29] =	ssyncset.done $0x0  }
.Ltmp14:
0x130: {  	s8 =	sadd.s32 $0x4F80, s13;
	[sflag:s29] =	ssyncadd.s32 $0xFFFFE000;
	(pc) =	sbr.rel .LBB2_15-.Ltmp14, $4  }
0x131: {  	[spmem:s2] =	stream.indirect.scatter.add.f32 [tilespmem:s21], [sflag:$0x8], $0x40, s8, s19, $0xb8;
	[tilespmem:$0x1F680] =	vst v63  }
0x132: {  	_ =	swait.ge [sflag:s15], $0x2000  }
0x133: {  	[sflag:s15] =	ssyncset.done $0x0  }
0x134: {  	[sflag:s15] =	ssyncadd.s32 $0xFFFFE000  }
.LBB2_18:
0x135: {  	_ =	sfence.sel $0x180000  }
0x136: {  	[bflag:$0x0] =	sbarrier.arrive $0xFFFF  }
0x137: {  	_ =	strace $0x9000004A  }
0x138: {  	s0 =	stileid.u32;
	[bflag:$0x2] =	sbarrier.arrive $0xFFFF  }
0x139: {  	p0 =	sne.s32 s0, $0x0;
	s0 =	rddreg [dreg:$0x3]  }
0x13a: {  	s0 =	sadd.s32 @!p0 $0x100000, s0  }
0x13b: {  	[sflag:s0] =	ssyncadd.tile.s32 @!p0 $0x1;
	_ =	shalt  }
.Lfunc_end2:
_tile_overlayer_lowered:
.L_overlay_start_2:
0x13c: {  	(tag) =	ssettag $0x2  }
0x13d: {  	s0 =	rddreg [dreg:$0x0];
	s2 =	stileid.u32  }
0x13e: {  	s1 =	rddreg [dreg:$0x1];
	p0 =	sne.s32 s2, $0x0  }
0x13f: {  	s3 =	rddreg [dreg:$0x2];
	[bflag:$0x3] =	sbarrier.arrive $0xFFFF;
	s2 =	simm.s32 @!p0 $0x1C0D  }
0x140: {  	[timem:s3], [sflag:s2] =	dma.local @!p0 [hbm:s0], s1  }
0x141: {  	s0 =	simm.s32 @!p0 $0xD  }
0x142: {  	_ =	swait.ge @!p0 [sflag:s0], s1  }
0x143: {  	s1 =	ssub.s32 @!p0 $0x0, s1;
	[sflag:s0] =	ssyncset.done @!p0 $0x0  }
0x144: {  	[sflag:s0] =	ssyncadd.s32 @!p0 s1  }
0x145: {  	[bflag:$0x3] =	sbarrier.arrive $0xFFFF  }
0x146: {  	_ =	shalt  }

// kernel: kernel.14.cloned.1.call-start
scs
__scs_entry_jumppad:
0x0: {  	(pc) =	sbr.rel $0x88, $3  }
0x1: {  	(tag) =	ssettag $0x0;
	lr =	simm.s32 $0x1  }
0x2: {  	[smem:$0x3F9B] =	sst lr;
	_ =	strace $0xD0000000  }
0x3: {  	_ = 	snop  }
0x4: {  	_ = 	snop  }
0x5: {  	_ = 	snop  }
0x6: {  	_ = 	snop  }
0x7: {  	_ = 	snop  }
__scs_overlays_trampoline_lowered:
0x8: {  	[smem:$0x3FAA] =	sst s0  }
0x9: {  	[smem:$0x3FAB] =	sst s1  }
0xa: {  	[smem:$0x3FAC] =	sst s2  }
0xb: {  	[smem:$0x3FAD] =	sst s3  }
0xc: {  	[smem:$0x3FAE] =	sst s4  }
0xd: {  	[smem:$0x3FAF] =	sst s5  }
0xe: {  	[smem:$0x3FB0] =	sst s6  }
0xf: {  	[smem:$0x3FB1] =	sst s7  }
0x10: {  	[smem:$0x3FB2] =	sst s8  }
0x11: {  	[smem:$0x3FB3] =	sst s9;
	s0 =	simm.s32 @!p0 $0x0  }
0x12: {  	s1 =	sld [smem:$0x3F99];
	s0 =	simm.s32 @p0 $0x1  }
0x13: {  	[smem:$0x3FB4] =	sst s0;
	s0 =	simm.s32 @!p1 $0x0  }
0x14: {  	s2 =	sld [smem:$0x3F98];
	s0 =	simm.s32 @p1 $0x1  }
0x15: {  	[smem:$0x3FB5] =	sst s0;
	s0 =	simm.s32 @!p2 $0x0  }
0x16: {  	s3 =	sld [smem:$0x3FDB];
	s0 =	simm.s32 @p2 $0x1  }
0x17: {  	s4 =	simm.s32 $0x1BF5;
	[smem:$0x3FB7] =	sst s0  }
0x18: {  	s0 =	sld [smem:$0x3F9A];
	_ =	swait.ge [sflag:s4], $0x0  }
0x19: {  	s7 =	sld [smem:$0x3F9B]  }
0x1a: {  	s8 =	sadd.s32 $0xFFFFE003, lr  }
0x1b: {  	s9 =	sadd.s32 $0xFFFFFEF7, lr;
	s5 =	simm.s32 $0xFFFFFFFF;
	p2 =	slt.u32 s8, $0xFFFFF086  }
0x1c: {  	p1 =	slt.u32 s9, $0xF7A;
	s5 =	simm.s32 @!p2 $0x0  }
0x1d: {  	s5 =	simm.s32 @p1 $0x1;
	p0 =	seq.s32 s7, s2  }
0x1e: {  	s7 =	smul.u32 @!p0 $0xF7A, s2;
	p2 =	seq.s32 @!p0 s5, $0x0  }
0x1f: {  	s9 =	smul.u32 $0xF7A, s1;
	s8 =	simm.s32 @!p0 $0x1BF5;
	p2 =	por !p2, p0  }
0x20: {  	[sflag:s8] =	ssyncset.s32 @!p0 $0xFFFFF086;
	s6 =	sadd.s32 @!p0 s3, s7;
	s7 =	simm.s32 @!p0 $0x108  }
0x21: {  	s3 =	sadd.s32 s3, s9;
	s6 =	sadd.s32 @!p0 $0x88, s6;
	s7 =	simm.s32 @p2 $0x1082  }
0x22: {  	[simem:s7], [sflag:s8] =	dma.local @!p0 [hbm:s6], $0xF7A  }
0x23: {  	s9 =	sor.u32 $0xD0000000, s2;
	s6 =	simm.s32 $0x108;
	_ =	swait.ge @!p0 [sflag:s8], $0x0  }
0x24: {  	s3 =	sadd.s32 $0x88, s3;
	s6 =	simm.s32 @!p1 $0x1082;
	[sflag:s4] =	ssyncset.s32 $0xFFFFF086  }
0x25: {  	[simem:s6], [sflag:s4] =	dma.local [hbm:s3], $0xF7A  }
0x26: {  	[smem:$0x3F9B] =	sst s1;
	(tag) =	ssettag s2;
	_ =	strace s9  }
0x27: {  	s1 =	sld [smem:$0x3FAB]  }
0x28: {  	s2 =	sld [smem:$0x3FAC]  }
0x29: {  	s4 =	sld [smem:$0x3FAE]  }
0x2a: {  	p0 =	seq.s32 s5, $0x0;
	s5 =	sld [smem:$0x3FAF]  }
0x2b: {  	s6 =	sld [smem:$0x3FB0]  }
0x2c: {  	s7 =	sld [smem:$0x3FB1]  }
0x2d: {  	s3 =	simm.s32 $0x108;
	s8 =	sld [smem:$0x3FB2]  }
0x2e: {  	s3 =	simm.s32 @!p0 $0x1082;
	s9 =	sld [smem:$0x3FB3]  }
0x2f: {  	lr =	sadd.s32 s0, s3;
	s0 =	sld [smem:$0x3FAA]  }
0x30: {  	s3 =	sld [smem:$0x3FAD]  }
0x31: {  	[smem:$0x3FB6] =	sst s10  }
0x32: {  	s10 =	sld [smem:$0x3FB4];
	_ =	sdelay $0x3  }
0x33: {  	p0 =	seq.s32 s10, $0x1;
	s10 =	sld [smem:$0x3FB6];
	_ =	sdelay $0x3  }
0x34: {  	[smem:$0x3FB6] =	sst s10  }
0x35: {  	s10 =	sld [smem:$0x3FB5];
	_ =	sdelay $0x3  }
0x36: {  	p1 =	seq.s32 s10, $0x1;
	s10 =	sld [smem:$0x3FB6];
	_ =	sdelay $0x3  }
0x37: {  	[smem:$0x3FB6] =	sst s10  }
0x38: {  	s10 =	sld [smem:$0x3FB7]  }
0x39: {  	_ = 	snop;
	(pc) =	sbr.ind lr, $3  }
0x3a: {  	_ = 	snop  }
0x3b: {  	_ = 	snop  }
0x3c: {  	p2 =	seq.s32 s10, $0x1;
	s10 =	sld [smem:$0x3FB6]  }
0x3d: {  	_ =	shalt  }
0x3e: {  	_ =	shalt  }
0x3f: {  	_ =	shalt  }
0x40: {  	_ =	shalt  }
0x41: {  	_ =	shalt  }
0x42: {  	_ =	shalt  }
0x43: {  	_ =	shalt  }
0x44: {  	_ =	shalt  }
0x45: {  	_ =	shalt  }
0x46: {  	_ =	shalt  }
0x47: {  	_ =	shalt  }
0x48: {  	_ =	shalt  }
0x49: {  	_ =	shalt  }
0x4a: {  	_ =	shalt  }
0x4b: {  	_ =	shalt  }
0x4c: {  	_ =	shalt  }
0x4d: {  	_ =	shalt  }
0x4e: {  	_ =	shalt  }
0x4f: {  	_ =	shalt  }
0x50: {  	_ =	shalt  }
0x51: {  	_ =	shalt  }
0x52: {  	_ =	shalt  }
0x53: {  	_ =	shalt  }
0x54: {  	_ =	shalt  }
0x55: {  	_ =	shalt  }
0x56: {  	_ =	shalt  }
0x57: {  	_ =	shalt  }
0x58: {  	_ =	shalt  }
0x59: {  	_ =	shalt  }
0x5a: {  	_ =	shalt  }
0x5b: {  	_ =	shalt  }
0x5c: {  	_ =	shalt  }
0x5d: {  	_ =	shalt  }
0x5e: {  	_ =	shalt  }
0x5f: {  	_ =	shalt  }
0x60: {  	_ =	shalt  }
0x61: {  	_ =	shalt  }
0x62: {  	_ =	shalt  }
0x63: {  	_ =	shalt  }
0x64: {  	_ =	shalt  }
0x65: {  	_ =	shalt  }
0x66: {  	_ =	shalt  }
0x67: {  	_ =	shalt  }
0x68: {  	_ =	shalt  }
0x69: {  	_ =	shalt  }
0x6a: {  	_ =	shalt  }
0x6b: {  	_ =	shalt  }
0x6c: {  	_ =	shalt  }
0x6d: {  	_ =	shalt  }
0x6e: {  	_ =	shalt  }
0x6f: {  	_ =	shalt  }
0x70: {  	_ =	shalt  }
0x71: {  	_ =	shalt  }
0x72: {  	_ =	shalt  }
0x73: {  	_ =	shalt  }
0x74: {  	_ =	shalt  }
0x75: {  	_ =	shalt  }
0x76: {  	_ =	shalt  }
0x77: {  	_ =	shalt  }
0x78: {  	_ =	shalt  }
0x79: {  	_ =	shalt  }
0x7a: {  	_ =	shalt  }
0x7b: {  	_ =	shalt  }
0x7c: {  	_ =	shalt  }
0x7d: {  	_ =	shalt  }
0x7e: {  	_ =	shalt  }
0x7f: {  	_ =	shalt  }
0x80: {  	_ =	shalt  }
0x81: {  	_ =	shalt  }
0x82: {  	_ =	shalt  }
0x83: {  	_ =	shalt  }
0x84: {  	_ =	shalt  }
0x85: {  	_ =	shalt  }
0x86: {  	_ =	shalt  }
0x87: {  	_ =	shalt  }
.Lfunc_end0:
.L_simem_size_0:
called_computation.2_lowered:
.L_overlay_start_0:
0x88: {  	s2 =	sld [smem:$0x3FD9]  }
0x89: {  	s3 =	sld [smem:$0x3FFE];
	_ =	sdelay $0x1  }
0x8a: {  	s1 =	srdreg.scid  }
0x8b: {  	s0 =	sand.u32 $0x1, s1  }
0x8c: {  	s17 =	sshll.u32 s0, $0xA;
	s2 =	sadd.s32 s3, s2  }
0x8d: {  	s2 =	sadd.s32 s2, s17  }
0x8e: {  	[smem:$0x3FC2] =	sst s2  }
0x8f: {  	_ = 	snop  }
0x90: {  	s2 =	sld [smem:$0x3FD0];
	(tm) =	ssettm $0x1  }
0x91: {  	s18 =	sld [smem:$0x3FFB];
	_ =	sdelay $0x3  }
0x92: {  	_ =	strace s18  }
0x93: {  	s3 =	sld [smem:$0x3FFC];
	_ =	sdelay $0x3  }
0x94: {  	_ =	strace s3  }
0x95: {  	s3 =	sld [smem:$0x3FFD];
	_ =	sdelay $0x3  }
0x96: {  	_ =	strace s3  }
0x97: {  	_ =	strace $0x8FFFFFFF  }
0x98: {  	s19 =	sld [smem:$0x3FDB];
	_ =	sdelay $0x1  }
0x99: {  	s4 =	simm.s32 $_scs_section_size  }
0x9a: {  	s5 =	simm.s32 $_size__tile_overlayer_lowered;
	s6 =	simm.s32 $_tile_overlayer_lowered  }
0x9b: {  	s22 =	simm.s32 $0x1BFF;
	s21 =	sshll.u32 s6, $0x1;
	s3 =	sadd.s32 s4, s19  }
0x9c: {  	s7 =	simm.s32 $0x0;
	s20 =	sshll.u32 s5, $0x1;
	s5 =	sadd.s32 s21, s3  }
0x9d: {  	[timem:s7], [sflag:s22] =	dma.local [hbm:s5], s20  }
0x9e: {  	_ =	swait.ge [sflag:s22], s20  }
0x9f: {  	s4 =	ssub.s32 $0x0, s20;
	[sflag:s22] =	ssyncset.done $0x0  }
0xa0: {  	[sflag:s22] =	ssyncadd.s32 s4;
	_ =	sdelay $0x1  }
0xa1: {  	s23 =	simm.s32 $0x1B8B  }
0xa2: {  	_ =	swait.ge [sflag:s23], $0x1  }
0xa3: {  	[sflag:s23] =	ssyncset.done $0x0  }
0xa4: {  	s25 =	simm.s32 $0x1B8E;
	s24 =	sld [smem:$0x3FFE];
	[sflag:s23] =	ssyncadd.s32 $0xFFFFFFFF  }
0xa5: {  	s26 =	simm.s32 $execute0_lowered;
	[smem:$0x3FD2] =	sst s25  }
0xa6: {  	s5 =	sshll.u32 s26, $0x1;
	_ =	strace $0x8000004C;
	[dreg:$0x1] =	wrdreg $0xFFFFFFFF  }
0xa7: {  	s28 =	simm.s32 $_size_execute0_lowered;
	s3 =	sadd.s32 s3, s5;
	[dreg:$0x0] =	wrdreg $0x0  }
0xa8: {  	s5 =	sshll.u32 s28, $0x1;
	[dreg:$0x2] =	wrdreg s3  }
0xa9: {  	[dreg:$0x3] =	wrdreg s5  }
0xaa: {  	[dreg:$0x4] =	wrdreg $0xC0  }
0xab: {  	_ =	task [dreg:s7], $0x5FFFF  }
0xac: {  	[dreg:$0x1] =	wrdreg $0xFFFFFFFF  }
0xad: {  	[dreg:$0x0] =	wrdreg $0x60  }
0xae: {  	[dreg:$0x2] =	wrdreg s24  }
0xaf: {  	[dreg:$0x3] =	wrdreg s2  }
0xb0: {  	[dreg:$0x4] =	wrdreg $0x156800  }
0xb1: {  	[dreg:$0x5] =	wrdreg $0x9  }
0xb2: {  	_ =	task.clear_ibuf [dreg:s7], $0x6FFFF;
	_ =	strace $0x9000004C  }
0xb3: {  	s29 =	simm.s32 $0x9;
	_ =	strace $0x8000004E  }
0xb4: {  	_ =	swait.ge [sflag:s29], $0x1  }
0xb5: {  	[sflag:s29] =	ssyncadd.s32 $0xFFFFFFFF  }
0xb6: {  	_ =	strace $0x9000004E  }
0xb7: {  	_ =	sfence  }
0xb8: {  	s30 =	sld [smem:$0x0];
	_ =	sdelay $0x2  }
0xb9: {  	s31 =	sshll.u32 s1, $0xD;
	s1 =	sshrl.u32 s1, $0x2  }
0xba: {  	s3 =	sand.u32 $0x4000, s31;
	s1 =	sadd.s32 s1, s30  }
0xbb: {  	s0 =	sor.u32 s3, s0;
	s1 =	sshll.u32 s1, $0x11  }
0xbc: {  	s0 =	sor.u32 s1, s0  }
0xbd: {  	s0 =	sadd.s32 $0x8F2B, s0  }
0xbe: {  	[sflag:s0] =	ssyncadd.remote.s32 $0x1  }
0xbf: {  	_ =	sfence.sel $0xFFFF  }
0xc0: {  	[dreg:$0x0] =	wrdreg $0xFFFFFFFF;
	(pc) =	sbr.abs _section_cstart, $3  }
0xc1: {  	[dreg:$0x1] =	wrdreg $0xFFFFFFFF  }
0xc2: {  	_ =	task.clear_ibuf [dreg:s7], $0x2FFFF;
	_ =	strace $0x9FFFFFFF  }
0xc3: {  	(tm) =	ssettm $0x7FFFFFFF  }
tec
execute0_lowered:
.L_overlay_start_1:
0x0: {  	(tag) =	ssettag $0x1  }
0x1: {  	s0 =	rddreg [dreg:$0x0]  }
0x2: {  	s1 =	rddreg [dreg:$0x1]  }
0x3: {  	s3 =	srdreg.scid;
	s10 =	stileid.u32  }
0x4: {  	s2 =	rddreg [dreg:$0x2];
	s5 =	simm.s32 $0x0;
	s16 =	simm.s32 $0xD  }
0x5: {  	s28 =	simm.s32 $0xD680;
	s29 =	simm.s32 $0x2;
	s30 =	simm.s32 $0x4F80  }
0x6: {  	s31 =	simm.s32 $0xF680;
	s15 =	simm.s32 $0xB;
	s14 =	simm.s32 $0x0  }
0x7: {  	s3 =	sand.u32 $0x1, s3;
	s4 =	sshll.u32 s10, $0x1;
	s8 =	smul.u32 $0x28000, s10  }
0x8: {  	[smem:$0x7FF] =	sst s5;
	s22 =	smul.u32 $0x2800, s10;
	s5 =	simm.s32 $0x5  }
0x9: {  	s4 =	sor.u32 s3, s4;
	_ =	strace $0x8000004D;
	s6 =	smul.u32 $0x28000, s3  }
0xa: {  	s3 =	ssub.s32 $0x2, s3;
	s17 =	smul.u32 $0x4F0, s4;
	s4 =	sadd.s32 $0x70C00, s0  }
0xb: {  	s7 =	sshrl.u32 s3, $0x1;
	s20 =	sshrl.u32 s8, $0x2;
	[dreg:$0x8] =	wrdreg s22  }
0xc: {  	s26 =	sor.u32 $0x8, s22;
	s22 =	simm.s32 $0x4;
	s21 =	sadd.s32 s20, s2  }
0xd: {  	s9 =	sadd.s32 s17, s0;
	s1 =	sadd.s32 s1, s17;
	[dreg:$0x7] =	wrdreg s21  }
0xe: {  	s0 =	sadd.s32 s6, s0;
	s6 =	sadd.s32 $0x2000, s21;
	[dreg:$0x6] =	wrdreg s1  }
0xf: {  	s3 =	ssub.s32 s3, s7;
	s23 =	sadd.s32 $0x4000, s21;
	[dreg:$0x9] =	wrdreg s6  }
0x10: {  	s20 =	simm.s32 $0x7680;
	s24 =	sadd.s32 $0x6000, s21;
	[dreg:$0xa] =	wrdreg s23  }
0x11: {  	s3 =	smax.u32 s3, $0x1;
	s17 =	simm.s32 $0xA;
	[dreg:$0xb] =	wrdreg s24  }
0x12: {  	s18 =	sadd.s32 $0xD000, s9;
	s19 =	sadd.s32 $0x66E00, s9;
	[dreg:$0xe] =	wrdreg s3  }
0x13: {  	s1 =	sadd.s32 $0x8000, s21;
	s25 =	sadd.s32 $0x98C00, s0;
	[dreg:$0x4] =	wrdreg s18  }
.Ltmp0:
0x14: {  	s21 =	simm.s32 $0x9680;
	[dreg:$0x5] =	wrdreg s19;
	(pc) =	sbr.rel .LBB2_1-.Ltmp0, $4  }
0x15: {  	s23 =	simm.s32 $0xB680;
	s24 =	simm.s32 $0x13680;
	[dreg:$0xc] =	wrdreg s1  }
0x16: {  	s6 =	simm.s32 $0x8;
	s19 =	simm.s32 $0x80;
	[dreg:$0xd] =	wrdreg s25  }
0x17: {  	s0 =	sadd.s32 s25, s26;
	s26 =	simm.s32 $0x1;
	s1 =	simm.s32 $0x3  }
0x18: {  	v0 =	vimm.f32 $0.0e+00;
	s18 =	simm.s32 $0x11680;
	[dreg:$0xf] =	wrdreg s0;
	s0 =	simm.s32 $0x7  }
.LBB2_17:
0x19: {  	_ =	swait.ge [sflag:s6], $0x2000  }
0x1a: {  	[sflag:s6] =	ssyncset.done $0x0  }
0x1b: {  	s7 =	simm.s32 $0x9;
	[sflag:s6] =	ssyncadd.s32 $0xFFFFE000  }
0x1c: {  	_ =	swait.ge [sflag:s7], $0x2000  }
0x1d: {  	[sflag:s7] =	ssyncset.done $0x0  }
0x1e: {  	[sflag:s7] =	ssyncadd.s32 $0xFFFFE000  }
0x1f: {  	_ =	swait.ge [sflag:s17], $0x2000  }
0x20: {  	[sflag:s17] =	ssyncset.done $0x0  }
0x21: {  	[sflag:s17] =	ssyncadd.s32 $0xFFFFE000  }
0x22: {  	_ =	swait.ge [sflag:s15], $0x2000  }
0x23: {  	[sflag:s15] =	ssyncset.done $0x0  }
0x24: {  	s12 =	simm.s32 $0xC;
	[sflag:s15] =	ssyncadd.s32 $0xFFFFE000  }
0x25: {  	_ =	swait.ge [sflag:s12], $0x2000  }
0x26: {  	[sflag:s12] =	ssyncset.done $0x0  }
0x27: {  	[sflag:s12] =	ssyncadd.s32 $0xFFFFE000  }
0x28: {  	_ =	swait.ge [sflag:s0], $0x2000  }
0x29: {  	[sflag:s0] =	ssyncset.done $0x0  }
0x2a: {  	[sflag:s0] =	ssyncadd.s32 $0xFFFFE000  }
0x2b: {  	[bflag:$0x0] =	sbarrier.arrive $0xFFFF  }
0x2c: {  	s8 =	simm.s32 $0x10;
	s13 =	rddreg [dreg:$0xf]  }
0x2d: {  	[hbm:s13@s8], [sflag:s25] =	dma.strided [spmem:s3@s6], $0x1400, s26, $0x8   }
0x2e: {  	_ =	swait.ge [sflag:s16], $0x1400  }
0x2f: {  	s14 =	sadd.s32 $0x1, s14;
	s25 =	rddreg [dreg:$0xe]  }
0x30: {  	p0 =	sne.s32 s14, s25  }
.Ltmp1:
0x31: {  	_ = 	snop;
	(pc) =	sbr.rel @!p0 .LBB2_18-.Ltmp1, $3  }
0x32: {  	_ =	sdelay $0x1  }
0x33: {  	[sflag:s16] =	ssyncset.done $0x0  }
0x34: {  	[sflag:s16] =	ssyncadd.s32 $0xFFFFEC00  }
.LBB2_1:
0x35: {  	s3 =	simm.s32 $0x0;
	s7 =	rddreg [dreg:$0x4]  }
0x36: {  	[tilespmem:s3], [sflag:$0xD] =	stream.linear.gather [hbm4b:s7+s3], $0x2780, $0x38;
	[tilespmem:$0x1F680] =	vst v63  }
0x37: {  	_ =	swait.ge [sflag:s16], $0x2780  }
0x38: {  	[sflag:s16] =	ssyncset.done $0x0  }
0x39: {  	s8 =	simm.s32 $0x2780;
	s12 =	rddreg [dreg:$0x5];
	[sflag:s16] =	ssyncadd.s32 $0xFFFFD880  }
0x3a: {  	[tilespmem:s8], [sflag:$0xD] =	stream.linear.gather [hbm4b:s12+s3], $0x2780, $0x38;
	[tilespmem:$0x1F680] =	vst v63  }
0x3b: {  	_ =	swait.ge [sflag:s16], $0x2780  }
0x3c: {  	[sflag:s16] =	ssyncset.done $0x0  }
0x3d: {  	s25 =	simm.s32 $0x4F00;
	s13 =	rddreg [dreg:$0x6];
	[sflag:s16] =	ssyncadd.s32 $0xFFFFD880  }
0x3e: {  	[tilespmem:s25], [sflag:$0xD] =	stream.linear.gather [hbm4b:s13+s3], $0x2780, $0x38;
	[tilespmem:$0x1F680] =	vst v63  }
0x3f: {  	_ =	swait.ge [sflag:s16], $0x2780  }
0x40: {  	[sflag:s16] =	ssyncset.done $0x0  }
0x41: {  	s10 =	simm.s32 $0x100;
	s3 =	simm.s32 $0x0;
	[sflag:s16] =	ssyncadd.s32 $0xFFFFD880  }
.LBB2_2:
0x42: {  	p0 =	sne.s32 s10, $0x7F00;
	[tilespmem:s3+$0x136B0] =	vst v0;
	s11 =	smov.u32 s10;
	s10 =	sadd.s32 $0x100, s10  }
.Ltmp2:
0x43: {  	[tilespmem:s3+$0x136A0] =	vst v0;
	(pc) =	sbr.rel @p0 .LBB2_2-.Ltmp2, $3  }
0x44: {  	[tilespmem:s3+$0x13680] =	vst v0  }
0x45: {  	[tilespmem:s3+$0x13690] =	vst v0;
	_ =	sdelay $0x1  }
0x46: {  	s3 =	sshra.s32 s11, $0x2  }
0x47: {  	[tilespmem:s3+$0x136B0] =	vst v0  }
0x48: {  	[tilespmem:s3+$0x136A0] =	vst v0  }
0x49: {  	[tilespmem:s3+$0x13680] =	vst v0  }
0x4a: {  	[tilespmem:s3+$0x13690] =	vst v0;
	s3 =	simm.s32 $0x0  }
0x4b: {  	[tilespmem:s20], [sflag:$0x1] =	stream.indirect.gather [hbm4b:s4+s19], $0x40, s3, s19, $0xb8;
	[tilespmem:$0x1F680] =	vst v63  }
0x4c: {  	_ = 	snop  }
0x4d: {  	[tilespmem:s21], [sflag:$0x2] =	stream.indirect.gather [hbm4b:s4+s19], $0x40, s19, s19, $0xb8;
	[tilespmem:$0x1F680] =	vst v63  }
0x4e: {  	s7 =	simm.s32 $0x100  }
0x4f: {  	[tilespmem:s23], [sflag:$0x3] =	stream.indirect.gather [hbm4b:s4+s19], $0x40, s7, s19, $0xb8;
	[tilespmem:$0x1F680] =	vst v63  }
0x50: {  	s10 =	rddreg [dreg:$0x7]  }
0x51: {  	[spmem:s10] =	stream.linear.scatter [tilespmem:s24], [sflag:$0xD], $0x2000, $0x38;
	[tilespmem:$0x1F680] =	vst v63  }
0x52: {  	_ =	swait.ge [sflag:s16], $0x2000  }
0x53: {  	[sflag:s16] =	ssyncset.done $0x0  }
0x54: {  	s11 =	rddreg [dreg:$0x9];
	[sflag:s16] =	ssyncadd.s32 $0xFFFFE000  }
0x55: {  	[spmem:s11] =	stream.linear.scatter [tilespmem:s24], [sflag:$0xD], $0x2000, $0x38;
	[tilespmem:$0x1F680] =	vst v63  }
0x56: {  	_ =	swait.ge [sflag:s16], $0x2000  }
0x57: {  	[sflag:s16] =	ssyncset.done $0x0  }
0x58: {  	s12 =	rddreg [dreg:$0xa];
	[sflag:s16] =	ssyncadd.s32 $0xFFFFE000  }
0x59: {  	[spmem:s12] =	stream.linear.scatter [tilespmem:s24], [sflag:$0xD], $0x2000, $0x38;
	[tilespmem:$0x1F680] =	vst v63  }
0x5a: {  	_ =	swait.ge [sflag:s16], $0x2000  }
0x5b: {  	[sflag:s16] =	ssyncset.done $0x0  }
0x5c: {  	s13 =	rddreg [dreg:$0xb];
	[sflag:s16] =	ssyncadd.s32 $0xFFFFE000  }
0x5d: {  	[spmem:s13] =	stream.linear.scatter [tilespmem:s24], [sflag:$0xD], $0x2000, $0x38;
	[tilespmem:$0x1F680] =	vst v63  }
0x5e: {  	_ =	swait.ge [sflag:s16], $0x2000  }
0x5f: {  	[sflag:s16] =	ssyncset.done $0x0  }
0x60: {  	s25 =	rddreg [dreg:$0xc];
	[sflag:s16] =	ssyncadd.s32 $0xFFFFE000  }
0x61: {  	[spmem:s25] =	stream.linear.scatter [tilespmem:s24], [sflag:$0xD], $0x2000, $0x38;
	[tilespmem:$0x1F680] =	vst v63  }
.Ltmp3:
0x62: {  	_ =	swait.ge [sflag:s16], $0x2000;
	(pc) =	sbr.rel .LBB2_4-.Ltmp3, $4  }
0x63: {  	[sflag:s16] =	ssyncset.done $0x0  }
0x64: {  	[sflag:s16] =	ssyncadd.s32 $0xFFFFE000  }
0x65: {  	[bflag:$0x0] =	sbarrier.arrive $0xFFFF  }
0x66: {  	s10 =	simm.s32 $0x1;
	s11 =	simm.s32 $0x0  }
.LBB2_19:
0x67: {  	s13 =	sadd.s32 $0x180, s12  }
0x68: {  	[tilespmem:s28], [sflag:$0x4] =	stream.indirect.gather [hbm4b:s4+s19], $0x40, s13, s19, $0xb8;
	[tilespmem:$0x1F680] =	vst v63  }
0x69: {  	_ =	swait.ge [sflag:s29], $0x2000  }
0x6a: {  	[sflag:s29] =	ssyncset.done $0x0  }
0x6b: {  	[sflag:s29] =	ssyncadd.s32 $0xFFFFE000  }
0x6c: {  	[spmem:s2] =	stream.indirect.scatter.add.f32 [tilespmem:s21], [sflag:$0x8], $0x40, s30, s19, $0xb8;
	[tilespmem:$0x1F680] =	vst v63  }
.LBB2_8:
0x6d: {  	s13 =	sadd.s32 $0x200, s12  }
0x6e: {  	[tilespmem:s31], [sflag:$0x5] =	stream.indirect.gather [hbm4b:s4+s19], $0x40, s13, s19, $0xb8;
	[tilespmem:$0x1F680] =	vst v63  }
0x6f: {  	_ =	swait.ge [sflag:s1], $0x2000  }
0x70: {  	p0 =	seq.s32 s3, $0x0;
	[sflag:s1] =	ssyncset.done $0x0  }
0x71: {  	s25 =	sadd.s32 $0x5000, s12;
	s13 =	simm.s32 @!p0 $0xC;
	[sflag:s1] =	ssyncadd.s32 $0xFFFFE000  }
0x72: {  	[spmem:s2] =	stream.indirect.scatter.add.f32 [tilespmem:s23], [sflag:$0x9], $0x40, s25, s19, $0xb8;
	[tilespmem:$0x1F680] =	vst v63  }
0x73: {  	_ =	swait.ge @!p0 [sflag:s13], $0x2000  }
0x74: {  	[sflag:s13] =	ssyncset.done @!p0 $0x0  }
0x75: {  	s7 =	sadd.s32 $0x280, s12;
	[sflag:s13] =	ssyncadd.s32 @!p0 $0xFFFFE000  }
0x76: {  	[tilespmem:s18], [sflag:$0x6] =	stream.indirect.gather [hbm4b:s4+s19], $0x40, s7, s19, $0xb8;
	[tilespmem:$0x1F680] =	vst v63  }
0x77: {  	_ =	swait.ge [sflag:s22], $0x2000  }
0x78: {  	[sflag:s22] =	ssyncset.done $0x0  }
0x79: {  	s8 =	sadd.s32 $0x5080, s12;
	[sflag:s22] =	ssyncadd.s32 $0xFFFFE000  }
0x7a: {  	[spmem:s2] =	stream.indirect.scatter.add.f32 [tilespmem:s28], [sflag:$0xA], $0x40, s8, s19, $0xb8;
	[tilespmem:$0x1F680] =	vst v63  }
0x7b: {  	_ =	swait.ge [sflag:s0], $0x2000  }
0x7c: {  	[sflag:s0] =	ssyncset.done $0x0  }
0x7d: {  	s9 =	sadd.s32 $0x300, s12;
	[sflag:s0] =	ssyncadd.s32 $0xFFFFE000  }
0x7e: {  	[tilespmem:s20], [sflag:$0x1] =	stream.indirect.gather [hbm4b:s4+s19], $0x40, s9, s19, $0xb8;
	[tilespmem:$0x1F680] =	vst v63  }
0x7f: {  	_ =	swait.ge [sflag:s5], $0x2000  }
0x80: {  	p0 =	sgt.u32 s11, $0xB;
	[sflag:s5] =	ssyncset.done $0x0  }
0x81: {  	s25 =	sadd.s32 $0x5100, s12;
	s12 =	simm.s32 @p0 $0x6;
	[sflag:s5] =	ssyncadd.s32 $0xFFFFE000  }
0x82: {  	[spmem:s2] =	stream.indirect.scatter.add.f32 [tilespmem:s31], [sflag:$0xB], $0x40, s25, s19, $0xb8;
	[tilespmem:$0x1F680] =	vst v63  }
0x83: {  	_ =	swait.ge @p0 [sflag:s12], $0x2000  }
0x84: {  	[sflag:s12] =	ssyncset.done @p0 $0x0  }
0x85: {  	[sflag:s12] =	ssyncadd.s32 @p0 $0xFFFFE000;
	s12 =	sshra.s32 @p0 s3, $0x2  }
0x86: {  	s13 =	simm.s32 @p0 $0x80;
	s25 =	simm.s32 @p0 $0x11680;
	s12 =	sadd.s32 @p0 $0x5180, s12  }
0x87: {  	[spmem:s2] =	stream.indirect.scatter.add.f32 @p0 [tilespmem:s25], [sflag:$0xC], $0x40, s12, s13, $0xb8;
	[tilespmem:$0x1F680] =	vst v63  }
0x88: {  	s12 =	simm.s32 @!p0 $0x8  }
0x89: {  	_ =	swait.ge @!p0 [sflag:s12], $0x2000  }
0x8a: {  	[sflag:s12] =	ssyncset.done @!p0 $0x0  }
0x8b: {  	[sflag:s12] =	ssyncadd.s32 @!p0 $0xFFFFE000;
	s12 =	sshra.s32 @!p0 s3, $0x2  }
0x8c: {  	s8 =	simm.s32 @!p0 $0x9680;
	s25 =	simm.s32 @!p0 $0x80;
	s13 =	sadd.s32 @!p0 $0x380, s12  }
0x8d: {  	[tilespmem:s8], [sflag:$0x2] =	stream.indirect.gather @!p0 [hbm4b:s4+s25], $0x40, s13, s25, $0xb8;
	[tilespmem:$0x1F680] =	vst v63  }
0x8e: {  	s8 =	simm.s32 @!p0 $0x6  }
0x8f: {  	_ =	swait.ge @!p0 [sflag:s8], $0x2000  }
0x90: {  	[sflag:s8] =	ssyncset.done @!p0 $0x0  }
0x91: {  	s13 =	simm.s32 @!p0 $0x11680;
	[sflag:s8] =	ssyncadd.s32 @!p0 $0xFFFFE000;
	s8 =	sadd.s32 @!p0 $0x5180, s12  }
0x92: {  	[spmem:s2] =	stream.indirect.scatter.add.f32 @!p0 [tilespmem:s13], [sflag:$0xC], $0x40, s8, s25, $0xb8;
	[tilespmem:$0x1F680] =	vst v63  }
0x93: {  	s8 =	simm.s32 @!p0 $0x9  }
0x94: {  	_ =	swait.ge @!p0 [sflag:s8], $0x2000  }
0x95: {  	[sflag:s8] =	ssyncset.done @!p0 $0x0  }
0x96: {  	[sflag:s8] =	ssyncadd.s32 @!p0 $0xFFFFE000;
	s8 =	sadd.s32 @!p0 $0x400, s12;
	s12 =	simm.s32 @!p0 $0xB680  }
0x97: {  	[tilespmem:s12], [sflag:$0x3] =	stream.indirect.gather @!p0 [hbm4b:s4+s25], $0x40, s8, s25, $0xb8;
	[tilespmem:$0x1F680] =	vst v63  }
.LBB2_9:
0x98: {  	s3 =	sadd.s32 $0xC00, s3  }
0x99: {  	p0 =	sne.s32 s3, $0xA800  }
.Ltmp4:
0x9a: {  	_ = 	snop;
	(pc) =	sbr.rel @!p0 .LBB2_10-.Ltmp4, $2  }
0x9b: {  	_ =	sdelay $0x2  }
0x9c: {  	s11 =	sadd.s32 $0x1, s11;
	s10 =	sadd.s32 $0x6, s10  }
.LBB2_4:
0x9d: {  	p0 =	seq.s32 s11, $0x0  }
.Ltmp5:
0x9e: {  	_ = 	snop;
	(pc) =	sbr.rel @p0 .LBB2_19-.Ltmp5, $4  }
0x9f: {  	_ =	swait.ge [sflag:s26], $0x2000  }
0xa0: {  	s12 =	sshra.s32 s3, $0x2;
	[sflag:s26] =	ssyncset.done $0x0  }
0xa1: {  	s13 =	sadd.s32 $0x4F00, s12;
	[sflag:s26] =	ssyncadd.s32 $0xFFFFE000  }
0xa2: {  	[spmem:s2] =	stream.indirect.scatter.add.f32 [tilespmem:s20], [sflag:$0x7], $0x40, s13, s19, $0xb8;
	[tilespmem:$0x1F680] =	vst v63  }
0xa3: {  	p0 =	seq.s32 s11, $0xD  }
.Ltmp6:
0xa4: {  	_ = 	snop;
	(pc) =	sbr.rel @p0 .LBB2_10-.Ltmp6, $1  }
0xa5: {  	_ =	sdelay $0x3  }
0xa6: {  	p0 =	sgt.u32 s10, $0x4E  }
.Ltmp7:
0xa7: {  	_ = 	snop;
	(pc) =	sbr.rel @p0 .LBB2_9-.Ltmp7, $4  }
0xa8: {  	_ =	swait.ge [sflag:s17], $0x2000  }
0xa9: {  	[sflag:s17] =	ssyncset.done $0x0  }
0xaa: {  	s13 =	sadd.s32 $0x180, s12;
	[sflag:s17] =	ssyncadd.s32 $0xFFFFE000  }
0xab: {  	[tilespmem:s28], [sflag:$0x4] =	stream.indirect.gather [hbm4b:s4+s19], $0x40, s13, s19, $0xb8;
	[tilespmem:$0x1F680] =	vst v63  }
0xac: {  	_ =	swait.ge [sflag:s29], $0x2000  }
0xad: {  	[sflag:s29] =	ssyncset.done $0x0  }
.Ltmp8:
0xae: {  	s13 =	sadd.s32 $0x4F80, s12;
	[sflag:s29] =	ssyncadd.s32 $0xFFFFE000;
	(pc) =	sbr.rel .LBB2_8-.Ltmp8, $4  }
0xaf: {  	[spmem:s2] =	stream.indirect.scatter.add.f32 [tilespmem:s21], [sflag:$0x8], $0x40, s13, s19, $0xb8;
	[tilespmem:$0x1F680] =	vst v63  }
0xb0: {  	_ =	swait.ge [sflag:s15], $0x2000  }
0xb1: {  	[sflag:s15] =	ssyncset.done $0x0  }
0xb2: {  	[sflag:s15] =	ssyncadd.s32 $0xFFFFE000  }
.LBB2_10:
0xb3: {  	_ =	swait.ge [sflag:s6], $0x2000  }
0xb4: {  	[sflag:s6] =	ssyncset.done $0x0  }
0xb5: {  	s3 =	simm.s32 $0x9;
	[sflag:s6] =	ssyncadd.s32 $0xFFFFE000  }
0xb6: {  	_ =	swait.ge [sflag:s3], $0x2000  }
0xb7: {  	[sflag:s3] =	ssyncset.done $0x0  }
0xb8: {  	[sflag:s3] =	ssyncadd.s32 $0xFFFFE000  }
0xb9: {  	_ =	swait.ge [sflag:s17], $0x2000  }
0xba: {  	[sflag:s17] =	ssyncset.done $0x0  }
0xbb: {  	[sflag:s17] =	ssyncadd.s32 $0xFFFFE000  }
0xbc: {  	_ =	swait.ge [sflag:s15], $0x2000  }
0xbd: {  	[sflag:s15] =	ssyncset.done $0x0  }
0xbe: {  	s7 =	simm.s32 $0xC;
	[sflag:s15] =	ssyncadd.s32 $0xFFFFE000  }
0xbf: {  	_ =	swait.ge [sflag:s7], $0x2000  }
0xc0: {  	[sflag:s7] =	ssyncset.done $0x0  }
0xc1: {  	[sflag:s7] =	ssyncadd.s32 $0xFFFFE000  }
0xc2: {  	_ =	swait.ge [sflag:s0], $0x2000  }
0xc3: {  	[sflag:s0] =	ssyncset.done $0x0  }
0xc4: {  	s8 =	simm.s32 $0x2780;
	[sflag:s0] =	ssyncadd.s32 $0xFFFFE000  }
0xc5: {  	[tilespmem:s20], [sflag:$0x1] =	stream.indirect.gather [hbm4b:s4+s19], $0x40, s8, s19, $0xb8;
	[tilespmem:$0x1F680] =	vst v63  }
0xc6: {  	s9 =	simm.s32 $0x2800  }
0xc7: {  	[tilespmem:s21], [sflag:$0x2] =	stream.indirect.gather [hbm4b:s4+s19], $0x40, s9, s19, $0xb8;
	[tilespmem:$0x1F680] =	vst v63  }
0xc8: {  	s10 =	simm.s32 $0x2880  }
0xc9: {  	[tilespmem:s23], [sflag:$0x3] =	stream.indirect.gather [hbm4b:s4+s19], $0x40, s10, s19, $0xb8;
	[tilespmem:$0x1F680] =	vst v63  }
0xca: {  	[bflag:$0x0] =	sbarrier.arrive $0xFFFF  }
0xcb: {  	s12 =	stileid.u32;
	s11 =	rddreg [dreg:$0x8]  }
0xcc: {  	s3 =	sshll.u32 s12, $0x6;
	s7 =	rddreg [dreg:$0xd]  }
0xcd: {  	s25 =	sor.u32 $0x1C0D, s3;
	s9 =	simm.s32 $0x10;
	s13 =	rddreg [dreg:$0x7]  }
0xce: {  	s10 =	simm.s32 $0x1;
	s8 =	sadd.s32 s11, s7;
	s3 =	sshrl.u32 s13, $0x3  }
0xcf: {  	[hbm:s8@s9], [sflag:s25] =	dma.strided [spmem:s3@s6], $0x1400, s10, $0x8   }
0xd0: {  	_ =	swait.ge [sflag:s16], $0x1400  }
0xd1: {  	[sflag:s16] =	ssyncset.done $0x0  }
0xd2: {  	[sflag:s16] =	ssyncadd.s32 $0xFFFFEC00  }
0xd3: {  	[spmem:s13] =	stream.linear.scatter [tilespmem:s24], [sflag:$0xD], $0x2000, $0x38;
	[tilespmem:$0x1F680] =	vst v63  }
0xd4: {  	_ =	swait.ge [sflag:s16], $0x2000  }
0xd5: {  	[sflag:s16] =	ssyncset.done $0x0  }
0xd6: {  	s9 =	rddreg [dreg:$0x9];
	[sflag:s16] =	ssyncadd.s32 $0xFFFFE000  }
0xd7: {  	[spmem:s9] =	stream.linear.scatter [tilespmem:s24], [sflag:$0xD], $0x2000, $0x38;
	[tilespmem:$0x1F680] =	vst v63  }
0xd8: {  	_ =	swait.ge [sflag:s16], $0x2000  }
0xd9: {  	[sflag:s16] =	ssyncset.done $0x0  }
0xda: {  	s11 =	rddreg [dreg:$0xa];
	[sflag:s16] =	ssyncadd.s32 $0xFFFFE000  }
0xdb: {  	[spmem:s11] =	stream.linear.scatter [tilespmem:s24], [sflag:$0xD], $0x2000, $0x38;
	[tilespmem:$0x1F680] =	vst v63  }
0xdc: {  	_ =	swait.ge [sflag:s16], $0x2000  }
0xdd: {  	[sflag:s16] =	ssyncset.done $0x0  }
0xde: {  	s12 =	rddreg [dreg:$0xb];
	[sflag:s16] =	ssyncadd.s32 $0xFFFFE000  }
0xdf: {  	[spmem:s12] =	stream.linear.scatter [tilespmem:s24], [sflag:$0xD], $0x2000, $0x38;
	[tilespmem:$0x1F680] =	vst v63  }
0xe0: {  	_ =	swait.ge [sflag:s16], $0x2000  }
0xe1: {  	[sflag:s16] =	ssyncset.done $0x0  }
0xe2: {  	s13 =	rddreg [dreg:$0xc];
	[sflag:s16] =	ssyncadd.s32 $0xFFFFE000  }
0xe3: {  	[spmem:s13] =	stream.linear.scatter [tilespmem:s24], [sflag:$0xD], $0x2000, $0x38;
	[tilespmem:$0x1F680] =	vst v63  }
.Ltmp9:
0xe4: {  	_ =	swait.ge [sflag:s16], $0x2000;
	(pc) =	sbr.rel .LBB2_11-.Ltmp9, $4  }
0xe5: {  	[sflag:s16] =	ssyncset.done $0x0  }
0xe6: {  	[sflag:s16] =	ssyncadd.s32 $0xFFFFE000  }
0xe7: {  	[bflag:$0x0] =	sbarrier.arrive $0xFFFF  }
0xe8: {  	s11 =	simm.s32 $0x0;
	s12 =	simm.s32 $0x0  }
.LBB2_20:
0xe9: {  	s8 =	sadd.s32 $0x2900, s13  }
0xea: {  	[tilespmem:s28], [sflag:$0x4] =	stream.indirect.gather [hbm4b:s4+s19], $0x40, s8, s19, $0xb8;
	[tilespmem:$0x1F680] =	vst v63  }
0xeb: {  	_ =	swait.ge [sflag:s29], $0x2000  }
0xec: {  	[sflag:s29] =	ssyncset.done $0x0  }
0xed: {  	[sflag:s29] =	ssyncadd.s32 $0xFFFFE000  }
0xee: {  	[spmem:s2] =	stream.indirect.scatter.add.f32 [tilespmem:s21], [sflag:$0x8], $0x40, s30, s19, $0xb8;
	[tilespmem:$0x1F680] =	vst v63  }
.LBB2_15:
0xef: {  	s8 =	sadd.s32 $0x2980, s13  }
0xf0: {  	[tilespmem:s31], [sflag:$0x5] =	stream.indirect.gather [hbm4b:s4+s19], $0x40, s8, s19, $0xb8;
	[tilespmem:$0x1F680] =	vst v63  }
0xf1: {  	_ =	swait.ge [sflag:s1], $0x2000  }
0xf2: {  	p0 =	seq.s32 s11, $0x0;
	[sflag:s1] =	ssyncset.done $0x0  }
0xf3: {  	s7 =	sadd.s32 $0x5000, s13;
	s8 =	simm.s32 @!p0 $0xC;
	[sflag:s1] =	ssyncadd.s32 $0xFFFFE000  }
0xf4: {  	[spmem:s2] =	stream.indirect.scatter.add.f32 [tilespmem:s23], [sflag:$0x9], $0x40, s7, s19, $0xb8;
	[tilespmem:$0x1F680] =	vst v63  }
0xf5: {  	_ =	swait.ge @!p0 [sflag:s8], $0x2000  }
0xf6: {  	[sflag:s8] =	ssyncset.done @!p0 $0x0  }
0xf7: {  	s9 =	sadd.s32 $0x2A00, s13;
	[sflag:s8] =	ssyncadd.s32 @!p0 $0xFFFFE000  }
0xf8: {  	[tilespmem:s18], [sflag:$0x6] =	stream.indirect.gather [hbm4b:s4+s19], $0x40, s9, s19, $0xb8;
	[tilespmem:$0x1F680] =	vst v63  }
0xf9: {  	_ =	swait.ge [sflag:s22], $0x2000  }
0xfa: {  	[sflag:s22] =	ssyncset.done $0x0  }
0xfb: {  	s7 =	sadd.s32 $0x5080, s13;
	[sflag:s22] =	ssyncadd.s32 $0xFFFFE000  }
0xfc: {  	[spmem:s2] =	stream.indirect.scatter.add.f32 [tilespmem:s28], [sflag:$0xA], $0x40, s7, s19, $0xb8;
	[tilespmem:$0x1F680] =	vst v63  }
0xfd: {  	_ =	swait.ge [sflag:s0], $0x2000  }
0xfe: {  	[sflag:s0] =	ssyncset.done $0x0  }
0xff: {  	s9 =	sadd.s32 $0x2A80, s13;
	[sflag:s0] =	ssyncadd.s32 $0xFFFFE000  }
0x100: {  	[tilespmem:s20], [sflag:$0x1] =	stream.indirect.gather [hbm4b:s4+s19], $0x40, s9, s19, $0xb8;
	[tilespmem:$0x1F680] =	vst v63  }
0x101: {  	_ =	swait.ge [sflag:s5], $0x2000  }
0x102: {  	p0 =	sgt.u32 s12, $0xB;
	[sflag:s5] =	ssyncset.done $0x0  }
0x103: {  	s13 =	sadd.s32 $0x5100, s13;
	s8 =	simm.s32 @p0 $0x6;
	[sflag:s5] =	ssyncadd.s32 $0xFFFFE000  }
0x104: {  	[spmem:s2] =	stream.indirect.scatter.add.f32 [tilespmem:s31], [sflag:$0xB], $0x40, s13, s19, $0xb8;
	[tilespmem:$0x1F680] =	vst v63  }
0x105: {  	_ =	swait.ge @p0 [sflag:s8], $0x2000  }
0x106: {  	[sflag:s8] =	ssyncset.done @p0 $0x0  }
0x107: {  	[sflag:s8] =	ssyncadd.s32 @p0 $0xFFFFE000;
	s8 =	sshra.s32 @p0 s11, $0x2  }
0x108: {  	s7 =	simm.s32 @p0 $0x11680;
	s13 =	simm.s32 @p0 $0x80;
	s8 =	sadd.s32 @p0 $0x5180, s8  }
0x109: {  	[spmem:s2] =	stream.indirect.scatter.add.f32 @p0 [tilespmem:s7], [sflag:$0xC], $0x40, s8, s13, $0xb8;
	[tilespmem:$0x1F680] =	vst v63  }
0x10a: {  	s7 =	simm.s32 @!p0 $0x8  }
0x10b: {  	_ =	swait.ge @!p0 [sflag:s7], $0x2000  }
0x10c: {  	[sflag:s7] =	ssyncset.done @!p0 $0x0  }
0x10d: {  	[sflag:s7] =	ssyncadd.s32 @!p0 $0xFFFFE000;
	s7 =	sshra.s32 @!p0 s11, $0x2  }
0x10e: {  	s9 =	simm.s32 @!p0 $0x9680;
	s13 =	simm.s32 @!p0 $0x80;
	s8 =	sadd.s32 @!p0 $0x2B00, s7  }
0x10f: {  	[tilespmem:s9], [sflag:$0x2] =	stream.indirect.gather @!p0 [hbm4b:s4+s13], $0x40, s8, s13, $0xb8;
	[tilespmem:$0x1F680] =	vst v63  }
0x110: {  	s8 =	simm.s32 @!p0 $0x6  }
0x111: {  	_ =	swait.ge @!p0 [sflag:s8], $0x2000  }
0x112: {  	[sflag:s8] =	ssyncset.done @!p0 $0x0  }
0x113: {  	s9 =	simm.s32 @!p0 $0x11680;
	[sflag:s8] =	ssyncadd.s32 @!p0 $0xFFFFE000;
	s8 =	sadd.s32 @!p0 $0x5180, s7  }
0x114: {  	[spmem:s2] =	stream.indirect.scatter.add.f32 @!p0 [tilespmem:s9], [sflag:$0xC], $0x40, s8, s13, $0xb8;
	[tilespmem:$0x1F680] =	vst v63  }
0x115: {  	s8 =	simm.s32 @!p0 $0x9  }
0x116: {  	_ =	swait.ge @!p0 [sflag:s8], $0x2000  }
0x117: {  	[sflag:s8] =	ssyncset.done @!p0 $0x0  }
0x118: {  	s7 =	sadd.s32 @!p0 $0x2B80, s7;
	[sflag:s8] =	ssyncadd.s32 @!p0 $0xFFFFE000;
	s8 =	simm.s32 @!p0 $0xB680  }
0x119: {  	[tilespmem:s8], [sflag:$0x3] =	stream.indirect.gather @!p0 [hbm4b:s4+s13], $0x40, s7, s13, $0xb8;
	[tilespmem:$0x1F680] =	vst v63  }
.LBB2_16:
0x11a: {  	s11 =	sadd.s32 $0xC00, s11  }
0x11b: {  	p0 =	sne.s32 s11, $0xA800  }
.Ltmp10:
0x11c: {  	_ = 	snop;
	(pc) =	sbr.rel @!p0 .LBB2_17-.Ltmp10, $2  }
0x11d: {  	_ =	sdelay $0x2  }
0x11e: {  	s12 =	sadd.s32 $0x1, s12;
	s10 =	sadd.s32 $0x6, s10  }
.LBB2_11:
0x11f: {  	p0 =	seq.s32 s12, $0x0  }
.Ltmp11:
0x120: {  	_ = 	snop;
	(pc) =	sbr.rel @p0 .LBB2_20-.Ltmp11, $4  }
0x121: {  	_ =	swait.ge [sflag:s26], $0x2000  }
0x122: {  	s13 =	sshra.s32 s11, $0x2;
	[sflag:s26] =	ssyncset.done $0x0  }
0x123: {  	s8 =	sadd.s32 $0x4F00, s13;
	[sflag:s26] =	ssyncadd.s32 $0xFFFFE000  }
0x124: {  	[spmem:s2] =	stream.indirect.scatter.add.f32 [tilespmem:s20], [sflag:$0x7], $0x40, s8, s19, $0xb8;
	[tilespmem:$0x1F680] =	vst v63  }
0x125: {  	p0 =	seq.s32 s12, $0xD  }
.Ltmp12:
0x126: {  	_ = 	snop;
	(pc) =	sbr.rel @p0 .LBB2_17-.Ltmp12, $1  }
0x127: {  	_ =	sdelay $0x3  }
0x128: {  	p0 =	sgt.u32 s10, $0x4E  }
.Ltmp13:
0x129: {  	_ = 	snop;
	(pc) =	sbr.rel @p0 .LBB2_16-.Ltmp13, $4  }
0x12a: {  	_ =	swait.ge [sflag:s17], $0x2000  }
0x12b: {  	[sflag:s17] =	ssyncset.done $0x0  }
0x12c: {  	s8 =	sadd.s32 $0x2900, s13;
	[sflag:s17] =	ssyncadd.s32 $0xFFFFE000  }
0x12d: {  	[tilespmem:s28], [sflag:$0x4] =	stream.indirect.gather [hbm4b:s4+s19], $0x40, s8, s19, $0xb8;
	[tilespmem:$0x1F680] =	vst v63  }
0x12e: {  	_ =	swait.ge [sflag:s29], $0x2000  }
0x12f: {  	[sflag:s29] =	ssyncset.done $0x0  }
.Ltmp14:
0x130: {  	s8 =	sadd.s32 $0x4F80, s13;
	[sflag:s29] =	ssyncadd.s32 $0xFFFFE000;
	(pc) =	sbr.rel .LBB2_15-.Ltmp14, $4  }
0x131: {  	[spmem:s2] =	stream.indirect.scatter.add.f32 [tilespmem:s21], [sflag:$0x8], $0x40, s8, s19, $0xb8;
	[tilespmem:$0x1F680] =	vst v63  }
0x132: {  	_ =	swait.ge [sflag:s15], $0x2000  }
0x133: {  	[sflag:s15] =	ssyncset.done $0x0  }
0x134: {  	[sflag:s15] =	ssyncadd.s32 $0xFFFFE000  }
.LBB2_18:
0x135: {  	_ =	sfence.sel $0x180000  }
0x136: {  	[bflag:$0x0] =	sbarrier.arrive $0xFFFF  }
0x137: {  	_ =	strace $0x9000004D  }
0x138: {  	s0 =	stileid.u32;
	[bflag:$0x2] =	sbarrier.arrive $0xFFFF  }
0x139: {  	p0 =	sne.s32 s0, $0x0;
	s0 =	rddreg [dreg:$0x3]  }
0x13a: {  	s0 =	sadd.s32 @!p0 $0x100000, s0  }
0x13b: {  	[sflag:s0] =	ssyncadd.tile.s32 @!p0 $0x1;
	_ =	shalt  }
.Lfunc_end2:
_tile_overlayer_lowered:
.L_overlay_start_2:
0x13c: {  	(tag) =	ssettag $0x2  }
0x13d: {  	s0 =	rddreg [dreg:$0x0];
	s2 =	stileid.u32  }
0x13e: {  	s1 =	rddreg [dreg:$0x1];
	p0 =	sne.s32 s2, $0x0  }
0x13f: {  	s3 =	rddreg [dreg:$0x2];
	[bflag:$0x3] =	sbarrier.arrive $0xFFFF;
	s2 =	simm.s32 @!p0 $0x1C0D  }
0x140: {  	[timem:s3], [sflag:s2] =	dma.local @!p0 [hbm:s0], s1  }
0x141: {  	s0 =	simm.s32 @!p0 $0xD  }
0x142: {  	_ =	swait.ge @!p0 [sflag:s0], s1  }
0x143: {  	s1 =	ssub.s32 @!p0 $0x0, s1;
	[sflag:s0] =	ssyncset.done @!p0 $0x0  }
0x144: {  	[sflag:s0] =	ssyncadd.s32 @!p0 s1  }
0x145: {  	[bflag:$0x3] =	sbarrier.arrive $0xFFFF  }
0x146: {  	_ =	shalt  }

// kernel: kernel.8.cloned.1.call-start
scs
__scs_entry_jumppad:
0x0: {  	(pc) =	sbr.rel $0x88, $3  }
0x1: {  	(tag) =	ssettag $0x0;
	lr =	simm.s32 $0x1  }
0x2: {  	[smem:$0x3F9B] =	sst lr;
	_ =	strace $0xD0000000  }
0x3: {  	_ = 	snop  }
0x4: {  	_ = 	snop  }
0x5: {  	_ = 	snop  }
0x6: {  	_ = 	snop  }
0x7: {  	_ = 	snop  }
__scs_overlays_trampoline_lowered:
0x8: {  	[smem:$0x3FAA] =	sst s0  }
0x9: {  	[smem:$0x3FAB] =	sst s1  }
0xa: {  	[smem:$0x3FAC] =	sst s2  }
0xb: {  	[smem:$0x3FAD] =	sst s3  }
0xc: {  	[smem:$0x3FAE] =	sst s4  }
0xd: {  	[smem:$0x3FAF] =	sst s5  }
0xe: {  	[smem:$0x3FB0] =	sst s6  }
0xf: {  	[smem:$0x3FB1] =	sst s7  }
0x10: {  	[smem:$0x3FB2] =	sst s8  }
0x11: {  	[smem:$0x3FB3] =	sst s9;
	s0 =	simm.s32 @!p0 $0x0  }
0x12: {  	s1 =	sld [smem:$0x3F99];
	s0 =	simm.s32 @p0 $0x1  }
0x13: {  	[smem:$0x3FB4] =	sst s0;
	s0 =	simm.s32 @!p1 $0x0  }
0x14: {  	s2 =	sld [smem:$0x3F98];
	s0 =	simm.s32 @p1 $0x1  }
0x15: {  	[smem:$0x3FB5] =	sst s0;
	s0 =	simm.s32 @!p2 $0x0  }
0x16: {  	s3 =	sld [smem:$0x3FDB];
	s0 =	simm.s32 @p2 $0x1  }
0x17: {  	s4 =	simm.s32 $0x1BF5;
	[smem:$0x3FB7] =	sst s0  }
0x18: {  	s0 =	sld [smem:$0x3F9A];
	_ =	swait.ge [sflag:s4], $0x0  }
0x19: {  	s7 =	sld [smem:$0x3F9B]  }
0x1a: {  	s8 =	sadd.s32 $0xFFFFE003, lr  }
0x1b: {  	s9 =	sadd.s32 $0xFFFFFEF7, lr;
	s5 =	simm.s32 $0xFFFFFFFF;
	p2 =	slt.u32 s8, $0xFFFFF086  }
0x1c: {  	p1 =	slt.u32 s9, $0xF7A;
	s5 =	simm.s32 @!p2 $0x0  }
0x1d: {  	s5 =	simm.s32 @p1 $0x1;
	p0 =	seq.s32 s7, s2  }
0x1e: {  	s7 =	smul.u32 @!p0 $0xF7A, s2;
	p2 =	seq.s32 @!p0 s5, $0x0  }
0x1f: {  	s9 =	smul.u32 $0xF7A, s1;
	s8 =	simm.s32 @!p0 $0x1BF5;
	p2 =	por !p2, p0  }
0x20: {  	[sflag:s8] =	ssyncset.s32 @!p0 $0xFFFFF086;
	s6 =	sadd.s32 @!p0 s3, s7;
	s7 =	simm.s32 @!p0 $0x108  }
0x21: {  	s3 =	sadd.s32 s3, s9;
	s6 =	sadd.s32 @!p0 $0x88, s6;
	s7 =	simm.s32 @p2 $0x1082  }
0x22: {  	[simem:s7], [sflag:s8] =	dma.local @!p0 [hbm:s6], $0xF7A  }
0x23: {  	s9 =	sor.u32 $0xD0000000, s2;
	s6 =	simm.s32 $0x108;
	_ =	swait.ge @!p0 [sflag:s8], $0x0  }
0x24: {  	s3 =	sadd.s32 $0x88, s3;
	s6 =	simm.s32 @!p1 $0x1082;
	[sflag:s4] =	ssyncset.s32 $0xFFFFF086  }
0x25: {  	[simem:s6], [sflag:s4] =	dma.local [hbm:s3], $0xF7A  }
0x26: {  	[smem:$0x3F9B] =	sst s1;
	(tag) =	ssettag s2;
	_ =	strace s9  }
0x27: {  	s1 =	sld [smem:$0x3FAB]  }
0x28: {  	s2 =	sld [smem:$0x3FAC]  }
0x29: {  	s4 =	sld [smem:$0x3FAE]  }
0x2a: {  	p0 =	seq.s32 s5, $0x0;
	s5 =	sld [smem:$0x3FAF]  }
0x2b: {  	s6 =	sld [smem:$0x3FB0]  }
0x2c: {  	s7 =	sld [smem:$0x3FB1]  }
0x2d: {  	s3 =	simm.s32 $0x108;
	s8 =	sld [smem:$0x3FB2]  }
0x2e: {  	s3 =	simm.s32 @!p0 $0x1082;
	s9 =	sld [smem:$0x3FB3]  }
0x2f: {  	lr =	sadd.s32 s0, s3;
	s0 =	sld [smem:$0x3FAA]  }
0x30: {  	s3 =	sld [smem:$0x3FAD]  }
0x31: {  	[smem:$0x3FB6] =	sst s10  }
0x32: {  	s10 =	sld [smem:$0x3FB4];
	_ =	sdelay $0x3  }
0x33: {  	p0 =	seq.s32 s10, $0x1;
	s10 =	sld [smem:$0x3FB6];
	_ =	sdelay $0x3  }
0x34: {  	[smem:$0x3FB6] =	sst s10  }
0x35: {  	s10 =	sld [smem:$0x3FB5];
	_ =	sdelay $0x3  }
0x36: {  	p1 =	seq.s32 s10, $0x1;
	s10 =	sld [smem:$0x3FB6];
	_ =	sdelay $0x3  }
0x37: {  	[smem:$0x3FB6] =	sst s10  }
0x38: {  	s10 =	sld [smem:$0x3FB7]  }
0x39: {  	_ = 	snop;
	(pc) =	sbr.ind lr, $3  }
0x3a: {  	_ = 	snop  }
0x3b: {  	_ = 	snop  }
0x3c: {  	p2 =	seq.s32 s10, $0x1;
	s10 =	sld [smem:$0x3FB6]  }
0x3d: {  	_ =	shalt  }
0x3e: {  	_ =	shalt  }
0x3f: {  	_ =	shalt  }
0x40: {  	_ =	shalt  }
0x41: {  	_ =	shalt  }
0x42: {  	_ =	shalt  }
0x43: {  	_ =	shalt  }
0x44: {  	_ =	shalt  }
0x45: {  	_ =	shalt  }
0x46: {  	_ =	shalt  }
0x47: {  	_ =	shalt  }
0x48: {  	_ =	shalt  }
0x49: {  	_ =	shalt  }
0x4a: {  	_ =	shalt  }
0x4b: {  	_ =	shalt  }
0x4c: {  	_ =	shalt  }
0x4d: {  	_ =	shalt  }
0x4e: {  	_ =	shalt  }
0x4f: {  	_ =	shalt  }
0x50: {  	_ =	shalt  }
0x51: {  	_ =	shalt  }
0x52: {  	_ =	shalt  }
0x53: {  	_ =	shalt  }
0x54: {  	_ =	shalt  }
0x55: {  	_ =	shalt  }
0x56: {  	_ =	shalt  }
0x57: {  	_ =	shalt  }
0x58: {  	_ =	shalt  }
0x59: {  	_ =	shalt  }
0x5a: {  	_ =	shalt  }
0x5b: {  	_ =	shalt  }
0x5c: {  	_ =	shalt  }
0x5d: {  	_ =	shalt  }
0x5e: {  	_ =	shalt  }
0x5f: {  	_ =	shalt  }
0x60: {  	_ =	shalt  }
0x61: {  	_ =	shalt  }
0x62: {  	_ =	shalt  }
0x63: {  	_ =	shalt  }
0x64: {  	_ =	shalt  }
0x65: {  	_ =	shalt  }
0x66: {  	_ =	shalt  }
0x67: {  	_ =	shalt  }
0x68: {  	_ =	shalt  }
0x69: {  	_ =	shalt  }
0x6a: {  	_ =	shalt  }
0x6b: {  	_ =	shalt  }
0x6c: {  	_ =	shalt  }
0x6d: {  	_ =	shalt  }
0x6e: {  	_ =	shalt  }
0x6f: {  	_ =	shalt  }
0x70: {  	_ =	shalt  }
0x71: {  	_ =	shalt  }
0x72: {  	_ =	shalt  }
0x73: {  	_ =	shalt  }
0x74: {  	_ =	shalt  }
0x75: {  	_ =	shalt  }
0x76: {  	_ =	shalt  }
0x77: {  	_ =	shalt  }
0x78: {  	_ =	shalt  }
0x79: {  	_ =	shalt  }
0x7a: {  	_ =	shalt  }
0x7b: {  	_ =	shalt  }
0x7c: {  	_ =	shalt  }
0x7d: {  	_ =	shalt  }
0x7e: {  	_ =	shalt  }
0x7f: {  	_ =	shalt  }
0x80: {  	_ =	shalt  }
0x81: {  	_ =	shalt  }
0x82: {  	_ =	shalt  }
0x83: {  	_ =	shalt  }
0x84: {  	_ =	shalt  }
0x85: {  	_ =	shalt  }
0x86: {  	_ =	shalt  }
0x87: {  	_ =	shalt  }
.Lfunc_end0:
.L_simem_size_0:
called_computation_lowered:
.L_overlay_start_0:
0x88: {  	s2 =	sld [smem:$0x3FD9]  }
0x89: {  	s3 =	sld [smem:$0x3FFE];
	_ =	sdelay $0x1  }
0x8a: {  	s1 =	srdreg.scid  }
0x8b: {  	s0 =	sand.u32 $0x1, s1  }
0x8c: {  	s16 =	sshll.u32 s0, $0xA;
	s2 =	sadd.s32 s3, s2  }
0x8d: {  	s2 =	sadd.s32 s2, s16  }
0x8e: {  	[smem:$0x3FC2] =	sst s2  }
0x8f: {  	_ = 	snop  }
0x90: {  	(tm) =	ssettm $0x1  }
0x91: {  	s17 =	sld [smem:$0x3FFB];
	_ =	sdelay $0x3  }
0x92: {  	_ =	strace s17  }
0x93: {  	s2 =	sld [smem:$0x3FFC];
	_ =	sdelay $0x3  }
0x94: {  	_ =	strace s2  }
0x95: {  	s2 =	sld [smem:$0x3FFD];
	_ =	sdelay $0x3  }
0x96: {  	_ =	strace s2  }
0x97: {  	_ =	strace $0x8FFFFFFF  }
0x98: {  	s18 =	sld [smem:$0x3FDB];
	_ =	sdelay $0x1  }
0x99: {  	s19 =	simm.s32 $_scs_section_size  }
0x9a: {  	s4 =	simm.s32 $_size__tile_overlayer_lowered;
	s5 =	simm.s32 $_tile_overlayer_lowered  }
0x9b: {  	s22 =	simm.s32 $0x1BFF;
	s21 =	sshll.u32 s5, $0x1;
	s2 =	sadd.s32 s19, s18  }
0x9c: {  	s6 =	simm.s32 $0x0;
	s20 =	sshll.u32 s4, $0x1;
	s4 =	sadd.s32 s21, s2  }
0x9d: {  	[timem:s6], [sflag:s22] =	dma.local [hbm:s4], s20  }
0x9e: {  	_ =	swait.ge [sflag:s22], s20  }
0x9f: {  	s3 =	ssub.s32 $0x0, s20;
	[sflag:s22] =	ssyncset.done $0x0  }
0xa0: {  	[sflag:s22] =	ssyncadd.s32 s3;
	_ =	sdelay $0x1  }
0xa1: {  	s23 =	simm.s32 $0x1B8B  }
0xa2: {  	_ =	swait.ge [sflag:s23], $0x1  }
0xa3: {  	[sflag:s23] =	ssyncset.done $0x0  }
0xa4: {  	s25 =	simm.s32 $0x1B8E;
	s24 =	sld [smem:$0x3FFE];
	[sflag:s23] =	ssyncadd.s32 $0xFFFFFFFF  }
0xa5: {  	s26 =	simm.s32 $execute0_lowered;
	[smem:$0x3FD2] =	sst s25  }
0xa6: {  	s4 =	sshll.u32 s26, $0x1;
	_ =	strace $0x80000046;
	[dreg:$0x1] =	wrdreg $0xFFFFFFFF  }
0xa7: {  	s28 =	simm.s32 $_size_execute0_lowered;
	s2 =	sadd.s32 s2, s4;
	[dreg:$0x0] =	wrdreg $0x0  }
0xa8: {  	s4 =	sshll.u32 s28, $0x1;
	[dreg:$0x2] =	wrdreg s2  }
0xa9: {  	[dreg:$0x3] =	wrdreg s4  }
0xaa: {  	[dreg:$0x4] =	wrdreg $0xC0  }
0xab: {  	_ =	task [dreg:s6], $0x5FFFF  }
0xac: {  	[dreg:$0x1] =	wrdreg $0xFFFFFFFF  }
0xad: {  	[dreg:$0x0] =	wrdreg $0x60  }
0xae: {  	[dreg:$0x2] =	wrdreg s24  }
0xaf: {  	[dreg:$0x3] =	wrdreg $0x37800  }
0xb0: {  	[dreg:$0x4] =	wrdreg $0x9  }
0xb1: {  	_ =	task.clear_ibuf [dreg:s6], $0x5FFFF;
	_ =	strace $0x90000046  }
0xb2: {  	s29 =	simm.s32 $0x9;
	_ =	strace $0x80000048  }
0xb3: {  	_ =	swait.ge [sflag:s29], $0x1  }
0xb4: {  	[sflag:s29] =	ssyncadd.s32 $0xFFFFFFFF  }
0xb5: {  	_ =	strace $0x90000048  }
0xb6: {  	_ =	sfence  }
0xb7: {  	s30 =	sld [smem:$0x0];
	_ =	sdelay $0x2  }
0xb8: {  	s31 =	sshll.u32 s1, $0xD;
	s1 =	sshrl.u32 s1, $0x2  }
0xb9: {  	s3 =	sand.u32 $0x4000, s31;
	s1 =	sadd.s32 s1, s30  }
0xba: {  	s0 =	sor.u32 s3, s0;
	s1 =	sshll.u32 s1, $0x11  }
0xbb: {  	s0 =	sor.u32 s1, s0  }
0xbc: {  	s0 =	sadd.s32 $0x8F2B, s0  }
0xbd: {  	[sflag:s0] =	ssyncadd.remote.s32 $0x1  }
0xbe: {  	_ =	sfence.sel $0xFFFF  }
0xbf: {  	[dreg:$0x0] =	wrdreg $0xFFFFFFFF;
	(pc) =	sbr.abs _section_cstart, $3  }
0xc0: {  	[dreg:$0x1] =	wrdreg $0xFFFFFFFF  }
0xc1: {  	_ =	task.clear_ibuf [dreg:s6], $0x2FFFF;
	_ =	strace $0x9FFFFFFF  }
0xc2: {  	(tm) =	ssettm $0x7FFFFFFF  }
0xc3: {  	_ =	shalt  }
tec
execute0_lowered:
.L_overlay_start_1:
0x0: {  	(tag) =	ssettag $0x1  }
0x1: {  	s1 =	srdreg.scid;
	s5 =	rddreg [dreg:$0x0]  }
0x2: {  	s0 =	stileid.u32;
	s2 =	rddreg [dreg:$0x1]  }
0x3: {  	s3 =	simm.s32 $0x0;
	s12 =	simm.s32 $0x2F80;
	s13 =	simm.s32 $0x80  }
0x4: {  	s14 =	simm.s32 $0x2780;
	s15 =	simm.s32 $0x1;
	s19 =	simm.s32 $0x10  }
0x5: {  	s20 =	simm.s32 $0x0;
	s4 =	sand.u32 $0x1, s1;
	s8 =	smul.u32 $0xA000, s0  }
0x6: {  	s29 =	sshll.u32 s0, $0x1;
	[smem:$0x7FF] =	sst s3;
	s17 =	smul.u32 $0x2800, s0  }
0x7: {  	s18 =	sshll.u32 s0, $0x6;
	s1 =	sor.u32 s4, s29;
	s7 =	smul.u32 $0x28000, s4  }
0x8: {  	s4 =	ssub.s32 $0x2, s4;
	s6 =	smul.u32 $0x4F0, s1;
	s1 =	rddreg [dreg:$0x2]  }
0x9: {  	_ =	strace $0x80000047;
	s30 =	sshrl.u32 s4, $0x1;
	s31 =	sshrl.u32 s8, $0x2  }
0xa: {  	s10 =	sadd.s32 s7, s5;
	s11 =	ssub.s32 s4, s30;
	s6 =	sadd.s32 s6, s5  }
0xb: {  	s5 =	sadd.s32 s31, s2;
	s16 =	sadd.s32 $0x16E00, s10;
	s10 =	smax.u32 s11, $0x1  }
0xc: {  	s11 =	simm.s32 $0x2;
	s4 =	sadd.s32 $0x3200, s6;
	s6 =	sadd.s32 $0x800, s5  }
0xd: {  	s7 =	sadd.s32 $0x1000, s5;
	s8 =	sadd.s32 $0x1800, s5;
	s9 =	sadd.s32 $0x2000, s5  }
0xe: {  	v0 =	vimm.f32 $1.000000000e+00;
	v1 =	vimm.f32 $0.0e+00;
	s16 =	sadd.s32 s17, s16;
	s17 =	sor.u32 $0x1C02, s18;
	s18 =	sshrl.u32 s5, $0x3  }
.LBB2_1:
0xf: {  	[tilespmem:s3], [sflag:$0x2] =	stream.linear.gather [hbm4b:s4+s3], $0x2780, $0x38;
	[tilespmem:$0x5F80] =	vst v63  }
0x10: {  	_ =	swait.ge [sflag:s11], $0x2780  }
0x11: {  	[sflag:s11] =	ssyncset.done $0x0  }
0x12: {  	s21 =	simm.s32 $0x40;
	s22 =	simm.s32 $0x0;
	[sflag:s11] =	ssyncadd.s32 $0xFFFFD880  }
.LBB2_2:
0x13: {  	p0 =	sne.s32 s21, $0x1FC0;
	[tilespmem:s22+$0x2780] =	vst v0;
	s23 =	smov.u32 s21;
	s21 =	sadd.s32 $0x40, s21  }
.Ltmp0:
0x14: {  	[tilespmem:s22+$0x2F80] =	vst v1;
	(pc) =	sbr.rel @p0 .LBB2_2-.Ltmp0, $2  }
0x15: {  	_ =	sdelay $0x2  }
0x16: {  	s22 =	sshra.s32 s23, $0x2  }
0x17: {  	[tilespmem:s22+$0x2780] =	vst v0  }
0x18: {  	[tilespmem:s22+$0x2F80] =	vst v1  }
0x19: {  	[spmem:s5] =	stream.linear.scatter [tilespmem:s12], [sflag:$0x2], $0x800, $0x38;
	[tilespmem:$0x5F80] =	vst v63  }
0x1a: {  	_ =	swait.ge [sflag:s11], $0x800  }
0x1b: {  	[sflag:s11] =	ssyncset.done $0x0  }
0x1c: {  	[sflag:s11] =	ssyncadd.s32 $0xFFFFF800  }
0x1d: {  	[spmem:s6] =	stream.linear.scatter [tilespmem:s12], [sflag:$0x2], $0x800, $0x38;
	[tilespmem:$0x5F80] =	vst v63  }
0x1e: {  	_ =	swait.ge [sflag:s11], $0x800  }
0x1f: {  	[sflag:s11] =	ssyncset.done $0x0  }
0x20: {  	[sflag:s11] =	ssyncadd.s32 $0xFFFFF800  }
0x21: {  	[spmem:s7] =	stream.linear.scatter [tilespmem:s12], [sflag:$0x2], $0x800, $0x38;
	[tilespmem:$0x5F80] =	vst v63  }
0x22: {  	_ =	swait.ge [sflag:s11], $0x800  }
0x23: {  	[sflag:s11] =	ssyncset.done $0x0  }
0x24: {  	[sflag:s11] =	ssyncadd.s32 $0xFFFFF800  }
0x25: {  	[spmem:s8] =	stream.linear.scatter [tilespmem:s12], [sflag:$0x2], $0x800, $0x38;
	[tilespmem:$0x5F80] =	vst v63  }
0x26: {  	_ =	swait.ge [sflag:s11], $0x800  }
0x27: {  	[sflag:s11] =	ssyncset.done $0x0  }
0x28: {  	[sflag:s11] =	ssyncadd.s32 $0xFFFFF800  }
0x29: {  	[spmem:s9] =	stream.linear.scatter [tilespmem:s12], [sflag:$0x2], $0x800, $0x38;
	[tilespmem:$0x5F80] =	vst v63  }
0x2a: {  	_ =	swait.ge [sflag:s11], $0x800  }
0x2b: {  	[sflag:s11] =	ssyncset.done $0x0  }
0x2c: {  	[sflag:s11] =	ssyncadd.s32 $0xFFFFF800  }
0x2d: {  	s21 =	simm.s32 $0x0;
	[bflag:$0x0] =	sbarrier.arrive $0xFFFF  }
.LBB2_4:
0x2e: {  	p0 =	sne.s32 s21, $0x9C00  }
.Ltmp1:
0x2f: {  	_ = 	snop;
	(pc) =	sbr.rel @p0 .LBB2_4-.Ltmp1, $3  }
0x30: {  	_ =	sdelay $0x1  }
0x31: {  	s22 =	sshra.s32 s21, $0x2;
	s21 =	sadd.s32 $0x200, s21  }
0x32: {  	[spmem:s2] =	stream.indirect.scatter.add.f32 [tilespmem:s14], [sflag:$0x1], $0x10, s22, s13, $0xb8;
	[tilespmem:$0x5F80] =	vst v63  }
0x33: {  	_ =	swait.ge [sflag:s15], $0x800  }
0x34: {  	s21 =	simm.s32 $0x4E;
	[sflag:s15] =	ssyncset.done $0x0  }
.LBB2_6:
0x35: {  	p0 =	sne.s32 s21, $0x1;
	s21 =	sadd.s32 $0xFFFFFFFF, s21;
	[sflag:s15] =	ssyncadd.s32 $0xFFFFF800  }
.Ltmp2:
0x36: {  	(pc) =	sbr.rel @p0 .LBB2_6-.Ltmp2, $3  }
0x37: {  	_ =	sdelay $0x1  }
0x38: {  	_ =	swait.ge [sflag:s15], $0x800  }
0x39: {  	[sflag:s15] =	ssyncset.done $0x0  }
0x3a: {  	s20 =	sadd.s32 $0x1, s20  }
0x3b: {  	[sflag:s15] =	ssyncadd.s32 $0xFFFFF800;
	p0 =	sne.s32 s20, s10  }
.Ltmp3:
0x3c: {  	[bflag:$0x0] =	sbarrier.arrive $0xFFFF;
	(pc) =	sbr.rel @p0 .LBB2_1-.Ltmp3, $4  }
0x3d: {  	[hbm:s16@s19], [sflag:s17] =	dma.strided [spmem:s18@s11], $0x500, s15, $0x2   }
0x3e: {  	_ =	swait.ge [sflag:s11], $0x500  }
0x3f: {  	[sflag:s11] =	ssyncset.done $0x0  }
0x40: {  	[sflag:s11] =	ssyncadd.s32 $0xFFFFFB00  }
0x41: {  	_ =	sfence.sel $0x180000  }
0x42: {  	[bflag:$0x0] =	sbarrier.arrive $0xFFFF  }
0x43: {  	p0 =	sne.s32 s0, $0x0;
	_ =	strace $0x90000047  }
0x44: {  	s0 =	sadd.s32 @!p0 $0x100000, s1;
	[bflag:$0x2] =	sbarrier.arrive $0xFFFF  }
0x45: {  	[sflag:s0] =	ssyncadd.tile.s32 @!p0 $0x1;
	_ =	shalt  }
.Lfunc_end2:
_tile_overlayer_lowered:
.L_overlay_start_2:
0x46: {  	(tag) =	ssettag $0x2  }
0x47: {  	s0 =	rddreg [dreg:$0x0];
	s2 =	stileid.u32  }
0x48: {  	s1 =	rddreg [dreg:$0x1];
	p0 =	sne.s32 s2, $0x0  }
0x49: {  	s3 =	rddreg [dreg:$0x2];
	[bflag:$0x3] =	sbarrier.arrive $0xFFFF;
	s2 =	simm.s32 @!p0 $0x1C02  }
0x4a: {  	[timem:s3], [sflag:s2] =	dma.local @!p0 [hbm:s0], s1  }
0x4b: {  	s0 =	simm.s32 @!p0 $0x2  }
0x4c: {  	_ =	swait.ge @!p0 [sflag:s0], s1  }
0x4d: {  	s1 =	ssub.s32 @!p0 $0x0, s1;
	[sflag:s0] =	ssyncset.done @!p0 $0x0  }
0x4e: {  	[sflag:s0] =	ssyncadd.s32 @!p0 s1  }
0x4f: {  	[bflag:$0x3] =	sbarrier.arrive $0xFFFF  }
0x50: {  	_ =	shalt  }

</sc_bundles>
